<compile_context>
chip_gen: v7x
topology: tpu7x:2x2x1
jax: 0.10.2.dev20260603
libtpu: 0.0.44.dev20260713+nightly
codegen_flags: <defaults>
</compile_context>

<pallas_src>
import functools
import math
from itertools import permutations

import jax
import jax.numpy as jnp
from jax import lax
from jax.experimental import pallas as pl
from jax.experimental.pallas import tpu as pltpu
from jax.experimental.pallas import tpu_sc as plsc

L = 8
S = 3
D = 3
ND = 16
ED = 8
N = 10000

NC = 2
NSUB = 16
NW = NC * NSUB
SLAB = 320
CHUNKS = SLAB // 16

RXN = 49
RXF = 17
REN = 25

PERMS = list(permutations(range(S)))
P = len(PERMS)
HALF_PI = math.pi / 2.0

ATAN_C = (
    0.9999994160035334, -0.33330222355322575, 0.1995111089191479,
    -0.13933229393258326, 0.09709350736839653, -0.05688089273448824,
    0.022566826119350198, -0.004257409075516719,
)

R_XSB = 0
R_ESB = R_XSB + 24 * 16
R_XCB = R_ESB + 24 * 8
R_ISUP = R_XCB + 8 * 16
R_LSUP = R_ISUP + L * P * S
R_XS2 = R_LSUP + L * P * S
R_ES2 = R_XS2 + L
R_XC2 = R_ES2 + L
C_ROWS = 1024


def _rsqrt(x):
    i = lax.bitcast_convert_type(x, jnp.int32)
    i = jnp.int32(0x5F3759DF) - (i >> 1)
    y = lax.bitcast_convert_type(i, jnp.float32)
    for _ in range(3):
        y = y * (1.5 - 0.5 * x * y * y)
    return y


def _atan_recip(u):
    u = jnp.maximum(u, 0.0)
    recip = 1.0 / u
    t = jnp.minimum(u, recip)
    t2 = t * t
    f = jnp.full((16,), ATAN_C[-1], jnp.float32)
    for c in ATAN_C[-2::-1]:
        f = f * t2 + c
    r = t * f
    return jnp.where(u >= 1.0, r, HALF_PI - r)


def _sc_body(xn_h, xf_h, en_h, pn_h, pf_h, cst_h, out_h,
             xn_v, xf_v, en_v, pn_v, pf_v, cst,
             xn_r, xf_r, en_r, out_v, dxx_v, dee_v, dsem):
    wid = lax.axis_index("s") * NC + lax.axis_index("c")
    base = jnp.minimum(wid * SLAB, N - SLAB)
    copies = [
        pltpu.async_copy(xn_h.at[pl.ds(base * (S * ND), SLAB * S * ND)], xn_v, dsem),
        pltpu.async_copy(xf_h.at[pl.ds(base * ND, SLAB * ND)], xf_v, dsem),
        pltpu.async_copy(en_h.at[pl.ds(base * (S * ED), SLAB * S * ED)], en_v, dsem),
        pltpu.async_copy(pn_h.at[pl.ds(base * (S * D), SLAB * S * D)], pn_v, dsem),
        pltpu.async_copy(pf_h.at[pl.ds(base * D, SLAB * D)], pf_v, dsem),
        pltpu.async_copy(cst_h, cst, dsem),
    ]
    for c in copies:
        c.wait()

    def repack_body(j, _):
        a48 = j * 48
        a49 = j * RXN
        xn_r[pl.ds(a49, 16)] = xn_v[pl.ds(a48, 16)]
        xn_r[pl.ds(a49 + 16, 16)] = xn_v[pl.ds(a48 + 16, 16)]
        xn_r[pl.ds(a49 + 32, 16)] = xn_v[pl.ds(a48 + 32, 16)]
        xf_r[pl.ds(j * RXF, 16)] = xf_v[pl.ds(j * ND, 16)]
        a24 = j * 24
        a25 = j * REN
        en_r[pl.ds(a25, 16)] = en_v[pl.ds(a24, 16)]
        en_r[pl.ds(a25 + 16, 16)] = en_v[pl.ds(a24 + 16, 16)]
        return 0

    lax.fori_loop(0, SLAB, repack_body, 0)

    iota = lax.iota(jnp.int32, 16)
    ixn = iota * RXN
    ixf = iota * RXF
    ien = iota * REN
    ipn = iota * (S * D)
    ipf = iota * D

    def chunk_body(ci, _):
        col = ci * 16

        xn = [plsc.load_gather(xn_r, [ixn + (col * RXN + r)])
              for r in range(S * ND)]
        en = [plsc.load_gather(en_r, [ien + (col * REN + r)])
              for r in range(S * ED)]
        xf = [plsc.load_gather(xf_r, [ixf + (col * RXF + r)])
              for r in range(ND)]
        pf = [plsc.load_gather(pf_v, [ipf + (col * D + d)])
              for d in range(D)]
        pn = [[plsc.load_gather(pn_v, [ipn + (col * (S * D) + s * D + d)]) - pf[d]
               for d in range(D)] for s in range(S)]

        xn2 = xn[0] * xn[0]
        for v in xn[1:]:
            xn2 = xn2 + v * v
        en2 = en[0] * en[0]
        for v in en[1:]:
            en2 = en2 + v * v
        xf2 = xf[0] * xf[0]
        for v in xf[1:]:
            xf2 = xf2 + v * v

        n2 = []
        for s in range(S):
            a = pn[s][0] * pn[s][0]
            for d in range(1, D):
                a = a + pn[s][d] * pn[s][d]
            n2.append(a)
        nrm = [n2[s] * _rsqrt(jnp.maximum(n2[s], 1e-30)) for s in range(S)]
        na = [jnp.maximum(nrm[s], 1e-8) for s in range(S)]
        intra_nei = []
        for s in range(S):
            sp = (s - 1) % S
            dsum = pn[sp][0] * pn[s][0]
            for d in range(1, D):
                dsum = dsum + pn[sp][d] * pn[s][d]
            intra_nei.append(dsum / (na[sp] * na[s]))
        len_nei = nrm

        def dxx_body(lt, _):
            accs = None
            for k in range(ND):
                c = cst[pl.ds((R_XSB + lt * ND + k) * 16, 16)]
                if accs is None:
                    accs = [xn[s * ND + k] * c for s in range(S)]
                else:
                    accs = [accs[s] + xn[s * ND + k] * c for s in range(S)]
            for s in range(S):
                dxx_v[pl.ds((s * 24 + lt) * 16, 16)] = accs[s]
            return 0

        lax.fori_loop(0, 24, dxx_body, 0)

        def dee_body(lt, _):
            accs = None
            for k in range(ED):
                c = cst[pl.ds((R_ESB + lt * ED + k) * 16, 16)]
                if accs is None:
                    accs = [en[s * ED + k] * c for s in range(S)]
                else:
                    accs = [accs[s] + en[s * ED + k] * c for s in range(S)]
            for s in range(S):
                dee_v[pl.ds((s * 24 + lt) * 16, 16)] = accs[s]
            return 0

        lax.fori_loop(0, 24, dee_body, 0)

        def l_body(l, _):
            dxx = [[dxx_v[pl.ds((s * 24 + l * S + t) * 16, 16)]
                    for t in range(S)] for s in range(S)]
            dee = [[dee_v[pl.ds((s * 24 + l * S + t) * 16, 16)]
                    for t in range(S)] for s in range(S)]

            best_c = None
            best_ce = None
            best_i = [None] * S
            best_le = [None] * S
            for p, perm in enumerate(PERMS):
                cp = dxx[0][perm[0]] + dxx[1][perm[1]] + dxx[2][perm[2]]
                cep = dee[0][perm[0]] + dee[1][perm[1]] + dee[2][perm[2]]
                isup = [cst[pl.ds((R_ISUP + (l * P + p) * S + s) * 16, 16)]
                        for s in range(S)]
                lsup = [cst[pl.ds((R_LSUP + (l * P + p) * S + s) * 16, 16)]
                        for s in range(S)]
                if p == 0:
                    best_c, best_ce, best_i, best_le = cp, cep, isup, lsup
                else:
                    m = cp > best_c
                    best_c = jnp.where(m, cp, best_c)
                    best_ce = jnp.where(m, cep, best_ce)
                    best_i = [jnp.where(m, isup[s], best_i[s]) for s in range(S)]
                    best_le = [jnp.where(m, lsup[s], best_le[s]) for s in range(S)]

            xs2 = cst[pl.ds((R_XS2 + l) * 16, 16)]
            es2 = cst[pl.ds((R_ES2 + l) * 16, 16)]
            xc2 = cst[pl.ds((R_XC2 + l) * 16, 16)]

            support_sc = _atan_recip(xn2 + xs2 - 2.0 * best_c)

            asum = None
            lsum = None
            for s in range(S):
                da = intra_nei[s] - best_i[s]
                dl = len_nei[s] - best_le[s]
                asum = da * da if asum is None else asum + da * da
                lsum = dl * dl if lsum is None else lsum + dl * dl
            angle_sc = _atan_recip(asum)
            length_sc = _atan_recip(lsum)

            dfc = None
            for k in range(ND):
                c = cst[pl.ds((R_XCB + l * ND + k) * 16, 16)]
                dfc = xf[k] * c if dfc is None else dfc + xf[k] * c
            center_sc = _atan_recip(xf2 + xc2 - 2.0 * dfc)

            edge_sc = _atan_recip(en2 + es2 - 2.0 * best_ce)

            t1 = length_sc - HALF_PI
            t2 = angle_sc - HALF_PI
            t3 = support_sc - HALF_PI
            t4 = center_sc - HALF_PI
            t5 = edge_sc - HALF_PI
            sc = _atan_recip(t1 * t1 + t2 * t2 + t3 * t3 + t4 * t4 + t5 * t5)
            out_v[pl.ds(l * SLAB + col, 16)] = sc
            return 0

        lax.fori_loop(0, L, l_body, 0)
        return 0

    lax.fori_loop(0, CHUNKS, chunk_body, 0)
    outs = [pltpu.async_copy(out_v.at[pl.ds(l * SLAB, SLAB)],
                             out_h.at[pl.ds(l * N + base, SLAB)], dsem)
            for l in range(L)]
    for c in outs:
        c.wait()


_sc_kernel = functools.partial(
    pl.kernel,
    mesh=plsc.VectorSubcoreMesh(core_axis_name="c", subcore_axis_name="s"),
    compiler_params=pltpu.CompilerParams(needs_layout_passes=False),
    out_type=jax.ShapeDtypeStruct((L * N,), jnp.float32),
    scratch_types=[
        pltpu.VMEM((SLAB * S * ND,), jnp.float32),
        pltpu.VMEM((SLAB * ND,), jnp.float32),
        pltpu.VMEM((SLAB * S * ED,), jnp.float32),
        pltpu.VMEM((SLAB * S * D,), jnp.float32),
        pltpu.VMEM((SLAB * D,), jnp.float32),
        pltpu.VMEM((C_ROWS * 16,), jnp.float32),
        pltpu.VMEM((SLAB * RXN + 16,), jnp.float32),
        pltpu.VMEM((SLAB * RXF + 16,), jnp.float32),
        pltpu.VMEM((SLAB * REN + 16,), jnp.float32),
        pltpu.VMEM((L * SLAB,), jnp.float32),
        pltpu.VMEM((S * 24 * 16,), jnp.float32),
        pltpu.VMEM((S * 24 * 16,), jnp.float32),
        pltpu.SemaphoreType.DMA,
    ],
)(_sc_body)


def kernel(x_focal, p_focal, x_neighbor, p_neighbor, edge_attr_neighbor,
           x_center, x_support, edge_attr_support, p_support):
    f32 = jnp.float32
    xn_h = x_neighbor.astype(f32).reshape(-1)
    xf_h = x_focal.astype(f32).reshape(-1)
    en_h = edge_attr_neighbor.astype(f32).reshape(-1)
    pn_h = p_neighbor.astype(f32).reshape(-1)
    pf_h = p_focal.astype(f32).reshape(-1)

    xs = x_support.astype(f32)
    es = edge_attr_support.astype(f32)
    ps = p_support.astype(f32)
    xc = x_center.astype(f32)[:, 0]

    xs2 = jnp.sum(xs * xs, axis=(1, 2))
    es2 = jnp.sum(es * es, axis=(1, 2))
    xc2 = jnp.sum(xc * xc, axis=1)

    perm_ps = jnp.stack([ps[:, list(p), :] for p in PERMS], axis=1)
    n2 = jnp.sum(perm_ps * perm_ps, axis=-1)
    dots = jnp.sum(jnp.roll(perm_ps, 1, axis=-2) * perm_ps, axis=-1)
    nrm = jnp.sqrt(n2)
    isup = dots / (jnp.maximum(jnp.roll(nrm, 1, axis=-1), 1e-8)
                   * jnp.maximum(nrm, 1e-8))
    lsup = nrm

    rows = jnp.concatenate([
        xs.reshape(-1), es.reshape(-1), xc.reshape(-1),
        isup.reshape(-1), lsup.reshape(-1),
        xs2, es2, xc2,
        jnp.zeros((C_ROWS - R_XC2 - L,), f32),
    ])
    cst_h = jnp.broadcast_to(rows[:, None], (C_ROWS, 16)).reshape(-1)

    out = _sc_kernel(xn_h, xf_h, en_h, pn_h, pf_h, cst_h)
    return out.reshape(L, N)

# --- scband reference (transcript-rebuilt; emitter-appended) ---
"""Pipeline reference for scband-kernel-conv-80668075753604 (READ-ONLY COPY).

The authoritative reference and input builder live on the scoring server;
editing this copy changes nothing except your own understanding.
"""

import jax, jax.numpy as jnp
import numpy as np
import math
from itertools import permutations

L = 8
NUM_SUPPORTS = 3
D = 3
NODE_ATTR_DIM = 16
EDGE_ATTR_DIM = 8
N = 10000


def _permute(x):
    perms = list(permutations(range(x.shape[1])))
    return jnp.stack([x[:, list(p), :] for p in perms], axis=1)


def _cos_sim(a, b, eps=1e-8):
    na = jnp.maximum(jnp.linalg.norm(a, axis=-1), eps)
    nb = jnp.maximum(jnp.linalg.norm(b, axis=-1), eps)
    return jnp.sum(a * b, axis=-1) / (na * nb)


def _intra_angle(p):
    return _cos_sim(jnp.roll(p, 1, axis=-2), p)


def setup_inputs(seed: int = 0) -> dict:
    key = jax.random.key(seed)
    ks = jax.random.split(key, 9)
    return {
        "x_focal": jax.random.normal(ks[0], (N, NODE_ATTR_DIM), jnp.float32),
        "p_focal": jax.random.normal(ks[1], (N, D), jnp.float32),
        "x_neighbor": jax.random.normal(ks[2], (N, NUM_SUPPORTS, NODE_ATTR_DIM), jnp.float32),
        "p_neighbor": jax.random.normal(ks[3], (N, NUM_SUPPORTS, D), jnp.float32),
        "edge_attr_neighbor": jax.random.normal(ks[4], (N, NUM_SUPPORTS, EDGE_ATTR_DIM), jnp.float32),
        "x_center": jax.random.normal(ks[5], (L, 1, NODE_ATTR_DIM), jnp.float32),
        "x_support": jax.random.normal(ks[6], (L, NUM_SUPPORTS, NODE_ATTR_DIM), jnp.float32),
        "edge_attr_support": jax.random.normal(ks[7], (L, NUM_SUPPORTS, EDGE_ATTR_DIM), jnp.float32),
        "p_support": jax.random.normal(ks[8], (L, NUM_SUPPORTS, D), jnp.float32),
    }


def reference(x_focal, p_focal, x_neighbor, p_neighbor, edge_attr_neighbor,
              x_center, x_support, edge_attr_support, p_support):
    half_pi = math.pi / 2.0
    # center p at focal node
    p_nei = p_neighbor - p_focal[:, None, :]                          # [N,S,D]

    # --- support attribute score over all permutations ---
    perm_x_support = _permute(x_support)                              # [L,P,S,nd]
    diff = x_neighbor[None, None] - perm_x_support[:, :, None]        # [L,P,N,S,nd]
    support_attr_sc = jnp.arctan(1.0 / jnp.sum(jnp.square(diff), axis=(-2, -1)))  # [L,P,N]
    best_support_attr_sc = jnp.max(support_attr_sc, axis=1)           # [L,N]
    best_idx = jnp.argmax(support_attr_sc, axis=1)                    # [L,N]

    # --- gather best-permutation p_support (torch.gather on dim=1) ---
    perm_p_support = _permute(p_support)                              # [L,P,S,D]
    best_p_support = perm_p_support[jnp.arange(L)[:, None], best_idx]  # [L,N,S,D]

    # --- angle score (num_supports > 1 branch) ---
    intra_nei = _intra_angle(p_nei)                                   # [N,S]
    intra_sup = _intra_angle(best_p_support)                          # [L,N,S]
    angle_sc = jnp.arctan(1.0 / jnp.sum(jnp.square(intra_nei[None] - intra_sup), axis=-1))  # [L,N]

    # --- length score ---
    len_nei = jnp.linalg.norm(p_nei, axis=-1)                         # [N,S]
    len_sup = jnp.linalg.norm(best_p_support, axis=-1)                # [L,N,S]
    length_sc = jnp.arctan(1.0 / jnp.sum(jnp.square(len_nei[None] - len_sup), axis=-1))  # [L,N]

    # --- center attribute score ---
    center_attr_sc = jnp.arctan(1.0 / jnp.sum(jnp.square(x_focal[None] - x_center), axis=-1))  # [L,N]

    # --- edge attribute score with best permutation ---
    perm_edge = _permute(edge_attr_support)                           # [L,P,S,ed]
    best_edge = perm_edge[jnp.arange(L)[:, None], best_idx]           # [L,N,S,ed]
    edge_attr_support_sc = jnp.arctan(
        1.0 / jnp.sum(jnp.square(edge_attr_neighbor[None] - best_edge), axis=(-2, -1)))  # [L,N]

    sc = jnp.arctan(1.0 / (
        jnp.square(length_sc - half_pi)
        + jnp.square(angle_sc - half_pi)
        + jnp.square(best_support_attr_sc - half_pi)
        + jnp.square(center_attr_sc - half_pi)
        + jnp.square(edge_attr_support_sc - half_pi)))                # [L,N]
    return jnp.squeeze(sc, axis=0) if sc.shape[0] == 1 else sc

if __name__ == "__main__":
    import jax
    _d = setup_inputs()
    print(jax.jit(kernel)(*tuple(_d.values())))

</pallas_src>

<mosaic_0001>
#map = affine_map<(d0, d1) -> (0)>
module attributes {stable_mosaic.version = 14 : i64} {
  func.func @_sc_body(%arg0: i32, %arg1: i32, %arg2: memref<480000xf32, #tpu.memory_space<hbm>>, %arg3: memref<160000xf32, #tpu.memory_space<hbm>>, %arg4: memref<240000xf32, #tpu.memory_space<hbm>>, %arg5: memref<90000xf32, #tpu.memory_space<hbm>>, %arg6: memref<30000xf32, #tpu.memory_space<hbm>>, %arg7: memref<16384xf32, #tpu.memory_space<hbm>>, %arg8: memref<80000xf32, #tpu.memory_space<hbm>>, %arg9: memref<15360xf32, #tpu.memory_space<vmem>>, %arg10: memref<5120xf32, #tpu.memory_space<vmem>>, %arg11: memref<7680xf32, #tpu.memory_space<vmem>>, %arg12: memref<2880xf32, #tpu.memory_space<vmem>>, %arg13: memref<960xf32, #tpu.memory_space<vmem>>, %arg14: memref<16384xf32, #tpu.memory_space<vmem>>, %arg15: memref<15696xf32, #tpu.memory_space<vmem>>, %arg16: memref<5456xf32, #tpu.memory_space<vmem>>, %arg17: memref<8016xf32, #tpu.memory_space<vmem>>, %arg18: memref<2560xf32, #tpu.memory_space<vmem>>, %arg19: memref<1152xf32, #tpu.memory_space<vmem>>, %arg20: memref<1152xf32, #tpu.memory_space<vmem>>, %arg21: memref<!tpu.dma_semaphore, #tpu.memory_space<semaphore_mem>>) attributes {dimension_semantics = [#tpu.dimension_semantics<core_parallel>, #tpu.dimension_semantics<subcore_parallel>], iteration_bounds = array<i64: 2, 16>, scalar_prefetch = 0 : i64, scratch_operands = 13 : i64, tpu.core_type = #tpu.core_type<sc_vector_subcore>, window_params = [{transform_indices = #map}, {transform_indices = #map}, {transform_indices = #map}, {transform_indices = #map}, {transform_indices = #map}, {transform_indices = #map}, {transform_indices = #map}]} {
    %mul3A = arith.constant 2 : i32
    %mul3A_0 = arith.muli %arg1, %mul3A : i32
    %add3A = arith.addi %mul3A_0, %arg0 : i32
    %mul3A_1 = arith.constant 320 : i32
    %mul3A_2 = arith.muli %add3A, %mul3A_1 : i32
    %min3A = arith.constant 9680 : i32
    %min3A_3 = arith.minsi %mul3A_2, %min3A : i32
    %mul3A_4 = arith.constant 48 : i32
    %mul3A_5 = arith.muli %min3A_3, %mul3A_4 : i32
    %dma_start3A = tpu.memref_slice %arg2[%mul3A_5] : memref<480000xf32, #tpu.memory_space<hbm>> -> memref<15360xf32, #tpu.memory_space<hbm>>
    %dma_start3A_6 = tpu.memref_slice %arg2[%mul3A_5] : memref<480000xf32, #tpu.memory_space<hbm>> -> memref<15360xf32, #tpu.memory_space<hbm>>
    tpu.enqueue_dma source(%dma_start3A_6 : memref<15360xf32, #tpu.memory_space<hbm>>) target(%arg9 : memref<15360xf32, #tpu.memory_space<vmem>>) target_semaphore(%arg21 : memref<!tpu.dma_semaphore, #tpu.memory_space<semaphore_mem>>)
    %mul3A_7 = arith.constant 16 : i32
    %mul3A_8 = arith.muli %min3A_3, %mul3A_7 : i32
    %dma_start3A_9 = tpu.memref_slice %arg3[%mul3A_8] : memref<160000xf32, #tpu.memory_space<hbm>> -> memref<5120xf32, #tpu.memory_space<hbm>>
    %dma_start3A_10 = tpu.memref_slice %arg3[%mul3A_8] : memref<160000xf32, #tpu.memory_space<hbm>> -> memref<5120xf32, #tpu.memory_space<hbm>>
    tpu.enqueue_dma source(%dma_start3A_10 : memref<5120xf32, #tpu.memory_space<hbm>>) target(%arg10 : memref<5120xf32, #tpu.memory_space<vmem>>) target_semaphore(%arg21 : memref<!tpu.dma_semaphore, #tpu.memory_space<semaphore_mem>>)
    %mul3A_11 = arith.constant 24 : i32
    %mul3A_12 = arith.muli %min3A_3, %mul3A_11 : i32
    %dma_start3A_13 = tpu.memref_slice %arg4[%mul3A_12] : memref<240000xf32, #tpu.memory_space<hbm>> -> memref<7680xf32, #tpu.memory_space<hbm>>
    %dma_start3A_14 = tpu.memref_slice %arg4[%mul3A_12] : memref<240000xf32, #tpu.memory_space<hbm>> -> memref<7680xf32, #tpu.memory_space<hbm>>
    tpu.enqueue_dma source(%dma_start3A_14 : memref<7680xf32, #tpu.memory_space<hbm>>) target(%arg11 : memref<7680xf32, #tpu.memory_space<vmem>>) target_semaphore(%arg21 : memref<!tpu.dma_semaphore, #tpu.memory_space<semaphore_mem>>)
    %mul3A_15 = arith.constant 9 : i32
    %mul3A_16 = arith.muli %min3A_3, %mul3A_15 : i32
    %dma_start3A_17 = tpu.memref_slice %arg5[%mul3A_16] : memref<90000xf32, #tpu.memory_space<hbm>> -> memref<2880xf32, #tpu.memory_space<hbm>>
    %dma_start3A_18 = tpu.memref_slice %arg5[%mul3A_16] : memref<90000xf32, #tpu.memory_space<hbm>> -> memref<2880xf32, #tpu.memory_space<hbm>>
    tpu.enqueue_dma source(%dma_start3A_18 : memref<2880xf32, #tpu.memory_space<hbm>>) target(%arg12 : memref<2880xf32, #tpu.memory_space<vmem>>) target_semaphore(%arg21 : memref<!tpu.dma_semaphore, #tpu.memory_space<semaphore_mem>>)
    %mul3A_19 = arith.constant 3 : i32
    %mul3A_20 = arith.muli %min3A_3, %mul3A_19 : i32
    %dma_start3A_21 = tpu.memref_slice %arg6[%mul3A_20] : memref<30000xf32, #tpu.memory_space<hbm>> -> memref<960xf32, #tpu.memory_space<hbm>>
    %dma_start3A_22 = tpu.memref_slice %arg6[%mul3A_20] : memref<30000xf32, #tpu.memory_space<hbm>> -> memref<960xf32, #tpu.memory_space<hbm>>
    tpu.enqueue_dma source(%dma_start3A_22 : memref<960xf32, #tpu.memory_space<hbm>>) target(%arg13 : memref<960xf32, #tpu.memory_space<vmem>>) target_semaphore(%arg21 : memref<!tpu.dma_semaphore, #tpu.memory_space<semaphore_mem>>)
    tpu.enqueue_dma source(%arg7 : memref<16384xf32, #tpu.memory_space<hbm>>) target(%arg14 : memref<16384xf32, #tpu.memory_space<vmem>>) target_semaphore(%arg21 : memref<!tpu.dma_semaphore, #tpu.memory_space<semaphore_mem>>)
    %dma_wait3A = tpu.memref_slice %arg2[%mul3A_5] : memref<480000xf32, #tpu.memory_space<hbm>> -> memref<15360xf32, #tpu.memory_space<hbm>>
    %dma_wait3A_23 = tpu.memref_slice %arg2[%mul3A_5] : memref<480000xf32, #tpu.memory_space<hbm>> -> memref<15360xf32, #tpu.memory_space<hbm>>
    tpu.wait_dma2 semaphore(%arg21 : memref<!tpu.dma_semaphore, #tpu.memory_space<semaphore_mem>>) src(%dma_wait3A_23 : memref<15360xf32, #tpu.memory_space<hbm>>) dst(%arg9 : memref<15360xf32, #tpu.memory_space<vmem>>)
    %dma_wait3A_24 = tpu.memref_slice %arg3[%mul3A_8] : memref<160000xf32, #tpu.memory_space<hbm>> -> memref<5120xf32, #tpu.memory_space<hbm>>
    %dma_wait3A_25 = tpu.memref_slice %arg3[%mul3A_8] : memref<160000xf32, #tpu.memory_space<hbm>> -> memref<5120xf32, #tpu.memory_space<hbm>>
    tpu.wait_dma2 semaphore(%arg21 : memref<!tpu.dma_semaphore, #tpu.memory_space<semaphore_mem>>) src(%dma_wait3A_25 : memref<5120xf32, #tpu.memory_space<hbm>>) dst(%arg10 : memref<5120xf32, #tpu.memory_space<vmem>>)
    %dma_wait3A_26 = tpu.memref_slice %arg4[%mul3A_12] : memref<240000xf32, #tpu.memory_space<hbm>> -> memref<7680xf32, #tpu.memory_space<hbm>>
    %dma_wait3A_27 = tpu.memref_slice %arg4[%mul3A_12] : memref<240000xf32, #tpu.memory_space<hbm>> -> memref<7680xf32, #tpu.memory_space<hbm>>
    tpu.wait_dma2 semaphore(%arg21 : memref<!tpu.dma_semaphore, #tpu.memory_space<semaphore_mem>>) src(%dma_wait3A_27 : memref<7680xf32, #tpu.memory_space<hbm>>) dst(%arg11 : memref<7680xf32, #tpu.memory_space<vmem>>)
    %dma_wait3A_28 = tpu.memref_slice %arg5[%mul3A_16] : memref<90000xf32, #tpu.memory_space<hbm>> -> memref<2880xf32, #tpu.memory_space<hbm>>
    %dma_wait3A_29 = tpu.memref_slice %arg5[%mul3A_16] : memref<90000xf32, #tpu.memory_space<hbm>> -> memref<2880xf32, #tpu.memory_space<hbm>>
    tpu.wait_dma2 semaphore(%arg21 : memref<!tpu.dma_semaphore, #tpu.memory_space<semaphore_mem>>) src(%dma_wait3A_29 : memref<2880xf32, #tpu.memory_space<hbm>>) dst(%arg12 : memref<2880xf32, #tpu.memory_space<vmem>>)
    %dma_wait3A_30 = tpu.memref_slice %arg6[%mul3A_20] : memref<30000xf32, #tpu.memory_space<hbm>> -> memref<960xf32, #tpu.memory_space<hbm>>
    %dma_wait3A_31 = tpu.memref_slice %arg6[%mul3A_20] : memref<30000xf32, #tpu.memory_space<hbm>> -> memref<960xf32, #tpu.memory_space<hbm>>
    tpu.wait_dma2 semaphore(%arg21 : memref<!tpu.dma_semaphore, #tpu.memory_space<semaphore_mem>>) src(%dma_wait3A_31 : memref<960xf32, #tpu.memory_space<hbm>>) dst(%arg13 : memref<960xf32, #tpu.memory_space<vmem>>)
    tpu.wait_dma2 semaphore(%arg21 : memref<!tpu.dma_semaphore, #tpu.memory_space<semaphore_mem>>) src(%arg7 : memref<16384xf32, #tpu.memory_space<hbm>>) dst(%arg14 : memref<16384xf32, #tpu.memory_space<vmem>>)
    %scan3A = arith.constant 0 : i32
    %scan3A_32 = arith.constant 0 : i32
    %scan3A_33 = arith.constant 320 : i32
    %scan3A_34 = arith.addi %scan3A_32, %scan3A_33 : i32
    %scan3A_35 = arith.constant 1 : i32
    %scan3A_36 = scf.for %scan3A_172 = %scan3A_32 to %scan3A_34 step %scan3A_35 iter_args(%scan3A_173 = %scan3A) -> (i32)  : i32 {
      %mul3A_174 = arith.constant 48 : i32
      %mul3A_175 = arith.muli %scan3A_172, %mul3A_174 : i32
      %mul3A_176 = arith.constant 49 : i32
      %mul3A_177 = arith.muli %scan3A_172, %mul3A_176 : i32
      %get3A = arith.index_cast %mul3A_175 : i32 to index
      %get3A_178 = tpu.vector_load %arg9[%get3A] {strides = array<i32>} : memref<15360xf32, #tpu.memory_space<vmem>>, vector<16xf32>,
      %swap3A = arith.index_cast %mul3A_177 : i32 to index
      %swap3A_179 = tpu.vector_load %arg15[%swap3A] {strides = array<i32>} : memref<15696xf32, #tpu.memory_space<vmem>>, vector<16xf32>,
      tpu.vector_store %arg15[%swap3A], %get3A_178 {strides = array<i32>} : memref<15696xf32, #tpu.memory_space<vmem>>, vector<16xf32>,
      %add3A_180 = arith.constant 16 : i32
      %add3A_181 = arith.addi %mul3A_175, %add3A_180 : i32
      %get3A_182 = arith.index_cast %add3A_181 : i32 to index
      %get3A_183 = tpu.vector_load %arg9[%get3A_182] {strides = array<i32>} : memref<15360xf32, #tpu.memory_space<vmem>>, vector<16xf32>,
      %add3A_184 = arith.constant 16 : i32
      %add3A_185 = arith.addi %mul3A_177, %add3A_184 : i32
      %swap3A_186 = arith.index_cast %add3A_185 : i32 to index
      %swap3A_187 = tpu.vector_load %arg15[%swap3A_186] {strides = array<i32>} : memref<15696xf32, #tpu.memory_space<vmem>>, vector<16xf32>,
      tpu.vector_store %arg15[%swap3A_186], %get3A_183 {strides = array<i32>} : memref<15696xf32, #tpu.memory_space<vmem>>, vector<16xf32>,
      %add3A_188 = arith.constant 32 : i32
      %add3A_189 = arith.addi %mul3A_175, %add3A_188 : i32
      %get3A_190 = arith.index_cast %add3A_189 : i32 to index
      %get3A_191 = tpu.vector_load %arg9[%get3A_190] {strides = array<i32>} : memref<15360xf32, #tpu.memory_space<vmem>>, vector<16xf32>,
      %add3A_192 = arith.constant 32 : i32
      %add3A_193 = arith.addi %mul3A_177, %add3A_192 : i32
      %swap3A_194 = arith.index_cast %add3A_193 : i32 to index
      %swap3A_195 = tpu.vector_load %arg15[%swap3A_194] {strides = array<i32>} : memref<15696xf32, #tpu.memory_space<vmem>>, vector<16xf32>,
      tpu.vector_store %arg15[%swap3A_194], %get3A_191 {strides = array<i32>} : memref<15696xf32, #tpu.memory_space<vmem>>, vector<16xf32>,
      %mul3A_196 = arith.constant 16 : i32
      %mul3A_197 = arith.muli %scan3A_172, %mul3A_196 : i32
      %get3A_198 = arith.index_cast %mul3A_197 : i32 to index
      %get3A_199 = tpu.vector_load %arg10[%get3A_198] {strides = array<i32>} : memref<5120xf32, #tpu.memory_space<vmem>>, vector<16xf32>,
      %mul3A_200 = arith.constant 17 : i32
      %mul3A_201 = arith.muli %scan3A_172, %mul3A_200 : i32
      %swap3A_202 = arith.index_cast %mul3A_201 : i32 to index
      %swap3A_203 = tpu.vector_load %arg16[%swap3A_202] {strides = array<i32>} : memref<5456xf32, #tpu.memory_space<vmem>>, vector<16xf32>,
      tpu.vector_store %arg16[%swap3A_202], %get3A_199 {strides = array<i32>} : memref<5456xf32, #tpu.memory_space<vmem>>, vector<16xf32>,
      %mul3A_204 = arith.constant 24 : i32
      %mul3A_205 = arith.muli %scan3A_172, %mul3A_204 : i32
      %mul3A_206 = arith.constant 25 : i32
      %mul3A_207 = arith.muli %scan3A_172, %mul3A_206 : i32
      %get3A_208 = arith.index_cast %mul3A_205 : i32 to index
      %get3A_209 = tpu.vector_load %arg11[%get3A_208] {strides = array<i32>} : memref<7680xf32, #tpu.memory_space<vmem>>, vector<16xf32>,
      %swap3A_210 = arith.index_cast %mul3A_207 : i32 to index
      %swap3A_211 = tpu.vector_load %arg17[%swap3A_210] {strides = array<i32>} : memref<8016xf32, #tpu.memory_space<vmem>>, vector<16xf32>,
      tpu.vector_store %arg17[%swap3A_210], %get3A_209 {strides = array<i32>} : memref<8016xf32, #tpu.memory_space<vmem>>, vector<16xf32>,
      %add3A_212 = arith.constant 16 : i32
      %add3A_213 = arith.addi %mul3A_205, %add3A_212 : i32
      %get3A_214 = arith.index_cast %add3A_213 : i32 to index
      %get3A_215 = tpu.vector_load %arg11[%get3A_214] {strides = array<i32>} : memref<7680xf32, #tpu.memory_space<vmem>>, vector<16xf32>,
      %add3A_216 = arith.constant 16 : i32
      %add3A_217 = arith.addi %mul3A_207, %add3A_216 : i32
      %swap3A_218 = arith.index_cast %add3A_217 : i32 to index
      %swap3A_219 = tpu.vector_load %arg17[%swap3A_218] {strides = array<i32>} : memref<8016xf32, #tpu.memory_space<vmem>>, vector<16xf32>,
      tpu.vector_store %arg17[%swap3A_218], %get3A_215 {strides = array<i32>} : memref<8016xf32, #tpu.memory_space<vmem>>, vector<16xf32>,
      %scan3A_220 = arith.constant 0 : i32
      scf.yield %scan3A_220 : i32
    }
    %scan3A_37 = arith.constant 320 : i32
    %iota3A = tpu.iota {dimensions = array<i32: 0>} : vector<16xi32>
    %mul3A_38 = arith.constant 49 : i32
    %mul3A_39 = vector.broadcast %mul3A_38 : i32 to vector<16xi32>
    %mul3A_40 = arith.muli %iota3A, %mul3A_39 : vector<16xi32>
    %mul3A_41 = arith.constant 17 : i32
    %mul3A_42 = vector.broadcast %mul3A_41 : i32 to vector<16xi32>
    %mul3A_43 = arith.muli %iota3A, %mul3A_42 : vector<16xi32>
    %mul3A_44 = arith.constant 25 : i32
    %mul3A_45 = vector.broadcast %mul3A_44 : i32 to vector<16xi32>
    %mul3A_46 = arith.muli %iota3A, %mul3A_45 : vector<16xi32>
    %mul3A_47 = arith.constant 9 : i32
    %mul3A_48 = vector.broadcast %mul3A_47 : i32 to vector<16xi32>
    %mul3A_49 = arith.muli %iota3A, %mul3A_48 : vector<16xi32>
    %mul3A_50 = arith.constant 3 : i32
    %mul3A_51 = vector.broadcast %mul3A_50 : i32 to vector<16xi32>
    %mul3A_52 = arith.muli %iota3A, %mul3A_51 : vector<16xi32>
    %scan3A_53 = arith.constant 0 : i32
    %scan3A_54 = arith.constant 0 : i32
    %scan3A_55 = arith.constant 20 : i32
    %scan3A_56 = arith.addi %scan3A_54, %scan3A_55 : i32
    %scan3A_57 = arith.constant 1 : i32
    %scan3A_58 = scf.for %scan3A_172 = %scan3A_54 to %scan3A_56 step %scan3A_57 iter_args(%scan3A_173 = %scan3A_53) -> (i32)  : i32 {
      %mul3A_174 = arith.constant 16 : i32
      %mul3A_175 = arith.muli %scan3A_172, %mul3A_174 : i32
      %mul3A_176 = arith.constant 49 : i32
      %mul3A_177 = arith.muli %mul3A_175, %mul3A_176 : i32
      %add3A_178 = arith.constant 0 : i32
      %add3A_179 = arith.addi %mul3A_177, %add3A_178 : i32
      %add3A_180 = vector.broadcast %add3A_179 : i32 to vector<16xi32>
      %add3A_181 = arith.addi %mul3A_40, %add3A_180 : vector<16xi32>
      %gather3A = tpu.vector_load_idx %arg15[%add3A_181] : memref<15696xf32, #tpu.memory_space<vmem>>[vector<16xi32>], vector<16xf32>,
      %mul3A_182 = arith.constant 49 : i32
      %mul3A_183 = arith.muli %mul3A_175, %mul3A_182 : i32
      %add3A_184 = arith.constant 1 : i32
      %add3A_185 = arith.addi %mul3A_183, %add3A_184 : i32
      %add3A_186 = vector.broadcast %add3A_185 : i32 to vector<16xi32>
      %add3A_187 = arith.addi %mul3A_40, %add3A_186 : vector<16xi32>
      %gather3A_188 = tpu.vector_load_idx %arg15[%add3A_187] : memref<15696xf32, #tpu.memory_space<vmem>>[vector<16xi32>], vector<16xf32>,
      %mul3A_189 = arith.constant 49 : i32
      %mul3A_190 = arith.muli %mul3A_175, %mul3A_189 : i32
      %add3A_191 = arith.constant 2 : i32
      %add3A_192 = arith.addi %mul3A_190, %add3A_191 : i32
      %add3A_193 = vector.broadcast %add3A_192 : i32 to vector<16xi32>
      %add3A_194 = arith.addi %mul3A_40, %add3A_193 : vector<16xi32>
      %gather3A_195 = tpu.vector_load_idx %arg15[%add3A_194] : memref<15696xf32, #tpu.memory_space<vmem>>[vector<16xi32>], vector<16xf32>,
      %mul3A_196 = arith.constant 49 : i32
      %mul3A_197 = arith.muli %mul3A_175, %mul3A_196 : i32
      %add3A_198 = arith.constant 3 : i32
      %add3A_199 = arith.addi %mul3A_197, %add3A_198 : i32
      %add3A_200 = vector.broadcast %add3A_199 : i32 to vector<16xi32>
      %add3A_201 = arith.addi %mul3A_40, %add3A_200 : vector<16xi32>
      %gather3A_202 = tpu.vector_load_idx %arg15[%add3A_201] : memref<15696xf32, #tpu.memory_space<vmem>>[vector<16xi32>], vector<16xf32>,
      %mul3A_203 = arith.constant 49 : i32
      %mul3A_204 = arith.muli %mul3A_175, %mul3A_203 : i32
      %add3A_205 = arith.constant 4 : i32
      %add3A_206 = arith.addi %mul3A_204, %add3A_205 : i32
      %add3A_207 = vector.broadcast %add3A_206 : i32 to vector<16xi32>
      %add3A_208 = arith.addi %mul3A_40, %add3A_207 : vector<16xi32>
      %gather3A_209 = tpu.vector_load_idx %arg15[%add3A_208] : memref<15696xf32, #tpu.memory_space<vmem>>[vector<16xi32>], vector<16xf32>,
      %mul3A_210 = arith.constant 49 : i32
      %mul3A_211 = arith.muli %mul3A_175, %mul3A_210 : i32
      %add3A_212 = arith.constant 5 : i32
      %add3A_213 = arith.addi %mul3A_211, %add3A_212 : i32
      %add3A_214 = vector.broadcast %add3A_213 : i32 to vector<16xi32>
      %add3A_215 = arith.addi %mul3A_40, %add3A_214 : vector<16xi32>
      %gather3A_216 = tpu.vector_load_idx %arg15[%add3A_215] : memref<15696xf32, #tpu.memory_space<vmem>>[vector<16xi32>], vector<16xf32>,
      %mul3A_217 = arith.constant 49 : i32
      %mul3A_218 = arith.muli %mul3A_175, %mul3A_217 : i32
      %add3A_219 = arith.constant 6 : i32
      %add3A_220 = arith.addi %mul3A_218, %add3A_219 : i32
      %add3A_221 = vector.broadcast %add3A_220 : i32 to vector<16xi32>
      %add3A_222 = arith.addi %mul3A_40, %add3A_221 : vector<16xi32>
      %gather3A_223 = tpu.vector_load_idx %arg15[%add3A_222] : memref<15696xf32, #tpu.memory_space<vmem>>[vector<16xi32>], vector<16xf32>,
      %mul3A_224 = arith.constant 49 : i32
      %mul3A_225 = arith.muli %mul3A_175, %mul3A_224 : i32
      %add3A_226 = arith.constant 7 : i32
      %add3A_227 = arith.addi %mul3A_225, %add3A_226 : i32
      %add3A_228 = vector.broadcast %add3A_227 : i32 to vector<16xi32>
      %add3A_229 = arith.addi %mul3A_40, %add3A_228 : vector<16xi32>
      %gather3A_230 = tpu.vector_load_idx %arg15[%add3A_229] : memref<15696xf32, #tpu.memory_space<vmem>>[vector<16xi32>], vector<16xf32>,
      %mul3A_231 = arith.constant 49 : i32
      %mul3A_232 = arith.muli %mul3A_175, %mul3A_231 : i32
      %add3A_233 = arith.constant 8 : i32
      %add3A_234 = arith.addi %mul3A_232, %add3A_233 : i32
      %add3A_235 = vector.broadcast %add3A_234 : i32 to vector<16xi32>
      %add3A_236 = arith.addi %mul3A_40, %add3A_235 : vector<16xi32>
      %gather3A_237 = tpu.vector_load_idx %arg15[%add3A_236] : memref<15696xf32, #tpu.memory_space<vmem>>[vector<16xi32>], vector<16xf32>,
      %mul3A_238 = arith.constant 49 : i32
      %mul3A_239 = arith.muli %mul3A_175, %mul3A_238 : i32
      %add3A_240 = arith.constant 9 : i32
      %add3A_241 = arith.addi %mul3A_239, %add3A_240 : i32
      %add3A_242 = vector.broadcast %add3A_241 : i32 to vector<16xi32>
      %add3A_243 = arith.addi %mul3A_40, %add3A_242 : vector<16xi32>
      %gather3A_244 = tpu.vector_load_idx %arg15[%add3A_243] : memref<15696xf32, #tpu.memory_space<vmem>>[vector<16xi32>], vector<16xf32>,
      %mul3A_245 = arith.constant 49 : i32
      %mul3A_246 = arith.muli %mul3A_175, %mul3A_245 : i32
      %add3A_247 = arith.constant 10 : i32
      %add3A_248 = arith.addi %mul3A_246, %add3A_247 : i32
      %add3A_249 = vector.broadcast %add3A_248 : i32 to vector<16xi32>
      %add3A_250 = arith.addi %mul3A_40, %add3A_249 : vector<16xi32>
      %gather3A_251 = tpu.vector_load_idx %arg15[%add3A_250] : memref<15696xf32, #tpu.memory_space<vmem>>[vector<16xi32>], vector<16xf32>,
      %mul3A_252 = arith.constant 49 : i32
      %mul3A_253 = arith.muli %mul3A_175, %mul3A_252 : i32
      %add3A_254 = arith.constant 11 : i32
      %add3A_255 = arith.addi %mul3A_253, %add3A_254 : i32
      %add3A_256 = vector.broadcast %add3A_255 : i32 to vector<16xi32>
      %add3A_257 = arith.addi %mul3A_40, %add3A_256 : vector<16xi32>
      %gather3A_258 = tpu.vector_load_idx %arg15[%add3A_257] : memref<15696xf32, #tpu.memory_space<vmem>>[vector<16xi32>], vector<16xf32>,
      %mul3A_259 = arith.constant 49 : i32
      %mul3A_260 = arith.muli %mul3A_175, %mul3A_259 : i32
      %add3A_261 = arith.constant 12 : i32
      %add3A_262 = arith.addi %mul3A_260, %add3A_261 : i32
      %add3A_263 = vector.broadcast %add3A_262 : i32 to vector<16xi32>
      %add3A_264 = arith.addi %mul3A_40, %add3A_263 : vector<16xi32>
      %gather3A_265 = tpu.vector_load_idx %arg15[%add3A_264] : memref<15696xf32, #tpu.memory_space<vmem>>[vector<16xi32>], vector<16xf32>,
      %mul3A_266 = arith.constant 49 : i32
      %mul3A_267 = arith.muli %mul3A_175, %mul3A_266 : i32
      %add3A_268 = arith.constant 13 : i32
      %add3A_269 = arith.addi %mul3A_267, %add3A_268 : i32
      %add3A_270 = vector.broadcast %add3A_269 : i32 to vector<16xi32>
      %add3A_271 = arith.addi %mul3A_40, %add3A_270 : vector<16xi32>
      %gather3A_272 = tpu.vector_load_idx %arg15[%add3A_271] : memref<15696xf32, #tpu.memory_space<vmem>>[vector<16xi32>], vector<16xf32>,
      %mul3A_273 = arith.constant 49 : i32
      %mul3A_274 = arith.muli %mul3A_175, %mul3A_273 : i32
      %add3A_275 = arith.constant 14 : i32
      %add3A_276 = arith.addi %mul3A_274, %add3A_275 : i32
      %add3A_277 = vector.broadcast %add3A_276 : i32 to vector<16xi32>
      %add3A_278 = arith.addi %mul3A_40, %add3A_277 : vector<16xi32>
      %gather3A_279 = tpu.vector_load_idx %arg15[%add3A_278] : memref<15696xf32, #tpu.memory_space<vmem>>[vector<16xi32>], vector<16xf32>,
      %mul3A_280 = arith.constant 49 : i32
      %mul3A_281 = arith.muli %mul3A_175, %mul3A_280 : i32
      %add3A_282 = arith.constant 15 : i32
      %add3A_283 = arith.addi %mul3A_281, %add3A_282 : i32
      %add3A_284 = vector.broadcast %add3A_283 : i32 to vector<16xi32>
      %add3A_285 = arith.addi %mul3A_40, %add3A_284 : vector<16xi32>
      %gather3A_286 = tpu.vector_load_idx %arg15[%add3A_285] : memref<15696xf32, #tpu.memory_space<vmem>>[vector<16xi32>], vector<16xf32>,
      %mul3A_287 = arith.constant 49 : i32
      %mul3A_288 = arith.muli %mul3A_175, %mul3A_287 : i32
      %add3A_289 = arith.constant 16 : i32
      %add3A_290 = arith.addi %mul3A_288, %add3A_289 : i32
      %add3A_291 = vector.broadcast %add3A_290 : i32 to vector<16xi32>
      %add3A_292 = arith.addi %mul3A_40, %add3A_291 : vector<16xi32>
      %gather3A_293 = tpu.vector_load_idx %arg15[%add3A_292] : memref<15696xf32, #tpu.memory_space<vmem>>[vector<16xi32>], vector<16xf32>,
      %mul3A_294 = arith.constant 49 : i32
      %mul3A_295 = arith.muli %mul3A_175, %mul3A_294 : i32
      %add3A_296 = arith.constant 17 : i32
      %add3A_297 = arith.addi %mul3A_295, %add3A_296 : i32
      %add3A_298 = vector.broadcast %add3A_297 : i32 to vector<16xi32>
      %add3A_299 = arith.addi %mul3A_40, %add3A_298 : vector<16xi32>
      %gather3A_300 = tpu.vector_load_idx %arg15[%add3A_299] : memref<15696xf32, #tpu.memory_space<vmem>>[vector<16xi32>], vector<16xf32>,
      %mul3A_301 = arith.constant 49 : i32
      %mul3A_302 = arith.muli %mul3A_175, %mul3A_301 : i32
      %add3A_303 = arith.constant 18 : i32
      %add3A_304 = arith.addi %mul3A_302, %add3A_303 : i32
      %add3A_305 = vector.broadcast %add3A_304 : i32 to vector<16xi32>
      %add3A_306 = arith.addi %mul3A_40, %add3A_305 : vector<16xi32>
      %gather3A_307 = tpu.vector_load_idx %arg15[%add3A_306] : memref<15696xf32, #tpu.memory_space<vmem>>[vector<16xi32>], vector<16xf32>,
      %mul3A_308 = arith.constant 49 : i32
      %mul3A_309 = arith.muli %mul3A_175, %mul3A_308 : i32
      %add3A_310 = arith.constant 19 : i32
      %add3A_311 = arith.addi %mul3A_309, %add3A_310 : i32
      %add3A_312 = vector.broadcast %add3A_311 : i32 to vector<16xi32>
      %add3A_313 = arith.addi %mul3A_40, %add3A_312 : vector<16xi32>
      %gather3A_314 = tpu.vector_load_idx %arg15[%add3A_313] : memref<15696xf32, #tpu.memory_space<vmem>>[vector<16xi32>], vector<16xf32>,
      %mul3A_315 = arith.constant 49 : i32
      %mul3A_316 = arith.muli %mul3A_175, %mul3A_315 : i32
      %add3A_317 = arith.constant 20 : i32
      %add3A_318 = arith.addi %mul3A_316, %add3A_317 : i32
      %add3A_319 = vector.broadcast %add3A_318 : i32 to vector<16xi32>
      %add3A_320 = arith.addi %mul3A_40, %add3A_319 : vector<16xi32>
      %gather3A_321 = tpu.vector_load_idx %arg15[%add3A_320] : memref<15696xf32, #tpu.memory_space<vmem>>[vector<16xi32>], vector<16xf32>,
      %mul3A_322 = arith.constant 49 : i32
      %mul3A_323 = arith.muli %mul3A_175, %mul3A_322 : i32
      %add3A_324 = arith.constant 21 : i32
      %add3A_325 = arith.addi %mul3A_323, %add3A_324 : i32
      %add3A_326 = vector.broadcast %add3A_325 : i32 to vector<16xi32>
      %add3A_327 = arith.addi %mul3A_40, %add3A_326 : vector<16xi32>
      %gather3A_328 = tpu.vector_load_idx %arg15[%add3A_327] : memref<15696xf32, #tpu.memory_space<vmem>>[vector<16xi32>], vector<16xf32>,
      %mul3A_329 = arith.constant 49 : i32
      %mul3A_330 = arith.muli %mul3A_175, %mul3A_329 : i32
      %add3A_331 = arith.constant 22 : i32
      %add3A_332 = arith.addi %mul3A_330, %add3A_331 : i32
      %add3A_333 = vector.broadcast %add3A_332 : i32 to vector<16xi32>
      %add3A_334 = arith.addi %mul3A_40, %add3A_333 : vector<16xi32>
      %gather3A_335 = tpu.vector_load_idx %arg15[%add3A_334] : memref<15696xf32, #tpu.memory_space<vmem>>[vector<16xi32>], vector<16xf32>,
      %mul3A_336 = arith.constant 49 : i32
      %mul3A_337 = arith.muli %mul3A_175, %mul3A_336 : i32
      %add3A_338 = arith.constant 23 : i32
      %add3A_339 = arith.addi %mul3A_337, %add3A_338 : i32
      %add3A_340 = vector.broadcast %add3A_339 : i32 to vector<16xi32>
      %add3A_341 = arith.addi %mul3A_40, %add3A_340 : vector<16xi32>
      %gather3A_342 = tpu.vector_load_idx %arg15[%add3A_341] : memref<15696xf32, #tpu.memory_space<vmem>>[vector<16xi32>], vector<16xf32>,
      %mul3A_343 = arith.constant 49 : i32
      %mul3A_344 = arith.muli %mul3A_175, %mul3A_343 : i32
      %add3A_345 = arith.constant 24 : i32
      %add3A_346 = arith.addi %mul3A_344, %add3A_345 : i32
      %add3A_347 = vector.broadcast %add3A_346 : i32 to vector<16xi32>
      %add3A_348 = arith.addi %mul3A_40, %add3A_347 : vector<16xi32>
      %gather3A_349 = tpu.vector_load_idx %arg15[%add3A_348] : memref<15696xf32, #tpu.memory_space<vmem>>[vector<16xi32>], vector<16xf32>,
      %mul3A_350 = arith.constant 49 : i32
      %mul3A_351 = arith.muli %mul3A_175, %mul3A_350 : i32
      %add3A_352 = arith.constant 25 : i32
      %add3A_353 = arith.addi %mul3A_351, %add3A_352 : i32
      %add3A_354 = vector.broadcast %add3A_353 : i32 to vector<16xi32>
      %add3A_355 = arith.addi %mul3A_40, %add3A_354 : vector<16xi32>
      %gather3A_356 = tpu.vector_load_idx %arg15[%add3A_355] : memref<15696xf32, #tpu.memory_space<vmem>>[vector<16xi32>], vector<16xf32>,
      %mul3A_357 = arith.constant 49 : i32
      %mul3A_358 = arith.muli %mul3A_175, %mul3A_357 : i32
      %add3A_359 = arith.constant 26 : i32
      %add3A_360 = arith.addi %mul3A_358, %add3A_359 : i32
      %add3A_361 = vector.broadcast %add3A_360 : i32 to vector<16xi32>
      %add3A_362 = arith.addi %mul3A_40, %add3A_361 : vector<16xi32>
      %gather3A_363 = tpu.vector_load_idx %arg15[%add3A_362] : memref<15696xf32, #tpu.memory_space<vmem>>[vector<16xi32>], vector<16xf32>,
      %mul3A_364 = arith.constant 49 : i32
      %mul3A_365 = arith.muli %mul3A_175, %mul3A_364 : i32
      %add3A_366 = arith.constant 27 : i32
      %add3A_367 = arith.addi %mul3A_365, %add3A_366 : i32
      %add3A_368 = vector.broadcast %add3A_367 : i32 to vector<16xi32>
      %add3A_369 = arith.addi %mul3A_40, %add3A_368 : vector<16xi32>
      %gather3A_370 = tpu.vector_load_idx %arg15[%add3A_369] : memref<15696xf32, #tpu.memory_space<vmem>>[vector<16xi32>], vector<16xf32>,
      %mul3A_371 = arith.constant 49 : i32
      %mul3A_372 = arith.muli %mul3A_175, %mul3A_371 : i32
      %add3A_373 = arith.constant 28 : i32
      %add3A_374 = arith.addi %mul3A_372, %add3A_373 : i32
      %add3A_375 = vector.broadcast %add3A_374 : i32 to vector<16xi32>
      %add3A_376 = arith.addi %mul3A_40, %add3A_375 : vector<16xi32>
      %gather3A_377 = tpu.vector_load_idx %arg15[%add3A_376] : memref<15696xf32, #tpu.memory_space<vmem>>[vector<16xi32>], vector<16xf32>,
      %mul3A_378 = arith.constant 49 : i32
      %mul3A_379 = arith.muli %mul3A_175, %mul3A_378 : i32
      %add3A_380 = arith.constant 29 : i32
      %add3A_381 = arith.addi %mul3A_379, %add3A_380 : i32
      %add3A_382 = vector.broadcast %add3A_381 : i32 to vector<16xi32>
      %add3A_383 = arith.addi %mul3A_40, %add3A_382 : vector<16xi32>
      %gather3A_384 = tpu.vector_load_idx %arg15[%add3A_383] : memref<15696xf32, #tpu.memory_space<vmem>>[vector<16xi32>], vector<16xf32>,
      %mul3A_385 = arith.constant 49 : i32
      %mul3A_386 = arith.muli %mul3A_175, %mul3A_385 : i32
      %add3A_387 = arith.constant 30 : i32
      %add3A_388 = arith.addi %mul3A_386, %add3A_387 : i32
      %add3A_389 = vector.broadcast %add3A_388 : i32 to vector<16xi32>
      %add3A_390 = arith.addi %mul3A_40, %add3A_389 : vector<16xi32>
      %gather3A_391 = tpu.vector_load_idx %arg15[%add3A_390] : memref<15696xf32, #tpu.memory_space<vmem>>[vector<16xi32>], vector<16xf32>,
      %mul3A_392 = arith.constant 49 : i32
      %mul3A_393 = arith.muli %mul3A_175, %mul3A_392 : i32
      %add3A_394 = arith.constant 31 : i32
      %add3A_395 = arith.addi %mul3A_393, %add3A_394 : i32
      %add3A_396 = vector.broadcast %add3A_395 : i32 to vector<16xi32>
      %add3A_397 = arith.addi %mul3A_40, %add3A_396 : vector<16xi32>
      %gather3A_398 = tpu.vector_load_idx %arg15[%add3A_397] : memref<15696xf32, #tpu.memory_space<vmem>>[vector<16xi32>], vector<16xf32>,
      %mul3A_399 = arith.constant 49 : i32
      %mul3A_400 = arith.muli %mul3A_175, %mul3A_399 : i32
      %add3A_401 = arith.constant 32 : i32
      %add3A_402 = arith.addi %mul3A_400, %add3A_401 : i32
      %add3A_403 = vector.broadcast %add3A_402 : i32 to vector<16xi32>
      %add3A_404 = arith.addi %mul3A_40, %add3A_403 : vector<16xi32>
      %gather3A_405 = tpu.vector_load_idx %arg15[%add3A_404] : memref<15696xf32, #tpu.memory_space<vmem>>[vector<16xi32>], vector<16xf32>,
      %mul3A_406 = arith.constant 49 : i32
      %mul3A_407 = arith.muli %mul3A_175, %mul3A_406 : i32
      %add3A_408 = arith.constant 33 : i32
      %add3A_409 = arith.addi %mul3A_407, %add3A_408 : i32
      %add3A_410 = vector.broadcast %add3A_409 : i32 to vector<16xi32>
      %add3A_411 = arith.addi %mul3A_40, %add3A_410 : vector<16xi32>
      %gather3A_412 = tpu.vector_load_idx %arg15[%add3A_411] : memref<15696xf32, #tpu.memory_space<vmem>>[vector<16xi32>], vector<16xf32>,
      %mul3A_413 = arith.constant 49 : i32
      %mul3A_414 = arith.muli %mul3A_175, %mul3A_413 : i32
      %add3A_415 = arith.constant 34 : i32
      %add3A_416 = arith.addi %mul3A_414, %add3A_415 : i32
      %add3A_417 = vector.broadcast %add3A_416 : i32 to vector<16xi32>
      %add3A_418 = arith.addi %mul3A_40, %add3A_417 : vector<16xi32>
      %gather3A_419 = tpu.vector_load_idx %arg15[%add3A_418] : memref<15696xf32, #tpu.memory_space<vmem>>[vector<16xi32>], vector<16xf32>,
      %mul3A_420 = arith.constant 49 : i32
      %mul3A_421 = arith.muli %mul3A_175, %mul3A_420 : i32
      %add3A_422 = arith.constant 35 : i32
      %add3A_423 = arith.addi %mul3A_421, %add3A_422 : i32
      %add3A_424 = vector.broadcast %add3A_423 : i32 to vector<16xi32>
      %add3A_425 = arith.addi %mul3A_40, %add3A_424 : vector<16xi32>
      %gather3A_426 = tpu.vector_load_idx %arg15[%add3A_425] : memref<15696xf32, #tpu.memory_space<vmem>>[vector<16xi32>], vector<16xf32>,
      %mul3A_427 = arith.constant 49 : i32
      %mul3A_428 = arith.muli %mul3A_175, %mul3A_427 : i32
      %add3A_429 = arith.constant 36 : i32
      %add3A_430 = arith.addi %mul3A_428, %add3A_429 : i32
      %add3A_431 = vector.broadcast %add3A_430 : i32 to vector<16xi32>
      %add3A_432 = arith.addi %mul3A_40, %add3A_431 : vector<16xi32>
      %gather3A_433 = tpu.vector_load_idx %arg15[%add3A_432] : memref<15696xf32, #tpu.memory_space<vmem>>[vector<16xi32>], vector<16xf32>,
      %mul3A_434 = arith.constant 49 : i32
      %mul3A_435 = arith.muli %mul3A_175, %mul3A_434 : i32
      %add3A_436 = arith.constant 37 : i32
      %add3A_437 = arith.addi %mul3A_435, %add3A_436 : i32
      %add3A_438 = vector.broadcast %add3A_437 : i32 to vector<16xi32>
      %add3A_439 = arith.addi %mul3A_40, %add3A_438 : vector<16xi32>
      %gather3A_440 = tpu.vector_load_idx %arg15[%add3A_439] : memref<15696xf32, #tpu.memory_space<vmem>>[vector<16xi32>], vector<16xf32>,
      %mul3A_441 = arith.constant 49 : i32
      %mul3A_442 = arith.muli %mul3A_175, %mul3A_441 : i32
      %add3A_443 = arith.constant 38 : i32
      %add3A_444 = arith.addi %mul3A_442, %add3A_443 : i32
      %add3A_445 = vector.broadcast %add3A_444 : i32 to vector<16xi32>
      %add3A_446 = arith.addi %mul3A_40, %add3A_445 : vector<16xi32>
      %gather3A_447 = tpu.vector_load_idx %arg15[%add3A_446] : memref<15696xf32, #tpu.memory_space<vmem>>[vector<16xi32>], vector<16xf32>,
      %mul3A_448 = arith.constant 49 : i32
      %mul3A_449 = arith.muli %mul3A_175, %mul3A_448 : i32
      %add3A_450 = arith.constant 39 : i32
      %add3A_451 = arith.addi %mul3A_449, %add3A_450 : i32
      %add3A_452 = vector.broadcast %add3A_451 : i32 to vector<16xi32>
      %add3A_453 = arith.addi %mul3A_40, %add3A_452 : vector<16xi32>
      %gather3A_454 = tpu.vector_load_idx %arg15[%add3A_453] : memref<15696xf32, #tpu.memory_space<vmem>>[vector<16xi32>], vector<16xf32>,
      %mul3A_455 = arith.constant 49 : i32
      %mul3A_456 = arith.muli %mul3A_175, %mul3A_455 : i32
      %add3A_457 = arith.constant 40 : i32
      %add3A_458 = arith.addi %mul3A_456, %add3A_457 : i32
      %add3A_459 = vector.broadcast %add3A_458 : i32 to vector<16xi32>
      %add3A_460 = arith.addi %mul3A_40, %add3A_459 : vector<16xi32>
      %gather3A_461 = tpu.vector_load_idx %arg15[%add3A_460] : memref<15696xf32, #tpu.memory_space<vmem>>[vector<16xi32>], vector<16xf32>,
      %mul3A_462 = arith.constant 49 : i32
      %mul3A_463 = arith.muli %mul3A_175, %mul3A_462 : i32
      %add3A_464 = arith.constant 41 : i32
      %add3A_465 = arith.addi %mul3A_463, %add3A_464 : i32
      %add3A_466 = vector.broadcast %add3A_465 : i32 to vector<16xi32>
      %add3A_467 = arith.addi %mul3A_40, %add3A_466 : vector<16xi32>
      %gather3A_468 = tpu.vector_load_idx %arg15[%add3A_467] : memref<15696xf32, #tpu.memory_space<vmem>>[vector<16xi32>], vector<16xf32>,
      %mul3A_469 = arith.constant 49 : i32
      %mul3A_470 = arith.muli %mul3A_175, %mul3A_469 : i32
      %add3A_471 = arith.constant 42 : i32
      %add3A_472 = arith.addi %mul3A_470, %add3A_471 : i32
      %add3A_473 = vector.broadcast %add3A_472 : i32 to vector<16xi32>
      %add3A_474 = arith.addi %mul3A_40, %add3A_473 : vector<16xi32>
      %gather3A_475 = tpu.vector_load_idx %arg15[%add3A_474] : memref<15696xf32, #tpu.memory_space<vmem>>[vector<16xi32>], vector<16xf32>,
      %mul3A_476 = arith.constant 49 : i32
      %mul3A_477 = arith.muli %mul3A_175, %mul3A_476 : i32
      %add3A_478 = arith.constant 43 : i32
      %add3A_479 = arith.addi %mul3A_477, %add3A_478 : i32
      %add3A_480 = vector.broadcast %add3A_479 : i32 to vector<16xi32>
      %add3A_481 = arith.addi %mul3A_40, %add3A_480 : vector<16xi32>
      %gather3A_482 = tpu.vector_load_idx %arg15[%add3A_481] : memref<15696xf32, #tpu.memory_space<vmem>>[vector<16xi32>], vector<16xf32>,
      %mul3A_483 = arith.constant 49 : i32
      %mul3A_484 = arith.muli %mul3A_175, %mul3A_483 : i32
      %add3A_485 = arith.constant 44 : i32
      %add3A_486 = arith.addi %mul3A_484, %add3A_485 : i32
      %add3A_487 = vector.broadcast %add3A_486 : i32 to vector<16xi32>
      %add3A_488 = arith.addi %mul3A_40, %add3A_487 : vector<16xi32>
      %gather3A_489 = tpu.vector_load_idx %arg15[%add3A_488] : memref<15696xf32, #tpu.memory_space<vmem>>[vector<16xi32>], vector<16xf32>,
      %mul3A_490 = arith.constant 49 : i32
      %mul3A_491 = arith.muli %mul3A_175, %mul3A_490 : i32
      %add3A_492 = arith.constant 45 : i32
      %add3A_493 = arith.addi %mul3A_491, %add3A_492 : i32
      %add3A_494 = vector.broadcast %add3A_493 : i32 to vector<16xi32>
      %add3A_495 = arith.addi %mul3A_40, %add3A_494 : vector<16xi32>
      %gather3A_496 = tpu.vector_load_idx %arg15[%add3A_495] : memref<15696xf32, #tpu.memory_space<vmem>>[vector<16xi32>], vector<16xf32>,
      %mul3A_497 = arith.constant 49 : i32
      %mul3A_498 = arith.muli %mul3A_175, %mul3A_497 : i32
      %add3A_499 = arith.constant 46 : i32
      %add3A_500 = arith.addi %mul3A_498, %add3A_499 : i32
      %add3A_501 = vector.broadcast %add3A_500 : i32 to vector<16xi32>
      %add3A_502 = arith.addi %mul3A_40, %add3A_501 : vector<16xi32>
      %gather3A_503 = tpu.vector_load_idx %arg15[%add3A_502] : memref<15696xf32, #tpu.memory_space<vmem>>[vector<16xi32>], vector<16xf32>,
      %mul3A_504 = arith.constant 49 : i32
      %mul3A_505 = arith.muli %mul3A_175, %mul3A_504 : i32
      %add3A_506 = arith.constant 47 : i32
      %add3A_507 = arith.addi %mul3A_505, %add3A_506 : i32
      %add3A_508 = vector.broadcast %add3A_507 : i32 to vector<16xi32>
      %add3A_509 = arith.addi %mul3A_40, %add3A_508 : vector<16xi32>
      %gather3A_510 = tpu.vector_load_idx %arg15[%add3A_509] : memref<15696xf32, #tpu.memory_space<vmem>>[vector<16xi32>], vector<16xf32>,
      %mul3A_511 = arith.constant 25 : i32
      %mul3A_512 = arith.muli %mul3A_175, %mul3A_511 : i32
      %add3A_513 = arith.constant 0 : i32
      %add3A_514 = arith.addi %mul3A_512, %add3A_513 : i32
      %add3A_515 = vector.broadcast %add3A_514 : i32 to vector<16xi32>
      %add3A_516 = arith.addi %mul3A_46, %add3A_515 : vector<16xi32>
      %gather3A_517 = tpu.vector_load_idx %arg17[%add3A_516] : memref<8016xf32, #tpu.memory_space<vmem>>[vector<16xi32>], vector<16xf32>,
      %mul3A_518 = arith.constant 25 : i32
      %mul3A_519 = arith.muli %mul3A_175, %mul3A_518 : i32
      %add3A_520 = arith.constant 1 : i32
      %add3A_521 = arith.addi %mul3A_519, %add3A_520 : i32
      %add3A_522 = vector.broadcast %add3A_521 : i32 to vector<16xi32>
      %add3A_523 = arith.addi %mul3A_46, %add3A_522 : vector<16xi32>
      %gather3A_524 = tpu.vector_load_idx %arg17[%add3A_523] : memref<8016xf32, #tpu.memory_space<vmem>>[vector<16xi32>], vector<16xf32>,
      %mul3A_525 = arith.constant 25 : i32
      %mul3A_526 = arith.muli %mul3A_175, %mul3A_525 : i32
      %add3A_527 = arith.constant 2 : i32
      %add3A_528 = arith.addi %mul3A_526, %add3A_527 : i32
      %add3A_529 = vector.broadcast %add3A_528 : i32 to vector<16xi32>
      %add3A_530 = arith.addi %mul3A_46, %add3A_529 : vector<16xi32>
      %gather3A_531 = tpu.vector_load_idx %arg17[%add3A_530] : memref<8016xf32, #tpu.memory_space<vmem>>[vector<16xi32>], vector<16xf32>,
      %mul3A_532 = arith.constant 25 : i32
      %mul3A_533 = arith.muli %mul3A_175, %mul3A_532 : i32
      %add3A_534 = arith.constant 3 : i32
      %add3A_535 = arith.addi %mul3A_533, %add3A_534 : i32
      %add3A_536 = vector.broadcast %add3A_535 : i32 to vector<16xi32>
      %add3A_537 = arith.addi %mul3A_46, %add3A_536 : vector<16xi32>
      %gather3A_538 = tpu.vector_load_idx %arg17[%add3A_537] : memref<8016xf32, #tpu.memory_space<vmem>>[vector<16xi32>], vector<16xf32>,
      %mul3A_539 = arith.constant 25 : i32
      %mul3A_540 = arith.muli %mul3A_175, %mul3A_539 : i32
      %add3A_541 = arith.constant 4 : i32
      %add3A_542 = arith.addi %mul3A_540, %add3A_541 : i32
      %add3A_543 = vector.broadcast %add3A_542 : i32 to vector<16xi32>
      %add3A_544 = arith.addi %mul3A_46, %add3A_543 : vector<16xi32>
      %gather3A_545 = tpu.vector_load_idx %arg17[%add3A_544] : memref<8016xf32, #tpu.memory_space<vmem>>[vector<16xi32>], vector<16xf32>,
      %mul3A_546 = arith.constant 25 : i32
      %mul3A_547 = arith.muli %mul3A_175, %mul3A_546 : i32
      %add3A_548 = arith.constant 5 : i32
      %add3A_549 = arith.addi %mul3A_547, %add3A_548 : i32
      %add3A_550 = vector.broadcast %add3A_549 : i32 to vector<16xi32>
      %add3A_551 = arith.addi %mul3A_46, %add3A_550 : vector<16xi32>
      %gather3A_552 = tpu.vector_load_idx %arg17[%add3A_551] : memref<8016xf32, #tpu.memory_space<vmem>>[vector<16xi32>], vector<16xf32>,
      %mul3A_553 = arith.constant 25 : i32
      %mul3A_554 = arith.muli %mul3A_175, %mul3A_553 : i32
      %add3A_555 = arith.constant 6 : i32
      %add3A_556 = arith.addi %mul3A_554, %add3A_555 : i32
      %add3A_557 = vector.broadcast %add3A_556 : i32 to vector<16xi32>
      %add3A_558 = arith.addi %mul3A_46, %add3A_557 : vector<16xi32>
      %gather3A_559 = tpu.vector_load_idx %arg17[%add3A_558] : memref<8016xf32, #tpu.memory_space<vmem>>[vector<16xi32>], vector<16xf32>,
      %mul3A_560 = arith.constant 25 : i32
      %mul3A_561 = arith.muli %mul3A_175, %mul3A_560 : i32
      %add3A_562 = arith.constant 7 : i32
      %add3A_563 = arith.addi %mul3A_561, %add3A_562 : i32
      %add3A_564 = vector.broadcast %add3A_563 : i32 to vector<16xi32>
      %add3A_565 = arith.addi %mul3A_46, %add3A_564 : vector<16xi32>
      %gather3A_566 = tpu.vector_load_idx %arg17[%add3A_565] : memref<8016xf32, #tpu.memory_space<vmem>>[vector<16xi32>], vector<16xf32>,
      %mul3A_567 = arith.constant 25 : i32
      %mul3A_568 = arith.muli %mul3A_175, %mul3A_567 : i32
      %add3A_569 = arith.constant 8 : i32
      %add3A_570 = arith.addi %mul3A_568, %add3A_569 : i32
      %add3A_571 = vector.broadcast %add3A_570 : i32 to vector<16xi32>
      %add3A_572 = arith.addi %mul3A_46, %add3A_571 : vector<16xi32>
      %gather3A_573 = tpu.vector_load_idx %arg17[%add3A_572] : memref<8016xf32, #tpu.memory_space<vmem>>[vector<16xi32>], vector<16xf32>,
      %mul3A_574 = arith.constant 25 : i32
      %mul3A_575 = arith.muli %mul3A_175, %mul3A_574 : i32
      %add3A_576 = arith.constant 9 : i32
      %add3A_577 = arith.addi %mul3A_575, %add3A_576 : i32
      %add3A_578 = vector.broadcast %add3A_577 : i32 to vector<16xi32>
      %add3A_579 = arith.addi %mul3A_46, %add3A_578 : vector<16xi32>
      %gather3A_580 = tpu.vector_load_idx %arg17[%add3A_579] : memref<8016xf32, #tpu.memory_space<vmem>>[vector<16xi32>], vector<16xf32>,
      %mul3A_581 = arith.constant 25 : i32
      %mul3A_582 = arith.muli %mul3A_175, %mul3A_581 : i32
      %add3A_583 = arith.constant 10 : i32
      %add3A_584 = arith.addi %mul3A_582, %add3A_583 : i32
      %add3A_585 = vector.broadcast %add3A_584 : i32 to vector<16xi32>
      %add3A_586 = arith.addi %mul3A_46, %add3A_585 : vector<16xi32>
      %gather3A_587 = tpu.vector_load_idx %arg17[%add3A_586] : memref<8016xf32, #tpu.memory_space<vmem>>[vector<16xi32>], vector<16xf32>,
      %mul3A_588 = arith.constant 25 : i32
      %mul3A_589 = arith.muli %mul3A_175, %mul3A_588 : i32
      %add3A_590 = arith.constant 11 : i32
      %add3A_591 = arith.addi %mul3A_589, %add3A_590 : i32
      %add3A_592 = vector.broadcast %add3A_591 : i32 to vector<16xi32>
      %add3A_593 = arith.addi %mul3A_46, %add3A_592 : vector<16xi32>
      %gather3A_594 = tpu.vector_load_idx %arg17[%add3A_593] : memref<8016xf32, #tpu.memory_space<vmem>>[vector<16xi32>], vector<16xf32>,
      %mul3A_595 = arith.constant 25 : i32
      %mul3A_596 = arith.muli %mul3A_175, %mul3A_595 : i32
      %add3A_597 = arith.constant 12 : i32
      %add3A_598 = arith.addi %mul3A_596, %add3A_597 : i32
      %add3A_599 = vector.broadcast %add3A_598 : i32 to vector<16xi32>
      %add3A_600 = arith.addi %mul3A_46, %add3A_599 : vector<16xi32>
      %gather3A_601 = tpu.vector_load_idx %arg17[%add3A_600] : memref<8016xf32, #tpu.memory_space<vmem>>[vector<16xi32>], vector<16xf32>,
      %mul3A_602 = arith.constant 25 : i32
      %mul3A_603 = arith.muli %mul3A_175, %mul3A_602 : i32
      %add3A_604 = arith.constant 13 : i32
      %add3A_605 = arith.addi %mul3A_603, %add3A_604 : i32
      %add3A_606 = vector.broadcast %add3A_605 : i32 to vector<16xi32>
      %add3A_607 = arith.addi %mul3A_46, %add3A_606 : vector<16xi32>
      %gather3A_608 = tpu.vector_load_idx %arg17[%add3A_607] : memref<8016xf32, #tpu.memory_space<vmem>>[vector<16xi32>], vector<16xf32>,
      %mul3A_609 = arith.constant 25 : i32
      %mul3A_610 = arith.muli %mul3A_175, %mul3A_609 : i32
      %add3A_611 = arith.constant 14 : i32
      %add3A_612 = arith.addi %mul3A_610, %add3A_611 : i32
      %add3A_613 = vector.broadcast %add3A_612 : i32 to vector<16xi32>
      %add3A_614 = arith.addi %mul3A_46, %add3A_613 : vector<16xi32>
      %gather3A_615 = tpu.vector_load_idx %arg17[%add3A_614] : memref<8016xf32, #tpu.memory_space<vmem>>[vector<16xi32>], vector<16xf32>,
      %mul3A_616 = arith.constant 25 : i32
      %mul3A_617 = arith.muli %mul3A_175, %mul3A_616 : i32
      %add3A_618 = arith.constant 15 : i32
      %add3A_619 = arith.addi %mul3A_617, %add3A_618 : i32
      %add3A_620 = vector.broadcast %add3A_619 : i32 to vector<16xi32>
      %add3A_621 = arith.addi %mul3A_46, %add3A_620 : vector<16xi32>
      %gather3A_622 = tpu.vector_load_idx %arg17[%add3A_621] : memref<8016xf32, #tpu.memory_space<vmem>>[vector<16xi32>], vector<16xf32>,
      %mul3A_623 = arith.constant 25 : i32
      %mul3A_624 = arith.muli %mul3A_175, %mul3A_623 : i32
      %add3A_625 = arith.constant 16 : i32
      %add3A_626 = arith.addi %mul3A_624, %add3A_625 : i32
      %add3A_627 = vector.broadcast %add3A_626 : i32 to vector<16xi32>
      %add3A_628 = arith.addi %mul3A_46, %add3A_627 : vector<16xi32>
      %gather3A_629 = tpu.vector_load_idx %arg17[%add3A_628] : memref<8016xf32, #tpu.memory_space<vmem>>[vector<16xi32>], vector<16xf32>,
      %mul3A_630 = arith.constant 25 : i32
      %mul3A_631 = arith.muli %mul3A_175, %mul3A_630 : i32
      %add3A_632 = arith.constant 17 : i32
      %add3A_633 = arith.addi %mul3A_631, %add3A_632 : i32
      %add3A_634 = vector.broadcast %add3A_633 : i32 to vector<16xi32>
      %add3A_635 = arith.addi %mul3A_46, %add3A_634 : vector<16xi32>
      %gather3A_636 = tpu.vector_load_idx %arg17[%add3A_635] : memref<8016xf32, #tpu.memory_space<vmem>>[vector<16xi32>], vector<16xf32>,
      %mul3A_637 = arith.constant 25 : i32
      %mul3A_638 = arith.muli %mul3A_175, %mul3A_637 : i32
      %add3A_639 = arith.constant 18 : i32
      %add3A_640 = arith.addi %mul3A_638, %add3A_639 : i32
      %add3A_641 = vector.broadcast %add3A_640 : i32 to vector<16xi32>
      %add3A_642 = arith.addi %mul3A_46, %add3A_641 : vector<16xi32>
      %gather3A_643 = tpu.vector_load_idx %arg17[%add3A_642] : memref<8016xf32, #tpu.memory_space<vmem>>[vector<16xi32>], vector<16xf32>,
      %mul3A_644 = arith.constant 25 : i32
      %mul3A_645 = arith.muli %mul3A_175, %mul3A_644 : i32
      %add3A_646 = arith.constant 19 : i32
      %add3A_647 = arith.addi %mul3A_645, %add3A_646 : i32
      %add3A_648 = vector.broadcast %add3A_647 : i32 to vector<16xi32>
      %add3A_649 = arith.addi %mul3A_46, %add3A_648 : vector<16xi32>
      %gather3A_650 = tpu.vector_load_idx %arg17[%add3A_649] : memref<8016xf32, #tpu.memory_space<vmem>>[vector<16xi32>], vector<16xf32>,
      %mul3A_651 = arith.constant 25 : i32
      %mul3A_652 = arith.muli %mul3A_175, %mul3A_651 : i32
      %add3A_653 = arith.constant 20 : i32
      %add3A_654 = arith.addi %mul3A_652, %add3A_653 : i32
      %add3A_655 = vector.broadcast %add3A_654 : i32 to vector<16xi32>
      %add3A_656 = arith.addi %mul3A_46, %add3A_655 : vector<16xi32>
      %gather3A_657 = tpu.vector_load_idx %arg17[%add3A_656] : memref<8016xf32, #tpu.memory_space<vmem>>[vector<16xi32>], vector<16xf32>,
      %mul3A_658 = arith.constant 25 : i32
      %mul3A_659 = arith.muli %mul3A_175, %mul3A_658 : i32
      %add3A_660 = arith.constant 21 : i32
      %add3A_661 = arith.addi %mul3A_659, %add3A_660 : i32
      %add3A_662 = vector.broadcast %add3A_661 : i32 to vector<16xi32>
      %add3A_663 = arith.addi %mul3A_46, %add3A_662 : vector<16xi32>
      %gather3A_664 = tpu.vector_load_idx %arg17[%add3A_663] : memref<8016xf32, #tpu.memory_space<vmem>>[vector<16xi32>], vector<16xf32>,
      %mul3A_665 = arith.constant 25 : i32
      %mul3A_666 = arith.muli %mul3A_175, %mul3A_665 : i32
      %add3A_667 = arith.constant 22 : i32
      %add3A_668 = arith.addi %mul3A_666, %add3A_667 : i32
      %add3A_669 = vector.broadcast %add3A_668 : i32 to vector<16xi32>
      %add3A_670 = arith.addi %mul3A_46, %add3A_669 : vector<16xi32>
      %gather3A_671 = tpu.vector_load_idx %arg17[%add3A_670] : memref<8016xf32, #tpu.memory_space<vmem>>[vector<16xi32>], vector<16xf32>,
      %mul3A_672 = arith.constant 25 : i32
      %mul3A_673 = arith.muli %mul3A_175, %mul3A_672 : i32
      %add3A_674 = arith.constant 23 : i32
      %add3A_675 = arith.addi %mul3A_673, %add3A_674 : i32
      %add3A_676 = vector.broadcast %add3A_675 : i32 to vector<16xi32>
      %add3A_677 = arith.addi %mul3A_46, %add3A_676 : vector<16xi32>
      %gather3A_678 = tpu.vector_load_idx %arg17[%add3A_677] : memref<8016xf32, #tpu.memory_space<vmem>>[vector<16xi32>], vector<16xf32>,
      %mul3A_679 = arith.constant 17 : i32
      %mul3A_680 = arith.muli %mul3A_175, %mul3A_679 : i32
      %add3A_681 = arith.constant 0 : i32
      %add3A_682 = arith.addi %mul3A_680, %add3A_681 : i32
      %add3A_683 = vector.broadcast %add3A_682 : i32 to vector<16xi32>
      %add3A_684 = arith.addi %mul3A_43, %add3A_683 : vector<16xi32>
      %gather3A_685 = tpu.vector_load_idx %arg16[%add3A_684] : memref<5456xf32, #tpu.memory_space<vmem>>[vector<16xi32>], vector<16xf32>,
      %mul3A_686 = arith.constant 17 : i32
      %mul3A_687 = arith.muli %mul3A_175, %mul3A_686 : i32
      %add3A_688 = arith.constant 1 : i32
      %add3A_689 = arith.addi %mul3A_687, %add3A_688 : i32
      %add3A_690 = vector.broadcast %add3A_689 : i32 to vector<16xi32>
      %add3A_691 = arith.addi %mul3A_43, %add3A_690 : vector<16xi32>
      %gather3A_692 = tpu.vector_load_idx %arg16[%add3A_691] : memref<5456xf32, #tpu.memory_space<vmem>>[vector<16xi32>], vector<16xf32>,
      %mul3A_693 = arith.constant 17 : i32
      %mul3A_694 = arith.muli %mul3A_175, %mul3A_693 : i32
      %add3A_695 = arith.constant 2 : i32
      %add3A_696 = arith.addi %mul3A_694, %add3A_695 : i32
      %add3A_697 = vector.broadcast %add3A_696 : i32 to vector<16xi32>
      %add3A_698 = arith.addi %mul3A_43, %add3A_697 : vector<16xi32>
      %gather3A_699 = tpu.vector_load_idx %arg16[%add3A_698] : memref<5456xf32, #tpu.memory_space<vmem>>[vector<16xi32>], vector<16xf32>,
      %mul3A_700 = arith.constant 17 : i32
      %mul3A_701 = arith.muli %mul3A_175, %mul3A_700 : i32
      %add3A_702 = arith.constant 3 : i32
      %add3A_703 = arith.addi %mul3A_701, %add3A_702 : i32
      %add3A_704 = vector.broadcast %add3A_703 : i32 to vector<16xi32>
      %add3A_705 = arith.addi %mul3A_43, %add3A_704 : vector<16xi32>
      %gather3A_706 = tpu.vector_load_idx %arg16[%add3A_705] : memref<5456xf32, #tpu.memory_space<vmem>>[vector<16xi32>], vector<16xf32>,
      %mul3A_707 = arith.constant 17 : i32
      %mul3A_708 = arith.muli %mul3A_175, %mul3A_707 : i32
      %add3A_709 = arith.constant 4 : i32
      %add3A_710 = arith.addi %mul3A_708, %add3A_709 : i32
      %add3A_711 = vector.broadcast %add3A_710 : i32 to vector<16xi32>
      %add3A_712 = arith.addi %mul3A_43, %add3A_711 : vector<16xi32>
      %gather3A_713 = tpu.vector_load_idx %arg16[%add3A_712] : memref<5456xf32, #tpu.memory_space<vmem>>[vector<16xi32>], vector<16xf32>,
      %mul3A_714 = arith.constant 17 : i32
      %mul3A_715 = arith.muli %mul3A_175, %mul3A_714 : i32
      %add3A_716 = arith.constant 5 : i32
      %add3A_717 = arith.addi %mul3A_715, %add3A_716 : i32
      %add3A_718 = vector.broadcast %add3A_717 : i32 to vector<16xi32>
      %add3A_719 = arith.addi %mul3A_43, %add3A_718 : vector<16xi32>
      %gather3A_720 = tpu.vector_load_idx %arg16[%add3A_719] : memref<5456xf32, #tpu.memory_space<vmem>>[vector<16xi32>], vector<16xf32>,
      %mul3A_721 = arith.constant 17 : i32
      %mul3A_722 = arith.muli %mul3A_175, %mul3A_721 : i32
      %add3A_723 = arith.constant 6 : i32
      %add3A_724 = arith.addi %mul3A_722, %add3A_723 : i32
      %add3A_725 = vector.broadcast %add3A_724 : i32 to vector<16xi32>
      %add3A_726 = arith.addi %mul3A_43, %add3A_725 : vector<16xi32>
      %gather3A_727 = tpu.vector_load_idx %arg16[%add3A_726] : memref<5456xf32, #tpu.memory_space<vmem>>[vector<16xi32>], vector<16xf32>,
      %mul3A_728 = arith.constant 17 : i32
      %mul3A_729 = arith.muli %mul3A_175, %mul3A_728 : i32
      %add3A_730 = arith.constant 7 : i32
      %add3A_731 = arith.addi %mul3A_729, %add3A_730 : i32
      %add3A_732 = vector.broadcast %add3A_731 : i32 to vector<16xi32>
      %add3A_733 = arith.addi %mul3A_43, %add3A_732 : vector<16xi32>
      %gather3A_734 = tpu.vector_load_idx %arg16[%add3A_733] : memref<5456xf32, #tpu.memory_space<vmem>>[vector<16xi32>], vector<16xf32>,
      %mul3A_735 = arith.constant 17 : i32
      %mul3A_736 = arith.muli %mul3A_175, %mul3A_735 : i32
      %add3A_737 = arith.constant 8 : i32
      %add3A_738 = arith.addi %mul3A_736, %add3A_737 : i32
      %add3A_739 = vector.broadcast %add3A_738 : i32 to vector<16xi32>
      %add3A_740 = arith.addi %mul3A_43, %add3A_739 : vector<16xi32>
      %gather3A_741 = tpu.vector_load_idx %arg16[%add3A_740] : memref<5456xf32, #tpu.memory_space<vmem>>[vector<16xi32>], vector<16xf32>,
      %mul3A_742 = arith.constant 17 : i32
      %mul3A_743 = arith.muli %mul3A_175, %mul3A_742 : i32
      %add3A_744 = arith.constant 9 : i32
      %add3A_745 = arith.addi %mul3A_743, %add3A_744 : i32
      %add3A_746 = vector.broadcast %add3A_745 : i32 to vector<16xi32>
      %add3A_747 = arith.addi %mul3A_43, %add3A_746 : vector<16xi32>
      %gather3A_748 = tpu.vector_load_idx %arg16[%add3A_747] : memref<5456xf32, #tpu.memory_space<vmem>>[vector<16xi32>], vector<16xf32>,
      %mul3A_749 = arith.constant 17 : i32
      %mul3A_750 = arith.muli %mul3A_175, %mul3A_749 : i32
      %add3A_751 = arith.constant 10 : i32
      %add3A_752 = arith.addi %mul3A_750, %add3A_751 : i32
      %add3A_753 = vector.broadcast %add3A_752 : i32 to vector<16xi32>
      %add3A_754 = arith.addi %mul3A_43, %add3A_753 : vector<16xi32>
      %gather3A_755 = tpu.vector_load_idx %arg16[%add3A_754] : memref<5456xf32, #tpu.memory_space<vmem>>[vector<16xi32>], vector<16xf32>,
      %mul3A_756 = arith.constant 17 : i32
      %mul3A_757 = arith.muli %mul3A_175, %mul3A_756 : i32
      %add3A_758 = arith.constant 11 : i32
      %add3A_759 = arith.addi %mul3A_757, %add3A_758 : i32
      %add3A_760 = vector.broadcast %add3A_759 : i32 to vector<16xi32>
      %add3A_761 = arith.addi %mul3A_43, %add3A_760 : vector<16xi32>
      %gather3A_762 = tpu.vector_load_idx %arg16[%add3A_761] : memref<5456xf32, #tpu.memory_space<vmem>>[vector<16xi32>], vector<16xf32>,
      %mul3A_763 = arith.constant 17 : i32
      %mul3A_764 = arith.muli %mul3A_175, %mul3A_763 : i32
      %add3A_765 = arith.constant 12 : i32
      %add3A_766 = arith.addi %mul3A_764, %add3A_765 : i32
      %add3A_767 = vector.broadcast %add3A_766 : i32 to vector<16xi32>
      %add3A_768 = arith.addi %mul3A_43, %add3A_767 : vector<16xi32>
      %gather3A_769 = tpu.vector_load_idx %arg16[%add3A_768] : memref<5456xf32, #tpu.memory_space<vmem>>[vector<16xi32>], vector<16xf32>,
      %mul3A_770 = arith.constant 17 : i32
      %mul3A_771 = arith.muli %mul3A_175, %mul3A_770 : i32
      %add3A_772 = arith.constant 13 : i32
      %add3A_773 = arith.addi %mul3A_771, %add3A_772 : i32
      %add3A_774 = vector.broadcast %add3A_773 : i32 to vector<16xi32>
      %add3A_775 = arith.addi %mul3A_43, %add3A_774 : vector<16xi32>
      %gather3A_776 = tpu.vector_load_idx %arg16[%add3A_775] : memref<5456xf32, #tpu.memory_space<vmem>>[vector<16xi32>], vector<16xf32>,
      %mul3A_777 = arith.constant 17 : i32
      %mul3A_778 = arith.muli %mul3A_175, %mul3A_777 : i32
      %add3A_779 = arith.constant 14 : i32
      %add3A_780 = arith.addi %mul3A_778, %add3A_779 : i32
      %add3A_781 = vector.broadcast %add3A_780 : i32 to vector<16xi32>
      %add3A_782 = arith.addi %mul3A_43, %add3A_781 : vector<16xi32>
      %gather3A_783 = tpu.vector_load_idx %arg16[%add3A_782] : memref<5456xf32, #tpu.memory_space<vmem>>[vector<16xi32>], vector<16xf32>,
      %mul3A_784 = arith.constant 17 : i32
      %mul3A_785 = arith.muli %mul3A_175, %mul3A_784 : i32
      %add3A_786 = arith.constant 15 : i32
      %add3A_787 = arith.addi %mul3A_785, %add3A_786 : i32
      %add3A_788 = vector.broadcast %add3A_787 : i32 to vector<16xi32>
      %add3A_789 = arith.addi %mul3A_43, %add3A_788 : vector<16xi32>
      %gather3A_790 = tpu.vector_load_idx %arg16[%add3A_789] : memref<5456xf32, #tpu.memory_space<vmem>>[vector<16xi32>], vector<16xf32>,
      %mul3A_791 = arith.constant 3 : i32
      %mul3A_792 = arith.muli %mul3A_175, %mul3A_791 : i32
      %add3A_793 = arith.constant 0 : i32
      %add3A_794 = arith.addi %mul3A_792, %add3A_793 : i32
      %add3A_795 = vector.broadcast %add3A_794 : i32 to vector<16xi32>
      %add3A_796 = arith.addi %mul3A_52, %add3A_795 : vector<16xi32>
      %gather3A_797 = tpu.vector_load_idx %arg13[%add3A_796] : memref<960xf32, #tpu.memory_space<vmem>>[vector<16xi32>], vector<16xf32>,
      %mul3A_798 = arith.constant 3 : i32
      %mul3A_799 = arith.muli %mul3A_175, %mul3A_798 : i32
      %add3A_800 = arith.constant 1 : i32
      %add3A_801 = arith.addi %mul3A_799, %add3A_800 : i32
      %add3A_802 = vector.broadcast %add3A_801 : i32 to vector<16xi32>
      %add3A_803 = arith.addi %mul3A_52, %add3A_802 : vector<16xi32>
      %gather3A_804 = tpu.vector_load_idx %arg13[%add3A_803] : memref<960xf32, #tpu.memory_space<vmem>>[vector<16xi32>], vector<16xf32>,
      %mul3A_805 = arith.constant 3 : i32
      %mul3A_806 = arith.muli %mul3A_175, %mul3A_805 : i32
      %add3A_807 = arith.constant 2 : i32
      %add3A_808 = arith.addi %mul3A_806, %add3A_807 : i32
      %add3A_809 = vector.broadcast %add3A_808 : i32 to vector<16xi32>
      %add3A_810 = arith.addi %mul3A_52, %add3A_809 : vector<16xi32>
      %gather3A_811 = tpu.vector_load_idx %arg13[%add3A_810] : memref<960xf32, #tpu.memory_space<vmem>>[vector<16xi32>], vector<16xf32>,
      %mul3A_812 = arith.constant 9 : i32
      %mul3A_813 = arith.muli %mul3A_175, %mul3A_812 : i32
      %add3A_814 = arith.constant 0 : i32
      %add3A_815 = arith.addi %mul3A_813, %add3A_814 : i32
      %add3A_816 = arith.constant 0 : i32
      %add3A_817 = arith.addi %add3A_815, %add3A_816 : i32
      %add3A_818 = vector.broadcast %add3A_817 : i32 to vector<16xi32>
      %add3A_819 = arith.addi %mul3A_49, %add3A_818 : vector<16xi32>
      %gather3A_820 = tpu.vector_load_idx %arg12[%add3A_819] : memref<2880xf32, #tpu.memory_space<vmem>>[vector<16xi32>], vector<16xf32>,
      %sub3A = arith.subf %gather3A_820, %gather3A_797 : vector<16xf32>
      %mul3A_821 = arith.constant 9 : i32
      %mul3A_822 = arith.muli %mul3A_175, %mul3A_821 : i32
      %add3A_823 = arith.constant 0 : i32
      %add3A_824 = arith.addi %mul3A_822, %add3A_823 : i32
      %add3A_825 = arith.constant 1 : i32
      %add3A_826 = arith.addi %add3A_824, %add3A_825 : i32
      %add3A_827 = vector.broadcast %add3A_826 : i32 to vector<16xi32>
      %add3A_828 = arith.addi %mul3A_49, %add3A_827 : vector<16xi32>
      %gather3A_829 = tpu.vector_load_idx %arg12[%add3A_828] : memref<2880xf32, #tpu.memory_space<vmem>>[vector<16xi32>], vector<16xf32>,
      %sub3A_830 = arith.subf %gather3A_829, %gather3A_804 : vector<16xf32>
      %mul3A_831 = arith.constant 9 : i32
      %mul3A_832 = arith.muli %mul3A_175, %mul3A_831 : i32
      %add3A_833 = arith.constant 0 : i32
      %add3A_834 = arith.addi %mul3A_832, %add3A_833 : i32
      %add3A_835 = arith.constant 2 : i32
      %add3A_836 = arith.addi %add3A_834, %add3A_835 : i32
      %add3A_837 = vector.broadcast %add3A_836 : i32 to vector<16xi32>
      %add3A_838 = arith.addi %mul3A_49, %add3A_837 : vector<16xi32>
      %gather3A_839 = tpu.vector_load_idx %arg12[%add3A_838] : memref<2880xf32, #tpu.memory_space<vmem>>[vector<16xi32>], vector<16xf32>,
      %sub3A_840 = arith.subf %gather3A_839, %gather3A_811 : vector<16xf32>
      %mul3A_841 = arith.constant 9 : i32
      %mul3A_842 = arith.muli %mul3A_175, %mul3A_841 : i32
      %add3A_843 = arith.constant 3 : i32
      %add3A_844 = arith.addi %mul3A_842, %add3A_843 : i32
      %add3A_845 = arith.constant 0 : i32
      %add3A_846 = arith.addi %add3A_844, %add3A_845 : i32
      %add3A_847 = vector.broadcast %add3A_846 : i32 to vector<16xi32>
      %add3A_848 = arith.addi %mul3A_49, %add3A_847 : vector<16xi32>
      %gather3A_849 = tpu.vector_load_idx %arg12[%add3A_848] : memref<2880xf32, #tpu.memory_space<vmem>>[vector<16xi32>], vector<16xf32>,
      %sub3A_850 = arith.subf %gather3A_849, %gather3A_797 : vector<16xf32>
      %mul3A_851 = arith.constant 9 : i32
      %mul3A_852 = arith.muli %mul3A_175, %mul3A_851 : i32
      %add3A_853 = arith.constant 3 : i32
      %add3A_854 = arith.addi %mul3A_852, %add3A_853 : i32
      %add3A_855 = arith.constant 1 : i32
      %add3A_856 = arith.addi %add3A_854, %add3A_855 : i32
      %add3A_857 = vector.broadcast %add3A_856 : i32 to vector<16xi32>
      %add3A_858 = arith.addi %mul3A_49, %add3A_857 : vector<16xi32>
      %gather3A_859 = tpu.vector_load_idx %arg12[%add3A_858] : memref<2880xf32, #tpu.memory_space<vmem>>[vector<16xi32>], vector<16xf32>,
      %sub3A_860 = arith.subf %gather3A_859, %gather3A_804 : vector<16xf32>
      %mul3A_861 = arith.constant 9 : i32
      %mul3A_862 = arith.muli %mul3A_175, %mul3A_861 : i32
      %add3A_863 = arith.constant 3 : i32
      %add3A_864 = arith.addi %mul3A_862, %add3A_863 : i32
      %add3A_865 = arith.constant 2 : i32
      %add3A_866 = arith.addi %add3A_864, %add3A_865 : i32
      %add3A_867 = vector.broadcast %add3A_866 : i32 to vector<16xi32>
      %add3A_868 = arith.addi %mul3A_49, %add3A_867 : vector<16xi32>
      %gather3A_869 = tpu.vector_load_idx %arg12[%add3A_868] : memref<2880xf32, #tpu.memory_space<vmem>>[vector<16xi32>], vector<16xf32>,
      %sub3A_870 = arith.subf %gather3A_869, %gather3A_811 : vector<16xf32>
      %mul3A_871 = arith.constant 9 : i32
      %mul3A_872 = arith.muli %mul3A_175, %mul3A_871 : i32
      %add3A_873 = arith.constant 6 : i32
      %add3A_874 = arith.addi %mul3A_872, %add3A_873 : i32
      %add3A_875 = arith.constant 0 : i32
      %add3A_876 = arith.addi %add3A_874, %add3A_875 : i32
      %add3A_877 = vector.broadcast %add3A_876 : i32 to vector<16xi32>
      %add3A_878 = arith.addi %mul3A_49, %add3A_877 : vector<16xi32>
      %gather3A_879 = tpu.vector_load_idx %arg12[%add3A_878] : memref<2880xf32, #tpu.memory_space<vmem>>[vector<16xi32>], vector<16xf32>,
      %sub3A_880 = arith.subf %gather3A_879, %gather3A_797 : vector<16xf32>
      %mul3A_881 = arith.constant 9 : i32
      %mul3A_882 = arith.muli %mul3A_175, %mul3A_881 : i32
      %add3A_883 = arith.constant 6 : i32
      %add3A_884 = arith.addi %mul3A_882, %add3A_883 : i32
      %add3A_885 = arith.constant 1 : i32
      %add3A_886 = arith.addi %add3A_884, %add3A_885 : i32
      %add3A_887 = vector.broadcast %add3A_886 : i32 to vector<16xi32>
      %add3A_888 = arith.addi %mul3A_49, %add3A_887 : vector<16xi32>
      %gather3A_889 = tpu.vector_load_idx %arg12[%add3A_888] : memref<2880xf32, #tpu.memory_space<vmem>>[vector<16xi32>], vector<16xf32>,
      %sub3A_890 = arith.subf %gather3A_889, %gather3A_804 : vector<16xf32>
      %mul3A_891 = arith.constant 9 : i32
      %mul3A_892 = arith.muli %mul3A_175, %mul3A_891 : i32
      %add3A_893 = arith.constant 6 : i32
      %add3A_894 = arith.addi %mul3A_892, %add3A_893 : i32
      %add3A_895 = arith.constant 2 : i32
      %add3A_896 = arith.addi %add3A_894, %add3A_895 : i32
      %add3A_897 = vector.broadcast %add3A_896 : i32 to vector<16xi32>
      %add3A_898 = arith.addi %mul3A_49, %add3A_897 : vector<16xi32>
      %gather3A_899 = tpu.vector_load_idx %arg12[%add3A_898] : memref<2880xf32, #tpu.memory_space<vmem>>[vector<16xi32>], vector<16xf32>,
      %sub3A_900 = arith.subf %gather3A_899, %gather3A_811 : vector<16xf32>
      %mul3A_901 = arith.mulf %gather3A, %gather3A : vector<16xf32>
      %mul3A_902 = arith.mulf %gather3A_188, %gather3A_188 : vector<16xf32>
      %add3A_903 = arith.addf %mul3A_901, %mul3A_902 : vector<16xf32>
      %mul3A_904 = arith.mulf %gather3A_195, %gather3A_195 : vector<16xf32>
      %add3A_905 = arith.addf %add3A_903, %mul3A_904 : vector<16xf32>
      %mul3A_906 = arith.mulf %gather3A_202, %gather3A_202 : vector<16xf32>
      %add3A_907 = arith.addf %add3A_905, %mul3A_906 : vector<16xf32>
      %mul3A_908 = arith.mulf %gather3A_209, %gather3A_209 : vector<16xf32>
      %add3A_909 = arith.addf %add3A_907, %mul3A_908 : vector<16xf32>
      %mul3A_910 = arith.mulf %gather3A_216, %gather3A_216 : vector<16xf32>
      %add3A_911 = arith.addf %add3A_909, %mul3A_910 : vector<16xf32>
      %mul3A_912 = arith.mulf %gather3A_223, %gather3A_223 : vector<16xf32>
      %add3A_913 = arith.addf %add3A_911, %mul3A_912 : vector<16xf32>
      %mul3A_914 = arith.mulf %gather3A_230, %gather3A_230 : vector<16xf32>
      %add3A_915 = arith.addf %add3A_913, %mul3A_914 : vector<16xf32>
      %mul3A_916 = arith.mulf %gather3A_237, %gather3A_237 : vector<16xf32>
      %add3A_917 = arith.addf %add3A_915, %mul3A_916 : vector<16xf32>
      %mul3A_918 = arith.mulf %gather3A_244, %gather3A_244 : vector<16xf32>
      %add3A_919 = arith.addf %add3A_917, %mul3A_918 : vector<16xf32>
      %mul3A_920 = arith.mulf %gather3A_251, %gather3A_251 : vector<16xf32>
      %add3A_921 = arith.addf %add3A_919, %mul3A_920 : vector<16xf32>
      %mul3A_922 = arith.mulf %gather3A_258, %gather3A_258 : vector<16xf32>
      %add3A_923 = arith.addf %add3A_921, %mul3A_922 : vector<16xf32>
      %mul3A_924 = arith.mulf %gather3A_265, %gather3A_265 : vector<16xf32>
      %add3A_925 = arith.addf %add3A_923, %mul3A_924 : vector<16xf32>
      %mul3A_926 = arith.mulf %gather3A_272, %gather3A_272 : vector<16xf32>
      %add3A_927 = arith.addf %add3A_925, %mul3A_926 : vector<16xf32>
      %mul3A_928 = arith.mulf %gather3A_279, %gather3A_279 : vector<16xf32>
      %add3A_929 = arith.addf %add3A_927, %mul3A_928 : vector<16xf32>
      %mul3A_930 = arith.mulf %gather3A_286, %gather3A_286 : vector<16xf32>
      %add3A_931 = arith.addf %add3A_929, %mul3A_930 : vector<16xf32>
      %mul3A_932 = arith.mulf %gather3A_293, %gather3A_293 : vector<16xf32>
      %add3A_933 = arith.addf %add3A_931, %mul3A_932 : vector<16xf32>
      %mul3A_934 = arith.mulf %gather3A_300, %gather3A_300 : vector<16xf32>
      %add3A_935 = arith.addf %add3A_933, %mul3A_934 : vector<16xf32>
      %mul3A_936 = arith.mulf %gather3A_307, %gather3A_307 : vector<16xf32>
      %add3A_937 = arith.addf %add3A_935, %mul3A_936 : vector<16xf32>
      %mul3A_938 = arith.mulf %gather3A_314, %gather3A_314 : vector<16xf32>
      %add3A_939 = arith.addf %add3A_937, %mul3A_938 : vector<16xf32>
      %mul3A_940 = arith.mulf %gather3A_321, %gather3A_321 : vector<16xf32>
      %add3A_941 = arith.addf %add3A_939, %mul3A_940 : vector<16xf32>
      %mul3A_942 = arith.mulf %gather3A_328, %gather3A_328 : vector<16xf32>
      %add3A_943 = arith.addf %add3A_941, %mul3A_942 : vector<16xf32>
      %mul3A_944 = arith.mulf %gather3A_335, %gather3A_335 : vector<16xf32>
      %add3A_945 = arith.addf %add3A_943, %mul3A_944 : vector<16xf32>
      %mul3A_946 = arith.mulf %gather3A_342, %gather3A_342 : vector<16xf32>
      %add3A_947 = arith.addf %add3A_945, %mul3A_946 : vector<16xf32>
      %mul3A_948 = arith.mulf %gather3A_349, %gather3A_349 : vector<16xf32>
      %add3A_949 = arith.addf %add3A_947, %mul3A_948 : vector<16xf32>
      %mul3A_950 = arith.mulf %gather3A_356, %gather3A_356 : vector<16xf32>
      %add3A_951 = arith.addf %add3A_949, %mul3A_950 : vector<16xf32>
      %mul3A_952 = arith.mulf %gather3A_363, %gather3A_363 : vector<16xf32>
      %add3A_953 = arith.addf %add3A_951, %mul3A_952 : vector<16xf32>
      %mul3A_954 = arith.mulf %gather3A_370, %gather3A_370 : vector<16xf32>
      %add3A_955 = arith.addf %add3A_953, %mul3A_954 : vector<16xf32>
      %mul3A_956 = arith.mulf %gather3A_377, %gather3A_377 : vector<16xf32>
      %add3A_957 = arith.addf %add3A_955, %mul3A_956 : vector<16xf32>
      %mul3A_958 = arith.mulf %gather3A_384, %gather3A_384 : vector<16xf32>
      %add3A_959 = arith.addf %add3A_957, %mul3A_958 : vector<16xf32>
      %mul3A_960 = arith.mulf %gather3A_391, %gather3A_391 : vector<16xf32>
      %add3A_961 = arith.addf %add3A_959, %mul3A_960 : vector<16xf32>
      %mul3A_962 = arith.mulf %gather3A_398, %gather3A_398 : vector<16xf32>
      %add3A_963 = arith.addf %add3A_961, %mul3A_962 : vector<16xf32>
      %mul3A_964 = arith.mulf %gather3A_405, %gather3A_405 : vector<16xf32>
      %add3A_965 = arith.addf %add3A_963, %mul3A_964 : vector<16xf32>
      %mul3A_966 = arith.mulf %gather3A_412, %gather3A_412 : vector<16xf32>
      %add3A_967 = arith.addf %add3A_965, %mul3A_966 : vector<16xf32>
      %mul3A_968 = arith.mulf %gather3A_419, %gather3A_419 : vector<16xf32>
      %add3A_969 = arith.addf %add3A_967, %mul3A_968 : vector<16xf32>
      %mul3A_970 = arith.mulf %gather3A_426, %gather3A_426 : vector<16xf32>
      %add3A_971 = arith.addf %add3A_969, %mul3A_970 : vector<16xf32>
      %mul3A_972 = arith.mulf %gather3A_433, %gather3A_433 : vector<16xf32>
      %add3A_973 = arith.addf %add3A_971, %mul3A_972 : vector<16xf32>
      %mul3A_974 = arith.mulf %gather3A_440, %gather3A_440 : vector<16xf32>
      %add3A_975 = arith.addf %add3A_973, %mul3A_974 : vector<16xf32>
      %mul3A_976 = arith.mulf %gather3A_447, %gather3A_447 : vector<16xf32>
      %add3A_977 = arith.addf %add3A_975, %mul3A_976 : vector<16xf32>
      %mul3A_978 = arith.mulf %gather3A_454, %gather3A_454 : vector<16xf32>
      %add3A_979 = arith.addf %add3A_977, %mul3A_978 : vector<16xf32>
      %mul3A_980 = arith.mulf %gather3A_461, %gather3A_461 : vector<16xf32>
      %add3A_981 = arith.addf %add3A_979, %mul3A_980 : vector<16xf32>
      %mul3A_982 = arith.mulf %gather3A_468, %gather3A_468 : vector<16xf32>
      %add3A_983 = arith.addf %add3A_981, %mul3A_982 : vector<16xf32>
      %mul3A_984 = arith.mulf %gather3A_475, %gather3A_475 : vector<16xf32>
      %add3A_985 = arith.addf %add3A_983, %mul3A_984 : vector<16xf32>
      %mul3A_986 = arith.mulf %gather3A_482, %gather3A_482 : vector<16xf32>
      %add3A_987 = arith.addf %add3A_985, %mul3A_986 : vector<16xf32>
      %mul3A_988 = arith.mulf %gather3A_489, %gather3A_489 : vector<16xf32>
      %add3A_989 = arith.addf %add3A_987, %mul3A_988 : vector<16xf32>
      %mul3A_990 = arith.mulf %gather3A_496, %gather3A_496 : vector<16xf32>
      %add3A_991 = arith.addf %add3A_989, %mul3A_990 : vector<16xf32>
      %mul3A_992 = arith.mulf %gather3A_503, %gather3A_503 : vector<16xf32>
      %add3A_993 = arith.addf %add3A_991, %mul3A_992 : vector<16xf32>
      %mul3A_994 = arith.mulf %gather3A_510, %gather3A_510 : vector<16xf32>
      %add3A_995 = arith.addf %add3A_993, %mul3A_994 : vector<16xf32>
      %mul3A_996 = arith.mulf %gather3A_517, %gather3A_517 : vector<16xf32>
      %mul3A_997 = arith.mulf %gather3A_524, %gather3A_524 : vector<16xf32>
      %add3A_998 = arith.addf %mul3A_996, %mul3A_997 : vector<16xf32>
      %mul3A_999 = arith.mulf %gather3A_531, %gather3A_531 : vector<16xf32>
      %add3A_1000 = arith.addf %add3A_998, %mul3A_999 : vector<16xf32>
      %mul3A_1001 = arith.mulf %gather3A_538, %gather3A_538 : vector<16xf32>
      %add3A_1002 = arith.addf %add3A_1000, %mul3A_1001 : vector<16xf32>
      %mul3A_1003 = arith.mulf %gather3A_545, %gather3A_545 : vector<16xf32>
      %add3A_1004 = arith.addf %add3A_1002, %mul3A_1003 : vector<16xf32>
      %mul3A_1005 = arith.mulf %gather3A_552, %gather3A_552 : vector<16xf32>
      %add3A_1006 = arith.addf %add3A_1004, %mul3A_1005 : vector<16xf32>
      %mul3A_1007 = arith.mulf %gather3A_559, %gather3A_559 : vector<16xf32>
      %add3A_1008 = arith.addf %add3A_1006, %mul3A_1007 : vector<16xf32>
      %mul3A_1009 = arith.mulf %gather3A_566, %gather3A_566 : vector<16xf32>
      %add3A_1010 = arith.addf %add3A_1008, %mul3A_1009 : vector<16xf32>
      %mul3A_1011 = arith.mulf %gather3A_573, %gather3A_573 : vector<16xf32>
      %add3A_1012 = arith.addf %add3A_1010, %mul3A_1011 : vector<16xf32>
      %mul3A_1013 = arith.mulf %gather3A_580, %gather3A_580 : vector<16xf32>
      %add3A_1014 = arith.addf %add3A_1012, %mul3A_1013 : vector<16xf32>
      %mul3A_1015 = arith.mulf %gather3A_587, %gather3A_587 : vector<16xf32>
      %add3A_1016 = arith.addf %add3A_1014, %mul3A_1015 : vector<16xf32>
      %mul3A_1017 = arith.mulf %gather3A_594, %gather3A_594 : vector<16xf32>
      %add3A_1018 = arith.addf %add3A_1016, %mul3A_1017 : vector<16xf32>
      %mul3A_1019 = arith.mulf %gather3A_601, %gather3A_601 : vector<16xf32>
      %add3A_1020 = arith.addf %add3A_1018, %mul3A_1019 : vector<16xf32>
      %mul3A_1021 = arith.mulf %gather3A_608, %gather3A_608 : vector<16xf32>
      %add3A_1022 = arith.addf %add3A_1020, %mul3A_1021 : vector<16xf32>
      %mul3A_1023 = arith.mulf %gather3A_615, %gather3A_615 : vector<16xf32>
      %add3A_1024 = arith.addf %add3A_1022, %mul3A_1023 : vector<16xf32>
      %mul3A_1025 = arith.mulf %gather3A_622, %gather3A_622 : vector<16xf32>
      %add3A_1026 = arith.addf %add3A_1024, %mul3A_1025 : vector<16xf32>
      %mul3A_1027 = arith.mulf %gather3A_629, %gather3A_629 : vector<16xf32>
      %add3A_1028 = arith.addf %add3A_1026, %mul3A_1027 : vector<16xf32>
      %mul3A_1029 = arith.mulf %gather3A_636, %gather3A_636 : vector<16xf32>
      %add3A_1030 = arith.addf %add3A_1028, %mul3A_1029 : vector<16xf32>
      %mul3A_1031 = arith.mulf %gather3A_643, %gather3A_643 : vector<16xf32>
      %add3A_1032 = arith.addf %add3A_1030, %mul3A_1031 : vector<16xf32>
      %mul3A_1033 = arith.mulf %gather3A_650, %gather3A_650 : vector<16xf32>
      %add3A_1034 = arith.addf %add3A_1032, %mul3A_1033 : vector<16xf32>
      %mul3A_1035 = arith.mulf %gather3A_657, %gather3A_657 : vector<16xf32>
      %add3A_1036 = arith.addf %add3A_1034, %mul3A_1035 : vector<16xf32>
      %mul3A_1037 = arith.mulf %gather3A_664, %gather3A_664 : vector<16xf32>
      %add3A_1038 = arith.addf %add3A_1036, %mul3A_1037 : vector<16xf32>
      %mul3A_1039 = arith.mulf %gather3A_671, %gather3A_671 : vector<16xf32>
      %add3A_1040 = arith.addf %add3A_1038, %mul3A_1039 : vector<16xf32>
      %mul3A_1041 = arith.mulf %gather3A_678, %gather3A_678 : vector<16xf32>
      %add3A_1042 = arith.addf %add3A_1040, %mul3A_1041 : vector<16xf32>
      %mul3A_1043 = arith.mulf %gather3A_685, %gather3A_685 : vector<16xf32>
      %mul3A_1044 = arith.mulf %gather3A_692, %gather3A_692 : vector<16xf32>
      %add3A_1045 = arith.addf %mul3A_1043, %mul3A_1044 : vector<16xf32>
      %mul3A_1046 = arith.mulf %gather3A_699, %gather3A_699 : vector<16xf32>
      %add3A_1047 = arith.addf %add3A_1045, %mul3A_1046 : vector<16xf32>
      %mul3A_1048 = arith.mulf %gather3A_706, %gather3A_706 : vector<16xf32>
      %add3A_1049 = arith.addf %add3A_1047, %mul3A_1048 : vector<16xf32>
      %mul3A_1050 = arith.mulf %gather3A_713, %gather3A_713 : vector<16xf32>
      %add3A_1051 = arith.addf %add3A_1049, %mul3A_1050 : vector<16xf32>
      %mul3A_1052 = arith.mulf %gather3A_720, %gather3A_720 : vector<16xf32>
      %add3A_1053 = arith.addf %add3A_1051, %mul3A_1052 : vector<16xf32>
      %mul3A_1054 = arith.mulf %gather3A_727, %gather3A_727 : vector<16xf32>
      %add3A_1055 = arith.addf %add3A_1053, %mul3A_1054 : vector<16xf32>
      %mul3A_1056 = arith.mulf %gather3A_734, %gather3A_734 : vector<16xf32>
      %add3A_1057 = arith.addf %add3A_1055, %mul3A_1056 : vector<16xf32>
      %mul3A_1058 = arith.mulf %gather3A_741, %gather3A_741 : vector<16xf32>
      %add3A_1059 = arith.addf %add3A_1057, %mul3A_1058 : vector<16xf32>
      %mul3A_1060 = arith.mulf %gather3A_748, %gather3A_748 : vector<16xf32>
      %add3A_1061 = arith.addf %add3A_1059, %mul3A_1060 : vector<16xf32>
      %mul3A_1062 = arith.mulf %gather3A_755, %gather3A_755 : vector<16xf32>
      %add3A_1063 = arith.addf %add3A_1061, %mul3A_1062 : vector<16xf32>
      %mul3A_1064 = arith.mulf %gather3A_762, %gather3A_762 : vector<16xf32>
      %add3A_1065 = arith.addf %add3A_1063, %mul3A_1064 : vector<16xf32>
      %mul3A_1066 = arith.mulf %gather3A_769, %gather3A_769 : vector<16xf32>
      %add3A_1067 = arith.addf %add3A_1065, %mul3A_1066 : vector<16xf32>
      %mul3A_1068 = arith.mulf %gather3A_776, %gather3A_776 : vector<16xf32>
      %add3A_1069 = arith.addf %add3A_1067, %mul3A_1068 : vector<16xf32>
      %mul3A_1070 = arith.mulf %gather3A_783, %gather3A_783 : vector<16xf32>
      %add3A_1071 = arith.addf %add3A_1069, %mul3A_1070 : vector<16xf32>
      %mul3A_1072 = arith.mulf %gather3A_790, %gather3A_790 : vector<16xf32>
      %add3A_1073 = arith.addf %add3A_1071, %mul3A_1072 : vector<16xf32>
      %mul3A_1074 = arith.mulf %sub3A, %sub3A : vector<16xf32>
      %mul3A_1075 = arith.mulf %sub3A_830, %sub3A_830 : vector<16xf32>
      %add3A_1076 = arith.addf %mul3A_1074, %mul3A_1075 : vector<16xf32>
      %mul3A_1077 = arith.mulf %sub3A_840, %sub3A_840 : vector<16xf32>
      %add3A_1078 = arith.addf %add3A_1076, %mul3A_1077 : vector<16xf32>
      %mul3A_1079 = arith.mulf %sub3A_850, %sub3A_850 : vector<16xf32>
      %mul3A_1080 = arith.mulf %sub3A_860, %sub3A_860 : vector<16xf32>
      %add3A_1081 = arith.addf %mul3A_1079, %mul3A_1080 : vector<16xf32>
      %mul3A_1082 = arith.mulf %sub3A_870, %sub3A_870 : vector<16xf32>
      %add3A_1083 = arith.addf %add3A_1081, %mul3A_1082 : vector<16xf32>
      %mul3A_1084 = arith.mulf %sub3A_880, %sub3A_880 : vector<16xf32>
      %mul3A_1085 = arith.mulf %sub3A_890, %sub3A_890 : vector<16xf32>
      %add3A_1086 = arith.addf %mul3A_1084, %mul3A_1085 : vector<16xf32>
      %mul3A_1087 = arith.mulf %sub3A_900, %sub3A_900 : vector<16xf32>
      %add3A_1088 = arith.addf %add3A_1086, %mul3A_1087 : vector<16xf32>
      %max3A = arith.constant 1.000000e-30 : f32
      %max3A_1089 = vector.broadcast %max3A : f32 to vector<16xf32>
      %max3A_1090 = arith.maximumf %add3A_1078, %max3A_1089 : vector<16xf32>
      %bitcast_convert_type3A = tpu.bitcast %max3A_1090 : vector<16xf32> -> vector<16xi32>
      %shift_right_arithmetic3A = arith.constant 1 : i32
      %shift_right_arithmetic3A_1091 = vector.broadcast %shift_right_arithmetic3A : i32 to vector<16xi32>
      %shift_right_arithmetic3A_1092 = arith.shrsi %bitcast_convert_type3A, %shift_right_arithmetic3A_1091 : vector<16xi32>
      %sub3A_1093 = arith.constant 1597463007 : i32
      %sub3A_1094 = vector.broadcast %sub3A_1093 : i32 to vector<16xi32>
      %sub3A_1095 = arith.subi %sub3A_1094, %shift_right_arithmetic3A_1092 : vector<16xi32>
      %bitcast_convert_type3A_1096 = tpu.bitcast %sub3A_1095 : vector<16xi32> -> vector<16xf32>
      %mul3A_1097 = arith.constant 5.000000e-01 : f32
      %mul3A_1098 = vector.broadcast %mul3A_1097 : f32 to vector<16xf32>
      %mul3A_1099 = arith.mulf %mul3A_1098, %max3A_1090 : vector<16xf32>
      %mul3A_1100 = arith.mulf %mul3A_1099, %bitcast_convert_type3A_1096 : vector<16xf32>
      %mul3A_1101 = arith.mulf %mul3A_1100, %bitcast_convert_type3A_1096 : vector<16xf32>
      %sub3A_1102 = arith.constant 1.500000e+00 : f32
      %sub3A_1103 = vector.broadcast %sub3A_1102 : f32 to vector<16xf32>
      %sub3A_1104 = arith.subf %sub3A_1103, %mul3A_1101 : vector<16xf32>
      %mul3A_1105 = arith.mulf %bitcast_convert_type3A_1096, %sub3A_1104 : vector<16xf32>
      %mul3A_1106 = arith.constant 5.000000e-01 : f32
      %mul3A_1107 = vector.broadcast %mul3A_1106 : f32 to vector<16xf32>
      %mul3A_1108 = arith.mulf %mul3A_1107, %max3A_1090 : vector<16xf32>
      %mul3A_1109 = arith.mulf %mul3A_1108, %mul3A_1105 : vector<16xf32>
      %mul3A_1110 = arith.mulf %mul3A_1109, %mul3A_1105 : vector<16xf32>
      %sub3A_1111 = arith.constant 1.500000e+00 : f32
      %sub3A_1112 = vector.broadcast %sub3A_1111 : f32 to vector<16xf32>
      %sub3A_1113 = arith.subf %sub3A_1112, %mul3A_1110 : vector<16xf32>
      %mul3A_1114 = arith.mulf %mul3A_1105, %sub3A_1113 : vector<16xf32>
      %mul3A_1115 = arith.constant 5.000000e-01 : f32
      %mul3A_1116 = vector.broadcast %mul3A_1115 : f32 to vector<16xf32>
      %mul3A_1117 = arith.mulf %mul3A_1116, %max3A_1090 : vector<16xf32>
      %mul3A_1118 = arith.mulf %mul3A_1117, %mul3A_1114 : vector<16xf32>
      %mul3A_1119 = arith.mulf %mul3A_1118, %mul3A_1114 : vector<16xf32>
      %sub3A_1120 = arith.constant 1.500000e+00 : f32
      %sub3A_1121 = vector.broadcast %sub3A_1120 : f32 to vector<16xf32>
      %sub3A_1122 = arith.subf %sub3A_1121, %mul3A_1119 : vector<16xf32>
      %mul3A_1123 = arith.mulf %mul3A_1114, %sub3A_1122 : vector<16xf32>
      %mul3A_1124 = arith.mulf %add3A_1078, %mul3A_1123 : vector<16xf32>
      %max3A_1125 = arith.constant 1.000000e-30 : f32
      %max3A_1126 = vector.broadcast %max3A_1125 : f32 to vector<16xf32>
      %max3A_1127 = arith.maximumf %add3A_1083, %max3A_1126 : vector<16xf32>
      %bitcast_convert_type3A_1128 = tpu.bitcast %max3A_1127 : vector<16xf32> -> vector<16xi32>
      %shift_right_arithmetic3A_1129 = arith.constant 1 : i32
      %shift_right_arithmetic3A_1130 = vector.broadcast %shift_right_arithmetic3A_1129 : i32 to vector<16xi32>
      %shift_right_arithmetic3A_1131 = arith.shrsi %bitcast_convert_type3A_1128, %shift_right_arithmetic3A_1130 : vector<16xi32>
      %sub3A_1132 = arith.constant 1597463007 : i32
      %sub3A_1133 = vector.broadcast %sub3A_1132 : i32 to vector<16xi32>
      %sub3A_1134 = arith.subi %sub3A_1133, %shift_right_arithmetic3A_1131 : vector<16xi32>
      %bitcast_convert_type3A_1135 = tpu.bitcast %sub3A_1134 : vector<16xi32> -> vector<16xf32>
      %mul3A_1136 = arith.constant 5.000000e-01 : f32
      %mul3A_1137 = vector.broadcast %mul3A_1136 : f32 to vector<16xf32>
      %mul3A_1138 = arith.mulf %mul3A_1137, %max3A_1127 : vector<16xf32>
      %mul3A_1139 = arith.mulf %mul3A_1138, %bitcast_convert_type3A_1135 : vector<16xf32>
      %mul3A_1140 = arith.mulf %mul3A_1139, %bitcast_convert_type3A_1135 : vector<16xf32>
      %sub3A_1141 = arith.constant 1.500000e+00 : f32
      %sub3A_1142 = vector.broadcast %sub3A_1141 : f32 to vector<16xf32>
      %sub3A_1143 = arith.subf %sub3A_1142, %mul3A_1140 : vector<16xf32>
      %mul3A_1144 = arith.mulf %bitcast_convert_type3A_1135, %sub3A_1143 : vector<16xf32>
      %mul3A_1145 = arith.constant 5.000000e-01 : f32
      %mul3A_1146 = vector.broadcast %mul3A_1145 : f32 to vector<16xf32>
      %mul3A_1147 = arith.mulf %mul3A_1146, %max3A_1127 : vector<16xf32>
      %mul3A_1148 = arith.mulf %mul3A_1147, %mul3A_1144 : vector<16xf32>
      %mul3A_1149 = arith.mulf %mul3A_1148, %mul3A_1144 : vector<16xf32>
      %sub3A_1150 = arith.constant 1.500000e+00 : f32
      %sub3A_1151 = vector.broadcast %sub3A_1150 : f32 to vector<16xf32>
      %sub3A_1152 = arith.subf %sub3A_1151, %mul3A_1149 : vector<16xf32>
      %mul3A_1153 = arith.mulf %mul3A_1144, %sub3A_1152 : vector<16xf32>
      %mul3A_1154 = arith.constant 5.000000e-01 : f32
      %mul3A_1155 = vector.broadcast %mul3A_1154 : f32 to vector<16xf32>
      %mul3A_1156 = arith.mulf %mul3A_1155, %max3A_1127 : vector<16xf32>
      %mul3A_1157 = arith.mulf %mul3A_1156, %mul3A_1153 : vector<16xf32>
      %mul3A_1158 = arith.mulf %mul3A_1157, %mul3A_1153 : vector<16xf32>
      %sub3A_1159 = arith.constant 1.500000e+00 : f32
      %sub3A_1160 = vector.broadcast %sub3A_1159 : f32 to vector<16xf32>
      %sub3A_1161 = arith.subf %sub3A_1160, %mul3A_1158 : vector<16xf32>
      %mul3A_1162 = arith.mulf %mul3A_1153, %sub3A_1161 : vector<16xf32>
      %mul3A_1163 = arith.mulf %add3A_1083, %mul3A_1162 : vector<16xf32>
      %max3A_1164 = arith.constant 1.000000e-30 : f32
      %max3A_1165 = vector.broadcast %max3A_1164 : f32 to vector<16xf32>
      %max3A_1166 = arith.maximumf %add3A_1088, %max3A_1165 : vector<16xf32>
      %bitcast_convert_type3A_1167 = tpu.bitcast %max3A_1166 : vector<16xf32> -> vector<16xi32>
      %shift_right_arithmetic3A_1168 = arith.constant 1 : i32
      %shift_right_arithmetic3A_1169 = vector.broadcast %shift_right_arithmetic3A_1168 : i32 to vector<16xi32>
      %shift_right_arithmetic3A_1170 = arith.shrsi %bitcast_convert_type3A_1167, %shift_right_arithmetic3A_1169 : vector<16xi32>
      %sub3A_1171 = arith.constant 1597463007 : i32
      %sub3A_1172 = vector.broadcast %sub3A_1171 : i32 to vector<16xi32>
      %sub3A_1173 = arith.subi %sub3A_1172, %shift_right_arithmetic3A_1170 : vector<16xi32>
      %bitcast_convert_type3A_1174 = tpu.bitcast %sub3A_1173 : vector<16xi32> -> vector<16xf32>
      %mul3A_1175 = arith.constant 5.000000e-01 : f32
      %mul3A_1176 = vector.broadcast %mul3A_1175 : f32 to vector<16xf32>
      %mul3A_1177 = arith.mulf %mul3A_1176, %max3A_1166 : vector<16xf32>
      %mul3A_1178 = arith.mulf %mul3A_1177, %bitcast_convert_type3A_1174 : vector<16xf32>
      %mul3A_1179 = arith.mulf %mul3A_1178, %bitcast_convert_type3A_1174 : vector<16xf32>
      %sub3A_1180 = arith.constant 1.500000e+00 : f32
      %sub3A_1181 = vector.broadcast %sub3A_1180 : f32 to vector<16xf32>
      %sub3A_1182 = arith.subf %sub3A_1181, %mul3A_1179 : vector<16xf32>
      %mul3A_1183 = arith.mulf %bitcast_convert_type3A_1174, %sub3A_1182 : vector<16xf32>
      %mul3A_1184 = arith.constant 5.000000e-01 : f32
      %mul3A_1185 = vector.broadcast %mul3A_1184 : f32 to vector<16xf32>
      %mul3A_1186 = arith.mulf %mul3A_1185, %max3A_1166 : vector<16xf32>
      %mul3A_1187 = arith.mulf %mul3A_1186, %mul3A_1183 : vector<16xf32>
      %mul3A_1188 = arith.mulf %mul3A_1187, %mul3A_1183 : vector<16xf32>
      %sub3A_1189 = arith.constant 1.500000e+00 : f32
      %sub3A_1190 = vector.broadcast %sub3A_1189 : f32 to vector<16xf32>
      %sub3A_1191 = arith.subf %sub3A_1190, %mul3A_1188 : vector<16xf32>
      %mul3A_1192 = arith.mulf %mul3A_1183, %sub3A_1191 : vector<16xf32>
      %mul3A_1193 = arith.constant 5.000000e-01 : f32
      %mul3A_1194 = vector.broadcast %mul3A_1193 : f32 to vector<16xf32>
      %mul3A_1195 = arith.mulf %mul3A_1194, %max3A_1166 : vector<16xf32>
      %mul3A_1196 = arith.mulf %mul3A_1195, %mul3A_1192 : vector<16xf32>
      %mul3A_1197 = arith.mulf %mul3A_1196, %mul3A_1192 : vector<16xf32>
      %sub3A_1198 = arith.constant 1.500000e+00 : f32
      %sub3A_1199 = vector.broadcast %sub3A_1198 : f32 to vector<16xf32>
      %sub3A_1200 = arith.subf %sub3A_1199, %mul3A_1197 : vector<16xf32>
      %mul3A_1201 = arith.mulf %mul3A_1192, %sub3A_1200 : vector<16xf32>
      %mul3A_1202 = arith.mulf %add3A_1088, %mul3A_1201 : vector<16xf32>
      %max3A_1203 = arith.constant 9.99999993E-9 : f32
      %max3A_1204 = vector.broadcast %max3A_1203 : f32 to vector<16xf32>
      %max3A_1205 = arith.maximumf %mul3A_1124, %max3A_1204 : vector<16xf32>
      %max3A_1206 = arith.constant 9.99999993E-9 : f32
      %max3A_1207 = vector.broadcast %max3A_1206 : f32 to vector<16xf32>
      %max3A_1208 = arith.maximumf %mul3A_1163, %max3A_1207 : vector<16xf32>
      %max3A_1209 = arith.constant 9.99999993E-9 : f32
      %max3A_1210 = vector.broadcast %max3A_1209 : f32 to vector<16xf32>
      %max3A_1211 = arith.maximumf %mul3A_1202, %max3A_1210 : vector<16xf32>
      %mul3A_1212 = arith.mulf %sub3A_880, %sub3A : vector<16xf32>
      %mul3A_1213 = arith.mulf %sub3A_890, %sub3A_830 : vector<16xf32>
      %add3A_1214 = arith.addf %mul3A_1212, %mul3A_1213 : vector<16xf32>
      %mul3A_1215 = arith.mulf %sub3A_900, %sub3A_840 : vector<16xf32>
      %add3A_1216 = arith.addf %add3A_1214, %mul3A_1215 : vector<16xf32>
      %mul3A_1217 = arith.mulf %max3A_1211, %max3A_1205 : vector<16xf32>
      %div3A = arith.divf %add3A_1216, %mul3A_1217 : vector<16xf32>
      %mul3A_1218 = arith.mulf %sub3A, %sub3A_850 : vector<16xf32>
      %mul3A_1219 = arith.mulf %sub3A_830, %sub3A_860 : vector<16xf32>
      %add3A_1220 = arith.addf %mul3A_1218, %mul3A_1219 : vector<16xf32>
      %mul3A_1221 = arith.mulf %sub3A_840, %sub3A_870 : vector<16xf32>
      %add3A_1222 = arith.addf %add3A_1220, %mul3A_1221 : vector<16xf32>
      %mul3A_1223 = arith.mulf %max3A_1205, %max3A_1208 : vector<16xf32>
      %div3A_1224 = arith.divf %add3A_1222, %mul3A_1223 : vector<16xf32>
      %mul3A_1225 = arith.mulf %sub3A_850, %sub3A_880 : vector<16xf32>
      %mul3A_1226 = arith.mulf %sub3A_860, %sub3A_890 : vector<16xf32>
      %add3A_1227 = arith.addf %mul3A_1225, %mul3A_1226 : vector<16xf32>
      %mul3A_1228 = arith.mulf %sub3A_870, %sub3A_900 : vector<16xf32>
      %add3A_1229 = arith.addf %add3A_1227, %mul3A_1228 : vector<16xf32>
      %mul3A_1230 = arith.mulf %max3A_1208, %max3A_1211 : vector<16xf32>
      %div3A_1231 = arith.divf %add3A_1229, %mul3A_1230 : vector<16xf32>
      %scan3A_1232 = arith.constant 0 : i32
      %scan3A_1233 = arith.constant 0 : i32
      %scan3A_1234 = arith.constant 24 : i32
      %scan3A_1235 = arith.addi %scan3A_1233, %scan3A_1234 : i32
      %scan3A_1236 = arith.constant 1 : i32
      %scan3A_1237 = scf.for %scan3A_1254 = %scan3A_1233 to %scan3A_1235 step %scan3A_1236 iter_args(%scan3A_1255 = %scan3A_1232) -> (i32)  : i32 {
        %mul3A_1256 = arith.constant 16 : i32
        %mul3A_1257 = arith.muli %scan3A_1254, %mul3A_1256 : i32
        %add3A_1258 = arith.constant 0 : i32
        %add3A_1259 = arith.addi %add3A_1258, %mul3A_1257 : i32
        %add3A_1260 = arith.constant 0 : i32
        %add3A_1261 = arith.addi %add3A_1259, %add3A_1260 : i32
        %mul3A_1262 = arith.constant 16 : i32
        %mul3A_1263 = arith.muli %add3A_1261, %mul3A_1262 : i32
        %get3A = arith.index_cast %mul3A_1263 : i32 to index
        %get3A_1264 = tpu.vector_load %arg14[%get3A] {strides = array<i32>} : memref<16384xf32, #tpu.memory_space<vmem>>, vector<16xf32>,
        %mul3A_1265 = arith.mulf %gather3A, %get3A_1264 : vector<16xf32>
        %mul3A_1266 = arith.mulf %gather3A_293, %get3A_1264 : vector<16xf32>
        %mul3A_1267 = arith.mulf %gather3A_405, %get3A_1264 : vector<16xf32>
        %mul3A_1268 = arith.constant 16 : i32
        %mul3A_1269 = arith.muli %scan3A_1254, %mul3A_1268 : i32
        %add3A_1270 = arith.constant 0 : i32
        %add3A_1271 = arith.addi %add3A_1270, %mul3A_1269 : i32
        %add3A_1272 = arith.constant 1 : i32
        %add3A_1273 = arith.addi %add3A_1271, %add3A_1272 : i32
        %mul3A_1274 = arith.constant 16 : i32
        %mul3A_1275 = arith.muli %add3A_1273, %mul3A_1274 : i32
        %get3A_1276 = arith.index_cast %mul3A_1275 : i32 to index
        %get3A_1277 = tpu.vector_load %arg14[%get3A_1276] {strides = array<i32>} : memref<16384xf32, #tpu.memory_space<vmem>>, vector<16xf32>,
        %mul3A_1278 = arith.mulf %gather3A_188, %get3A_1277 : vector<16xf32>
        %add3A_1279 = arith.addf %mul3A_1265, %mul3A_1278 : vector<16xf32>
        %mul3A_1280 = arith.mulf %gather3A_300, %get3A_1277 : vector<16xf32>
        %add3A_1281 = arith.addf %mul3A_1266, %mul3A_1280 : vector<16xf32>
        %mul3A_1282 = arith.mulf %gather3A_412, %get3A_1277 : vector<16xf32>
        %add3A_1283 = arith.addf %mul3A_1267, %mul3A_1282 : vector<16xf32>
        %mul3A_1284 = arith.constant 16 : i32
        %mul3A_1285 = arith.muli %scan3A_1254, %mul3A_1284 : i32
        %add3A_1286 = arith.constant 0 : i32
        %add3A_1287 = arith.addi %add3A_1286, %mul3A_1285 : i32
        %add3A_1288 = arith.constant 2 : i32
        %add3A_1289 = arith.addi %add3A_1287, %add3A_1288 : i32
        %mul3A_1290 = arith.constant 16 : i32
        %mul3A_1291 = arith.muli %add3A_1289, %mul3A_1290 : i32
        %get3A_1292 = arith.index_cast %mul3A_1291 : i32 to index
        %get3A_1293 = tpu.vector_load %arg14[%get3A_1292] {strides = array<i32>} : memref<16384xf32, #tpu.memory_space<vmem>>, vector<16xf32>,
        %mul3A_1294 = arith.mulf %gather3A_195, %get3A_1293 : vector<16xf32>
        %add3A_1295 = arith.addf %add3A_1279, %mul3A_1294 : vector<16xf32>
        %mul3A_1296 = arith.mulf %gather3A_307, %get3A_1293 : vector<16xf32>
        %add3A_1297 = arith.addf %add3A_1281, %mul3A_1296 : vector<16xf32>
        %mul3A_1298 = arith.mulf %gather3A_419, %get3A_1293 : vector<16xf32>
        %add3A_1299 = arith.addf %add3A_1283, %mul3A_1298 : vector<16xf32>
        %mul3A_1300 = arith.constant 16 : i32
        %mul3A_1301 = arith.muli %scan3A_1254, %mul3A_1300 : i32
        %add3A_1302 = arith.constant 0 : i32
        %add3A_1303 = arith.addi %add3A_1302, %mul3A_1301 : i32
        %add3A_1304 = arith.constant 3 : i32
        %add3A_1305 = arith.addi %add3A_1303, %add3A_1304 : i32
        %mul3A_1306 = arith.constant 16 : i32
        %mul3A_1307 = arith.muli %add3A_1305, %mul3A_1306 : i32
        %get3A_1308 = arith.index_cast %mul3A_1307 : i32 to index
        %get3A_1309 = tpu.vector_load %arg14[%get3A_1308] {strides = array<i32>} : memref<16384xf32, #tpu.memory_space<vmem>>, vector<16xf32>,
        %mul3A_1310 = arith.mulf %gather3A_202, %get3A_1309 : vector<16xf32>
        %add3A_1311 = arith.addf %add3A_1295, %mul3A_1310 : vector<16xf32>
        %mul3A_1312 = arith.mulf %gather3A_314, %get3A_1309 : vector<16xf32>
        %add3A_1313 = arith.addf %add3A_1297, %mul3A_1312 : vector<16xf32>
        %mul3A_1314 = arith.mulf %gather3A_426, %get3A_1309 : vector<16xf32>
        %add3A_1315 = arith.addf %add3A_1299, %mul3A_1314 : vector<16xf32>
        %mul3A_1316 = arith.constant 16 : i32
        %mul3A_1317 = arith.muli %scan3A_1254, %mul3A_1316 : i32
        %add3A_1318 = arith.constant 0 : i32
        %add3A_1319 = arith.addi %add3A_1318, %mul3A_1317 : i32
        %add3A_1320 = arith.constant 4 : i32
        %add3A_1321 = arith.addi %add3A_1319, %add3A_1320 : i32
        %mul3A_1322 = arith.constant 16 : i32
        %mul3A_1323 = arith.muli %add3A_1321, %mul3A_1322 : i32
        %get3A_1324 = arith.index_cast %mul3A_1323 : i32 to index
        %get3A_1325 = tpu.vector_load %arg14[%get3A_1324] {strides = array<i32>} : memref<16384xf32, #tpu.memory_space<vmem>>, vector<16xf32>,
        %mul3A_1326 = arith.mulf %gather3A_209, %get3A_1325 : vector<16xf32>
        %add3A_1327 = arith.addf %add3A_1311, %mul3A_1326 : vector<16xf32>
        %mul3A_1328 = arith.mulf %gather3A_321, %get3A_1325 : vector<16xf32>
        %add3A_1329 = arith.addf %add3A_1313, %mul3A_1328 : vector<16xf32>
        %mul3A_1330 = arith.mulf %gather3A_433, %get3A_1325 : vector<16xf32>
        %add3A_1331 = arith.addf %add3A_1315, %mul3A_1330 : vector<16xf32>
        %mul3A_1332 = arith.constant 16 : i32
        %mul3A_1333 = arith.muli %scan3A_1254, %mul3A_1332 : i32
        %add3A_1334 = arith.constant 0 : i32
        %add3A_1335 = arith.addi %add3A_1334, %mul3A_1333 : i32
        %add3A_1336 = arith.constant 5 : i32
        %add3A_1337 = arith.addi %add3A_1335, %add3A_1336 : i32
        %mul3A_1338 = arith.constant 16 : i32
        %mul3A_1339 = arith.muli %add3A_1337, %mul3A_1338 : i32
        %get3A_1340 = arith.index_cast %mul3A_1339 : i32 to index
        %get3A_1341 = tpu.vector_load %arg14[%get3A_1340] {strides = array<i32>} : memref<16384xf32, #tpu.memory_space<vmem>>, vector<16xf32>,
        %mul3A_1342 = arith.mulf %gather3A_216, %get3A_1341 : vector<16xf32>
        %add3A_1343 = arith.addf %add3A_1327, %mul3A_1342 : vector<16xf32>
        %mul3A_1344 = arith.mulf %gather3A_328, %get3A_1341 : vector<16xf32>
        %add3A_1345 = arith.addf %add3A_1329, %mul3A_1344 : vector<16xf32>
        %mul3A_1346 = arith.mulf %gather3A_440, %get3A_1341 : vector<16xf32>
        %add3A_1347 = arith.addf %add3A_1331, %mul3A_1346 : vector<16xf32>
        %mul3A_1348 = arith.constant 16 : i32
        %mul3A_1349 = arith.muli %scan3A_1254, %mul3A_1348 : i32
        %add3A_1350 = arith.constant 0 : i32
        %add3A_1351 = arith.addi %add3A_1350, %mul3A_1349 : i32
        %add3A_1352 = arith.constant 6 : i32
        %add3A_1353 = arith.addi %add3A_1351, %add3A_1352 : i32
        %mul3A_1354 = arith.constant 16 : i32
        %mul3A_1355 = arith.muli %add3A_1353, %mul3A_1354 : i32
        %get3A_1356 = arith.index_cast %mul3A_1355 : i32 to index
        %get3A_1357 = tpu.vector_load %arg14[%get3A_1356] {strides = array<i32>} : memref<16384xf32, #tpu.memory_space<vmem>>, vector<16xf32>,
        %mul3A_1358 = arith.mulf %gather3A_223, %get3A_1357 : vector<16xf32>
        %add3A_1359 = arith.addf %add3A_1343, %mul3A_1358 : vector<16xf32>
        %mul3A_1360 = arith.mulf %gather3A_335, %get3A_1357 : vector<16xf32>
        %add3A_1361 = arith.addf %add3A_1345, %mul3A_1360 : vector<16xf32>
        %mul3A_1362 = arith.mulf %gather3A_447, %get3A_1357 : vector<16xf32>
        %add3A_1363 = arith.addf %add3A_1347, %mul3A_1362 : vector<16xf32>
        %mul3A_1364 = arith.constant 16 : i32
        %mul3A_1365 = arith.muli %scan3A_1254, %mul3A_1364 : i32
        %add3A_1366 = arith.constant 0 : i32
        %add3A_1367 = arith.addi %add3A_1366, %mul3A_1365 : i32
        %add3A_1368 = arith.constant 7 : i32
        %add3A_1369 = arith.addi %add3A_1367, %add3A_1368 : i32
        %mul3A_1370 = arith.constant 16 : i32
        %mul3A_1371 = arith.muli %add3A_1369, %mul3A_1370 : i32
        %get3A_1372 = arith.index_cast %mul3A_1371 : i32 to index
        %get3A_1373 = tpu.vector_load %arg14[%get3A_1372] {strides = array<i32>} : memref<16384xf32, #tpu.memory_space<vmem>>, vector<16xf32>,
        %mul3A_1374 = arith.mulf %gather3A_230, %get3A_1373 : vector<16xf32>
        %add3A_1375 = arith.addf %add3A_1359, %mul3A_1374 : vector<16xf32>
        %mul3A_1376 = arith.mulf %gather3A_342, %get3A_1373 : vector<16xf32>
        %add3A_1377 = arith.addf %add3A_1361, %mul3A_1376 : vector<16xf32>
        %mul3A_1378 = arith.mulf %gather3A_454, %get3A_1373 : vector<16xf32>
        %add3A_1379 = arith.addf %add3A_1363, %mul3A_1378 : vector<16xf32>
        %mul3A_1380 = arith.constant 16 : i32
        %mul3A_1381 = arith.muli %scan3A_1254, %mul3A_1380 : i32
        %add3A_1382 = arith.constant 0 : i32
        %add3A_1383 = arith.addi %add3A_1382, %mul3A_1381 : i32
        %add3A_1384 = arith.constant 8 : i32
        %add3A_1385 = arith.addi %add3A_1383, %add3A_1384 : i32
        %mul3A_1386 = arith.constant 16 : i32
        %mul3A_1387 = arith.muli %add3A_1385, %mul3A_1386 : i32
        %get3A_1388 = arith.index_cast %mul3A_1387 : i32 to index
        %get3A_1389 = tpu.vector_load %arg14[%get3A_1388] {strides = array<i32>} : memref<16384xf32, #tpu.memory_space<vmem>>, vector<16xf32>,
        %mul3A_1390 = arith.mulf %gather3A_237, %get3A_1389 : vector<16xf32>
        %add3A_1391 = arith.addf %add3A_1375, %mul3A_1390 : vector<16xf32>
        %mul3A_1392 = arith.mulf %gather3A_349, %get3A_1389 : vector<16xf32>
        %add3A_1393 = arith.addf %add3A_1377, %mul3A_1392 : vector<16xf32>
        %mul3A_1394 = arith.mulf %gather3A_461, %get3A_1389 : vector<16xf32>
        %add3A_1395 = arith.addf %add3A_1379, %mul3A_1394 : vector<16xf32>
        %mul3A_1396 = arith.constant 16 : i32
        %mul3A_1397 = arith.muli %scan3A_1254, %mul3A_1396 : i32
        %add3A_1398 = arith.constant 0 : i32
        %add3A_1399 = arith.addi %add3A_1398, %mul3A_1397 : i32
        %add3A_1400 = arith.constant 9 : i32
        %add3A_1401 = arith.addi %add3A_1399, %add3A_1400 : i32
        %mul3A_1402 = arith.constant 16 : i32
        %mul3A_1403 = arith.muli %add3A_1401, %mul3A_1402 : i32
        %get3A_1404 = arith.index_cast %mul3A_1403 : i32 to index
        %get3A_1405 = tpu.vector_load %arg14[%get3A_1404] {strides = array<i32>} : memref<16384xf32, #tpu.memory_space<vmem>>, vector<16xf32>,
        %mul3A_1406 = arith.mulf %gather3A_244, %get3A_1405 : vector<16xf32>
        %add3A_1407 = arith.addf %add3A_1391, %mul3A_1406 : vector<16xf32>
        %mul3A_1408 = arith.mulf %gather3A_356, %get3A_1405 : vector<16xf32>
        %add3A_1409 = arith.addf %add3A_1393, %mul3A_1408 : vector<16xf32>
        %mul3A_1410 = arith.mulf %gather3A_468, %get3A_1405 : vector<16xf32>
        %add3A_1411 = arith.addf %add3A_1395, %mul3A_1410 : vector<16xf32>
        %mul3A_1412 = arith.constant 16 : i32
        %mul3A_1413 = arith.muli %scan3A_1254, %mul3A_1412 : i32
        %add3A_1414 = arith.constant 0 : i32
        %add3A_1415 = arith.addi %add3A_1414, %mul3A_1413 : i32
        %add3A_1416 = arith.constant 10 : i32
        %add3A_1417 = arith.addi %add3A_1415, %add3A_1416 : i32
        %mul3A_1418 = arith.constant 16 : i32
        %mul3A_1419 = arith.muli %add3A_1417, %mul3A_1418 : i32
        %get3A_1420 = arith.index_cast %mul3A_1419 : i32 to index
        %get3A_1421 = tpu.vector_load %arg14[%get3A_1420] {strides = array<i32>} : memref<16384xf32, #tpu.memory_space<vmem>>, vector<16xf32>,
        %mul3A_1422 = arith.mulf %gather3A_251, %get3A_1421 : vector<16xf32>
        %add3A_1423 = arith.addf %add3A_1407, %mul3A_1422 : vector<16xf32>
        %mul3A_1424 = arith.mulf %gather3A_363, %get3A_1421 : vector<16xf32>
        %add3A_1425 = arith.addf %add3A_1409, %mul3A_1424 : vector<16xf32>
        %mul3A_1426 = arith.mulf %gather3A_475, %get3A_1421 : vector<16xf32>
        %add3A_1427 = arith.addf %add3A_1411, %mul3A_1426 : vector<16xf32>
        %mul3A_1428 = arith.constant 16 : i32
        %mul3A_1429 = arith.muli %scan3A_1254, %mul3A_1428 : i32
        %add3A_1430 = arith.constant 0 : i32
        %add3A_1431 = arith.addi %add3A_1430, %mul3A_1429 : i32
        %add3A_1432 = arith.constant 11 : i32
        %add3A_1433 = arith.addi %add3A_1431, %add3A_1432 : i32
        %mul3A_1434 = arith.constant 16 : i32
        %mul3A_1435 = arith.muli %add3A_1433, %mul3A_1434 : i32
        %get3A_1436 = arith.index_cast %mul3A_1435 : i32 to index
        %get3A_1437 = tpu.vector_load %arg14[%get3A_1436] {strides = array<i32>} : memref<16384xf32, #tpu.memory_space<vmem>>, vector<16xf32>,
        %mul3A_1438 = arith.mulf %gather3A_258, %get3A_1437 : vector<16xf32>
        %add3A_1439 = arith.addf %add3A_1423, %mul3A_1438 : vector<16xf32>
        %mul3A_1440 = arith.mulf %gather3A_370, %get3A_1437 : vector<16xf32>
        %add3A_1441 = arith.addf %add3A_1425, %mul3A_1440 : vector<16xf32>
        %mul3A_1442 = arith.mulf %gather3A_482, %get3A_1437 : vector<16xf32>
        %add3A_1443 = arith.addf %add3A_1427, %mul3A_1442 : vector<16xf32>
        %mul3A_1444 = arith.constant 16 : i32
        %mul3A_1445 = arith.muli %scan3A_1254, %mul3A_1444 : i32
        %add3A_1446 = arith.constant 0 : i32
        %add3A_1447 = arith.addi %add3A_1446, %mul3A_1445 : i32
        %add3A_1448 = arith.constant 12 : i32
        %add3A_1449 = arith.addi %add3A_1447, %add3A_1448 : i32
        %mul3A_1450 = arith.constant 16 : i32
        %mul3A_1451 = arith.muli %add3A_1449, %mul3A_1450 : i32
        %get3A_1452 = arith.index_cast %mul3A_1451 : i32 to index
        %get3A_1453 = tpu.vector_load %arg14[%get3A_1452] {strides = array<i32>} : memref<16384xf32, #tpu.memory_space<vmem>>, vector<16xf32>,
        %mul3A_1454 = arith.mulf %gather3A_265, %get3A_1453 : vector<16xf32>
        %add3A_1455 = arith.addf %add3A_1439, %mul3A_1454 : vector<16xf32>
        %mul3A_1456 = arith.mulf %gather3A_377, %get3A_1453 : vector<16xf32>
        %add3A_1457 = arith.addf %add3A_1441, %mul3A_1456 : vector<16xf32>
        %mul3A_1458 = arith.mulf %gather3A_489, %get3A_1453 : vector<16xf32>
        %add3A_1459 = arith.addf %add3A_1443, %mul3A_1458 : vector<16xf32>
        %mul3A_1460 = arith.constant 16 : i32
        %mul3A_1461 = arith.muli %scan3A_1254, %mul3A_1460 : i32
        %add3A_1462 = arith.constant 0 : i32
        %add3A_1463 = arith.addi %add3A_1462, %mul3A_1461 : i32
        %add3A_1464 = arith.constant 13 : i32
        %add3A_1465 = arith.addi %add3A_1463, %add3A_1464 : i32
        %mul3A_1466 = arith.constant 16 : i32
        %mul3A_1467 = arith.muli %add3A_1465, %mul3A_1466 : i32
        %get3A_1468 = arith.index_cast %mul3A_1467 : i32 to index
        %get3A_1469 = tpu.vector_load %arg14[%get3A_1468] {strides = array<i32>} : memref<16384xf32, #tpu.memory_space<vmem>>, vector<16xf32>,
        %mul3A_1470 = arith.mulf %gather3A_272, %get3A_1469 : vector<16xf32>
        %add3A_1471 = arith.addf %add3A_1455, %mul3A_1470 : vector<16xf32>
        %mul3A_1472 = arith.mulf %gather3A_384, %get3A_1469 : vector<16xf32>
        %add3A_1473 = arith.addf %add3A_1457, %mul3A_1472 : vector<16xf32>
        %mul3A_1474 = arith.mulf %gather3A_496, %get3A_1469 : vector<16xf32>
        %add3A_1475 = arith.addf %add3A_1459, %mul3A_1474 : vector<16xf32>
        %mul3A_1476 = arith.constant 16 : i32
        %mul3A_1477 = arith.muli %scan3A_1254, %mul3A_1476 : i32
        %add3A_1478 = arith.constant 0 : i32
        %add3A_1479 = arith.addi %add3A_1478, %mul3A_1477 : i32
        %add3A_1480 = arith.constant 14 : i32
        %add3A_1481 = arith.addi %add3A_1479, %add3A_1480 : i32
        %mul3A_1482 = arith.constant 16 : i32
        %mul3A_1483 = arith.muli %add3A_1481, %mul3A_1482 : i32
        %get3A_1484 = arith.index_cast %mul3A_1483 : i32 to index
        %get3A_1485 = tpu.vector_load %arg14[%get3A_1484] {strides = array<i32>} : memref<16384xf32, #tpu.memory_space<vmem>>, vector<16xf32>,
        %mul3A_1486 = arith.mulf %gather3A_279, %get3A_1485 : vector<16xf32>
        %add3A_1487 = arith.addf %add3A_1471, %mul3A_1486 : vector<16xf32>
        %mul3A_1488 = arith.mulf %gather3A_391, %get3A_1485 : vector<16xf32>
        %add3A_1489 = arith.addf %add3A_1473, %mul3A_1488 : vector<16xf32>
        %mul3A_1490 = arith.mulf %gather3A_503, %get3A_1485 : vector<16xf32>
        %add3A_1491 = arith.addf %add3A_1475, %mul3A_1490 : vector<16xf32>
        %mul3A_1492 = arith.constant 16 : i32
        %mul3A_1493 = arith.muli %scan3A_1254, %mul3A_1492 : i32
        %add3A_1494 = arith.constant 0 : i32
        %add3A_1495 = arith.addi %add3A_1494, %mul3A_1493 : i32
        %add3A_1496 = arith.constant 15 : i32
        %add3A_1497 = arith.addi %add3A_1495, %add3A_1496 : i32
        %mul3A_1498 = arith.constant 16 : i32
        %mul3A_1499 = arith.muli %add3A_1497, %mul3A_1498 : i32
        %get3A_1500 = arith.index_cast %mul3A_1499 : i32 to index
        %get3A_1501 = tpu.vector_load %arg14[%get3A_1500] {strides = array<i32>} : memref<16384xf32, #tpu.memory_space<vmem>>, vector<16xf32>,
        %mul3A_1502 = arith.mulf %gather3A_286, %get3A_1501 : vector<16xf32>
        %add3A_1503 = arith.addf %add3A_1487, %mul3A_1502 : vector<16xf32>
        %mul3A_1504 = arith.mulf %gather3A_398, %get3A_1501 : vector<16xf32>
        %add3A_1505 = arith.addf %add3A_1489, %mul3A_1504 : vector<16xf32>
        %mul3A_1506 = arith.mulf %gather3A_510, %get3A_1501 : vector<16xf32>
        %add3A_1507 = arith.addf %add3A_1491, %mul3A_1506 : vector<16xf32>
        %add3A_1508 = arith.constant 0 : i32
        %add3A_1509 = arith.addi %add3A_1508, %scan3A_1254 : i32
        %mul3A_1510 = arith.constant 16 : i32
        %mul3A_1511 = arith.muli %add3A_1509, %mul3A_1510 : i32
        %swap3A = arith.index_cast %mul3A_1511 : i32 to index
        %swap3A_1512 = tpu.vector_load %arg19[%swap3A] {strides = array<i32>} : memref<1152xf32, #tpu.memory_space<vmem>>, vector<16xf32>,
        tpu.vector_store %arg19[%swap3A], %add3A_1503 {strides = array<i32>} : memref<1152xf32, #tpu.memory_space<vmem>>, vector<16xf32>,
        %add3A_1513 = arith.constant 24 : i32
        %add3A_1514 = arith.addi %add3A_1513, %scan3A_1254 : i32
        %mul3A_1515 = arith.constant 16 : i32
        %mul3A_1516 = arith.muli %add3A_1514, %mul3A_1515 : i32
        %swap3A_1517 = arith.index_cast %mul3A_1516 : i32 to index
        %swap3A_1518 = tpu.vector_load %arg19[%swap3A_1517] {strides = array<i32>} : memref<1152xf32, #tpu.memory_space<vmem>>, vector<16xf32>,
        tpu.vector_store %arg19[%swap3A_1517], %add3A_1505 {strides = array<i32>} : memref<1152xf32, #tpu.memory_space<vmem>>, vector<16xf32>,
        %add3A_1519 = arith.constant 48 : i32
        %add3A_1520 = arith.addi %add3A_1519, %scan3A_1254 : i32
        %mul3A_1521 = arith.constant 16 : i32
        %mul3A_1522 = arith.muli %add3A_1520, %mul3A_1521 : i32
        %swap3A_1523 = arith.index_cast %mul3A_1522 : i32 to index
        %swap3A_1524 = tpu.vector_load %arg19[%swap3A_1523] {strides = array<i32>} : memref<1152xf32, #tpu.memory_space<vmem>>, vector<16xf32>,
        tpu.vector_store %arg19[%swap3A_1523], %add3A_1507 {strides = array<i32>} : memref<1152xf32, #tpu.memory_space<vmem>>, vector<16xf32>,
        %scan3A_1525 = arith.constant 0 : i32
        scf.yield %scan3A_1525 : i32
      }
      %scan3A_1238 = arith.constant 24 : i32
      %scan3A_1239 = arith.constant 0 : i32
      %scan3A_1240 = arith.constant 0 : i32
      %scan3A_1241 = arith.constant 24 : i32
      %scan3A_1242 = arith.addi %scan3A_1240, %scan3A_1241 : i32
      %scan3A_1243 = arith.constant 1 : i32
      %scan3A_1244 = scf.for %scan3A_1254 = %scan3A_1240 to %scan3A_1242 step %scan3A_1243 iter_args(%scan3A_1255 = %scan3A_1239) -> (i32)  : i32 {
        %mul3A_1256 = arith.constant 8 : i32
        %mul3A_1257 = arith.muli %scan3A_1254, %mul3A_1256 : i32
        %add3A_1258 = arith.constant 384 : i32
        %add3A_1259 = arith.addi %add3A_1258, %mul3A_1257 : i32
        %add3A_1260 = arith.constant 0 : i32
        %add3A_1261 = arith.addi %add3A_1259, %add3A_1260 : i32
        %mul3A_1262 = arith.constant 16 : i32
        %mul3A_1263 = arith.muli %add3A_1261, %mul3A_1262 : i32
        %get3A = arith.index_cast %mul3A_1263 : i32 to index
        %get3A_1264 = tpu.vector_load %arg14[%get3A] {strides = array<i32>} : memref<16384xf32, #tpu.memory_space<vmem>>, vector<16xf32>,
        %mul3A_1265 = arith.mulf %gather3A_517, %get3A_1264 : vector<16xf32>
        %mul3A_1266 = arith.mulf %gather3A_573, %get3A_1264 : vector<16xf32>
        %mul3A_1267 = arith.mulf %gather3A_629, %get3A_1264 : vector<16xf32>
        %mul3A_1268 = arith.constant 8 : i32
        %mul3A_1269 = arith.muli %scan3A_1254, %mul3A_1268 : i32
        %add3A_1270 = arith.constant 384 : i32
        %add3A_1271 = arith.addi %add3A_1270, %mul3A_1269 : i32
        %add3A_1272 = arith.constant 1 : i32
        %add3A_1273 = arith.addi %add3A_1271, %add3A_1272 : i32
        %mul3A_1274 = arith.constant 16 : i32
        %mul3A_1275 = arith.muli %add3A_1273, %mul3A_1274 : i32
        %get3A_1276 = arith.index_cast %mul3A_1275 : i32 to index
        %get3A_1277 = tpu.vector_load %arg14[%get3A_1276] {strides = array<i32>} : memref<16384xf32, #tpu.memory_space<vmem>>, vector<16xf32>,
        %mul3A_1278 = arith.mulf %gather3A_524, %get3A_1277 : vector<16xf32>
        %add3A_1279 = arith.addf %mul3A_1265, %mul3A_1278 : vector<16xf32>
        %mul3A_1280 = arith.mulf %gather3A_580, %get3A_1277 : vector<16xf32>
        %add3A_1281 = arith.addf %mul3A_1266, %mul3A_1280 : vector<16xf32>
        %mul3A_1282 = arith.mulf %gather3A_636, %get3A_1277 : vector<16xf32>
        %add3A_1283 = arith.addf %mul3A_1267, %mul3A_1282 : vector<16xf32>
        %mul3A_1284 = arith.constant 8 : i32
        %mul3A_1285 = arith.muli %scan3A_1254, %mul3A_1284 : i32
        %add3A_1286 = arith.constant 384 : i32
        %add3A_1287 = arith.addi %add3A_1286, %mul3A_1285 : i32
        %add3A_1288 = arith.constant 2 : i32
        %add3A_1289 = arith.addi %add3A_1287, %add3A_1288 : i32
        %mul3A_1290 = arith.constant 16 : i32
        %mul3A_1291 = arith.muli %add3A_1289, %mul3A_1290 : i32
        %get3A_1292 = arith.index_cast %mul3A_1291 : i32 to index
        %get3A_1293 = tpu.vector_load %arg14[%get3A_1292] {strides = array<i32>} : memref<16384xf32, #tpu.memory_space<vmem>>, vector<16xf32>,
        %mul3A_1294 = arith.mulf %gather3A_531, %get3A_1293 : vector<16xf32>
        %add3A_1295 = arith.addf %add3A_1279, %mul3A_1294 : vector<16xf32>
        %mul3A_1296 = arith.mulf %gather3A_587, %get3A_1293 : vector<16xf32>
        %add3A_1297 = arith.addf %add3A_1281, %mul3A_1296 : vector<16xf32>
        %mul3A_1298 = arith.mulf %gather3A_643, %get3A_1293 : vector<16xf32>
        %add3A_1299 = arith.addf %add3A_1283, %mul3A_1298 : vector<16xf32>
        %mul3A_1300 = arith.constant 8 : i32
        %mul3A_1301 = arith.muli %scan3A_1254, %mul3A_1300 : i32
        %add3A_1302 = arith.constant 384 : i32
        %add3A_1303 = arith.addi %add3A_1302, %mul3A_1301 : i32
        %add3A_1304 = arith.constant 3 : i32
        %add3A_1305 = arith.addi %add3A_1303, %add3A_1304 : i32
        %mul3A_1306 = arith.constant 16 : i32
        %mul3A_1307 = arith.muli %add3A_1305, %mul3A_1306 : i32
        %get3A_1308 = arith.index_cast %mul3A_1307 : i32 to index
        %get3A_1309 = tpu.vector_load %arg14[%get3A_1308] {strides = array<i32>} : memref<16384xf32, #tpu.memory_space<vmem>>, vector<16xf32>,
        %mul3A_1310 = arith.mulf %gather3A_538, %get3A_1309 : vector<16xf32>
        %add3A_1311 = arith.addf %add3A_1295, %mul3A_1310 : vector<16xf32>
        %mul3A_1312 = arith.mulf %gather3A_594, %get3A_1309 : vector<16xf32>
        %add3A_1313 = arith.addf %add3A_1297, %mul3A_1312 : vector<16xf32>
        %mul3A_1314 = arith.mulf %gather3A_650, %get3A_1309 : vector<16xf32>
        %add3A_1315 = arith.addf %add3A_1299, %mul3A_1314 : vector<16xf32>
        %mul3A_1316 = arith.constant 8 : i32
        %mul3A_1317 = arith.muli %scan3A_1254, %mul3A_1316 : i32
        %add3A_1318 = arith.constant 384 : i32
        %add3A_1319 = arith.addi %add3A_1318, %mul3A_1317 : i32
        %add3A_1320 = arith.constant 4 : i32
        %add3A_1321 = arith.addi %add3A_1319, %add3A_1320 : i32
        %mul3A_1322 = arith.constant 16 : i32
        %mul3A_1323 = arith.muli %add3A_1321, %mul3A_1322 : i32
        %get3A_1324 = arith.index_cast %mul3A_1323 : i32 to index
        %get3A_1325 = tpu.vector_load %arg14[%get3A_1324] {strides = array<i32>} : memref<16384xf32, #tpu.memory_space<vmem>>, vector<16xf32>,
        %mul3A_1326 = arith.mulf %gather3A_545, %get3A_1325 : vector<16xf32>
        %add3A_1327 = arith.addf %add3A_1311, %mul3A_1326 : vector<16xf32>
        %mul3A_1328 = arith.mulf %gather3A_601, %get3A_1325 : vector<16xf32>
        %add3A_1329 = arith.addf %add3A_1313, %mul3A_1328 : vector<16xf32>
        %mul3A_1330 = arith.mulf %gather3A_657, %get3A_1325 : vector<16xf32>
        %add3A_1331 = arith.addf %add3A_1315, %mul3A_1330 : vector<16xf32>
        %mul3A_1332 = arith.constant 8 : i32
        %mul3A_1333 = arith.muli %scan3A_1254, %mul3A_1332 : i32
        %add3A_1334 = arith.constant 384 : i32
        %add3A_1335 = arith.addi %add3A_1334, %mul3A_1333 : i32
        %add3A_1336 = arith.constant 5 : i32
        %add3A_1337 = arith.addi %add3A_1335, %add3A_1336 : i32
        %mul3A_1338 = arith.constant 16 : i32
        %mul3A_1339 = arith.muli %add3A_1337, %mul3A_1338 : i32
        %get3A_1340 = arith.index_cast %mul3A_1339 : i32 to index
        %get3A_1341 = tpu.vector_load %arg14[%get3A_1340] {strides = array<i32>} : memref<16384xf32, #tpu.memory_space<vmem>>, vector<16xf32>,
        %mul3A_1342 = arith.mulf %gather3A_552, %get3A_1341 : vector<16xf32>
        %add3A_1343 = arith.addf %add3A_1327, %mul3A_1342 : vector<16xf32>
        %mul3A_1344 = arith.mulf %gather3A_608, %get3A_1341 : vector<16xf32>
        %add3A_1345 = arith.addf %add3A_1329, %mul3A_1344 : vector<16xf32>
        %mul3A_1346 = arith.mulf %gather3A_664, %get3A_1341 : vector<16xf32>
        %add3A_1347 = arith.addf %add3A_1331, %mul3A_1346 : vector<16xf32>
        %mul3A_1348 = arith.constant 8 : i32
        %mul3A_1349 = arith.muli %scan3A_1254, %mul3A_1348 : i32
        %add3A_1350 = arith.constant 384 : i32
        %add3A_1351 = arith.addi %add3A_1350, %mul3A_1349 : i32
        %add3A_1352 = arith.constant 6 : i32
        %add3A_1353 = arith.addi %add3A_1351, %add3A_1352 : i32
        %mul3A_1354 = arith.constant 16 : i32
        %mul3A_1355 = arith.muli %add3A_1353, %mul3A_1354 : i32
        %get3A_1356 = arith.index_cast %mul3A_1355 : i32 to index
        %get3A_1357 = tpu.vector_load %arg14[%get3A_1356] {strides = array<i32>} : memref<16384xf32, #tpu.memory_space<vmem>>, vector<16xf32>,
        %mul3A_1358 = arith.mulf %gather3A_559, %get3A_1357 : vector<16xf32>
        %add3A_1359 = arith.addf %add3A_1343, %mul3A_1358 : vector<16xf32>
        %mul3A_1360 = arith.mulf %gather3A_615, %get3A_1357 : vector<16xf32>
        %add3A_1361 = arith.addf %add3A_1345, %mul3A_1360 : vector<16xf32>
        %mul3A_1362 = arith.mulf %gather3A_671, %get3A_1357 : vector<16xf32>
        %add3A_1363 = arith.addf %add3A_1347, %mul3A_1362 : vector<16xf32>
        %mul3A_1364 = arith.constant 8 : i32
        %mul3A_1365 = arith.muli %scan3A_1254, %mul3A_1364 : i32
        %add3A_1366 = arith.constant 384 : i32
        %add3A_1367 = arith.addi %add3A_1366, %mul3A_1365 : i32
        %add3A_1368 = arith.constant 7 : i32
        %add3A_1369 = arith.addi %add3A_1367, %add3A_1368 : i32
        %mul3A_1370 = arith.constant 16 : i32
        %mul3A_1371 = arith.muli %add3A_1369, %mul3A_1370 : i32
        %get3A_1372 = arith.index_cast %mul3A_1371 : i32 to index
        %get3A_1373 = tpu.vector_load %arg14[%get3A_1372] {strides = array<i32>} : memref<16384xf32, #tpu.memory_space<vmem>>, vector<16xf32>,
        %mul3A_1374 = arith.mulf %gather3A_566, %get3A_1373 : vector<16xf32>
        %add3A_1375 = arith.addf %add3A_1359, %mul3A_1374 : vector<16xf32>
        %mul3A_1376 = arith.mulf %gather3A_622, %get3A_1373 : vector<16xf32>
        %add3A_1377 = arith.addf %add3A_1361, %mul3A_1376 : vector<16xf32>
        %mul3A_1378 = arith.mulf %gather3A_678, %get3A_1373 : vector<16xf32>
        %add3A_1379 = arith.addf %add3A_1363, %mul3A_1378 : vector<16xf32>
        %add3A_1380 = arith.constant 0 : i32
        %add3A_1381 = arith.addi %add3A_1380, %scan3A_1254 : i32
        %mul3A_1382 = arith.constant 16 : i32
        %mul3A_1383 = arith.muli %add3A_1381, %mul3A_1382 : i32
        %swap3A = arith.index_cast %mul3A_1383 : i32 to index
        %swap3A_1384 = tpu.vector_load %arg20[%swap3A] {strides = array<i32>} : memref<1152xf32, #tpu.memory_space<vmem>>, vector<16xf32>,
        tpu.vector_store %arg20[%swap3A], %add3A_1375 {strides = array<i32>} : memref<1152xf32, #tpu.memory_space<vmem>>, vector<16xf32>,
        %add3A_1385 = arith.constant 24 : i32
        %add3A_1386 = arith.addi %add3A_1385, %scan3A_1254 : i32
        %mul3A_1387 = arith.constant 16 : i32
        %mul3A_1388 = arith.muli %add3A_1386, %mul3A_1387 : i32
        %swap3A_1389 = arith.index_cast %mul3A_1388 : i32 to index
        %swap3A_1390 = tpu.vector_load %arg20[%swap3A_1389] {strides = array<i32>} : memref<1152xf32, #tpu.memory_space<vmem>>, vector<16xf32>,
        tpu.vector_store %arg20[%swap3A_1389], %add3A_1377 {strides = array<i32>} : memref<1152xf32, #tpu.memory_space<vmem>>, vector<16xf32>,
        %add3A_1391 = arith.constant 48 : i32
        %add3A_1392 = arith.addi %add3A_1391, %scan3A_1254 : i32
        %mul3A_1393 = arith.constant 16 : i32
        %mul3A_1394 = arith.muli %add3A_1392, %mul3A_1393 : i32
        %swap3A_1395 = arith.index_cast %mul3A_1394 : i32 to index
        %swap3A_1396 = tpu.vector_load %arg20[%swap3A_1395] {strides = array<i32>} : memref<1152xf32, #tpu.memory_space<vmem>>, vector<16xf32>,
        tpu.vector_store %arg20[%swap3A_1395], %add3A_1379 {strides = array<i32>} : memref<1152xf32, #tpu.memory_space<vmem>>, vector<16xf32>,
        %scan3A_1397 = arith.constant 0 : i32
        scf.yield %scan3A_1397 : i32
      }
      %scan3A_1245 = arith.constant 24 : i32
      %scan3A_1246 = arith.constant 0 : i32
      %scan3A_1247 = arith.constant 0 : i32
      %scan3A_1248 = arith.constant 8 : i32
      %scan3A_1249 = arith.addi %scan3A_1247, %scan3A_1248 : i32
      %scan3A_1250 = arith.constant 1 : i32
      %scan3A_1251 = scf.for %scan3A_1254 = %scan3A_1247 to %scan3A_1249 step %scan3A_1250 iter_args(%scan3A_1255 = %scan3A_1246) -> (i32)  : i32 {
        %mul3A_1256 = arith.constant 3 : i32
        %mul3A_1257 = arith.muli %scan3A_1254, %mul3A_1256 : i32
        %add3A_1258 = arith.constant 0 : i32
        %add3A_1259 = arith.addi %add3A_1258, %mul3A_1257 : i32
        %add3A_1260 = arith.constant 0 : i32
        %add3A_1261 = arith.addi %add3A_1259, %add3A_1260 : i32
        %mul3A_1262 = arith.constant 16 : i32
        %mul3A_1263 = arith.muli %add3A_1261, %mul3A_1262 : i32
        %get3A = arith.index_cast %mul3A_1263 : i32 to index
        %get3A_1264 = tpu.vector_load %arg19[%get3A] {strides = array<i32>} : memref<1152xf32, #tpu.memory_space<vmem>>, vector<16xf32>,
        %mul3A_1265 = arith.constant 3 : i32
        %mul3A_1266 = arith.muli %scan3A_1254, %mul3A_1265 : i32
        %add3A_1267 = arith.constant 0 : i32
        %add3A_1268 = arith.addi %add3A_1267, %mul3A_1266 : i32
        %add3A_1269 = arith.constant 1 : i32
        %add3A_1270 = arith.addi %add3A_1268, %add3A_1269 : i32
        %mul3A_1271 = arith.constant 16 : i32
        %mul3A_1272 = arith.muli %add3A_1270, %mul3A_1271 : i32
        %get3A_1273 = arith.index_cast %mul3A_1272 : i32 to index
        %get3A_1274 = tpu.vector_load %arg19[%get3A_1273] {strides = array<i32>} : memref<1152xf32, #tpu.memory_space<vmem>>, vector<16xf32>,
        %mul3A_1275 = arith.constant 3 : i32
        %mul3A_1276 = arith.muli %scan3A_1254, %mul3A_1275 : i32
        %add3A_1277 = arith.constant 0 : i32
        %add3A_1278 = arith.addi %add3A_1277, %mul3A_1276 : i32
        %add3A_1279 = arith.constant 2 : i32
        %add3A_1280 = arith.addi %add3A_1278, %add3A_1279 : i32
        %mul3A_1281 = arith.constant 16 : i32
        %mul3A_1282 = arith.muli %add3A_1280, %mul3A_1281 : i32
        %get3A_1283 = arith.index_cast %mul3A_1282 : i32 to index
        %get3A_1284 = tpu.vector_load %arg19[%get3A_1283] {strides = array<i32>} : memref<1152xf32, #tpu.memory_space<vmem>>, vector<16xf32>,
        %mul3A_1285 = arith.constant 3 : i32
        %mul3A_1286 = arith.muli %scan3A_1254, %mul3A_1285 : i32
        %add3A_1287 = arith.constant 24 : i32
        %add3A_1288 = arith.addi %add3A_1287, %mul3A_1286 : i32
        %add3A_1289 = arith.constant 0 : i32
        %add3A_1290 = arith.addi %add3A_1288, %add3A_1289 : i32
        %mul3A_1291 = arith.constant 16 : i32
        %mul3A_1292 = arith.muli %add3A_1290, %mul3A_1291 : i32
        %get3A_1293 = arith.index_cast %mul3A_1292 : i32 to index
        %get3A_1294 = tpu.vector_load %arg19[%get3A_1293] {strides = array<i32>} : memref<1152xf32, #tpu.memory_space<vmem>>, vector<16xf32>,
        %mul3A_1295 = arith.constant 3 : i32
        %mul3A_1296 = arith.muli %scan3A_1254, %mul3A_1295 : i32
        %add3A_1297 = arith.constant 24 : i32
        %add3A_1298 = arith.addi %add3A_1297, %mul3A_1296 : i32
        %add3A_1299 = arith.constant 1 : i32
        %add3A_1300 = arith.addi %add3A_1298, %add3A_1299 : i32
        %mul3A_1301 = arith.constant 16 : i32
        %mul3A_1302 = arith.muli %add3A_1300, %mul3A_1301 : i32
        %get3A_1303 = arith.index_cast %mul3A_1302 : i32 to index
        %get3A_1304 = tpu.vector_load %arg19[%get3A_1303] {strides = array<i32>} : memref<1152xf32, #tpu.memory_space<vmem>>, vector<16xf32>,
        %mul3A_1305 = arith.constant 3 : i32
        %mul3A_1306 = arith.muli %scan3A_1254, %mul3A_1305 : i32
        %add3A_1307 = arith.constant 24 : i32
        %add3A_1308 = arith.addi %add3A_1307, %mul3A_1306 : i32
        %add3A_1309 = arith.constant 2 : i32
        %add3A_1310 = arith.addi %add3A_1308, %add3A_1309 : i32
        %mul3A_1311 = arith.constant 16 : i32
        %mul3A_1312 = arith.muli %add3A_1310, %mul3A_1311 : i32
        %get3A_1313 = arith.index_cast %mul3A_1312 : i32 to index
        %get3A_1314 = tpu.vector_load %arg19[%get3A_1313] {strides = array<i32>} : memref<1152xf32, #tpu.memory_space<vmem>>, vector<16xf32>,
        %mul3A_1315 = arith.constant 3 : i32
        %mul3A_1316 = arith.muli %scan3A_1254, %mul3A_1315 : i32
        %add3A_1317 = arith.constant 48 : i32
        %add3A_1318 = arith.addi %add3A_1317, %mul3A_1316 : i32
        %add3A_1319 = arith.constant 0 : i32
        %add3A_1320 = arith.addi %add3A_1318, %add3A_1319 : i32
        %mul3A_1321 = arith.constant 16 : i32
        %mul3A_1322 = arith.muli %add3A_1320, %mul3A_1321 : i32
        %get3A_1323 = arith.index_cast %mul3A_1322 : i32 to index
        %get3A_1324 = tpu.vector_load %arg19[%get3A_1323] {strides = array<i32>} : memref<1152xf32, #tpu.memory_space<vmem>>, vector<16xf32>,
        %mul3A_1325 = arith.constant 3 : i32
        %mul3A_1326 = arith.muli %scan3A_1254, %mul3A_1325 : i32
        %add3A_1327 = arith.constant 48 : i32
        %add3A_1328 = arith.addi %add3A_1327, %mul3A_1326 : i32
        %add3A_1329 = arith.constant 1 : i32
        %add3A_1330 = arith.addi %add3A_1328, %add3A_1329 : i32
        %mul3A_1331 = arith.constant 16 : i32
        %mul3A_1332 = arith.muli %add3A_1330, %mul3A_1331 : i32
        %get3A_1333 = arith.index_cast %mul3A_1332 : i32 to index
        %get3A_1334 = tpu.vector_load %arg19[%get3A_1333] {strides = array<i32>} : memref<1152xf32, #tpu.memory_space<vmem>>, vector<16xf32>,
        %mul3A_1335 = arith.constant 3 : i32
        %mul3A_1336 = arith.muli %scan3A_1254, %mul3A_1335 : i32
        %add3A_1337 = arith.constant 48 : i32
        %add3A_1338 = arith.addi %add3A_1337, %mul3A_1336 : i32
        %add3A_1339 = arith.constant 2 : i32
        %add3A_1340 = arith.addi %add3A_1338, %add3A_1339 : i32
        %mul3A_1341 = arith.constant 16 : i32
        %mul3A_1342 = arith.muli %add3A_1340, %mul3A_1341 : i32
        %get3A_1343 = arith.index_cast %mul3A_1342 : i32 to index
        %get3A_1344 = tpu.vector_load %arg19[%get3A_1343] {strides = array<i32>} : memref<1152xf32, #tpu.memory_space<vmem>>, vector<16xf32>,
        %mul3A_1345 = arith.constant 3 : i32
        %mul3A_1346 = arith.muli %scan3A_1254, %mul3A_1345 : i32
        %add3A_1347 = arith.constant 0 : i32
        %add3A_1348 = arith.addi %add3A_1347, %mul3A_1346 : i32
        %add3A_1349 = arith.constant 0 : i32
        %add3A_1350 = arith.addi %add3A_1348, %add3A_1349 : i32
        %mul3A_1351 = arith.constant 16 : i32
        %mul3A_1352 = arith.muli %add3A_1350, %mul3A_1351 : i32
        %get3A_1353 = arith.index_cast %mul3A_1352 : i32 to index
        %get3A_1354 = tpu.vector_load %arg20[%get3A_1353] {strides = array<i32>} : memref<1152xf32, #tpu.memory_space<vmem>>, vector<16xf32>,
        %mul3A_1355 = arith.constant 3 : i32
        %mul3A_1356 = arith.muli %scan3A_1254, %mul3A_1355 : i32
        %add3A_1357 = arith.constant 0 : i32
        %add3A_1358 = arith.addi %add3A_1357, %mul3A_1356 : i32
        %add3A_1359 = arith.constant 1 : i32
        %add3A_1360 = arith.addi %add3A_1358, %add3A_1359 : i32
        %mul3A_1361 = arith.constant 16 : i32
        %mul3A_1362 = arith.muli %add3A_1360, %mul3A_1361 : i32
        %get3A_1363 = arith.index_cast %mul3A_1362 : i32 to index
        %get3A_1364 = tpu.vector_load %arg20[%get3A_1363] {strides = array<i32>} : memref<1152xf32, #tpu.memory_space<vmem>>, vector<16xf32>,
        %mul3A_1365 = arith.constant 3 : i32
        %mul3A_1366 = arith.muli %scan3A_1254, %mul3A_1365 : i32
        %add3A_1367 = arith.constant 0 : i32
        %add3A_1368 = arith.addi %add3A_1367, %mul3A_1366 : i32
        %add3A_1369 = arith.constant 2 : i32
        %add3A_1370 = arith.addi %add3A_1368, %add3A_1369 : i32
        %mul3A_1371 = arith.constant 16 : i32
        %mul3A_1372 = arith.muli %add3A_1370, %mul3A_1371 : i32
        %get3A_1373 = arith.index_cast %mul3A_1372 : i32 to index
        %get3A_1374 = tpu.vector_load %arg20[%get3A_1373] {strides = array<i32>} : memref<1152xf32, #tpu.memory_space<vmem>>, vector<16xf32>,
        %mul3A_1375 = arith.constant 3 : i32
        %mul3A_1376 = arith.muli %scan3A_1254, %mul3A_1375 : i32
        %add3A_1377 = arith.constant 24 : i32
        %add3A_1378 = arith.addi %add3A_1377, %mul3A_1376 : i32
        %add3A_1379 = arith.constant 0 : i32
        %add3A_1380 = arith.addi %add3A_1378, %add3A_1379 : i32
        %mul3A_1381 = arith.constant 16 : i32
        %mul3A_1382 = arith.muli %add3A_1380, %mul3A_1381 : i32
        %get3A_1383 = arith.index_cast %mul3A_1382 : i32 to index
        %get3A_1384 = tpu.vector_load %arg20[%get3A_1383] {strides = array<i32>} : memref<1152xf32, #tpu.memory_space<vmem>>, vector<16xf32>,
        %mul3A_1385 = arith.constant 3 : i32
        %mul3A_1386 = arith.muli %scan3A_1254, %mul3A_1385 : i32
        %add3A_1387 = arith.constant 24 : i32
        %add3A_1388 = arith.addi %add3A_1387, %mul3A_1386 : i32
        %add3A_1389 = arith.constant 1 : i32
        %add3A_1390 = arith.addi %add3A_1388, %add3A_1389 : i32
        %mul3A_1391 = arith.constant 16 : i32
        %mul3A_1392 = arith.muli %add3A_1390, %mul3A_1391 : i32
        %get3A_1393 = arith.index_cast %mul3A_1392 : i32 to index
        %get3A_1394 = tpu.vector_load %arg20[%get3A_1393] {strides = array<i32>} : memref<1152xf32, #tpu.memory_space<vmem>>, vector<16xf32>,
        %mul3A_1395 = arith.constant 3 : i32
        %mul3A_1396 = arith.muli %scan3A_1254, %mul3A_1395 : i32
        %add3A_1397 = arith.constant 24 : i32
        %add3A_1398 = arith.addi %add3A_1397, %mul3A_1396 : i32
        %add3A_1399 = arith.constant 2 : i32
        %add3A_1400 = arith.addi %add3A_1398, %add3A_1399 : i32
        %mul3A_1401 = arith.constant 16 : i32
        %mul3A_1402 = arith.muli %add3A_1400, %mul3A_1401 : i32
        %get3A_1403 = arith.index_cast %mul3A_1402 : i32 to index
        %get3A_1404 = tpu.vector_load %arg20[%get3A_1403] {strides = array<i32>} : memref<1152xf32, #tpu.memory_space<vmem>>, vector<16xf32>,
        %mul3A_1405 = arith.constant 3 : i32
        %mul3A_1406 = arith.muli %scan3A_1254, %mul3A_1405 : i32
        %add3A_1407 = arith.constant 48 : i32
        %add3A_1408 = arith.addi %add3A_1407, %mul3A_1406 : i32
        %add3A_1409 = arith.constant 0 : i32
        %add3A_1410 = arith.addi %add3A_1408, %add3A_1409 : i32
        %mul3A_1411 = arith.constant 16 : i32
        %mul3A_1412 = arith.muli %add3A_1410, %mul3A_1411 : i32
        %get3A_1413 = arith.index_cast %mul3A_1412 : i32 to index
        %get3A_1414 = tpu.vector_load %arg20[%get3A_1413] {strides = array<i32>} : memref<1152xf32, #tpu.memory_space<vmem>>, vector<16xf32>,
        %mul3A_1415 = arith.constant 3 : i32
        %mul3A_1416 = arith.muli %scan3A_1254, %mul3A_1415 : i32
        %add3A_1417 = arith.constant 48 : i32
        %add3A_1418 = arith.addi %add3A_1417, %mul3A_1416 : i32
        %add3A_1419 = arith.constant 1 : i32
        %add3A_1420 = arith.addi %add3A_1418, %add3A_1419 : i32
        %mul3A_1421 = arith.constant 16 : i32
        %mul3A_1422 = arith.muli %add3A_1420, %mul3A_1421 : i32
        %get3A_1423 = arith.index_cast %mul3A_1422 : i32 to index
        %get3A_1424 = tpu.vector_load %arg20[%get3A_1423] {strides = array<i32>} : memref<1152xf32, #tpu.memory_space<vmem>>, vector<16xf32>,
        %mul3A_1425 = arith.constant 3 : i32
        %mul3A_1426 = arith.muli %scan3A_1254, %mul3A_1425 : i32
        %add3A_1427 = arith.constant 48 : i32
        %add3A_1428 = arith.addi %add3A_1427, %mul3A_1426 : i32
        %add3A_1429 = arith.constant 2 : i32
        %add3A_1430 = arith.addi %add3A_1428, %add3A_1429 : i32
        %mul3A_1431 = arith.constant 16 : i32
        %mul3A_1432 = arith.muli %add3A_1430, %mul3A_1431 : i32
        %get3A_1433 = arith.index_cast %mul3A_1432 : i32 to index
        %get3A_1434 = tpu.vector_load %arg20[%get3A_1433] {strides = array<i32>} : memref<1152xf32, #tpu.memory_space<vmem>>, vector<16xf32>,
        %add3A_1435 = arith.addf %get3A_1264, %get3A_1304 : vector<16xf32>
        %add3A_1436 = arith.addf %add3A_1435, %get3A_1344 : vector<16xf32>
        %add3A_1437 = arith.addf %get3A_1354, %get3A_1394 : vector<16xf32>
        %add3A_1438 = arith.addf %add3A_1437, %get3A_1434 : vector<16xf32>
        %mul3A_1439 = arith.constant 6 : i32
        %mul3A_1440 = arith.muli %scan3A_1254, %mul3A_1439 : i32
        %add3A_1441 = arith.constant 0 : i32
        %add3A_1442 = arith.addi %mul3A_1440, %add3A_1441 : i32
        %mul3A_1443 = arith.constant 3 : i32
        %mul3A_1444 = arith.muli %add3A_1442, %mul3A_1443 : i32
        %add3A_1445 = arith.constant 704 : i32
        %add3A_1446 = arith.addi %add3A_1445, %mul3A_1444 : i32
        %add3A_1447 = arith.constant 0 : i32
        %add3A_1448 = arith.addi %add3A_1446, %add3A_1447 : i32
        %mul3A_1449 = arith.constant 16 : i32
        %mul3A_1450 = arith.muli %add3A_1448, %mul3A_1449 : i32
        %get3A_1451 = arith.index_cast %mul3A_1450 : i32 to index
        %get3A_1452 = tpu.vector_load %arg14[%get3A_1451] {strides = array<i32>} : memref<16384xf32, #tpu.memory_space<vmem>>, vector<16xf32>,
        %mul3A_1453 = arith.constant 6 : i32
        %mul3A_1454 = arith.muli %scan3A_1254, %mul3A_1453 : i32
        %add3A_1455 = arith.constant 0 : i32
        %add3A_1456 = arith.addi %mul3A_1454, %add3A_1455 : i32
        %mul3A_1457 = arith.constant 3 : i32
        %mul3A_1458 = arith.muli %add3A_1456, %mul3A_1457 : i32
        %add3A_1459 = arith.constant 704 : i32
        %add3A_1460 = arith.addi %add3A_1459, %mul3A_1458 : i32
        %add3A_1461 = arith.constant 1 : i32
        %add3A_1462 = arith.addi %add3A_1460, %add3A_1461 : i32
        %mul3A_1463 = arith.constant 16 : i32
        %mul3A_1464 = arith.muli %add3A_1462, %mul3A_1463 : i32
        %get3A_1465 = arith.index_cast %mul3A_1464 : i32 to index
        %get3A_1466 = tpu.vector_load %arg14[%get3A_1465] {strides = array<i32>} : memref<16384xf32, #tpu.memory_space<vmem>>, vector<16xf32>,
        %mul3A_1467 = arith.constant 6 : i32
        %mul3A_1468 = arith.muli %scan3A_1254, %mul3A_1467 : i32
        %add3A_1469 = arith.constant 0 : i32
        %add3A_1470 = arith.addi %mul3A_1468, %add3A_1469 : i32
        %mul3A_1471 = arith.constant 3 : i32
        %mul3A_1472 = arith.muli %add3A_1470, %mul3A_1471 : i32
        %add3A_1473 = arith.constant 704 : i32
        %add3A_1474 = arith.addi %add3A_1473, %mul3A_1472 : i32
        %add3A_1475 = arith.constant 2 : i32
        %add3A_1476 = arith.addi %add3A_1474, %add3A_1475 : i32
        %mul3A_1477 = arith.constant 16 : i32
        %mul3A_1478 = arith.muli %add3A_1476, %mul3A_1477 : i32
        %get3A_1479 = arith.index_cast %mul3A_1478 : i32 to index
        %get3A_1480 = tpu.vector_load %arg14[%get3A_1479] {strides = array<i32>} : memref<16384xf32, #tpu.memory_space<vmem>>, vector<16xf32>,
        %mul3A_1481 = arith.constant 6 : i32
        %mul3A_1482 = arith.muli %scan3A_1254, %mul3A_1481 : i32
        %add3A_1483 = arith.constant 0 : i32
        %add3A_1484 = arith.addi %mul3A_1482, %add3A_1483 : i32
        %mul3A_1485 = arith.constant 3 : i32
        %mul3A_1486 = arith.muli %add3A_1484, %mul3A_1485 : i32
        %add3A_1487 = arith.constant 848 : i32
        %add3A_1488 = arith.addi %add3A_1487, %mul3A_1486 : i32
        %add3A_1489 = arith.constant 0 : i32
        %add3A_1490 = arith.addi %add3A_1488, %add3A_1489 : i32
        %mul3A_1491 = arith.constant 16 : i32
        %mul3A_1492 = arith.muli %add3A_1490, %mul3A_1491 : i32
        %get3A_1493 = arith.index_cast %mul3A_1492 : i32 to index
        %get3A_1494 = tpu.vector_load %arg14[%get3A_1493] {strides = array<i32>} : memref<16384xf32, #tpu.memory_space<vmem>>, vector<16xf32>,
        %mul3A_1495 = arith.constant 6 : i32
        %mul3A_1496 = arith.muli %scan3A_1254, %mul3A_1495 : i32
        %add3A_1497 = arith.constant 0 : i32
        %add3A_1498 = arith.addi %mul3A_1496, %add3A_1497 : i32
        %mul3A_1499 = arith.constant 3 : i32
        %mul3A_1500 = arith.muli %add3A_1498, %mul3A_1499 : i32
        %add3A_1501 = arith.constant 848 : i32
        %add3A_1502 = arith.addi %add3A_1501, %mul3A_1500 : i32
        %add3A_1503 = arith.constant 1 : i32
        %add3A_1504 = arith.addi %add3A_1502, %add3A_1503 : i32
        %mul3A_1505 = arith.constant 16 : i32
        %mul3A_1506 = arith.muli %add3A_1504, %mul3A_1505 : i32
        %get3A_1507 = arith.index_cast %mul3A_1506 : i32 to index
        %get3A_1508 = tpu.vector_load %arg14[%get3A_1507] {strides = array<i32>} : memref<16384xf32, #tpu.memory_space<vmem>>, vector<16xf32>,
        %mul3A_1509 = arith.constant 6 : i32
        %mul3A_1510 = arith.muli %scan3A_1254, %mul3A_1509 : i32
        %add3A_1511 = arith.constant 0 : i32
        %add3A_1512 = arith.addi %mul3A_1510, %add3A_1511 : i32
        %mul3A_1513 = arith.constant 3 : i32
        %mul3A_1514 = arith.muli %add3A_1512, %mul3A_1513 : i32
        %add3A_1515 = arith.constant 848 : i32
        %add3A_1516 = arith.addi %add3A_1515, %mul3A_1514 : i32
        %add3A_1517 = arith.constant 2 : i32
        %add3A_1518 = arith.addi %add3A_1516, %add3A_1517 : i32
        %mul3A_1519 = arith.constant 16 : i32
        %mul3A_1520 = arith.muli %add3A_1518, %mul3A_1519 : i32
        %get3A_1521 = arith.index_cast %mul3A_1520 : i32 to index
        %get3A_1522 = tpu.vector_load %arg14[%get3A_1521] {strides = array<i32>} : memref<16384xf32, #tpu.memory_space<vmem>>, vector<16xf32>,
        %add3A_1523 = arith.addf %get3A_1264, %get3A_1314 : vector<16xf32>
        %add3A_1524 = arith.addf %add3A_1523, %get3A_1334 : vector<16xf32>
        %add3A_1525 = arith.addf %get3A_1354, %get3A_1404 : vector<16xf32>
        %add3A_1526 = arith.addf %add3A_1525, %get3A_1424 : vector<16xf32>
        %mul3A_1527 = arith.constant 6 : i32
        %mul3A_1528 = arith.muli %scan3A_1254, %mul3A_1527 : i32
        %add3A_1529 = arith.constant 1 : i32
        %add3A_1530 = arith.addi %mul3A_1528, %add3A_1529 : i32
        %mul3A_1531 = arith.constant 3 : i32
        %mul3A_1532 = arith.muli %add3A_1530, %mul3A_1531 : i32
        %add3A_1533 = arith.constant 704 : i32
        %add3A_1534 = arith.addi %add3A_1533, %mul3A_1532 : i32
        %add3A_1535 = arith.constant 0 : i32
        %add3A_1536 = arith.addi %add3A_1534, %add3A_1535 : i32
        %mul3A_1537 = arith.constant 16 : i32
        %mul3A_1538 = arith.muli %add3A_1536, %mul3A_1537 : i32
        %get3A_1539 = arith.index_cast %mul3A_1538 : i32 to index
        %get3A_1540 = tpu.vector_load %arg14[%get3A_1539] {strides = array<i32>} : memref<16384xf32, #tpu.memory_space<vmem>>, vector<16xf32>,
        %mul3A_1541 = arith.constant 6 : i32
        %mul3A_1542 = arith.muli %scan3A_1254, %mul3A_1541 : i32
        %add3A_1543 = arith.constant 1 : i32
        %add3A_1544 = arith.addi %mul3A_1542, %add3A_1543 : i32
        %mul3A_1545 = arith.constant 3 : i32
        %mul3A_1546 = arith.muli %add3A_1544, %mul3A_1545 : i32
        %add3A_1547 = arith.constant 704 : i32
        %add3A_1548 = arith.addi %add3A_1547, %mul3A_1546 : i32
        %add3A_1549 = arith.constant 1 : i32
        %add3A_1550 = arith.addi %add3A_1548, %add3A_1549 : i32
        %mul3A_1551 = arith.constant 16 : i32
        %mul3A_1552 = arith.muli %add3A_1550, %mul3A_1551 : i32
        %get3A_1553 = arith.index_cast %mul3A_1552 : i32 to index
        %get3A_1554 = tpu.vector_load %arg14[%get3A_1553] {strides = array<i32>} : memref<16384xf32, #tpu.memory_space<vmem>>, vector<16xf32>,
        %mul3A_1555 = arith.constant 6 : i32
        %mul3A_1556 = arith.muli %scan3A_1254, %mul3A_1555 : i32
        %add3A_1557 = arith.constant 1 : i32
        %add3A_1558 = arith.addi %mul3A_1556, %add3A_1557 : i32
        %mul3A_1559 = arith.constant 3 : i32
        %mul3A_1560 = arith.muli %add3A_1558, %mul3A_1559 : i32
        %add3A_1561 = arith.constant 704 : i32
        %add3A_1562 = arith.addi %add3A_1561, %mul3A_1560 : i32
        %add3A_1563 = arith.constant 2 : i32
        %add3A_1564 = arith.addi %add3A_1562, %add3A_1563 : i32
        %mul3A_1565 = arith.constant 16 : i32
        %mul3A_1566 = arith.muli %add3A_1564, %mul3A_1565 : i32
        %get3A_1567 = arith.index_cast %mul3A_1566 : i32 to index
        %get3A_1568 = tpu.vector_load %arg14[%get3A_1567] {strides = array<i32>} : memref<16384xf32, #tpu.memory_space<vmem>>, vector<16xf32>,
        %mul3A_1569 = arith.constant 6 : i32
        %mul3A_1570 = arith.muli %scan3A_1254, %mul3A_1569 : i32
        %add3A_1571 = arith.constant 1 : i32
        %add3A_1572 = arith.addi %mul3A_1570, %add3A_1571 : i32
        %mul3A_1573 = arith.constant 3 : i32
        %mul3A_1574 = arith.muli %add3A_1572, %mul3A_1573 : i32
        %add3A_1575 = arith.constant 848 : i32
        %add3A_1576 = arith.addi %add3A_1575, %mul3A_1574 : i32
        %add3A_1577 = arith.constant 0 : i32
        %add3A_1578 = arith.addi %add3A_1576, %add3A_1577 : i32
        %mul3A_1579 = arith.constant 16 : i32
        %mul3A_1580 = arith.muli %add3A_1578, %mul3A_1579 : i32
        %get3A_1581 = arith.index_cast %mul3A_1580 : i32 to index
        %get3A_1582 = tpu.vector_load %arg14[%get3A_1581] {strides = array<i32>} : memref<16384xf32, #tpu.memory_space<vmem>>, vector<16xf32>,
        %mul3A_1583 = arith.constant 6 : i32
        %mul3A_1584 = arith.muli %scan3A_1254, %mul3A_1583 : i32
        %add3A_1585 = arith.constant 1 : i32
        %add3A_1586 = arith.addi %mul3A_1584, %add3A_1585 : i32
        %mul3A_1587 = arith.constant 3 : i32
        %mul3A_1588 = arith.muli %add3A_1586, %mul3A_1587 : i32
        %add3A_1589 = arith.constant 848 : i32
        %add3A_1590 = arith.addi %add3A_1589, %mul3A_1588 : i32
        %add3A_1591 = arith.constant 1 : i32
        %add3A_1592 = arith.addi %add3A_1590, %add3A_1591 : i32
        %mul3A_1593 = arith.constant 16 : i32
        %mul3A_1594 = arith.muli %add3A_1592, %mul3A_1593 : i32
        %get3A_1595 = arith.index_cast %mul3A_1594 : i32 to index
        %get3A_1596 = tpu.vector_load %arg14[%get3A_1595] {strides = array<i32>} : memref<16384xf32, #tpu.memory_space<vmem>>, vector<16xf32>,
        %mul3A_1597 = arith.constant 6 : i32
        %mul3A_1598 = arith.muli %scan3A_1254, %mul3A_1597 : i32
        %add3A_1599 = arith.constant 1 : i32
        %add3A_1600 = arith.addi %mul3A_1598, %add3A_1599 : i32
        %mul3A_1601 = arith.constant 3 : i32
        %mul3A_1602 = arith.muli %add3A_1600, %mul3A_1601 : i32
        %add3A_1603 = arith.constant 848 : i32
        %add3A_1604 = arith.addi %add3A_1603, %mul3A_1602 : i32
        %add3A_1605 = arith.constant 2 : i32
        %add3A_1606 = arith.addi %add3A_1604, %add3A_1605 : i32
        %mul3A_1607 = arith.constant 16 : i32
        %mul3A_1608 = arith.muli %add3A_1606, %mul3A_1607 : i32
        %get3A_1609 = arith.index_cast %mul3A_1608 : i32 to index
        %get3A_1610 = tpu.vector_load %arg14[%get3A_1609] {strides = array<i32>} : memref<16384xf32, #tpu.memory_space<vmem>>, vector<16xf32>,
        %gt3A = arith.cmpf ogt, %add3A_1524, %add3A_1436 : vector<16xf32>
        %select_n3A = arith.select %gt3A, %add3A_1524, %add3A_1436 : vector<16xi1>, vector<16xf32>
        %select_n3A_1611 = arith.select %gt3A, %add3A_1526, %add3A_1438 : vector<16xi1>, vector<16xf32>
        %select_n3A_1612 = arith.select %gt3A, %get3A_1540, %get3A_1452 : vector<16xi1>, vector<16xf32>
        %select_n3A_1613 = arith.select %gt3A, %get3A_1554, %get3A_1466 : vector<16xi1>, vector<16xf32>
        %select_n3A_1614 = arith.select %gt3A, %get3A_1568, %get3A_1480 : vector<16xi1>, vector<16xf32>
        %select_n3A_1615 = arith.select %gt3A, %get3A_1582, %get3A_1494 : vector<16xi1>, vector<16xf32>
        %select_n3A_1616 = arith.select %gt3A, %get3A_1596, %get3A_1508 : vector<16xi1>, vector<16xf32>
        %select_n3A_1617 = arith.select %gt3A, %get3A_1610, %get3A_1522 : vector<16xi1>, vector<16xf32>
        %add3A_1618 = arith.addf %get3A_1274, %get3A_1294 : vector<16xf32>
        %add3A_1619 = arith.addf %add3A_1618, %get3A_1344 : vector<16xf32>
        %add3A_1620 = arith.addf %get3A_1364, %get3A_1384 : vector<16xf32>
        %add3A_1621 = arith.addf %add3A_1620, %get3A_1434 : vector<16xf32>
        %mul3A_1622 = arith.constant 6 : i32
        %mul3A_1623 = arith.muli %scan3A_1254, %mul3A_1622 : i32
        %add3A_1624 = arith.constant 2 : i32
        %add3A_1625 = arith.addi %mul3A_1623, %add3A_1624 : i32
        %mul3A_1626 = arith.constant 3 : i32
        %mul3A_1627 = arith.muli %add3A_1625, %mul3A_1626 : i32
        %add3A_1628 = arith.constant 704 : i32
        %add3A_1629 = arith.addi %add3A_1628, %mul3A_1627 : i32
        %add3A_1630 = arith.constant 0 : i32
        %add3A_1631 = arith.addi %add3A_1629, %add3A_1630 : i32
        %mul3A_1632 = arith.constant 16 : i32
        %mul3A_1633 = arith.muli %add3A_1631, %mul3A_1632 : i32
        %get3A_1634 = arith.index_cast %mul3A_1633 : i32 to index
        %get3A_1635 = tpu.vector_load %arg14[%get3A_1634] {strides = array<i32>} : memref<16384xf32, #tpu.memory_space<vmem>>, vector<16xf32>,
        %mul3A_1636 = arith.constant 6 : i32
        %mul3A_1637 = arith.muli %scan3A_1254, %mul3A_1636 : i32
        %add3A_1638 = arith.constant 2 : i32
        %add3A_1639 = arith.addi %mul3A_1637, %add3A_1638 : i32
        %mul3A_1640 = arith.constant 3 : i32
        %mul3A_1641 = arith.muli %add3A_1639, %mul3A_1640 : i32
        %add3A_1642 = arith.constant 704 : i32
        %add3A_1643 = arith.addi %add3A_1642, %mul3A_1641 : i32
        %add3A_1644 = arith.constant 1 : i32
        %add3A_1645 = arith.addi %add3A_1643, %add3A_1644 : i32
        %mul3A_1646 = arith.constant 16 : i32
        %mul3A_1647 = arith.muli %add3A_1645, %mul3A_1646 : i32
        %get3A_1648 = arith.index_cast %mul3A_1647 : i32 to index
        %get3A_1649 = tpu.vector_load %arg14[%get3A_1648] {strides = array<i32>} : memref<16384xf32, #tpu.memory_space<vmem>>, vector<16xf32>,
        %mul3A_1650 = arith.constant 6 : i32
        %mul3A_1651 = arith.muli %scan3A_1254, %mul3A_1650 : i32
        %add3A_1652 = arith.constant 2 : i32
        %add3A_1653 = arith.addi %mul3A_1651, %add3A_1652 : i32
        %mul3A_1654 = arith.constant 3 : i32
        %mul3A_1655 = arith.muli %add3A_1653, %mul3A_1654 : i32
        %add3A_1656 = arith.constant 704 : i32
        %add3A_1657 = arith.addi %add3A_1656, %mul3A_1655 : i32
        %add3A_1658 = arith.constant 2 : i32
        %add3A_1659 = arith.addi %add3A_1657, %add3A_1658 : i32
        %mul3A_1660 = arith.constant 16 : i32
        %mul3A_1661 = arith.muli %add3A_1659, %mul3A_1660 : i32
        %get3A_1662 = arith.index_cast %mul3A_1661 : i32 to index
        %get3A_1663 = tpu.vector_load %arg14[%get3A_1662] {strides = array<i32>} : memref<16384xf32, #tpu.memory_space<vmem>>, vector<16xf32>,
        %mul3A_1664 = arith.constant 6 : i32
        %mul3A_1665 = arith.muli %scan3A_1254, %mul3A_1664 : i32
        %add3A_1666 = arith.constant 2 : i32
        %add3A_1667 = arith.addi %mul3A_1665, %add3A_1666 : i32
        %mul3A_1668 = arith.constant 3 : i32
        %mul3A_1669 = arith.muli %add3A_1667, %mul3A_1668 : i32
        %add3A_1670 = arith.constant 848 : i32
        %add3A_1671 = arith.addi %add3A_1670, %mul3A_1669 : i32
        %add3A_1672 = arith.constant 0 : i32
        %add3A_1673 = arith.addi %add3A_1671, %add3A_1672 : i32
        %mul3A_1674 = arith.constant 16 : i32
        %mul3A_1675 = arith.muli %add3A_1673, %mul3A_1674 : i32
        %get3A_1676 = arith.index_cast %mul3A_1675 : i32 to index
        %get3A_1677 = tpu.vector_load %arg14[%get3A_1676] {strides = array<i32>} : memref<16384xf32, #tpu.memory_space<vmem>>, vector<16xf32>,
        %mul3A_1678 = arith.constant 6 : i32
        %mul3A_1679 = arith.muli %scan3A_1254, %mul3A_1678 : i32
        %add3A_1680 = arith.constant 2 : i32
        %add3A_1681 = arith.addi %mul3A_1679, %add3A_1680 : i32
        %mul3A_1682 = arith.constant 3 : i32
        %mul3A_1683 = arith.muli %add3A_1681, %mul3A_1682 : i32
        %add3A_1684 = arith.constant 848 : i32
        %add3A_1685 = arith.addi %add3A_1684, %mul3A_1683 : i32
        %add3A_1686 = arith.constant 1 : i32
        %add3A_1687 = arith.addi %add3A_1685, %add3A_1686 : i32
        %mul3A_1688 = arith.constant 16 : i32
        %mul3A_1689 = arith.muli %add3A_1687, %mul3A_1688 : i32
        %get3A_1690 = arith.index_cast %mul3A_1689 : i32 to index
        %get3A_1691 = tpu.vector_load %arg14[%get3A_1690] {strides = array<i32>} : memref<16384xf32, #tpu.memory_space<vmem>>, vector<16xf32>,
        %mul3A_1692 = arith.constant 6 : i32
        %mul3A_1693 = arith.muli %scan3A_1254, %mul3A_1692 : i32
        %add3A_1694 = arith.constant 2 : i32
        %add3A_1695 = arith.addi %mul3A_1693, %add3A_1694 : i32
        %mul3A_1696 = arith.constant 3 : i32
        %mul3A_1697 = arith.muli %add3A_1695, %mul3A_1696 : i32
        %add3A_1698 = arith.constant 848 : i32
        %add3A_1699 = arith.addi %add3A_1698, %mul3A_1697 : i32
        %add3A_1700 = arith.constant 2 : i32
        %add3A_1701 = arith.addi %add3A_1699, %add3A_1700 : i32
        %mul3A_1702 = arith.constant 16 : i32
        %mul3A_1703 = arith.muli %add3A_1701, %mul3A_1702 : i32
        %get3A_1704 = arith.index_cast %mul3A_1703 : i32 to index
        %get3A_1705 = tpu.vector_load %arg14[%get3A_1704] {strides = array<i32>} : memref<16384xf32, #tpu.memory_space<vmem>>, vector<16xf32>,
        %gt3A_1706 = arith.cmpf ogt, %add3A_1619, %select_n3A : vector<16xf32>
        %select_n3A_1707 = arith.select %gt3A_1706, %add3A_1619, %select_n3A : vector<16xi1>, vector<16xf32>
        %select_n3A_1708 = arith.select %gt3A_1706, %add3A_1621, %select_n3A_1611 : vector<16xi1>, vector<16xf32>
        %select_n3A_1709 = arith.select %gt3A_1706, %get3A_1635, %select_n3A_1612 : vector<16xi1>, vector<16xf32>
        %select_n3A_1710 = arith.select %gt3A_1706, %get3A_1649, %select_n3A_1613 : vector<16xi1>, vector<16xf32>
        %select_n3A_1711 = arith.select %gt3A_1706, %get3A_1663, %select_n3A_1614 : vector<16xi1>, vector<16xf32>
        %select_n3A_1712 = arith.select %gt3A_1706, %get3A_1677, %select_n3A_1615 : vector<16xi1>, vector<16xf32>
        %select_n3A_1713 = arith.select %gt3A_1706, %get3A_1691, %select_n3A_1616 : vector<16xi1>, vector<16xf32>
        %select_n3A_1714 = arith.select %gt3A_1706, %get3A_1705, %select_n3A_1617 : vector<16xi1>, vector<16xf32>
        %add3A_1715 = arith.addf %get3A_1274, %get3A_1314 : vector<16xf32>
        %add3A_1716 = arith.addf %add3A_1715, %get3A_1324 : vector<16xf32>
        %add3A_1717 = arith.addf %get3A_1364, %get3A_1404 : vector<16xf32>
        %add3A_1718 = arith.addf %add3A_1717, %get3A_1414 : vector<16xf32>
        %mul3A_1719 = arith.constant 6 : i32
        %mul3A_1720 = arith.muli %scan3A_1254, %mul3A_1719 : i32
        %add3A_1721 = arith.constant 3 : i32
        %add3A_1722 = arith.addi %mul3A_1720, %add3A_1721 : i32
        %mul3A_1723 = arith.constant 3 : i32
        %mul3A_1724 = arith.muli %add3A_1722, %mul3A_1723 : i32
        %add3A_1725 = arith.constant 704 : i32
        %add3A_1726 = arith.addi %add3A_1725, %mul3A_1724 : i32
        %add3A_1727 = arith.constant 0 : i32
        %add3A_1728 = arith.addi %add3A_1726, %add3A_1727 : i32
        %mul3A_1729 = arith.constant 16 : i32
        %mul3A_1730 = arith.muli %add3A_1728, %mul3A_1729 : i32
        %get3A_1731 = arith.index_cast %mul3A_1730 : i32 to index
        %get3A_1732 = tpu.vector_load %arg14[%get3A_1731] {strides = array<i32>} : memref<16384xf32, #tpu.memory_space<vmem>>, vector<16xf32>,
        %mul3A_1733 = arith.constant 6 : i32
        %mul3A_1734 = arith.muli %scan3A_1254, %mul3A_1733 : i32
        %add3A_1735 = arith.constant 3 : i32
        %add3A_1736 = arith.addi %mul3A_1734, %add3A_1735 : i32
        %mul3A_1737 = arith.constant 3 : i32
        %mul3A_1738 = arith.muli %add3A_1736, %mul3A_1737 : i32
        %add3A_1739 = arith.constant 704 : i32
        %add3A_1740 = arith.addi %add3A_1739, %mul3A_1738 : i32
        %add3A_1741 = arith.constant 1 : i32
        %add3A_1742 = arith.addi %add3A_1740, %add3A_1741 : i32
        %mul3A_1743 = arith.constant 16 : i32
        %mul3A_1744 = arith.muli %add3A_1742, %mul3A_1743 : i32
        %get3A_1745 = arith.index_cast %mul3A_1744 : i32 to index
        %get3A_1746 = tpu.vector_load %arg14[%get3A_1745] {strides = array<i32>} : memref<16384xf32, #tpu.memory_space<vmem>>, vector<16xf32>,
        %mul3A_1747 = arith.constant 6 : i32
        %mul3A_1748 = arith.muli %scan3A_1254, %mul3A_1747 : i32
        %add3A_1749 = arith.constant 3 : i32
        %add3A_1750 = arith.addi %mul3A_1748, %add3A_1749 : i32
        %mul3A_1751 = arith.constant 3 : i32
        %mul3A_1752 = arith.muli %add3A_1750, %mul3A_1751 : i32
        %add3A_1753 = arith.constant 704 : i32
        %add3A_1754 = arith.addi %add3A_1753, %mul3A_1752 : i32
        %add3A_1755 = arith.constant 2 : i32
        %add3A_1756 = arith.addi %add3A_1754, %add3A_1755 : i32
        %mul3A_1757 = arith.constant 16 : i32
        %mul3A_1758 = arith.muli %add3A_1756, %mul3A_1757 : i32
        %get3A_1759 = arith.index_cast %mul3A_1758 : i32 to index
        %get3A_1760 = tpu.vector_load %arg14[%get3A_1759] {strides = array<i32>} : memref<16384xf32, #tpu.memory_space<vmem>>, vector<16xf32>,
        %mul3A_1761 = arith.constant 6 : i32
        %mul3A_1762 = arith.muli %scan3A_1254, %mul3A_1761 : i32
        %add3A_1763 = arith.constant 3 : i32
        %add3A_1764 = arith.addi %mul3A_1762, %add3A_1763 : i32
        %mul3A_1765 = arith.constant 3 : i32
        %mul3A_1766 = arith.muli %add3A_1764, %mul3A_1765 : i32
        %add3A_1767 = arith.constant 848 : i32
        %add3A_1768 = arith.addi %add3A_1767, %mul3A_1766 : i32
        %add3A_1769 = arith.constant 0 : i32
        %add3A_1770 = arith.addi %add3A_1768, %add3A_1769 : i32
        %mul3A_1771 = arith.constant 16 : i32
        %mul3A_1772 = arith.muli %add3A_1770, %mul3A_1771 : i32
        %get3A_1773 = arith.index_cast %mul3A_1772 : i32 to index
        %get3A_1774 = tpu.vector_load %arg14[%get3A_1773] {strides = array<i32>} : memref<16384xf32, #tpu.memory_space<vmem>>, vector<16xf32>,
        %mul3A_1775 = arith.constant 6 : i32
        %mul3A_1776 = arith.muli %scan3A_1254, %mul3A_1775 : i32
        %add3A_1777 = arith.constant 3 : i32
        %add3A_1778 = arith.addi %mul3A_1776, %add3A_1777 : i32
        %mul3A_1779 = arith.constant 3 : i32
        %mul3A_1780 = arith.muli %add3A_1778, %mul3A_1779 : i32
        %add3A_1781 = arith.constant 848 : i32
        %add3A_1782 = arith.addi %add3A_1781, %mul3A_1780 : i32
        %add3A_1783 = arith.constant 1 : i32
        %add3A_1784 = arith.addi %add3A_1782, %add3A_1783 : i32
        %mul3A_1785 = arith.constant 16 : i32
        %mul3A_1786 = arith.muli %add3A_1784, %mul3A_1785 : i32
        %get3A_1787 = arith.index_cast %mul3A_1786 : i32 to index
        %get3A_1788 = tpu.vector_load %arg14[%get3A_1787] {strides = array<i32>} : memref<16384xf32, #tpu.memory_space<vmem>>, vector<16xf32>,
        %mul3A_1789 = arith.constant 6 : i32
        %mul3A_1790 = arith.muli %scan3A_1254, %mul3A_1789 : i32
        %add3A_1791 = arith.constant 3 : i32
        %add3A_1792 = arith.addi %mul3A_1790, %add3A_1791 : i32
        %mul3A_1793 = arith.constant 3 : i32
        %mul3A_1794 = arith.muli %add3A_1792, %mul3A_1793 : i32
        %add3A_1795 = arith.constant 848 : i32
        %add3A_1796 = arith.addi %add3A_1795, %mul3A_1794 : i32
        %add3A_1797 = arith.constant 2 : i32
        %add3A_1798 = arith.addi %add3A_1796, %add3A_1797 : i32
        %mul3A_1799 = arith.constant 16 : i32
        %mul3A_1800 = arith.muli %add3A_1798, %mul3A_1799 : i32
        %get3A_1801 = arith.index_cast %mul3A_1800 : i32 to index
        %get3A_1802 = tpu.vector_load %arg14[%get3A_1801] {strides = array<i32>} : memref<16384xf32, #tpu.memory_space<vmem>>, vector<16xf32>,
        %gt3A_1803 = arith.cmpf ogt, %add3A_1716, %select_n3A_1707 : vector<16xf32>
        %select_n3A_1804 = arith.select %gt3A_1803, %add3A_1716, %select_n3A_1707 : vector<16xi1>, vector<16xf32>
        %select_n3A_1805 = arith.select %gt3A_1803, %add3A_1718, %select_n3A_1708 : vector<16xi1>, vector<16xf32>
        %select_n3A_1806 = arith.select %gt3A_1803, %get3A_1732, %select_n3A_1709 : vector<16xi1>, vector<16xf32>
        %select_n3A_1807 = arith.select %gt3A_1803, %get3A_1746, %select_n3A_1710 : vector<16xi1>, vector<16xf32>
        %select_n3A_1808 = arith.select %gt3A_1803, %get3A_1760, %select_n3A_1711 : vector<16xi1>, vector<16xf32>
        %select_n3A_1809 = arith.select %gt3A_1803, %get3A_1774, %select_n3A_1712 : vector<16xi1>, vector<16xf32>
        %select_n3A_1810 = arith.select %gt3A_1803, %get3A_1788, %select_n3A_1713 : vector<16xi1>, vector<16xf32>
        %select_n3A_1811 = arith.select %gt3A_1803, %get3A_1802, %select_n3A_1714 : vector<16xi1>, vector<16xf32>
        %add3A_1812 = arith.addf %get3A_1284, %get3A_1294 : vector<16xf32>
        %add3A_1813 = arith.addf %add3A_1812, %get3A_1334 : vector<16xf32>
        %add3A_1814 = arith.addf %get3A_1374, %get3A_1384 : vector<16xf32>
        %add3A_1815 = arith.addf %add3A_1814, %get3A_1424 : vector<16xf32>
        %mul3A_1816 = arith.constant 6 : i32
        %mul3A_1817 = arith.muli %scan3A_1254, %mul3A_1816 : i32
        %add3A_1818 = arith.constant 4 : i32
        %add3A_1819 = arith.addi %mul3A_1817, %add3A_1818 : i32
        %mul3A_1820 = arith.constant 3 : i32
        %mul3A_1821 = arith.muli %add3A_1819, %mul3A_1820 : i32
        %add3A_1822 = arith.constant 704 : i32
        %add3A_1823 = arith.addi %add3A_1822, %mul3A_1821 : i32
        %add3A_1824 = arith.constant 0 : i32
        %add3A_1825 = arith.addi %add3A_1823, %add3A_1824 : i32
        %mul3A_1826 = arith.constant 16 : i32
        %mul3A_1827 = arith.muli %add3A_1825, %mul3A_1826 : i32
        %get3A_1828 = arith.index_cast %mul3A_1827 : i32 to index
        %get3A_1829 = tpu.vector_load %arg14[%get3A_1828] {strides = array<i32>} : memref<16384xf32, #tpu.memory_space<vmem>>, vector<16xf32>,
        %mul3A_1830 = arith.constant 6 : i32
        %mul3A_1831 = arith.muli %scan3A_1254, %mul3A_1830 : i32
        %add3A_1832 = arith.constant 4 : i32
        %add3A_1833 = arith.addi %mul3A_1831, %add3A_1832 : i32
        %mul3A_1834 = arith.constant 3 : i32
        %mul3A_1835 = arith.muli %add3A_1833, %mul3A_1834 : i32
        %add3A_1836 = arith.constant 704 : i32
        %add3A_1837 = arith.addi %add3A_1836, %mul3A_1835 : i32
        %add3A_1838 = arith.constant 1 : i32
        %add3A_1839 = arith.addi %add3A_1837, %add3A_1838 : i32
        %mul3A_1840 = arith.constant 16 : i32
        %mul3A_1841 = arith.muli %add3A_1839, %mul3A_1840 : i32
        %get3A_1842 = arith.index_cast %mul3A_1841 : i32 to index
        %get3A_1843 = tpu.vector_load %arg14[%get3A_1842] {strides = array<i32>} : memref<16384xf32, #tpu.memory_space<vmem>>, vector<16xf32>,
        %mul3A_1844 = arith.constant 6 : i32
        %mul3A_1845 = arith.muli %scan3A_1254, %mul3A_1844 : i32
        %add3A_1846 = arith.constant 4 : i32
        %add3A_1847 = arith.addi %mul3A_1845, %add3A_1846 : i32
        %mul3A_1848 = arith.constant 3 : i32
        %mul3A_1849 = arith.muli %add3A_1847, %mul3A_1848 : i32
        %add3A_1850 = arith.constant 704 : i32
        %add3A_1851 = arith.addi %add3A_1850, %mul3A_1849 : i32
        %add3A_1852 = arith.constant 2 : i32
        %add3A_1853 = arith.addi %add3A_1851, %add3A_1852 : i32
        %mul3A_1854 = arith.constant 16 : i32
        %mul3A_1855 = arith.muli %add3A_1853, %mul3A_1854 : i32
        %get3A_1856 = arith.index_cast %mul3A_1855 : i32 to index
        %get3A_1857 = tpu.vector_load %arg14[%get3A_1856] {strides = array<i32>} : memref<16384xf32, #tpu.memory_space<vmem>>, vector<16xf32>,
        %mul3A_1858 = arith.constant 6 : i32
        %mul3A_1859 = arith.muli %scan3A_1254, %mul3A_1858 : i32
        %add3A_1860 = arith.constant 4 : i32
        %add3A_1861 = arith.addi %mul3A_1859, %add3A_1860 : i32
        %mul3A_1862 = arith.constant 3 : i32
        %mul3A_1863 = arith.muli %add3A_1861, %mul3A_1862 : i32
        %add3A_1864 = arith.constant 848 : i32
        %add3A_1865 = arith.addi %add3A_1864, %mul3A_1863 : i32
        %add3A_1866 = arith.constant 0 : i32
        %add3A_1867 = arith.addi %add3A_1865, %add3A_1866 : i32
        %mul3A_1868 = arith.constant 16 : i32
        %mul3A_1869 = arith.muli %add3A_1867, %mul3A_1868 : i32
        %get3A_1870 = arith.index_cast %mul3A_1869 : i32 to index
        %get3A_1871 = tpu.vector_load %arg14[%get3A_1870] {strides = array<i32>} : memref<16384xf32, #tpu.memory_space<vmem>>, vector<16xf32>,
        %mul3A_1872 = arith.constant 6 : i32
        %mul3A_1873 = arith.muli %scan3A_1254, %mul3A_1872 : i32
        %add3A_1874 = arith.constant 4 : i32
        %add3A_1875 = arith.addi %mul3A_1873, %add3A_1874 : i32
        %mul3A_1876 = arith.constant 3 : i32
        %mul3A_1877 = arith.muli %add3A_1875, %mul3A_1876 : i32
        %add3A_1878 = arith.constant 848 : i32
        %add3A_1879 = arith.addi %add3A_1878, %mul3A_1877 : i32
        %add3A_1880 = arith.constant 1 : i32
        %add3A_1881 = arith.addi %add3A_1879, %add3A_1880 : i32
        %mul3A_1882 = arith.constant 16 : i32
        %mul3A_1883 = arith.muli %add3A_1881, %mul3A_1882 : i32
        %get3A_1884 = arith.index_cast %mul3A_1883 : i32 to index
        %get3A_1885 = tpu.vector_load %arg14[%get3A_1884] {strides = array<i32>} : memref<16384xf32, #tpu.memory_space<vmem>>, vector<16xf32>,
        %mul3A_1886 = arith.constant 6 : i32
        %mul3A_1887 = arith.muli %scan3A_1254, %mul3A_1886 : i32
        %add3A_1888 = arith.constant 4 : i32
        %add3A_1889 = arith.addi %mul3A_1887, %add3A_1888 : i32
        %mul3A_1890 = arith.constant 3 : i32
        %mul3A_1891 = arith.muli %add3A_1889, %mul3A_1890 : i32
        %add3A_1892 = arith.constant 848 : i32
        %add3A_1893 = arith.addi %add3A_1892, %mul3A_1891 : i32
        %add3A_1894 = arith.constant 2 : i32
        %add3A_1895 = arith.addi %add3A_1893, %add3A_1894 : i32
        %mul3A_1896 = arith.constant 16 : i32
        %mul3A_1897 = arith.muli %add3A_1895, %mul3A_1896 : i32
        %get3A_1898 = arith.index_cast %mul3A_1897 : i32 to index
        %get3A_1899 = tpu.vector_load %arg14[%get3A_1898] {strides = array<i32>} : memref<16384xf32, #tpu.memory_space<vmem>>, vector<16xf32>,
        %gt3A_1900 = arith.cmpf ogt, %add3A_1813, %select_n3A_1804 : vector<16xf32>
        %select_n3A_1901 = arith.select %gt3A_1900, %add3A_1813, %select_n3A_1804 : vector<16xi1>, vector<16xf32>
        %select_n3A_1902 = arith.select %gt3A_1900, %add3A_1815, %select_n3A_1805 : vector<16xi1>, vector<16xf32>
        %select_n3A_1903 = arith.select %gt3A_1900, %get3A_1829, %select_n3A_1806 : vector<16xi1>, vector<16xf32>
        %select_n3A_1904 = arith.select %gt3A_1900, %get3A_1843, %select_n3A_1807 : vector<16xi1>, vector<16xf32>
        %select_n3A_1905 = arith.select %gt3A_1900, %get3A_1857, %select_n3A_1808 : vector<16xi1>, vector<16xf32>
        %select_n3A_1906 = arith.select %gt3A_1900, %get3A_1871, %select_n3A_1809 : vector<16xi1>, vector<16xf32>
        %select_n3A_1907 = arith.select %gt3A_1900, %get3A_1885, %select_n3A_1810 : vector<16xi1>, vector<16xf32>
        %select_n3A_1908 = arith.select %gt3A_1900, %get3A_1899, %select_n3A_1811 : vector<16xi1>, vector<16xf32>
        %add3A_1909 = arith.addf %get3A_1284, %get3A_1304 : vector<16xf32>
        %add3A_1910 = arith.addf %add3A_1909, %get3A_1324 : vector<16xf32>
        %add3A_1911 = arith.addf %get3A_1374, %get3A_1394 : vector<16xf32>
        %add3A_1912 = arith.addf %add3A_1911, %get3A_1414 : vector<16xf32>
        %mul3A_1913 = arith.constant 6 : i32
        %mul3A_1914 = arith.muli %scan3A_1254, %mul3A_1913 : i32
        %add3A_1915 = arith.constant 5 : i32
        %add3A_1916 = arith.addi %mul3A_1914, %add3A_1915 : i32
        %mul3A_1917 = arith.constant 3 : i32
        %mul3A_1918 = arith.muli %add3A_1916, %mul3A_1917 : i32
        %add3A_1919 = arith.constant 704 : i32
        %add3A_1920 = arith.addi %add3A_1919, %mul3A_1918 : i32
        %add3A_1921 = arith.constant 0 : i32
        %add3A_1922 = arith.addi %add3A_1920, %add3A_1921 : i32
        %mul3A_1923 = arith.constant 16 : i32
        %mul3A_1924 = arith.muli %add3A_1922, %mul3A_1923 : i32
        %get3A_1925 = arith.index_cast %mul3A_1924 : i32 to index
        %get3A_1926 = tpu.vector_load %arg14[%get3A_1925] {strides = array<i32>} : memref<16384xf32, #tpu.memory_space<vmem>>, vector<16xf32>,
        %mul3A_1927 = arith.constant 6 : i32
        %mul3A_1928 = arith.muli %scan3A_1254, %mul3A_1927 : i32
        %add3A_1929 = arith.constant 5 : i32
        %add3A_1930 = arith.addi %mul3A_1928, %add3A_1929 : i32
        %mul3A_1931 = arith.constant 3 : i32
        %mul3A_1932 = arith.muli %add3A_1930, %mul3A_1931 : i32
        %add3A_1933 = arith.constant 704 : i32
        %add3A_1934 = arith.addi %add3A_1933, %mul3A_1932 : i32
        %add3A_1935 = arith.constant 1 : i32
        %add3A_1936 = arith.addi %add3A_1934, %add3A_1935 : i32
        %mul3A_1937 = arith.constant 16 : i32
        %mul3A_1938 = arith.muli %add3A_1936, %mul3A_1937 : i32
        %get3A_1939 = arith.index_cast %mul3A_1938 : i32 to index
        %get3A_1940 = tpu.vector_load %arg14[%get3A_1939] {strides = array<i32>} : memref<16384xf32, #tpu.memory_space<vmem>>, vector<16xf32>,
        %mul3A_1941 = arith.constant 6 : i32
        %mul3A_1942 = arith.muli %scan3A_1254, %mul3A_1941 : i32
        %add3A_1943 = arith.constant 5 : i32
        %add3A_1944 = arith.addi %mul3A_1942, %add3A_1943 : i32
        %mul3A_1945 = arith.constant 3 : i32
        %mul3A_1946 = arith.muli %add3A_1944, %mul3A_1945 : i32
        %add3A_1947 = arith.constant 704 : i32
        %add3A_1948 = arith.addi %add3A_1947, %mul3A_1946 : i32
        %add3A_1949 = arith.constant 2 : i32
        %add3A_1950 = arith.addi %add3A_1948, %add3A_1949 : i32
        %mul3A_1951 = arith.constant 16 : i32
        %mul3A_1952 = arith.muli %add3A_1950, %mul3A_1951 : i32
        %get3A_1953 = arith.index_cast %mul3A_1952 : i32 to index
        %get3A_1954 = tpu.vector_load %arg14[%get3A_1953] {strides = array<i32>} : memref<16384xf32, #tpu.memory_space<vmem>>, vector<16xf32>,
        %mul3A_1955 = arith.constant 6 : i32
        %mul3A_1956 = arith.muli %scan3A_1254, %mul3A_1955 : i32
        %add3A_1957 = arith.constant 5 : i32
        %add3A_1958 = arith.addi %mul3A_1956, %add3A_1957 : i32
        %mul3A_1959 = arith.constant 3 : i32
        %mul3A_1960 = arith.muli %add3A_1958, %mul3A_1959 : i32
        %add3A_1961 = arith.constant 848 : i32
        %add3A_1962 = arith.addi %add3A_1961, %mul3A_1960 : i32
        %add3A_1963 = arith.constant 0 : i32
        %add3A_1964 = arith.addi %add3A_1962, %add3A_1963 : i32
        %mul3A_1965 = arith.constant 16 : i32
        %mul3A_1966 = arith.muli %add3A_1964, %mul3A_1965 : i32
        %get3A_1967 = arith.index_cast %mul3A_1966 : i32 to index
        %get3A_1968 = tpu.vector_load %arg14[%get3A_1967] {strides = array<i32>} : memref<16384xf32, #tpu.memory_space<vmem>>, vector<16xf32>,
        %mul3A_1969 = arith.constant 6 : i32
        %mul3A_1970 = arith.muli %scan3A_1254, %mul3A_1969 : i32
        %add3A_1971 = arith.constant 5 : i32
        %add3A_1972 = arith.addi %mul3A_1970, %add3A_1971 : i32
        %mul3A_1973 = arith.constant 3 : i32
        %mul3A_1974 = arith.muli %add3A_1972, %mul3A_1973 : i32
        %add3A_1975 = arith.constant 848 : i32
        %add3A_1976 = arith.addi %add3A_1975, %mul3A_1974 : i32
        %add3A_1977 = arith.constant 1 : i32
        %add3A_1978 = arith.addi %add3A_1976, %add3A_1977 : i32
        %mul3A_1979 = arith.constant 16 : i32
        %mul3A_1980 = arith.muli %add3A_1978, %mul3A_1979 : i32
        %get3A_1981 = arith.index_cast %mul3A_1980 : i32 to index
        %get3A_1982 = tpu.vector_load %arg14[%get3A_1981] {strides = array<i32>} : memref<16384xf32, #tpu.memory_space<vmem>>, vector<16xf32>,
        %mul3A_1983 = arith.constant 6 : i32
        %mul3A_1984 = arith.muli %scan3A_1254, %mul3A_1983 : i32
        %add3A_1985 = arith.constant 5 : i32
        %add3A_1986 = arith.addi %mul3A_1984, %add3A_1985 : i32
        %mul3A_1987 = arith.constant 3 : i32
        %mul3A_1988 = arith.muli %add3A_1986, %mul3A_1987 : i32
        %add3A_1989 = arith.constant 848 : i32
        %add3A_1990 = arith.addi %add3A_1989, %mul3A_1988 : i32
        %add3A_1991 = arith.constant 2 : i32
        %add3A_1992 = arith.addi %add3A_1990, %add3A_1991 : i32
        %mul3A_1993 = arith.constant 16 : i32
        %mul3A_1994 = arith.muli %add3A_1992, %mul3A_1993 : i32
        %get3A_1995 = arith.index_cast %mul3A_1994 : i32 to index
        %get3A_1996 = tpu.vector_load %arg14[%get3A_1995] {strides = array<i32>} : memref<16384xf32, #tpu.memory_space<vmem>>, vector<16xf32>,
        %gt3A_1997 = arith.cmpf ogt, %add3A_1910, %select_n3A_1901 : vector<16xf32>
        %select_n3A_1998 = arith.select %gt3A_1997, %add3A_1910, %select_n3A_1901 : vector<16xi1>, vector<16xf32>
        %select_n3A_1999 = arith.select %gt3A_1997, %add3A_1912, %select_n3A_1902 : vector<16xi1>, vector<16xf32>
        %select_n3A_2000 = arith.select %gt3A_1997, %get3A_1926, %select_n3A_1903 : vector<16xi1>, vector<16xf32>
        %select_n3A_2001 = arith.select %gt3A_1997, %get3A_1940, %select_n3A_1904 : vector<16xi1>, vector<16xf32>
        %select_n3A_2002 = arith.select %gt3A_1997, %get3A_1954, %select_n3A_1905 : vector<16xi1>, vector<16xf32>
        %select_n3A_2003 = arith.select %gt3A_1997, %get3A_1968, %select_n3A_1906 : vector<16xi1>, vector<16xf32>
        %select_n3A_2004 = arith.select %gt3A_1997, %get3A_1982, %select_n3A_1907 : vector<16xi1>, vector<16xf32>
        %select_n3A_2005 = arith.select %gt3A_1997, %get3A_1996, %select_n3A_1908 : vector<16xi1>, vector<16xf32>
        %add3A_2006 = arith.constant 992 : i32
        %add3A_2007 = arith.addi %add3A_2006, %scan3A_1254 : i32
        %mul3A_2008 = arith.constant 16 : i32
        %mul3A_2009 = arith.muli %add3A_2007, %mul3A_2008 : i32
        %get3A_2010 = arith.index_cast %mul3A_2009 : i32 to index
        %get3A_2011 = tpu.vector_load %arg14[%get3A_2010] {strides = array<i32>} : memref<16384xf32, #tpu.memory_space<vmem>>, vector<16xf32>,
        %add3A_2012 = arith.constant 1000 : i32
        %add3A_2013 = arith.addi %add3A_2012, %scan3A_1254 : i32
        %mul3A_2014 = arith.constant 16 : i32
        %mul3A_2015 = arith.muli %add3A_2013, %mul3A_2014 : i32
        %get3A_2016 = arith.index_cast %mul3A_2015 : i32 to index
        %get3A_2017 = tpu.vector_load %arg14[%get3A_2016] {strides = array<i32>} : memref<16384xf32, #tpu.memory_space<vmem>>, vector<16xf32>,
        %add3A_2018 = arith.constant 1008 : i32
        %add3A_2019 = arith.addi %add3A_2018, %scan3A_1254 : i32
        %mul3A_2020 = arith.constant 16 : i32
        %mul3A_2021 = arith.muli %add3A_2019, %mul3A_2020 : i32
        %get3A_2022 = arith.index_cast %mul3A_2021 : i32 to index
        %get3A_2023 = tpu.vector_load %arg14[%get3A_2022] {strides = array<i32>} : memref<16384xf32, #tpu.memory_space<vmem>>, vector<16xf32>,
        %add3A_2024 = arith.addf %add3A_995, %get3A_2011 : vector<16xf32>
        %mul3A_2025 = arith.constant 2.000000e+00 : f32
        %mul3A_2026 = vector.broadcast %mul3A_2025 : f32 to vector<16xf32>
        %mul3A_2027 = arith.mulf %mul3A_2026, %select_n3A_1998 : vector<16xf32>
        %sub3A_2028 = arith.subf %add3A_2024, %mul3A_2027 : vector<16xf32>
        %max3A_2029 = arith.constant 0.000000e+00 : f32
        %max3A_2030 = vector.broadcast %max3A_2029 : f32 to vector<16xf32>
        %max3A_2031 = arith.maximumf %sub3A_2028, %max3A_2030 : vector<16xf32>
        %div3A_2032 = arith.constant 1.000000e+00 : f32
        %div3A_2033 = vector.broadcast %div3A_2032 : f32 to vector<16xf32>
        %div3A_2034 = arith.divf %div3A_2033, %max3A_2031 : vector<16xf32>
        %min3A_2035 = arith.minimumf %max3A_2031, %div3A_2034 : vector<16xf32>
        %mul3A_2036 = arith.mulf %min3A_2035, %min3A_2035 : vector<16xf32>
        %broadcast_in_dim3A = arith.constant -0.0042574089 : f32
        %broadcast_in_dim3A_2037 = vector.broadcast %broadcast_in_dim3A : f32 to vector<16xf32>
        %mul3A_2038 = arith.mulf %broadcast_in_dim3A_2037, %mul3A_2036 : vector<16xf32>
        %add3A_2039 = arith.constant 0.022566827 : f32
        %add3A_2040 = vector.broadcast %add3A_2039 : f32 to vector<16xf32>
        %add3A_2041 = arith.addf %mul3A_2038, %add3A_2040 : vector<16xf32>
        %mul3A_2042 = arith.mulf %add3A_2041, %mul3A_2036 : vector<16xf32>
        %add3A_2043 = arith.constant -0.0568808913 : f32
        %add3A_2044 = vector.broadcast %add3A_2043 : f32 to vector<16xf32>
        %add3A_2045 = arith.addf %mul3A_2042, %add3A_2044 : vector<16xf32>
        %mul3A_2046 = arith.mulf %add3A_2045, %mul3A_2036 : vector<16xf32>
        %add3A_2047 = arith.constant 0.0970935076 : f32
        %add3A_2048 = vector.broadcast %add3A_2047 : f32 to vector<16xf32>
        %add3A_2049 = arith.addf %mul3A_2046, %add3A_2048 : vector<16xf32>
        %mul3A_2050 = arith.mulf %add3A_2049, %mul3A_2036 : vector<16xf32>
        %add3A_2051 = arith.constant -0.139332294 : f32
        %add3A_2052 = vector.broadcast %add3A_2051 : f32 to vector<16xf32>
        %add3A_2053 = arith.addf %mul3A_2050, %add3A_2052 : vector<16xf32>
        %mul3A_2054 = arith.mulf %add3A_2053, %mul3A_2036 : vector<16xf32>
        %add3A_2055 = arith.constant 0.199511111 : f32
        %add3A_2056 = vector.broadcast %add3A_2055 : f32 to vector<16xf32>
        %add3A_2057 = arith.addf %mul3A_2054, %add3A_2056 : vector<16xf32>
        %mul3A_2058 = arith.mulf %add3A_2057, %mul3A_2036 : vector<16xf32>
        %add3A_2059 = arith.constant -0.33330223 : f32
        %add3A_2060 = vector.broadcast %add3A_2059 : f32 to vector<16xf32>
        %add3A_2061 = arith.addf %mul3A_2058, %add3A_2060 : vector<16xf32>
        %mul3A_2062 = arith.mulf %add3A_2061, %mul3A_2036 : vector<16xf32>
        %add3A_2063 = arith.constant 0.999999403 : f32
        %add3A_2064 = vector.broadcast %add3A_2063 : f32 to vector<16xf32>
        %add3A_2065 = arith.addf %mul3A_2062, %add3A_2064 : vector<16xf32>
        %mul3A_2066 = arith.mulf %min3A_2035, %add3A_2065 : vector<16xf32>
        %ge3A = arith.constant 1.000000e+00 : f32
        %ge3A_2067 = vector.broadcast %ge3A : f32 to vector<16xf32>
        %ge3A_2068 = arith.cmpf oge, %max3A_2031, %ge3A_2067 : vector<16xf32>
        %sub3A_2069 = arith.constant 1.57079637 : f32
        %sub3A_2070 = vector.broadcast %sub3A_2069 : f32 to vector<16xf32>
        %sub3A_2071 = arith.subf %sub3A_2070, %mul3A_2066 : vector<16xf32>
        %select_n3A_2072 = arith.select %ge3A_2068, %mul3A_2066, %sub3A_2071 : vector<16xi1>, vector<16xf32>
        %sub3A_2073 = arith.subf %div3A, %select_n3A_2000 : vector<16xf32>
        %sub3A_2074 = arith.subf %mul3A_1124, %select_n3A_2003 : vector<16xf32>
        %mul3A_2075 = arith.mulf %sub3A_2073, %sub3A_2073 : vector<16xf32>
        %mul3A_2076 = arith.mulf %sub3A_2074, %sub3A_2074 : vector<16xf32>
        %sub3A_2077 = arith.subf %div3A_1224, %select_n3A_2001 : vector<16xf32>
        %sub3A_2078 = arith.subf %mul3A_1163, %select_n3A_2004 : vector<16xf32>
        %mul3A_2079 = arith.mulf %sub3A_2077, %sub3A_2077 : vector<16xf32>
        %add3A_2080 = arith.addf %mul3A_2075, %mul3A_2079 : vector<16xf32>
        %mul3A_2081 = arith.mulf %sub3A_2078, %sub3A_2078 : vector<16xf32>
        %add3A_2082 = arith.addf %mul3A_2076, %mul3A_2081 : vector<16xf32>
        %sub3A_2083 = arith.subf %div3A_1231, %select_n3A_2002 : vector<16xf32>
        %sub3A_2084 = arith.subf %mul3A_1202, %select_n3A_2005 : vector<16xf32>
        %mul3A_2085 = arith.mulf %sub3A_2083, %sub3A_2083 : vector<16xf32>
        %add3A_2086 = arith.addf %add3A_2080, %mul3A_2085 : vector<16xf32>
        %mul3A_2087 = arith.mulf %sub3A_2084, %sub3A_2084 : vector<16xf32>
        %add3A_2088 = arith.addf %add3A_2082, %mul3A_2087 : vector<16xf32>
        %max3A_2089 = arith.constant 0.000000e+00 : f32
        %max3A_2090 = vector.broadcast %max3A_2089 : f32 to vector<16xf32>
        %max3A_2091 = arith.maximumf %add3A_2086, %max3A_2090 : vector<16xf32>
        %div3A_2092 = arith.constant 1.000000e+00 : f32
        %div3A_2093 = vector.broadcast %div3A_2092 : f32 to vector<16xf32>
        %div3A_2094 = arith.divf %div3A_2093, %max3A_2091 : vector<16xf32>
        %min3A_2095 = arith.minimumf %max3A_2091, %div3A_2094 : vector<16xf32>
        %mul3A_2096 = arith.mulf %min3A_2095, %min3A_2095 : vector<16xf32>
        %broadcast_in_dim3A_2097 = arith.constant -0.0042574089 : f32
        %broadcast_in_dim3A_2098 = vector.broadcast %broadcast_in_dim3A_2097 : f32 to vector<16xf32>
        %mul3A_2099 = arith.mulf %broadcast_in_dim3A_2098, %mul3A_2096 : vector<16xf32>
        %add3A_2100 = arith.constant 0.022566827 : f32
        %add3A_2101 = vector.broadcast %add3A_2100 : f32 to vector<16xf32>
        %add3A_2102 = arith.addf %mul3A_2099, %add3A_2101 : vector<16xf32>
        %mul3A_2103 = arith.mulf %add3A_2102, %mul3A_2096 : vector<16xf32>
        %add3A_2104 = arith.constant -0.0568808913 : f32
        %add3A_2105 = vector.broadcast %add3A_2104 : f32 to vector<16xf32>
        %add3A_2106 = arith.addf %mul3A_2103, %add3A_2105 : vector<16xf32>
        %mul3A_2107 = arith.mulf %add3A_2106, %mul3A_2096 : vector<16xf32>
        %add3A_2108 = arith.constant 0.0970935076 : f32
        %add3A_2109 = vector.broadcast %add3A_2108 : f32 to vector<16xf32>
        %add3A_2110 = arith.addf %mul3A_2107, %add3A_2109 : vector<16xf32>
        %mul3A_2111 = arith.mulf %add3A_2110, %mul3A_2096 : vector<16xf32>
        %add3A_2112 = arith.constant -0.139332294 : f32
        %add3A_2113 = vector.broadcast %add3A_2112 : f32 to vector<16xf32>
        %add3A_2114 = arith.addf %mul3A_2111, %add3A_2113 : vector<16xf32>
        %mul3A_2115 = arith.mulf %add3A_2114, %mul3A_2096 : vector<16xf32>
        %add3A_2116 = arith.constant 0.199511111 : f32
        %add3A_2117 = vector.broadcast %add3A_2116 : f32 to vector<16xf32>
        %add3A_2118 = arith.addf %mul3A_2115, %add3A_2117 : vector<16xf32>
        %mul3A_2119 = arith.mulf %add3A_2118, %mul3A_2096 : vector<16xf32>
        %add3A_2120 = arith.constant -0.33330223 : f32
        %add3A_2121 = vector.broadcast %add3A_2120 : f32 to vector<16xf32>
        %add3A_2122 = arith.addf %mul3A_2119, %add3A_2121 : vector<16xf32>
        %mul3A_2123 = arith.mulf %add3A_2122, %mul3A_2096 : vector<16xf32>
        %add3A_2124 = arith.constant 0.999999403 : f32
        %add3A_2125 = vector.broadcast %add3A_2124 : f32 to vector<16xf32>
        %add3A_2126 = arith.addf %mul3A_2123, %add3A_2125 : vector<16xf32>
        %mul3A_2127 = arith.mulf %min3A_2095, %add3A_2126 : vector<16xf32>
        %ge3A_2128 = arith.constant 1.000000e+00 : f32
        %ge3A_2129 = vector.broadcast %ge3A_2128 : f32 to vector<16xf32>
        %ge3A_2130 = arith.cmpf oge, %max3A_2091, %ge3A_2129 : vector<16xf32>
        %sub3A_2131 = arith.constant 1.57079637 : f32
        %sub3A_2132 = vector.broadcast %sub3A_2131 : f32 to vector<16xf32>
        %sub3A_2133 = arith.subf %sub3A_2132, %mul3A_2127 : vector<16xf32>
        %select_n3A_2134 = arith.select %ge3A_2130, %mul3A_2127, %sub3A_2133 : vector<16xi1>, vector<16xf32>
        %max3A_2135 = arith.constant 0.000000e+00 : f32
        %max3A_2136 = vector.broadcast %max3A_2135 : f32 to vector<16xf32>
        %max3A_2137 = arith.maximumf %add3A_2088, %max3A_2136 : vector<16xf32>
        %div3A_2138 = arith.constant 1.000000e+00 : f32
        %div3A_2139 = vector.broadcast %div3A_2138 : f32 to vector<16xf32>
        %div3A_2140 = arith.divf %div3A_2139, %max3A_2137 : vector<16xf32>
        %min3A_2141 = arith.minimumf %max3A_2137, %div3A_2140 : vector<16xf32>
        %mul3A_2142 = arith.mulf %min3A_2141, %min3A_2141 : vector<16xf32>
        %broadcast_in_dim3A_2143 = arith.constant -0.0042574089 : f32
        %broadcast_in_dim3A_2144 = vector.broadcast %broadcast_in_dim3A_2143 : f32 to vector<16xf32>
        %mul3A_2145 = arith.mulf %broadcast_in_dim3A_2144, %mul3A_2142 : vector<16xf32>
        %add3A_2146 = arith.constant 0.022566827 : f32
        %add3A_2147 = vector.broadcast %add3A_2146 : f32 to vector<16xf32>
        %add3A_2148 = arith.addf %mul3A_2145, %add3A_2147 : vector<16xf32>
        %mul3A_2149 = arith.mulf %add3A_2148, %mul3A_2142 : vector<16xf32>
        %add3A_2150 = arith.constant -0.0568808913 : f32
        %add3A_2151 = vector.broadcast %add3A_2150 : f32 to vector<16xf32>
        %add3A_2152 = arith.addf %mul3A_2149, %add3A_2151 : vector<16xf32>
        %mul3A_2153 = arith.mulf %add3A_2152, %mul3A_2142 : vector<16xf32>
        %add3A_2154 = arith.constant 0.0970935076 : f32
        %add3A_2155 = vector.broadcast %add3A_2154 : f32 to vector<16xf32>
        %add3A_2156 = arith.addf %mul3A_2153, %add3A_2155 : vector<16xf32>
        %mul3A_2157 = arith.mulf %add3A_2156, %mul3A_2142 : vector<16xf32>
        %add3A_2158 = arith.constant -0.139332294 : f32
        %add3A_2159 = vector.broadcast %add3A_2158 : f32 to vector<16xf32>
        %add3A_2160 = arith.addf %mul3A_2157, %add3A_2159 : vector<16xf32>
        %mul3A_2161 = arith.mulf %add3A_2160, %mul3A_2142 : vector<16xf32>
        %add3A_2162 = arith.constant 0.199511111 : f32
        %add3A_2163 = vector.broadcast %add3A_2162 : f32 to vector<16xf32>
        %add3A_2164 = arith.addf %mul3A_2161, %add3A_2163 : vector<16xf32>
        %mul3A_2165 = arith.mulf %add3A_2164, %mul3A_2142 : vector<16xf32>
        %add3A_2166 = arith.constant -0.33330223 : f32
        %add3A_2167 = vector.broadcast %add3A_2166 : f32 to vector<16xf32>
        %add3A_2168 = arith.addf %mul3A_2165, %add3A_2167 : vector<16xf32>
        %mul3A_2169 = arith.mulf %add3A_2168, %mul3A_2142 : vector<16xf32>
        %add3A_2170 = arith.constant 0.999999403 : f32
        %add3A_2171 = vector.broadcast %add3A_2170 : f32 to vector<16xf32>
        %add3A_2172 = arith.addf %mul3A_2169, %add3A_2171 : vector<16xf32>
        %mul3A_2173 = arith.mulf %min3A_2141, %add3A_2172 : vector<16xf32>
        %ge3A_2174 = arith.constant 1.000000e+00 : f32
        %ge3A_2175 = vector.broadcast %ge3A_2174 : f32 to vector<16xf32>
        %ge3A_2176 = arith.cmpf oge, %max3A_2137, %ge3A_2175 : vector<16xf32>
        %sub3A_2177 = arith.constant 1.57079637 : f32
        %sub3A_2178 = vector.broadcast %sub3A_2177 : f32 to vector<16xf32>
        %sub3A_2179 = arith.subf %sub3A_2178, %mul3A_2173 : vector<16xf32>
        %select_n3A_2180 = arith.select %ge3A_2176, %mul3A_2173, %sub3A_2179 : vector<16xi1>, vector<16xf32>
        %mul3A_2181 = arith.constant 16 : i32
        %mul3A_2182 = arith.muli %scan3A_1254, %mul3A_2181 : i32
        %add3A_2183 = arith.constant 576 : i32
        %add3A_2184 = arith.addi %add3A_2183, %mul3A_2182 : i32
        %add3A_2185 = arith.constant 0 : i32
        %add3A_2186 = arith.addi %add3A_2184, %add3A_2185 : i32
        %mul3A_2187 = arith.constant 16 : i32
        %mul3A_2188 = arith.muli %add3A_2186, %mul3A_2187 : i32
        %get3A_2189 = arith.index_cast %mul3A_2188 : i32 to index
        %get3A_2190 = tpu.vector_load %arg14[%get3A_2189] {strides = array<i32>} : memref<16384xf32, #tpu.memory_space<vmem>>, vector<16xf32>,
        %mul3A_2191 = arith.mulf %gather3A_685, %get3A_2190 : vector<16xf32>
        %mul3A_2192 = arith.constant 16 : i32
        %mul3A_2193 = arith.muli %scan3A_1254, %mul3A_2192 : i32
        %add3A_2194 = arith.constant 576 : i32
        %add3A_2195 = arith.addi %add3A_2194, %mul3A_2193 : i32
        %add3A_2196 = arith.constant 1 : i32
        %add3A_2197 = arith.addi %add3A_2195, %add3A_2196 : i32
        %mul3A_2198 = arith.constant 16 : i32
        %mul3A_2199 = arith.muli %add3A_2197, %mul3A_2198 : i32
        %get3A_2200 = arith.index_cast %mul3A_2199 : i32 to index
        %get3A_2201 = tpu.vector_load %arg14[%get3A_2200] {strides = array<i32>} : memref<16384xf32, #tpu.memory_space<vmem>>, vector<16xf32>,
        %mul3A_2202 = arith.mulf %gather3A_692, %get3A_2201 : vector<16xf32>
        %add3A_2203 = arith.addf %mul3A_2191, %mul3A_2202 : vector<16xf32>
        %mul3A_2204 = arith.constant 16 : i32
        %mul3A_2205 = arith.muli %scan3A_1254, %mul3A_2204 : i32
        %add3A_2206 = arith.constant 576 : i32
        %add3A_2207 = arith.addi %add3A_2206, %mul3A_2205 : i32
        %add3A_2208 = arith.constant 2 : i32
        %add3A_2209 = arith.addi %add3A_2207, %add3A_2208 : i32
        %mul3A_2210 = arith.constant 16 : i32
        %mul3A_2211 = arith.muli %add3A_2209, %mul3A_2210 : i32
        %get3A_2212 = arith.index_cast %mul3A_2211 : i32 to index
        %get3A_2213 = tpu.vector_load %arg14[%get3A_2212] {strides = array<i32>} : memref<16384xf32, #tpu.memory_space<vmem>>, vector<16xf32>,
        %mul3A_2214 = arith.mulf %gather3A_699, %get3A_2213 : vector<16xf32>
        %add3A_2215 = arith.addf %add3A_2203, %mul3A_2214 : vector<16xf32>
        %mul3A_2216 = arith.constant 16 : i32
        %mul3A_2217 = arith.muli %scan3A_1254, %mul3A_2216 : i32
        %add3A_2218 = arith.constant 576 : i32
        %add3A_2219 = arith.addi %add3A_2218, %mul3A_2217 : i32
        %add3A_2220 = arith.constant 3 : i32
        %add3A_2221 = arith.addi %add3A_2219, %add3A_2220 : i32
        %mul3A_2222 = arith.constant 16 : i32
        %mul3A_2223 = arith.muli %add3A_2221, %mul3A_2222 : i32
        %get3A_2224 = arith.index_cast %mul3A_2223 : i32 to index
        %get3A_2225 = tpu.vector_load %arg14[%get3A_2224] {strides = array<i32>} : memref<16384xf32, #tpu.memory_space<vmem>>, vector<16xf32>,
        %mul3A_2226 = arith.mulf %gather3A_706, %get3A_2225 : vector<16xf32>
        %add3A_2227 = arith.addf %add3A_2215, %mul3A_2226 : vector<16xf32>
        %mul3A_2228 = arith.constant 16 : i32
        %mul3A_2229 = arith.muli %scan3A_1254, %mul3A_2228 : i32
        %add3A_2230 = arith.constant 576 : i32
        %add3A_2231 = arith.addi %add3A_2230, %mul3A_2229 : i32
        %add3A_2232 = arith.constant 4 : i32
        %add3A_2233 = arith.addi %add3A_2231, %add3A_2232 : i32
        %mul3A_2234 = arith.constant 16 : i32
        %mul3A_2235 = arith.muli %add3A_2233, %mul3A_2234 : i32
        %get3A_2236 = arith.index_cast %mul3A_2235 : i32 to index
        %get3A_2237 = tpu.vector_load %arg14[%get3A_2236] {strides = array<i32>} : memref<16384xf32, #tpu.memory_space<vmem>>, vector<16xf32>,
        %mul3A_2238 = arith.mulf %gather3A_713, %get3A_2237 : vector<16xf32>
        %add3A_2239 = arith.addf %add3A_2227, %mul3A_2238 : vector<16xf32>
        %mul3A_2240 = arith.constant 16 : i32
        %mul3A_2241 = arith.muli %scan3A_1254, %mul3A_2240 : i32
        %add3A_2242 = arith.constant 576 : i32
        %add3A_2243 = arith.addi %add3A_2242, %mul3A_2241 : i32
        %add3A_2244 = arith.constant 5 : i32
        %add3A_2245 = arith.addi %add3A_2243, %add3A_2244 : i32
        %mul3A_2246 = arith.constant 16 : i32
        %mul3A_2247 = arith.muli %add3A_2245, %mul3A_2246 : i32
        %get3A_2248 = arith.index_cast %mul3A_2247 : i32 to index
        %get3A_2249 = tpu.vector_load %arg14[%get3A_2248] {strides = array<i32>} : memref<16384xf32, #tpu.memory_space<vmem>>, vector<16xf32>,
        %mul3A_2250 = arith.mulf %gather3A_720, %get3A_2249 : vector<16xf32>
        %add3A_2251 = arith.addf %add3A_2239, %mul3A_2250 : vector<16xf32>
        %mul3A_2252 = arith.constant 16 : i32
        %mul3A_2253 = arith.muli %scan3A_1254, %mul3A_2252 : i32
        %add3A_2254 = arith.constant 576 : i32
        %add3A_2255 = arith.addi %add3A_2254, %mul3A_2253 : i32
        %add3A_2256 = arith.constant 6 : i32
        %add3A_2257 = arith.addi %add3A_2255, %add3A_2256 : i32
        %mul3A_2258 = arith.constant 16 : i32
        %mul3A_2259 = arith.muli %add3A_2257, %mul3A_2258 : i32
        %get3A_2260 = arith.index_cast %mul3A_2259 : i32 to index
        %get3A_2261 = tpu.vector_load %arg14[%get3A_2260] {strides = array<i32>} : memref<16384xf32, #tpu.memory_space<vmem>>, vector<16xf32>,
        %mul3A_2262 = arith.mulf %gather3A_727, %get3A_2261 : vector<16xf32>
        %add3A_2263 = arith.addf %add3A_2251, %mul3A_2262 : vector<16xf32>
        %mul3A_2264 = arith.constant 16 : i32
        %mul3A_2265 = arith.muli %scan3A_1254, %mul3A_2264 : i32
        %add3A_2266 = arith.constant 576 : i32
        %add3A_2267 = arith.addi %add3A_2266, %mul3A_2265 : i32
        %add3A_2268 = arith.constant 7 : i32
        %add3A_2269 = arith.addi %add3A_2267, %add3A_2268 : i32
        %mul3A_2270 = arith.constant 16 : i32
        %mul3A_2271 = arith.muli %add3A_2269, %mul3A_2270 : i32
        %get3A_2272 = arith.index_cast %mul3A_2271 : i32 to index
        %get3A_2273 = tpu.vector_load %arg14[%get3A_2272] {strides = array<i32>} : memref<16384xf32, #tpu.memory_space<vmem>>, vector<16xf32>,
        %mul3A_2274 = arith.mulf %gather3A_734, %get3A_2273 : vector<16xf32>
        %add3A_2275 = arith.addf %add3A_2263, %mul3A_2274 : vector<16xf32>
        %mul3A_2276 = arith.constant 16 : i32
        %mul3A_2277 = arith.muli %scan3A_1254, %mul3A_2276 : i32
        %add3A_2278 = arith.constant 576 : i32
        %add3A_2279 = arith.addi %add3A_2278, %mul3A_2277 : i32
        %add3A_2280 = arith.constant 8 : i32
        %add3A_2281 = arith.addi %add3A_2279, %add3A_2280 : i32
        %mul3A_2282 = arith.constant 16 : i32
        %mul3A_2283 = arith.muli %add3A_2281, %mul3A_2282 : i32
        %get3A_2284 = arith.index_cast %mul3A_2283 : i32 to index
        %get3A_2285 = tpu.vector_load %arg14[%get3A_2284] {strides = array<i32>} : memref<16384xf32, #tpu.memory_space<vmem>>, vector<16xf32>,
        %mul3A_2286 = arith.mulf %gather3A_741, %get3A_2285 : vector<16xf32>
        %add3A_2287 = arith.addf %add3A_2275, %mul3A_2286 : vector<16xf32>
        %mul3A_2288 = arith.constant 16 : i32
        %mul3A_2289 = arith.muli %scan3A_1254, %mul3A_2288 : i32
        %add3A_2290 = arith.constant 576 : i32
        %add3A_2291 = arith.addi %add3A_2290, %mul3A_2289 : i32
        %add3A_2292 = arith.constant 9 : i32
        %add3A_2293 = arith.addi %add3A_2291, %add3A_2292 : i32
        %mul3A_2294 = arith.constant 16 : i32
        %mul3A_2295 = arith.muli %add3A_2293, %mul3A_2294 : i32
        %get3A_2296 = arith.index_cast %mul3A_2295 : i32 to index
        %get3A_2297 = tpu.vector_load %arg14[%get3A_2296] {strides = array<i32>} : memref<16384xf32, #tpu.memory_space<vmem>>, vector<16xf32>,
        %mul3A_2298 = arith.mulf %gather3A_748, %get3A_2297 : vector<16xf32>
        %add3A_2299 = arith.addf %add3A_2287, %mul3A_2298 : vector<16xf32>
        %mul3A_2300 = arith.constant 16 : i32
        %mul3A_2301 = arith.muli %scan3A_1254, %mul3A_2300 : i32
        %add3A_2302 = arith.constant 576 : i32
        %add3A_2303 = arith.addi %add3A_2302, %mul3A_2301 : i32
        %add3A_2304 = arith.constant 10 : i32
        %add3A_2305 = arith.addi %add3A_2303, %add3A_2304 : i32
        %mul3A_2306 = arith.constant 16 : i32
        %mul3A_2307 = arith.muli %add3A_2305, %mul3A_2306 : i32
        %get3A_2308 = arith.index_cast %mul3A_2307 : i32 to index
        %get3A_2309 = tpu.vector_load %arg14[%get3A_2308] {strides = array<i32>} : memref<16384xf32, #tpu.memory_space<vmem>>, vector<16xf32>,
        %mul3A_2310 = arith.mulf %gather3A_755, %get3A_2309 : vector<16xf32>
        %add3A_2311 = arith.addf %add3A_2299, %mul3A_2310 : vector<16xf32>
        %mul3A_2312 = arith.constant 16 : i32
        %mul3A_2313 = arith.muli %scan3A_1254, %mul3A_2312 : i32
        %add3A_2314 = arith.constant 576 : i32
        %add3A_2315 = arith.addi %add3A_2314, %mul3A_2313 : i32
        %add3A_2316 = arith.constant 11 : i32
        %add3A_2317 = arith.addi %add3A_2315, %add3A_2316 : i32
        %mul3A_2318 = arith.constant 16 : i32
        %mul3A_2319 = arith.muli %add3A_2317, %mul3A_2318 : i32
        %get3A_2320 = arith.index_cast %mul3A_2319 : i32 to index
        %get3A_2321 = tpu.vector_load %arg14[%get3A_2320] {strides = array<i32>} : memref<16384xf32, #tpu.memory_space<vmem>>, vector<16xf32>,
        %mul3A_2322 = arith.mulf %gather3A_762, %get3A_2321 : vector<16xf32>
        %add3A_2323 = arith.addf %add3A_2311, %mul3A_2322 : vector<16xf32>
        %mul3A_2324 = arith.constant 16 : i32
        %mul3A_2325 = arith.muli %scan3A_1254, %mul3A_2324 : i32
        %add3A_2326 = arith.constant 576 : i32
        %add3A_2327 = arith.addi %add3A_2326, %mul3A_2325 : i32
        %add3A_2328 = arith.constant 12 : i32
        %add3A_2329 = arith.addi %add3A_2327, %add3A_2328 : i32
        %mul3A_2330 = arith.constant 16 : i32
        %mul3A_2331 = arith.muli %add3A_2329, %mul3A_2330 : i32
        %get3A_2332 = arith.index_cast %mul3A_2331 : i32 to index
        %get3A_2333 = tpu.vector_load %arg14[%get3A_2332] {strides = array<i32>} : memref<16384xf32, #tpu.memory_space<vmem>>, vector<16xf32>,
        %mul3A_2334 = arith.mulf %gather3A_769, %get3A_2333 : vector<16xf32>
        %add3A_2335 = arith.addf %add3A_2323, %mul3A_2334 : vector<16xf32>
        %mul3A_2336 = arith.constant 16 : i32
        %mul3A_2337 = arith.muli %scan3A_1254, %mul3A_2336 : i32
        %add3A_2338 = arith.constant 576 : i32
        %add3A_2339 = arith.addi %add3A_2338, %mul3A_2337 : i32
        %add3A_2340 = arith.constant 13 : i32
        %add3A_2341 = arith.addi %add3A_2339, %add3A_2340 : i32
        %mul3A_2342 = arith.constant 16 : i32
        %mul3A_2343 = arith.muli %add3A_2341, %mul3A_2342 : i32
        %get3A_2344 = arith.index_cast %mul3A_2343 : i32 to index
        %get3A_2345 = tpu.vector_load %arg14[%get3A_2344] {strides = array<i32>} : memref<16384xf32, #tpu.memory_space<vmem>>, vector<16xf32>,
        %mul3A_2346 = arith.mulf %gather3A_776, %get3A_2345 : vector<16xf32>
        %add3A_2347 = arith.addf %add3A_2335, %mul3A_2346 : vector<16xf32>
        %mul3A_2348 = arith.constant 16 : i32
        %mul3A_2349 = arith.muli %scan3A_1254, %mul3A_2348 : i32
        %add3A_2350 = arith.constant 576 : i32
        %add3A_2351 = arith.addi %add3A_2350, %mul3A_2349 : i32
        %add3A_2352 = arith.constant 14 : i32
        %add3A_2353 = arith.addi %add3A_2351, %add3A_2352 : i32
        %mul3A_2354 = arith.constant 16 : i32
        %mul3A_2355 = arith.muli %add3A_2353, %mul3A_2354 : i32
        %get3A_2356 = arith.index_cast %mul3A_2355 : i32 to index
        %get3A_2357 = tpu.vector_load %arg14[%get3A_2356] {strides = array<i32>} : memref<16384xf32, #tpu.memory_space<vmem>>, vector<16xf32>,
        %mul3A_2358 = arith.mulf %gather3A_783, %get3A_2357 : vector<16xf32>
        %add3A_2359 = arith.addf %add3A_2347, %mul3A_2358 : vector<16xf32>
        %mul3A_2360 = arith.constant 16 : i32
        %mul3A_2361 = arith.muli %scan3A_1254, %mul3A_2360 : i32
        %add3A_2362 = arith.constant 576 : i32
        %add3A_2363 = arith.addi %add3A_2362, %mul3A_2361 : i32
        %add3A_2364 = arith.constant 15 : i32
        %add3A_2365 = arith.addi %add3A_2363, %add3A_2364 : i32
        %mul3A_2366 = arith.constant 16 : i32
        %mul3A_2367 = arith.muli %add3A_2365, %mul3A_2366 : i32
        %get3A_2368 = arith.index_cast %mul3A_2367 : i32 to index
        %get3A_2369 = tpu.vector_load %arg14[%get3A_2368] {strides = array<i32>} : memref<16384xf32, #tpu.memory_space<vmem>>, vector<16xf32>,
        %mul3A_2370 = arith.mulf %gather3A_790, %get3A_2369 : vector<16xf32>
        %add3A_2371 = arith.addf %add3A_2359, %mul3A_2370 : vector<16xf32>
        %add3A_2372 = arith.addf %add3A_1073, %get3A_2023 : vector<16xf32>
        %mul3A_2373 = arith.constant 2.000000e+00 : f32
        %mul3A_2374 = vector.broadcast %mul3A_2373 : f32 to vector<16xf32>
        %mul3A_2375 = arith.mulf %mul3A_2374, %add3A_2371 : vector<16xf32>
        %sub3A_2376 = arith.subf %add3A_2372, %mul3A_2375 : vector<16xf32>
        %max3A_2377 = arith.constant 0.000000e+00 : f32
        %max3A_2378 = vector.broadcast %max3A_2377 : f32 to vector<16xf32>
        %max3A_2379 = arith.maximumf %sub3A_2376, %max3A_2378 : vector<16xf32>
        %div3A_2380 = arith.constant 1.000000e+00 : f32
        %div3A_2381 = vector.broadcast %div3A_2380 : f32 to vector<16xf32>
        %div3A_2382 = arith.divf %div3A_2381, %max3A_2379 : vector<16xf32>
        %min3A_2383 = arith.minimumf %max3A_2379, %div3A_2382 : vector<16xf32>
        %mul3A_2384 = arith.mulf %min3A_2383, %min3A_2383 : vector<16xf32>
        %broadcast_in_dim3A_2385 = arith.constant -0.0042574089 : f32
        %broadcast_in_dim3A_2386 = vector.broadcast %broadcast_in_dim3A_2385 : f32 to vector<16xf32>
        %mul3A_2387 = arith.mulf %broadcast_in_dim3A_2386, %mul3A_2384 : vector<16xf32>
        %add3A_2388 = arith.constant 0.022566827 : f32
        %add3A_2389 = vector.broadcast %add3A_2388 : f32 to vector<16xf32>
        %add3A_2390 = arith.addf %mul3A_2387, %add3A_2389 : vector<16xf32>
        %mul3A_2391 = arith.mulf %add3A_2390, %mul3A_2384 : vector<16xf32>
        %add3A_2392 = arith.constant -0.0568808913 : f32
        %add3A_2393 = vector.broadcast %add3A_2392 : f32 to vector<16xf32>
        %add3A_2394 = arith.addf %mul3A_2391, %add3A_2393 : vector<16xf32>
        %mul3A_2395 = arith.mulf %add3A_2394, %mul3A_2384 : vector<16xf32>
        %add3A_2396 = arith.constant 0.0970935076 : f32
        %add3A_2397 = vector.broadcast %add3A_2396 : f32 to vector<16xf32>
        %add3A_2398 = arith.addf %mul3A_2395, %add3A_2397 : vector<16xf32>
        %mul3A_2399 = arith.mulf %add3A_2398, %mul3A_2384 : vector<16xf32>
        %add3A_2400 = arith.constant -0.139332294 : f32
        %add3A_2401 = vector.broadcast %add3A_2400 : f32 to vector<16xf32>
        %add3A_2402 = arith.addf %mul3A_2399, %add3A_2401 : vector<16xf32>
        %mul3A_2403 = arith.mulf %add3A_2402, %mul3A_2384 : vector<16xf32>
        %add3A_2404 = arith.constant 0.199511111 : f32
        %add3A_2405 = vector.broadcast %add3A_2404 : f32 to vector<16xf32>
        %add3A_2406 = arith.addf %mul3A_2403, %add3A_2405 : vector<16xf32>
        %mul3A_2407 = arith.mulf %add3A_2406, %mul3A_2384 : vector<16xf32>
        %add3A_2408 = arith.constant -0.33330223 : f32
        %add3A_2409 = vector.broadcast %add3A_2408 : f32 to vector<16xf32>
        %add3A_2410 = arith.addf %mul3A_2407, %add3A_2409 : vector<16xf32>
        %mul3A_2411 = arith.mulf %add3A_2410, %mul3A_2384 : vector<16xf32>
        %add3A_2412 = arith.constant 0.999999403 : f32
        %add3A_2413 = vector.broadcast %add3A_2412 : f32 to vector<16xf32>
        %add3A_2414 = arith.addf %mul3A_2411, %add3A_2413 : vector<16xf32>
        %mul3A_2415 = arith.mulf %min3A_2383, %add3A_2414 : vector<16xf32>
        %ge3A_2416 = arith.constant 1.000000e+00 : f32
        %ge3A_2417 = vector.broadcast %ge3A_2416 : f32 to vector<16xf32>
        %ge3A_2418 = arith.cmpf oge, %max3A_2379, %ge3A_2417 : vector<16xf32>
        %sub3A_2419 = arith.constant 1.57079637 : f32
        %sub3A_2420 = vector.broadcast %sub3A_2419 : f32 to vector<16xf32>
        %sub3A_2421 = arith.subf %sub3A_2420, %mul3A_2415 : vector<16xf32>
        %select_n3A_2422 = arith.select %ge3A_2418, %mul3A_2415, %sub3A_2421 : vector<16xi1>, vector<16xf32>
        %add3A_2423 = arith.addf %add3A_1042, %get3A_2017 : vector<16xf32>
        %mul3A_2424 = arith.constant 2.000000e+00 : f32
        %mul3A_2425 = vector.broadcast %mul3A_2424 : f32 to vector<16xf32>
        %mul3A_2426 = arith.mulf %mul3A_2425, %select_n3A_1999 : vector<16xf32>
        %sub3A_2427 = arith.subf %add3A_2423, %mul3A_2426 : vector<16xf32>
        %max3A_2428 = arith.constant 0.000000e+00 : f32
        %max3A_2429 = vector.broadcast %max3A_2428 : f32 to vector<16xf32>
        %max3A_2430 = arith.maximumf %sub3A_2427, %max3A_2429 : vector<16xf32>
        %div3A_2431 = arith.constant 1.000000e+00 : f32
        %div3A_2432 = vector.broadcast %div3A_2431 : f32 to vector<16xf32>
        %div3A_2433 = arith.divf %div3A_2432, %max3A_2430 : vector<16xf32>
        %min3A_2434 = arith.minimumf %max3A_2430, %div3A_2433 : vector<16xf32>
        %mul3A_2435 = arith.mulf %min3A_2434, %min3A_2434 : vector<16xf32>
        %broadcast_in_dim3A_2436 = arith.constant -0.0042574089 : f32
        %broadcast_in_dim3A_2437 = vector.broadcast %broadcast_in_dim3A_2436 : f32 to vector<16xf32>
        %mul3A_2438 = arith.mulf %broadcast_in_dim3A_2437, %mul3A_2435 : vector<16xf32>
        %add3A_2439 = arith.constant 0.022566827 : f32
        %add3A_2440 = vector.broadcast %add3A_2439 : f32 to vector<16xf32>
        %add3A_2441 = arith.addf %mul3A_2438, %add3A_2440 : vector<16xf32>
        %mul3A_2442 = arith.mulf %add3A_2441, %mul3A_2435 : vector<16xf32>
        %add3A_2443 = arith.constant -0.0568808913 : f32
        %add3A_2444 = vector.broadcast %add3A_2443 : f32 to vector<16xf32>
        %add3A_2445 = arith.addf %mul3A_2442, %add3A_2444 : vector<16xf32>
        %mul3A_2446 = arith.mulf %add3A_2445, %mul3A_2435 : vector<16xf32>
        %add3A_2447 = arith.constant 0.0970935076 : f32
        %add3A_2448 = vector.broadcast %add3A_2447 : f32 to vector<16xf32>
        %add3A_2449 = arith.addf %mul3A_2446, %add3A_2448 : vector<16xf32>
        %mul3A_2450 = arith.mulf %add3A_2449, %mul3A_2435 : vector<16xf32>
        %add3A_2451 = arith.constant -0.139332294 : f32
        %add3A_2452 = vector.broadcast %add3A_2451 : f32 to vector<16xf32>
        %add3A_2453 = arith.addf %mul3A_2450, %add3A_2452 : vector<16xf32>
        %mul3A_2454 = arith.mulf %add3A_2453, %mul3A_2435 : vector<16xf32>
        %add3A_2455 = arith.constant 0.199511111 : f32
        %add3A_2456 = vector.broadcast %add3A_2455 : f32 to vector<16xf32>
        %add3A_2457 = arith.addf %mul3A_2454, %add3A_2456 : vector<16xf32>
        %mul3A_2458 = arith.mulf %add3A_2457, %mul3A_2435 : vector<16xf32>
        %add3A_2459 = arith.constant -0.33330223 : f32
        %add3A_2460 = vector.broadcast %add3A_2459 : f32 to vector<16xf32>
        %add3A_2461 = arith.addf %mul3A_2458, %add3A_2460 : vector<16xf32>
        %mul3A_2462 = arith.mulf %add3A_2461, %mul3A_2435 : vector<16xf32>
        %add3A_2463 = arith.constant 0.999999403 : f32
        %add3A_2464 = vector.broadcast %add3A_2463 : f32 to vector<16xf32>
        %add3A_2465 = arith.addf %mul3A_2462, %add3A_2464 : vector<16xf32>
        %mul3A_2466 = arith.mulf %min3A_2434, %add3A_2465 : vector<16xf32>
        %ge3A_2467 = arith.constant 1.000000e+00 : f32
        %ge3A_2468 = vector.broadcast %ge3A_2467 : f32 to vector<16xf32>
        %ge3A_2469 = arith.cmpf oge, %max3A_2430, %ge3A_2468 : vector<16xf32>
        %sub3A_2470 = arith.constant 1.57079637 : f32
        %sub3A_2471 = vector.broadcast %sub3A_2470 : f32 to vector<16xf32>
        %sub3A_2472 = arith.subf %sub3A_2471, %mul3A_2466 : vector<16xf32>
        %select_n3A_2473 = arith.select %ge3A_2469, %mul3A_2466, %sub3A_2472 : vector<16xi1>, vector<16xf32>
        %sub3A_2474 = arith.constant 1.57079637 : f32
        %sub3A_2475 = vector.broadcast %sub3A_2474 : f32 to vector<16xf32>
        %sub3A_2476 = arith.subf %select_n3A_2180, %sub3A_2475 : vector<16xf32>
        %sub3A_2477 = arith.constant 1.57079637 : f32
        %sub3A_2478 = vector.broadcast %sub3A_2477 : f32 to vector<16xf32>
        %sub3A_2479 = arith.subf %select_n3A_2134, %sub3A_2478 : vector<16xf32>
        %sub3A_2480 = arith.constant 1.57079637 : f32
        %sub3A_2481 = vector.broadcast %sub3A_2480 : f32 to vector<16xf32>
        %sub3A_2482 = arith.subf %select_n3A_2072, %sub3A_2481 : vector<16xf32>
        %sub3A_2483 = arith.constant 1.57079637 : f32
        %sub3A_2484 = vector.broadcast %sub3A_2483 : f32 to vector<16xf32>
        %sub3A_2485 = arith.subf %select_n3A_2422, %sub3A_2484 : vector<16xf32>
        %sub3A_2486 = arith.constant 1.57079637 : f32
        %sub3A_2487 = vector.broadcast %sub3A_2486 : f32 to vector<16xf32>
        %sub3A_2488 = arith.subf %select_n3A_2473, %sub3A_2487 : vector<16xf32>
        %mul3A_2489 = arith.mulf %sub3A_2476, %sub3A_2476 : vector<16xf32>
        %mul3A_2490 = arith.mulf %sub3A_2479, %sub3A_2479 : vector<16xf32>
        %add3A_2491 = arith.addf %mul3A_2489, %mul3A_2490 : vector<16xf32>
        %mul3A_2492 = arith.mulf %sub3A_2482, %sub3A_2482 : vector<16xf32>
        %add3A_2493 = arith.addf %add3A_2491, %mul3A_2492 : vector<16xf32>
        %mul3A_2494 = arith.mulf %sub3A_2485, %sub3A_2485 : vector<16xf32>
        %add3A_2495 = arith.addf %add3A_2493, %mul3A_2494 : vector<16xf32>
        %mul3A_2496 = arith.mulf %sub3A_2488, %sub3A_2488 : vector<16xf32>
        %add3A_2497 = arith.addf %add3A_2495, %mul3A_2496 : vector<16xf32>
        %max3A_2498 = arith.constant 0.000000e+00 : f32
        %max3A_2499 = vector.broadcast %max3A_2498 : f32 to vector<16xf32>
        %max3A_2500 = arith.maximumf %add3A_2497, %max3A_2499 : vector<16xf32>
        %div3A_2501 = arith.constant 1.000000e+00 : f32
        %div3A_2502 = vector.broadcast %div3A_2501 : f32 to vector<16xf32>
        %div3A_2503 = arith.divf %div3A_2502, %max3A_2500 : vector<16xf32>
        %min3A_2504 = arith.minimumf %max3A_2500, %div3A_2503 : vector<16xf32>
        %mul3A_2505 = arith.mulf %min3A_2504, %min3A_2504 : vector<16xf32>
        %broadcast_in_dim3A_2506 = arith.constant -0.0042574089 : f32
        %broadcast_in_dim3A_2507 = vector.broadcast %broadcast_in_dim3A_2506 : f32 to vector<16xf32>
        %mul3A_2508 = arith.mulf %broadcast_in_dim3A_2507, %mul3A_2505 : vector<16xf32>
        %add3A_2509 = arith.constant 0.022566827 : f32
        %add3A_2510 = vector.broadcast %add3A_2509 : f32 to vector<16xf32>
        %add3A_2511 = arith.addf %mul3A_2508, %add3A_2510 : vector<16xf32>
        %mul3A_2512 = arith.mulf %add3A_2511, %mul3A_2505 : vector<16xf32>
        %add3A_2513 = arith.constant -0.0568808913 : f32
        %add3A_2514 = vector.broadcast %add3A_2513 : f32 to vector<16xf32>
        %add3A_2515 = arith.addf %mul3A_2512, %add3A_2514 : vector<16xf32>
        %mul3A_2516 = arith.mulf %add3A_2515, %mul3A_2505 : vector<16xf32>
        %add3A_2517 = arith.constant 0.0970935076 : f32
        %add3A_2518 = vector.broadcast %add3A_2517 : f32 to vector<16xf32>
        %add3A_2519 = arith.addf %mul3A_2516, %add3A_2518 : vector<16xf32>
        %mul3A_2520 = arith.mulf %add3A_2519, %mul3A_2505 : vector<16xf32>
        %add3A_2521 = arith.constant -0.139332294 : f32
        %add3A_2522 = vector.broadcast %add3A_2521 : f32 to vector<16xf32>
        %add3A_2523 = arith.addf %mul3A_2520, %add3A_2522 : vector<16xf32>
        %mul3A_2524 = arith.mulf %add3A_2523, %mul3A_2505 : vector<16xf32>
        %add3A_2525 = arith.constant 0.199511111 : f32
        %add3A_2526 = vector.broadcast %add3A_2525 : f32 to vector<16xf32>
        %add3A_2527 = arith.addf %mul3A_2524, %add3A_2526 : vector<16xf32>
        %mul3A_2528 = arith.mulf %add3A_2527, %mul3A_2505 : vector<16xf32>
        %add3A_2529 = arith.constant -0.33330223 : f32
        %add3A_2530 = vector.broadcast %add3A_2529 : f32 to vector<16xf32>
        %add3A_2531 = arith.addf %mul3A_2528, %add3A_2530 : vector<16xf32>
        %mul3A_2532 = arith.mulf %add3A_2531, %mul3A_2505 : vector<16xf32>
        %add3A_2533 = arith.constant 0.999999403 : f32
        %add3A_2534 = vector.broadcast %add3A_2533 : f32 to vector<16xf32>
        %add3A_2535 = arith.addf %mul3A_2532, %add3A_2534 : vector<16xf32>
        %mul3A_2536 = arith.mulf %min3A_2504, %add3A_2535 : vector<16xf32>
        %ge3A_2537 = arith.constant 1.000000e+00 : f32
        %ge3A_2538 = vector.broadcast %ge3A_2537 : f32 to vector<16xf32>
        %ge3A_2539 = arith.cmpf oge, %max3A_2500, %ge3A_2538 : vector<16xf32>
        %sub3A_2540 = arith.constant 1.57079637 : f32
        %sub3A_2541 = vector.broadcast %sub3A_2540 : f32 to vector<16xf32>
        %sub3A_2542 = arith.subf %sub3A_2541, %mul3A_2536 : vector<16xf32>
        %select_n3A_2543 = arith.select %ge3A_2539, %mul3A_2536, %sub3A_2542 : vector<16xi1>, vector<16xf32>
        %mul3A_2544 = arith.constant 320 : i32
        %mul3A_2545 = arith.muli %scan3A_1254, %mul3A_2544 : i32
        %add3A_2546 = arith.addi %mul3A_2545, %mul3A_175 : i32
        %swap3A = arith.index_cast %add3A_2546 : i32 to index
        %swap3A_2547 = tpu.vector_load %arg18[%swap3A] {strides = array<i32>} : memref<2560xf32, #tpu.memory_space<vmem>>, vector<16xf32>,
        tpu.vector_store %arg18[%swap3A], %select_n3A_2543 {strides = array<i32>} : memref<2560xf32, #tpu.memory_space<vmem>>, vector<16xf32>,
        %scan3A_2548 = arith.constant 0 : i32
        scf.yield %scan3A_2548 : i32
      }
      %scan3A_1252 = arith.constant 8 : i32
      %scan3A_1253 = arith.constant 0 : i32
      scf.yield %scan3A_1253 : i32
    }
    %scan3A_59 = arith.constant 20 : i32
    %add3A_60 = arith.constant 0 : i32
    %add3A_61 = arith.addi %add3A_60, %min3A_3 : i32
    %dma_start3A_62 = arith.constant 0 : i32
    %dma_start3A_63 = tpu.memref_slice %arg18[%dma_start3A_62] : memref<2560xf32, #tpu.memory_space<vmem>> -> memref<320xf32, #tpu.memory_space<vmem>>
    %dma_start3A_64 = tpu.memref_slice %arg8[%add3A_61] : memref<80000xf32, #tpu.memory_space<hbm>> -> memref<320xf32, #tpu.memory_space<hbm>>
    %dma_start3A_65 = tpu.memref_slice %arg8[%add3A_61] : memref<80000xf32, #tpu.memory_space<hbm>> -> memref<320xf32, #tpu.memory_space<hbm>>
    %dma_start3A_66 = arith.constant 0 : i32
    %dma_start3A_67 = tpu.memref_slice %arg18[%dma_start3A_66] : memref<2560xf32, #tpu.memory_space<vmem>> -> memref<320xf32, #tpu.memory_space<vmem>>
    tpu.enqueue_dma source(%dma_start3A_67 : memref<320xf32, #tpu.memory_space<vmem>>) target(%dma_start3A_65 : memref<320xf32, #tpu.memory_space<hbm>>) target_semaphore(%arg21 : memref<!tpu.dma_semaphore, #tpu.memory_space<semaphore_mem>>)
    %add3A_68 = arith.constant 10000 : i32
    %add3A_69 = arith.addi %add3A_68, %min3A_3 : i32
    %dma_start3A_70 = arith.constant 320 : i32
    %dma_start3A_71 = tpu.memref_slice %arg18[%dma_start3A_70] : memref<2560xf32, #tpu.memory_space<vmem>> -> memref<320xf32, #tpu.memory_space<vmem>>
    %dma_start3A_72 = tpu.memref_slice %arg8[%add3A_69] : memref<80000xf32, #tpu.memory_space<hbm>> -> memref<320xf32, #tpu.memory_space<hbm>>
    %dma_start3A_73 = tpu.memref_slice %arg8[%add3A_69] : memref<80000xf32, #tpu.memory_space<hbm>> -> memref<320xf32, #tpu.memory_space<hbm>>
    %dma_start3A_74 = arith.constant 320 : i32
    %dma_start3A_75 = tpu.memref_slice %arg18[%dma_start3A_74] : memref<2560xf32, #tpu.memory_space<vmem>> -> memref<320xf32, #tpu.memory_space<vmem>>
    tpu.enqueue_dma source(%dma_start3A_75 : memref<320xf32, #tpu.memory_space<vmem>>) target(%dma_start3A_73 : memref<320xf32, #tpu.memory_space<hbm>>) target_semaphore(%arg21 : memref<!tpu.dma_semaphore, #tpu.memory_space<semaphore_mem>>)
    %add3A_76 = arith.constant 20000 : i32
    %add3A_77 = arith.addi %add3A_76, %min3A_3 : i32
    %dma_start3A_78 = arith.constant 640 : i32
    %dma_start3A_79 = tpu.memref_slice %arg18[%dma_start3A_78] : memref<2560xf32, #tpu.memory_space<vmem>> -> memref<320xf32, #tpu.memory_space<vmem>>
    %dma_start3A_80 = tpu.memref_slice %arg8[%add3A_77] : memref<80000xf32, #tpu.memory_space<hbm>> -> memref<320xf32, #tpu.memory_space<hbm>>
    %dma_start3A_81 = tpu.memref_slice %arg8[%add3A_77] : memref<80000xf32, #tpu.memory_space<hbm>> -> memref<320xf32, #tpu.memory_space<hbm>>
    %dma_start3A_82 = arith.constant 640 : i32
    %dma_start3A_83 = tpu.memref_slice %arg18[%dma_start3A_82] : memref<2560xf32, #tpu.memory_space<vmem>> -> memref<320xf32, #tpu.memory_space<vmem>>
    tpu.enqueue_dma source(%dma_start3A_83 : memref<320xf32, #tpu.memory_space<vmem>>) target(%dma_start3A_81 : memref<320xf32, #tpu.memory_space<hbm>>) target_semaphore(%arg21 : memref<!tpu.dma_semaphore, #tpu.memory_space<semaphore_mem>>)
    %add3A_84 = arith.constant 30000 : i32
    %add3A_85 = arith.addi %add3A_84, %min3A_3 : i32
    %dma_start3A_86 = arith.constant 960 : i32
    %dma_start3A_87 = tpu.memref_slice %arg18[%dma_start3A_86] : memref<2560xf32, #tpu.memory_space<vmem>> -> memref<320xf32, #tpu.memory_space<vmem>>
    %dma_start3A_88 = tpu.memref_slice %arg8[%add3A_85] : memref<80000xf32, #tpu.memory_space<hbm>> -> memref<320xf32, #tpu.memory_space<hbm>>
    %dma_start3A_89 = tpu.memref_slice %arg8[%add3A_85] : memref<80000xf32, #tpu.memory_space<hbm>> -> memref<320xf32, #tpu.memory_space<hbm>>
    %dma_start3A_90 = arith.constant 960 : i32
    %dma_start3A_91 = tpu.memref_slice %arg18[%dma_start3A_90] : memref<2560xf32, #tpu.memory_space<vmem>> -> memref<320xf32, #tpu.memory_space<vmem>>
    tpu.enqueue_dma source(%dma_start3A_91 : memref<320xf32, #tpu.memory_space<vmem>>) target(%dma_start3A_89 : memref<320xf32, #tpu.memory_space<hbm>>) target_semaphore(%arg21 : memref<!tpu.dma_semaphore, #tpu.memory_space<semaphore_mem>>)
    %add3A_92 = arith.constant 40000 : i32
    %add3A_93 = arith.addi %add3A_92, %min3A_3 : i32
    %dma_start3A_94 = arith.constant 1280 : i32
    %dma_start3A_95 = tpu.memref_slice %arg18[%dma_start3A_94] : memref<2560xf32, #tpu.memory_space<vmem>> -> memref<320xf32, #tpu.memory_space<vmem>>
    %dma_start3A_96 = tpu.memref_slice %arg8[%add3A_93] : memref<80000xf32, #tpu.memory_space<hbm>> -> memref<320xf32, #tpu.memory_space<hbm>>
    %dma_start3A_97 = tpu.memref_slice %arg8[%add3A_93] : memref<80000xf32, #tpu.memory_space<hbm>> -> memref<320xf32, #tpu.memory_space<hbm>>
    %dma_start3A_98 = arith.constant 1280 : i32
    %dma_start3A_99 = tpu.memref_slice %arg18[%dma_start3A_98] : memref<2560xf32, #tpu.memory_space<vmem>> -> memref<320xf32, #tpu.memory_space<vmem>>
    tpu.enqueue_dma source(%dma_start3A_99 : memref<320xf32, #tpu.memory_space<vmem>>) target(%dma_start3A_97 : memref<320xf32, #tpu.memory_space<hbm>>) target_semaphore(%arg21 : memref<!tpu.dma_semaphore, #tpu.memory_space<semaphore_mem>>)
    %add3A_100 = arith.constant 50000 : i32
    %add3A_101 = arith.addi %add3A_100, %min3A_3 : i32
    %dma_start3A_102 = arith.constant 1600 : i32
    %dma_start3A_103 = tpu.memref_slice %arg18[%dma_start3A_102] : memref<2560xf32, #tpu.memory_space<vmem>> -> memref<320xf32, #tpu.memory_space<vmem>>
    %dma_start3A_104 = tpu.memref_slice %arg8[%add3A_101] : memref<80000xf32, #tpu.memory_space<hbm>> -> memref<320xf32, #tpu.memory_space<hbm>>
    %dma_start3A_105 = tpu.memref_slice %arg8[%add3A_101] : memref<80000xf32, #tpu.memory_space<hbm>> -> memref<320xf32, #tpu.memory_space<hbm>>
    %dma_start3A_106 = arith.constant 1600 : i32
    %dma_start3A_107 = tpu.memref_slice %arg18[%dma_start3A_106] : memref<2560xf32, #tpu.memory_space<vmem>> -> memref<320xf32, #tpu.memory_space<vmem>>
    tpu.enqueue_dma source(%dma_start3A_107 : memref<320xf32, #tpu.memory_space<vmem>>) target(%dma_start3A_105 : memref<320xf32, #tpu.memory_space<hbm>>) target_semaphore(%arg21 : memref<!tpu.dma_semaphore, #tpu.memory_space<semaphore_mem>>)
    %add3A_108 = arith.constant 60000 : i32
    %add3A_109 = arith.addi %add3A_108, %min3A_3 : i32
    %dma_start3A_110 = arith.constant 1920 : i32
    %dma_start3A_111 = tpu.memref_slice %arg18[%dma_start3A_110] : memref<2560xf32, #tpu.memory_space<vmem>> -> memref<320xf32, #tpu.memory_space<vmem>>
    %dma_start3A_112 = tpu.memref_slice %arg8[%add3A_109] : memref<80000xf32, #tpu.memory_space<hbm>> -> memref<320xf32, #tpu.memory_space<hbm>>
    %dma_start3A_113 = tpu.memref_slice %arg8[%add3A_109] : memref<80000xf32, #tpu.memory_space<hbm>> -> memref<320xf32, #tpu.memory_space<hbm>>
    %dma_start3A_114 = arith.constant 1920 : i32
    %dma_start3A_115 = tpu.memref_slice %arg18[%dma_start3A_114] : memref<2560xf32, #tpu.memory_space<vmem>> -> memref<320xf32, #tpu.memory_space<vmem>>
    tpu.enqueue_dma source(%dma_start3A_115 : memref<320xf32, #tpu.memory_space<vmem>>) target(%dma_start3A_113 : memref<320xf32, #tpu.memory_space<hbm>>) target_semaphore(%arg21 : memref<!tpu.dma_semaphore, #tpu.memory_space<semaphore_mem>>)
    %add3A_116 = arith.constant 70000 : i32
    %add3A_117 = arith.addi %add3A_116, %min3A_3 : i32
    %dma_start3A_118 = arith.constant 2240 : i32
    %dma_start3A_119 = tpu.memref_slice %arg18[%dma_start3A_118] : memref<2560xf32, #tpu.memory_space<vmem>> -> memref<320xf32, #tpu.memory_space<vmem>>
    %dma_start3A_120 = tpu.memref_slice %arg8[%add3A_117] : memref<80000xf32, #tpu.memory_space<hbm>> -> memref<320xf32, #tpu.memory_space<hbm>>
    %dma_start3A_121 = tpu.memref_slice %arg8[%add3A_117] : memref<80000xf32, #tpu.memory_space<hbm>> -> memref<320xf32, #tpu.memory_space<hbm>>
    %dma_start3A_122 = arith.constant 2240 : i32
    %dma_start3A_123 = tpu.memref_slice %arg18[%dma_start3A_122] : memref<2560xf32, #tpu.memory_space<vmem>> -> memref<320xf32, #tpu.memory_space<vmem>>
    tpu.enqueue_dma source(%dma_start3A_123 : memref<320xf32, #tpu.memory_space<vmem>>) target(%dma_start3A_121 : memref<320xf32, #tpu.memory_space<hbm>>) target_semaphore(%arg21 : memref<!tpu.dma_semaphore, #tpu.memory_space<semaphore_mem>>)
    %dma_wait3A_124 = arith.constant 0 : i32
    %dma_wait3A_125 = tpu.memref_slice %arg18[%dma_wait3A_124] : memref<2560xf32, #tpu.memory_space<vmem>> -> memref<320xf32, #tpu.memory_space<vmem>>
    %dma_wait3A_126 = tpu.memref_slice %arg8[%add3A_61] : memref<80000xf32, #tpu.memory_space<hbm>> -> memref<320xf32, #tpu.memory_space<hbm>>
    %dma_wait3A_127 = tpu.memref_slice %arg8[%add3A_61] : memref<80000xf32, #tpu.memory_space<hbm>> -> memref<320xf32, #tpu.memory_space<hbm>>
    %dma_wait3A_128 = arith.constant 0 : i32
    %dma_wait3A_129 = tpu.memref_slice %arg18[%dma_wait3A_128] : memref<2560xf32, #tpu.memory_space<vmem>> -> memref<320xf32, #tpu.memory_space<vmem>>
    tpu.wait_dma2 semaphore(%arg21 : memref<!tpu.dma_semaphore, #tpu.memory_space<semaphore_mem>>) src(%dma_wait3A_129 : memref<320xf32, #tpu.memory_space<vmem>>) dst(%dma_wait3A_127 : memref<320xf32, #tpu.memory_space<hbm>>)
    %dma_wait3A_130 = arith.constant 320 : i32
    %dma_wait3A_131 = tpu.memref_slice %arg18[%dma_wait3A_130] : memref<2560xf32, #tpu.memory_space<vmem>> -> memref<320xf32, #tpu.memory_space<vmem>>
    %dma_wait3A_132 = tpu.memref_slice %arg8[%add3A_69] : memref<80000xf32, #tpu.memory_space<hbm>> -> memref<320xf32, #tpu.memory_space<hbm>>
    %dma_wait3A_133 = tpu.memref_slice %arg8[%add3A_69] : memref<80000xf32, #tpu.memory_space<hbm>> -> memref<320xf32, #tpu.memory_space<hbm>>
    %dma_wait3A_134 = arith.constant 320 : i32
    %dma_wait3A_135 = tpu.memref_slice %arg18[%dma_wait3A_134] : memref<2560xf32, #tpu.memory_space<vmem>> -> memref<320xf32, #tpu.memory_space<vmem>>
    tpu.wait_dma2 semaphore(%arg21 : memref<!tpu.dma_semaphore, #tpu.memory_space<semaphore_mem>>) src(%dma_wait3A_135 : memref<320xf32, #tpu.memory_space<vmem>>) dst(%dma_wait3A_133 : memref<320xf32, #tpu.memory_space<hbm>>)
    %dma_wait3A_136 = arith.constant 640 : i32
    %dma_wait3A_137 = tpu.memref_slice %arg18[%dma_wait3A_136] : memref<2560xf32, #tpu.memory_space<vmem>> -> memref<320xf32, #tpu.memory_space<vmem>>
    %dma_wait3A_138 = tpu.memref_slice %arg8[%add3A_77] : memref<80000xf32, #tpu.memory_space<hbm>> -> memref<320xf32, #tpu.memory_space<hbm>>
    %dma_wait3A_139 = tpu.memref_slice %arg8[%add3A_77] : memref<80000xf32, #tpu.memory_space<hbm>> -> memref<320xf32, #tpu.memory_space<hbm>>
    %dma_wait3A_140 = arith.constant 640 : i32
    %dma_wait3A_141 = tpu.memref_slice %arg18[%dma_wait3A_140] : memref<2560xf32, #tpu.memory_space<vmem>> -> memref<320xf32, #tpu.memory_space<vmem>>
    tpu.wait_dma2 semaphore(%arg21 : memref<!tpu.dma_semaphore, #tpu.memory_space<semaphore_mem>>) src(%dma_wait3A_141 : memref<320xf32, #tpu.memory_space<vmem>>) dst(%dma_wait3A_139 : memref<320xf32, #tpu.memory_space<hbm>>)
    %dma_wait3A_142 = arith.constant 960 : i32
    %dma_wait3A_143 = tpu.memref_slice %arg18[%dma_wait3A_142] : memref<2560xf32, #tpu.memory_space<vmem>> -> memref<320xf32, #tpu.memory_space<vmem>>
    %dma_wait3A_144 = tpu.memref_slice %arg8[%add3A_85] : memref<80000xf32, #tpu.memory_space<hbm>> -> memref<320xf32, #tpu.memory_space<hbm>>
    %dma_wait3A_145 = tpu.memref_slice %arg8[%add3A_85] : memref<80000xf32, #tpu.memory_space<hbm>> -> memref<320xf32, #tpu.memory_space<hbm>>
    %dma_wait3A_146 = arith.constant 960 : i32
    %dma_wait3A_147 = tpu.memref_slice %arg18[%dma_wait3A_146] : memref<2560xf32, #tpu.memory_space<vmem>> -> memref<320xf32, #tpu.memory_space<vmem>>
    tpu.wait_dma2 semaphore(%arg21 : memref<!tpu.dma_semaphore, #tpu.memory_space<semaphore_mem>>) src(%dma_wait3A_147 : memref<320xf32, #tpu.memory_space<vmem>>) dst(%dma_wait3A_145 : memref<320xf32, #tpu.memory_space<hbm>>)
    %dma_wait3A_148 = arith.constant 1280 : i32
    %dma_wait3A_149 = tpu.memref_slice %arg18[%dma_wait3A_148] : memref<2560xf32, #tpu.memory_space<vmem>> -> memref<320xf32, #tpu.memory_space<vmem>>
    %dma_wait3A_150 = tpu.memref_slice %arg8[%add3A_93] : memref<80000xf32, #tpu.memory_space<hbm>> -> memref<320xf32, #tpu.memory_space<hbm>>
    %dma_wait3A_151 = tpu.memref_slice %arg8[%add3A_93] : memref<80000xf32, #tpu.memory_space<hbm>> -> memref<320xf32, #tpu.memory_space<hbm>>
    %dma_wait3A_152 = arith.constant 1280 : i32
    %dma_wait3A_153 = tpu.memref_slice %arg18[%dma_wait3A_152] : memref<2560xf32, #tpu.memory_space<vmem>> -> memref<320xf32, #tpu.memory_space<vmem>>
    tpu.wait_dma2 semaphore(%arg21 : memref<!tpu.dma_semaphore, #tpu.memory_space<semaphore_mem>>) src(%dma_wait3A_153 : memref<320xf32, #tpu.memory_space<vmem>>) dst(%dma_wait3A_151 : memref<320xf32, #tpu.memory_space<hbm>>)
    %dma_wait3A_154 = arith.constant 1600 : i32
    %dma_wait3A_155 = tpu.memref_slice %arg18[%dma_wait3A_154] : memref<2560xf32, #tpu.memory_space<vmem>> -> memref<320xf32, #tpu.memory_space<vmem>>
    %dma_wait3A_156 = tpu.memref_slice %arg8[%add3A_101] : memref<80000xf32, #tpu.memory_space<hbm>> -> memref<320xf32, #tpu.memory_space<hbm>>
    %dma_wait3A_157 = tpu.memref_slice %arg8[%add3A_101] : memref<80000xf32, #tpu.memory_space<hbm>> -> memref<320xf32, #tpu.memory_space<hbm>>
    %dma_wait3A_158 = arith.constant 1600 : i32
    %dma_wait3A_159 = tpu.memref_slice %arg18[%dma_wait3A_158] : memref<2560xf32, #tpu.memory_space<vmem>> -> memref<320xf32, #tpu.memory_space<vmem>>
    tpu.wait_dma2 semaphore(%arg21 : memref<!tpu.dma_semaphore, #tpu.memory_space<semaphore_mem>>) src(%dma_wait3A_159 : memref<320xf32, #tpu.memory_space<vmem>>) dst(%dma_wait3A_157 : memref<320xf32, #tpu.memory_space<hbm>>)
    %dma_wait3A_160 = arith.constant 1920 : i32
    %dma_wait3A_161 = tpu.memref_slice %arg18[%dma_wait3A_160] : memref<2560xf32, #tpu.memory_space<vmem>> -> memref<320xf32, #tpu.memory_space<vmem>>
    %dma_wait3A_162 = tpu.memref_slice %arg8[%add3A_109] : memref<80000xf32, #tpu.memory_space<hbm>> -> memref<320xf32, #tpu.memory_space<hbm>>
    %dma_wait3A_163 = tpu.memref_slice %arg8[%add3A_109] : memref<80000xf32, #tpu.memory_space<hbm>> -> memref<320xf32, #tpu.memory_space<hbm>>
    %dma_wait3A_164 = arith.constant 1920 : i32
    %dma_wait3A_165 = tpu.memref_slice %arg18[%dma_wait3A_164] : memref<2560xf32, #tpu.memory_space<vmem>> -> memref<320xf32, #tpu.memory_space<vmem>>
    tpu.wait_dma2 semaphore(%arg21 : memref<!tpu.dma_semaphore, #tpu.memory_space<semaphore_mem>>) src(%dma_wait3A_165 : memref<320xf32, #tpu.memory_space<vmem>>) dst(%dma_wait3A_163 : memref<320xf32, #tpu.memory_space<hbm>>)
    %dma_wait3A_166 = arith.constant 2240 : i32
    %dma_wait3A_167 = tpu.memref_slice %arg18[%dma_wait3A_166] : memref<2560xf32, #tpu.memory_space<vmem>> -> memref<320xf32, #tpu.memory_space<vmem>>
    %dma_wait3A_168 = tpu.memref_slice %arg8[%add3A_117] : memref<80000xf32, #tpu.memory_space<hbm>> -> memref<320xf32, #tpu.memory_space<hbm>>
    %dma_wait3A_169 = tpu.memref_slice %arg8[%add3A_117] : memref<80000xf32, #tpu.memory_space<hbm>> -> memref<320xf32, #tpu.memory_space<hbm>>
    %dma_wait3A_170 = arith.constant 2240 : i32
    %dma_wait3A_171 = tpu.memref_slice %arg18[%dma_wait3A_170] : memref<2560xf32, #tpu.memory_space<vmem>> -> memref<320xf32, #tpu.memory_space<vmem>>
    tpu.wait_dma2 semaphore(%arg21 : memref<!tpu.dma_semaphore, #tpu.memory_space<semaphore_mem>>) src(%dma_wait3A_171 : memref<320xf32, #tpu.memory_space<vmem>>) dst(%dma_wait3A_169 : memref<320xf32, #tpu.memory_space<hbm>>)
    return
  }
}

</mosaic_0001>

<sc_bundles>
// kernel: kernel.3.cloned.1.call-start
scs
__scs_entry_jumppad:
0x0: {  	(pc) =	sbr.rel $0x88, $3  }
0x1: {  	(tag) =	ssettag $0x0;
	lr =	simm.s32 $0x1  }
0x2: {  	[smem:$0x3F98] =	sst lr;
	_ =	strace $0xD0000000  }
0x3: {  	_ = 	snop  }
0x4: {  	_ = 	snop  }
0x5: {  	_ = 	snop  }
0x6: {  	_ = 	snop  }
0x7: {  	_ = 	snop  }
__scs_overlays_trampoline_lowered:
0x8: {  	[smem:$0x3FA7] =	sst s0  }
0x9: {  	[smem:$0x3FA8] =	sst s1  }
0xa: {  	[smem:$0x3FA9] =	sst s2  }
0xb: {  	[smem:$0x3FAA] =	sst s3  }
0xc: {  	[smem:$0x3FAB] =	sst s4  }
0xd: {  	[smem:$0x3FAC] =	sst s5  }
0xe: {  	[smem:$0x3FAD] =	sst s6  }
0xf: {  	[smem:$0x3FAE] =	sst s7  }
0x10: {  	[smem:$0x3FAF] =	sst s8  }
0x11: {  	[smem:$0x3FB0] =	sst s9;
	s0 =	simm.s32 @!p0 $0x0  }
0x12: {  	s1 =	sld [smem:$0x3F96];
	s0 =	simm.s32 @p0 $0x1  }
0x13: {  	[smem:$0x3FB1] =	sst s0;
	s0 =	simm.s32 @!p1 $0x0  }
0x14: {  	s2 =	sld [smem:$0x3F95];
	s0 =	simm.s32 @p1 $0x1  }
0x15: {  	[smem:$0x3FB2] =	sst s0;
	s0 =	simm.s32 @!p2 $0x0  }
0x16: {  	s3 =	sld [smem:$0x3FDB];
	s0 =	simm.s32 @p2 $0x1  }
0x17: {  	s4 =	simm.s32 $0x1BF5;
	[smem:$0x3FB4] =	sst s0  }
0x18: {  	s0 =	sld [smem:$0x3F97];
	_ =	swait.ge [sflag:s4], $0x0  }
0x19: {  	s7 =	sld [smem:$0x3F98]  }
0x1a: {  	s8 =	sadd.s32 $0xFFFFE003, lr  }
0x1b: {  	s9 =	sadd.s32 $0xFFFFFEF7, lr;
	s5 =	simm.s32 $0xFFFFFFFF;
	p2 =	slt.u32 s8, $0xFFFFF086  }
0x1c: {  	p1 =	slt.u32 s9, $0xF7A;
	s5 =	simm.s32 @!p2 $0x0  }
0x1d: {  	s5 =	simm.s32 @p1 $0x1;
	p0 =	seq.s32 s7, s2  }
0x1e: {  	s7 =	smul.u32 @!p0 $0xF7A, s2;
	p2 =	seq.s32 @!p0 s5, $0x0  }
0x1f: {  	s9 =	smul.u32 $0xF7A, s1;
	s8 =	simm.s32 @!p0 $0x1BF5;
	p2 =	por !p2, p0  }
0x20: {  	[sflag:s8] =	ssyncset.s32 @!p0 $0xFFFFF086;
	s6 =	sadd.s32 @!p0 s3, s7;
	s7 =	simm.s32 @!p0 $0x108  }
0x21: {  	s3 =	sadd.s32 s3, s9;
	s6 =	sadd.s32 @!p0 $0x88, s6;
	s7 =	simm.s32 @p2 $0x1082  }
0x22: {  	[simem:s7], [sflag:s8] =	dma.local @!p0 [hbm:s6], $0xF7A  }
0x23: {  	s9 =	sor.u32 $0xD0000000, s2;
	s6 =	simm.s32 $0x108;
	_ =	swait.ge @!p0 [sflag:s8], $0x0  }
0x24: {  	s3 =	sadd.s32 $0x88, s3;
	s6 =	simm.s32 @!p1 $0x1082;
	[sflag:s4] =	ssyncset.s32 $0xFFFFF086  }
0x25: {  	[simem:s6], [sflag:s4] =	dma.local [hbm:s3], $0xF7A  }
0x26: {  	[smem:$0x3F98] =	sst s1;
	(tag) =	ssettag s2;
	_ =	strace s9  }
0x27: {  	s1 =	sld [smem:$0x3FA8]  }
0x28: {  	s2 =	sld [smem:$0x3FA9]  }
0x29: {  	s4 =	sld [smem:$0x3FAB]  }
0x2a: {  	p0 =	seq.s32 s5, $0x0;
	s5 =	sld [smem:$0x3FAC]  }
0x2b: {  	s6 =	sld [smem:$0x3FAD]  }
0x2c: {  	s7 =	sld [smem:$0x3FAE]  }
0x2d: {  	s3 =	simm.s32 $0x108;
	s8 =	sld [smem:$0x3FAF]  }
0x2e: {  	s3 =	simm.s32 @!p0 $0x1082;
	s9 =	sld [smem:$0x3FB0]  }
0x2f: {  	lr =	sadd.s32 s0, s3;
	s0 =	sld [smem:$0x3FA7]  }
0x30: {  	s3 =	sld [smem:$0x3FAA]  }
0x31: {  	[smem:$0x3FB3] =	sst s10  }
0x32: {  	s10 =	sld [smem:$0x3FB1];
	_ =	sdelay $0x3  }
0x33: {  	p0 =	seq.s32 s10, $0x1;
	s10 =	sld [smem:$0x3FB3];
	_ =	sdelay $0x3  }
0x34: {  	[smem:$0x3FB3] =	sst s10  }
0x35: {  	s10 =	sld [smem:$0x3FB2];
	_ =	sdelay $0x3  }
0x36: {  	p1 =	seq.s32 s10, $0x1;
	s10 =	sld [smem:$0x3FB3];
	_ =	sdelay $0x3  }
0x37: {  	[smem:$0x3FB3] =	sst s10  }
0x38: {  	s10 =	sld [smem:$0x3FB4]  }
0x39: {  	_ = 	snop;
	(pc) =	sbr.ind lr, $3  }
0x3a: {  	_ = 	snop  }
0x3b: {  	_ = 	snop  }
0x3c: {  	p2 =	seq.s32 s10, $0x1;
	s10 =	sld [smem:$0x3FB3]  }
0x3d: {  	_ =	shalt  }
0x3e: {  	_ =	shalt  }
0x3f: {  	_ =	shalt  }
0x40: {  	_ =	shalt  }
0x41: {  	_ =	shalt  }
0x42: {  	_ =	shalt  }
0x43: {  	_ =	shalt  }
0x44: {  	_ =	shalt  }
0x45: {  	_ =	shalt  }
0x46: {  	_ =	shalt  }
0x47: {  	_ =	shalt  }
0x48: {  	_ =	shalt  }
0x49: {  	_ =	shalt  }
0x4a: {  	_ =	shalt  }
0x4b: {  	_ =	shalt  }
0x4c: {  	_ =	shalt  }
0x4d: {  	_ =	shalt  }
0x4e: {  	_ =	shalt  }
0x4f: {  	_ =	shalt  }
0x50: {  	_ =	shalt  }
0x51: {  	_ =	shalt  }
0x52: {  	_ =	shalt  }
0x53: {  	_ =	shalt  }
0x54: {  	_ =	shalt  }
0x55: {  	_ =	shalt  }
0x56: {  	_ =	shalt  }
0x57: {  	_ =	shalt  }
0x58: {  	_ =	shalt  }
0x59: {  	_ =	shalt  }
0x5a: {  	_ =	shalt  }
0x5b: {  	_ =	shalt  }
0x5c: {  	_ =	shalt  }
0x5d: {  	_ =	shalt  }
0x5e: {  	_ =	shalt  }
0x5f: {  	_ =	shalt  }
0x60: {  	_ =	shalt  }
0x61: {  	_ =	shalt  }
0x62: {  	_ =	shalt  }
0x63: {  	_ =	shalt  }
0x64: {  	_ =	shalt  }
0x65: {  	_ =	shalt  }
0x66: {  	_ =	shalt  }
0x67: {  	_ =	shalt  }
0x68: {  	_ =	shalt  }
0x69: {  	_ =	shalt  }
0x6a: {  	_ =	shalt  }
0x6b: {  	_ =	shalt  }
0x6c: {  	_ =	shalt  }
0x6d: {  	_ =	shalt  }
0x6e: {  	_ =	shalt  }
0x6f: {  	_ =	shalt  }
0x70: {  	_ =	shalt  }
0x71: {  	_ =	shalt  }
0x72: {  	_ =	shalt  }
0x73: {  	_ =	shalt  }
0x74: {  	_ =	shalt  }
0x75: {  	_ =	shalt  }
0x76: {  	_ =	shalt  }
0x77: {  	_ =	shalt  }
0x78: {  	_ =	shalt  }
0x79: {  	_ =	shalt  }
0x7a: {  	_ =	shalt  }
0x7b: {  	_ =	shalt  }
0x7c: {  	_ =	shalt  }
0x7d: {  	_ =	shalt  }
0x7e: {  	_ =	shalt  }
0x7f: {  	_ =	shalt  }
0x80: {  	_ =	shalt  }
0x81: {  	_ =	shalt  }
0x82: {  	_ =	shalt  }
0x83: {  	_ =	shalt  }
0x84: {  	_ =	shalt  }
0x85: {  	_ =	shalt  }
0x86: {  	_ =	shalt  }
0x87: {  	_ =	shalt  }
.Lfunc_end0:
.L_simem_size_0:
called_computation_lowered:
.L_overlay_start_0:
0x88: {  	s2 =	sld [smem:$0x3FD9]  }
0x89: {  	s3 =	sld [smem:$0x3FFE];
	_ =	sdelay $0x1  }
0x8a: {  	s1 =	srdreg.scid  }
0x8b: {  	s0 =	sand.u32 $0x1, s1  }
0x8c: {  	s17 =	sshll.u32 s0, $0xA;
	s2 =	sadd.s32 s3, s2  }
0x8d: {  	s2 =	sadd.s32 s2, s17  }
0x8e: {  	[smem:$0x3FBF] =	sst s2  }
0x8f: {  	_ = 	snop  }
0x90: {  	s2 =	sld [smem:$0x3FD0];
	(tm) =	ssettm $0x1  }
0x91: {  	s18 =	sld [smem:$0x3FFB];
	_ =	sdelay $0x3  }
0x92: {  	_ =	strace s18  }
0x93: {  	s3 =	sld [smem:$0x3FFC];
	_ =	sdelay $0x3  }
0x94: {  	_ =	strace s3  }
0x95: {  	s3 =	sld [smem:$0x3FFD];
	_ =	sdelay $0x3  }
0x96: {  	_ =	strace s3  }
0x97: {  	_ =	strace $0x8FFFFFFF  }
0x98: {  	s19 =	sld [smem:$0x3FDB];
	_ =	sdelay $0x1  }
0x99: {  	s4 =	simm.s32 $_scs_section_size  }
0x9a: {  	s5 =	simm.s32 $_size__tile_overlayer_lowered;
	s6 =	simm.s32 $_tile_overlayer_lowered  }
0x9b: {  	s22 =	simm.s32 $0x1BFF;
	s21 =	sshll.u32 s6, $0x1;
	s3 =	sadd.s32 s4, s19  }
0x9c: {  	s7 =	simm.s32 $0x0;
	s20 =	sshll.u32 s5, $0x1;
	s5 =	sadd.s32 s21, s3  }
0x9d: {  	[timem:s7], [sflag:s22] =	dma.local [hbm:s5], s20  }
0x9e: {  	_ =	swait.ge [sflag:s22], s20  }
0x9f: {  	s4 =	ssub.s32 $0x0, s20;
	[sflag:s22] =	ssyncset.done $0x0  }
0xa0: {  	[sflag:s22] =	ssyncadd.s32 s4;
	_ =	sdelay $0x1  }
0xa1: {  	s23 =	simm.s32 $0x1B8B  }
0xa2: {  	_ =	swait.ge [sflag:s23], $0x1  }
0xa3: {  	[sflag:s23] =	ssyncset.done $0x0  }
0xa4: {  	s25 =	simm.s32 $0x1B8E;
	s24 =	sld [smem:$0x3FFE];
	[sflag:s23] =	ssyncadd.s32 $0xFFFFFFFF  }
0xa5: {  	s26 =	simm.s32 $execute0_lowered;
	[smem:$0x3FD2] =	sst s25  }
0xa6: {  	s5 =	sshll.u32 s26, $0x1;
	_ =	strace $0x80000046;
	[dreg:$0x1] =	wrdreg $0xFFFFFFFF  }
0xa7: {  	s28 =	simm.s32 $_size_execute0_lowered;
	s3 =	sadd.s32 s3, s5;
	[dreg:$0x0] =	wrdreg $0x0  }
0xa8: {  	s5 =	sshll.u32 s28, $0x1;
	[dreg:$0x2] =	wrdreg s3  }
0xa9: {  	[dreg:$0x3] =	wrdreg s5  }
0xaa: {  	[dreg:$0x4] =	wrdreg $0xC0  }
0xab: {  	_ =	task [dreg:s7], $0x5FFFF  }
0xac: {  	[dreg:$0x1] =	wrdreg $0xFFFFFFFF  }
0xad: {  	[dreg:$0x0] =	wrdreg $0x60  }
0xae: {  	[dreg:$0x2] =	wrdreg s24  }
0xaf: {  	[dreg:$0x3] =	wrdreg s2  }
0xb0: {  	[dreg:$0x4] =	wrdreg $0x9  }
0xb1: {  	_ =	task.clear_ibuf [dreg:s7], $0x5FFFF;
	_ =	strace $0x90000046  }
0xb2: {  	s29 =	simm.s32 $0x9;
	_ =	strace $0x80000048  }
0xb3: {  	_ =	swait.ge [sflag:s29], $0x1  }
0xb4: {  	[sflag:s29] =	ssyncadd.s32 $0xFFFFFFFF  }
0xb5: {  	_ =	strace $0x90000048  }
0xb6: {  	_ =	sfence  }
0xb7: {  	s30 =	sld [smem:$0x0];
	_ =	sdelay $0x2  }
0xb8: {  	s31 =	sshll.u32 s1, $0xD;
	s1 =	sshrl.u32 s1, $0x2  }
0xb9: {  	s3 =	sand.u32 $0x4000, s31;
	s1 =	sadd.s32 s1, s30  }
0xba: {  	s0 =	sor.u32 s3, s0;
	s1 =	sshll.u32 s1, $0x11  }
0xbb: {  	s0 =	sor.u32 s1, s0  }
0xbc: {  	s0 =	sadd.s32 $0x8F2B, s0  }
0xbd: {  	[sflag:s0] =	ssyncadd.remote.s32 $0x1  }
0xbe: {  	_ =	sfence.sel $0xFFFF  }
0xbf: {  	[dreg:$0x0] =	wrdreg $0xFFFFFFFF;
	(pc) =	sbr.abs _section_cstart, $3  }
0xc0: {  	[dreg:$0x1] =	wrdreg $0xFFFFFFFF  }
0xc1: {  	_ =	task.clear_ibuf [dreg:s7], $0x2FFFF;
	_ =	strace $0x9FFFFFFF  }
0xc2: {  	(tm) =	ssettm $0x7FFFFFFF  }
0xc3: {  	_ =	shalt  }
tec
execute0_lowered:
.L_overlay_start_1:
0x0: {  	(tag) =	ssettag $0x1  }
0x1: {  	s0 =	srdreg.scid;
	s10 =	rddreg [dreg:$0x0]  }
0x2: {  	s1 =	stileid.u32;
	s2 =	rddreg [dreg:$0x1]  }
0x3: {  	s3 =	simm.s32 $0x0;
	s19 =	simm.s32 $0x6E00;
	s20 =	simm.s32 $0x7980  }
0x4: {  	s22 =	simm.s32 $0x1;
	s0 =	sand.u32 $0x1, s0;
	s1 =	sshll.u32 s1, $0x1  }
0x5: {  	s23 =	simm.s32 $0xBD80;
	s24 =	simm.s32 $0x11080;
	s1 =	sor.u32 s0, s1  }
0x6: {  	s25 =	simm.s32 $0xFB00;
	s0 =	ssub.s32 $0x2, s0;
	s1 =	smul.u32 $0x140, s1  }
0x7: {  	s21 =	simm.s32 $0x0;
	s26 =	simm.s32 $0x0;
	s8 =	sshrl.u32 s0, $0x1  }
0x8: {  	[smem:$0x7FF] =	sst s3;
	s0 =	ssub.s32 s0, s8;
	s1 =	smin.u32 s1, $0x25D0  }
0x9: {  	_ =	strace $0x80000047;
	s17 =	smax.u32 s0, $0x1;
	s4 =	smul.u32 $0x6, s1  }
0xa: {  	s5 =	sshll.u32 s1, $0x1;
	s6 =	smul.u32 $0x3, s1;
	s7 =	sshrl.u32 s1, $0x3  }
0xb: {  	v0 =	vlaneseq.u32;
	s5 =	sadd.s32 s5, s10;
	s7 =	sadd.s32 s7, s10;
	s4 =	sadd.s32 s4, s10  }
0xc: {  	v1 =	vmul.u32 $0x31, v0;
	s9 =	sadd.s32 s6, s10;
	s29 =	sadd.s32 $0x19600, s5;
	s1 =	sadd.s32 s1, s7  }
0xd: {  	v61 =	vmul.u32 $0x19, v0;
	s31 =	sshrl.u32 s6, $0x3;
	s10 =	sadd.s32 $0x1EAE2, s7;
	s11 =	sadd.s32 $0x1EFC4, s7  }
0xe: {  	v62 =	vmul.u32 $0x11, v0;
	[tilespmem:$0x1FFB0] =	vst v1;
	s12 =	sadd.s32 $0x1F4A6, s7;
	s4 =	sadd.s32 $0x800, s4;
	[dreg:$0x4] =	wrdreg s29  }
0xf: {  	v63 =	vmul.u32 $0x3, v0;
	[tilespmem:$0x1FFC0] =	vst v61;
	s13 =	sadd.s32 $0x1F988, s7;
	s30 =	sadd.s32 $0xF400, s9;
	[dreg:$0x3] =	wrdreg s4  }
0x10: {  	v0 =	vmul.u32 $0x9, v0;
	[tilespmem:$0x1FFD0] =	vst v62;
	s14 =	sadd.s32 $0x1FE6A, s7;
	s1 =	sadd.s32 $0x16A00, s1;
	[dreg:$0x5] =	wrdreg s30  }
0x11: {  	[tilespmem:$0x1FFE0] =	vst v63;
	s15 =	sadd.s32 $0x2034C, s7;
	[dreg:$0x6] =	wrdreg s1;
	s1 =	sadd.s32 s2, s31  }
0x12: {  	[tilespmem:$0x1FFF0] =	vst v0;
	s16 =	sadd.s32 $0x2082E, s7;
	s9 =	sadd.s32 $0x1E600, s7;
	[dreg:$0x7] =	wrdreg s1  }
.LBB2_1:
0x13: {  	s0 =	rddreg [dreg:$0x3]  }
0x14: {  	[tilespmem:s3], [sflag:$0x1] =	stream.linear.gather [hbm4b:s0+s3], $0x3C00, $0x38;
	[tilespmem:$0x14300] =	vst v63  }
0x15: {  	s1 =	rddreg [dreg:$0x4];
	s0 =	simm.s32 $0x3C00  }
0x16: {  	[tilespmem:s0], [sflag:$0x1] =	stream.linear.gather [hbm4b:s1+s3], $0x1400, $0x38;
	[tilespmem:$0x14300] =	vst v63  }
0x17: {  	s6 =	rddreg [dreg:$0x5];
	s2 =	simm.s32 $0x5000  }
0x18: {  	[tilespmem:s2], [sflag:$0x1] =	stream.linear.gather [hbm4b:s6+s3], $0x1E00, $0x38;
	[tilespmem:$0x14300] =	vst v63  }
0x19: {  	s7 =	rddreg [dreg:$0x6]  }
0x1a: {  	[tilespmem:s19], [sflag:$0x1] =	stream.linear.gather [hbm4b:s7+s3], $0xB40, $0x38;
	[tilespmem:$0x14300] =	vst v63  }
0x1b: {  	s8 =	rddreg [dreg:$0x7]  }
0x1c: {  	[tilespmem:s20], [sflag:$0x1] =	stream.linear.gather [hbm4b:s8+s3], $0x3C0, $0x38;
	[tilespmem:$0x14300] =	vst v63  }
0x1d: {  	s18 =	rddreg [dreg:$0x0];
	s28 =	simm.s32 $0x7D80  }
0x1e: {  	[tilespmem:s28], [sflag:$0x1] =	stream.linear.gather [hbm4b:s18+s3], $0x4000, $0x38;
	[tilespmem:$0x14300] =	vst v63  }
0x1f: {  	_ =	swait.ge [sflag:s22], $0x3C00  }
0x20: {  	[sflag:s22] =	ssyncset.done $0x0  }
0x21: {  	[sflag:s22] =	ssyncadd.s32 $0xFFFFC400  }
0x22: {  	_ =	swait.ge [sflag:s22], $0x1400  }
0x23: {  	[sflag:s22] =	ssyncset.done $0x0  }
0x24: {  	[sflag:s22] =	ssyncadd.s32 $0xFFFFEC00  }
0x25: {  	_ =	swait.ge [sflag:s22], $0x1E00  }
0x26: {  	[sflag:s22] =	ssyncset.done $0x0  }
0x27: {  	[sflag:s22] =	ssyncadd.s32 $0xFFFFE200  }
0x28: {  	_ =	swait.ge [sflag:s22], $0xB40  }
0x29: {  	[sflag:s22] =	ssyncset.done $0x0  }
0x2a: {  	[sflag:s22] =	ssyncadd.s32 $0xFFFFF4C0  }
0x2b: {  	_ =	swait.ge [sflag:s22], $0x3C0  }
0x2c: {  	[sflag:s22] =	ssyncset.done $0x0  }
0x2d: {  	[sflag:s22] =	ssyncadd.s32 $0xFFFFFC40  }
0x2e: {  	_ =	swait.ge [sflag:s22], $0x4000  }
0x2f: {  	[sflag:s22] =	ssyncset.done $0x0  }
0x30: {  	s29 =	simm.s32 $0x20;
	[sflag:s22] =	ssyncadd.s32 $0xFFFFC000  }
0x31: {  	v0 =	vld [tilespmem:s29+$0xFFFFFFE0];
	_ =	sdelay $0x3  }
0x32: {  	s30 =	simm.s32 $0xBD90  }
0x33: {  	[tilespmem:s30+$0xFFFFFFF0] =	vst v0  }
0x34: {  	v0 =	vld [tilespmem:s29+$0xFFFFFFF0];
	_ =	sdelay $0x4  }
0x35: {  	[tilespmem:s30+$0x0] =	vst v0  }
0x36: {  	v0 =	vld [tilespmem:s29+$0x0];
	_ =	sdelay $0x4  }
0x37: {  	[tilespmem:s30+$0x10] =	vst v0  }
0x38: {  	v0 =	vld [tilespmem:s0+$0x0];
	_ =	sdelay $0x3  }
0x39: {  	s31 =	simm.s32 $0x0  }
0x3a: {  	s1 =	simm.s32 $0x5010;
	[tilespmem:s31+$0xFB00] =	vst v0  }
0x3b: {  	v0 =	vld [tilespmem:s1+$0xFFFFFFF0];
	_ =	sdelay $0x3  }
0x3c: {  	s2 =	simm.s32 $0x11090  }
0x3d: {  	[tilespmem:s2+$0xFFFFFFF0] =	vst v0  }
0x3e: {  	v0 =	vld [tilespmem:s1+$0x0];
	_ =	sdelay $0x3  }
0x3f: {  	s4 =	simm.s32 $0x44;
	s5 =	simm.s32 $0x50;
	s6 =	simm.s32 $0xBDC1  }
.LBB2_2:
0x40: {  	[tilespmem:s2+$0x0] =	vst v0;
	s0 =	sadd.s32 $0x10, s0;
	s2 =	sadd.s32 $0x19, s2;
	s1 =	sadd.s32 $0x18, s1  }
0x41: {  	p0 =	sne.s32 s4, $0x54BC;
	s7 =	smov.u32 s4;
	s4 =	sadd.s32 $0x44, s4;
	v0 =	vld [tilespmem:s5+$0xFFFFFFE0]  }
0x42: {  	_ =	sdelay $0x3  }
0x43: {  	[tilespmem:s6+$0xFFFFFFF0] =	vst v0  }
0x44: {  	v0 =	vld [tilespmem:s5+$0xFFFFFFF0];
	_ =	sdelay $0x4  }
0x45: {  	[tilespmem:s6+$0x0] =	vst v0  }
0x46: {  	v0 =	vld [tilespmem:s5+$0x0];
	_ =	sdelay $0x4  }
0x47: {  	[tilespmem:s6+$0x10] =	vst v0  }
0x48: {  	v0 =	vld [tilespmem:s0+$0x0];
	_ =	sdelay $0x3  }
0x49: {  	s7 =	sshra.s32 s7, $0x2  }
0x4a: {  	[tilespmem:s7+$0xFB00] =	vst v0  }
0x4b: {  	v0 =	vld [tilespmem:s1+$0xFFFFFFF0];
	_ =	sdelay $0x4  }
0x4c: {  	[tilespmem:s2+$0xFFFFFFF0] =	vst v0  }
.Ltmp0:
0x4d: {  	v0 =	vld [tilespmem:s1+$0x0];
	(pc) =	sbr.rel @p0 .LBB2_2-.Ltmp0, $2  }
0x4e: {  	_ =	sdelay $0x2  }
0x4f: {  	s5 =	sadd.s32 $0x30, s5;
	s6 =	sadd.s32 $0x31, s6  }
0x50: {  	[tilespmem:s2+$0x0] =	vst v0;
	s4 =	simm.s32 $0x13000;
	s29 =	simm.s32 $0x0  }
.LBB2_4:
0x51: {  	v25 =	vld [tilespmem:$0x1FFB0];
	_ =	sdelay $0x1  }
0x52: {  	s0 =	smul.u32 $0x310, s29;
	_ =	sdelay $0x1  }
0x53: {  	s1 =	sor.u32 $0x1, s0  }
0x54: {  	s28 =	sor.u32 $0x3, s0;
	v1 =	vadd.s32 s1, v25  }
0x55: {  	v3 =	vadd.s32 s28, v25;
	_ =	sdelay $0x1  }
0x56: {  	s30 =	sor.u32 $0x4, s0;
	v0 =	vadd.s32 s0, v25  }
0x57: {  	s2 =	sor.u32 $0x6, s0;
	v4 =	vadd.s32 s30, v25  }
0x58: {  	s6 =	sor.u32 $0x8, s0;
	v34 =	vld.idx.msk [tilespmem:v1+s23+$0x0], $0xffff;
	v1 =	vadd.s32 s2, v25  }
0x59: {  	s18 =	sor.u32 $0x2, s0;
	v46 =	vld.idx.msk [tilespmem:v3+s23+$0x0], $0xffff;
	v3 =	vadd.s32 s6, v25  }
0x5a: {  	s31 =	sor.u32 $0x5, s0;
	v2 =	vadd.s32 s18, v25  }
0x5b: {  	s7 =	sor.u32 $0x9, s0;
	v48 =	vld.idx.msk [tilespmem:v0+s23+$0x0], $0xffff;
	v0 =	vadd.s32 s31, v25  }
0x5c: {  	s18 =	sor.u32 $0xB, s0;
	v45 =	vld.idx.msk [tilespmem:v4+s23+$0x0], $0xffff;
	v4 =	vadd.s32 s7, v25  }
0x5d: {  	s30 =	sor.u32 $0xD, s0;
	v42 =	vld.idx.msk [tilespmem:v1+s23+$0x0], $0xffff;
	v1 =	vadd.s32 s18, v25  }
0x5e: {  	s5 =	sor.u32 $0x7, s0;
	v52 =	vld.idx.msk [tilespmem:v3+s23+$0x0], $0xffff;
	v3 =	vadd.s32 s30, v25  }
0x5f: {  	s8 =	sor.u32 $0xA, s0;
	v38 =	vld.idx.msk [tilespmem:v2+s23+$0x0], $0xffff;
	v2 =	vadd.s32 s5, v25  }
0x60: {  	s31 =	sor.u32 $0xE, s0;
	v44 =	vld.idx.msk [tilespmem:v0+s23+$0x0], $0xffff;
	v0 =	vadd.s32 s8, v25  }
0x61: {  	s5 =	sadd.s32 $0x10, s0;
	v53 =	vld.idx.msk [tilespmem:v4+s23+$0x0], $0xffff;
	v4 =	vadd.s32 s31, v25  }
0x62: {  	s7 =	sadd.s32 $0x12, s0;
	v55 =	vld.idx.msk [tilespmem:v1+s23+$0x0], $0xffff;
	v1 =	vadd.s32 s5, v25  }
0x63: {  	s28 =	sor.u32 $0xC, s0;
	v57 =	vld.idx.msk [tilespmem:v3+s23+$0x0], $0xffff;
	v3 =	vadd.s32 s7, v25  }
0x64: {  	s2 =	sor.u32 $0xF, s0;
	v43 =	vld.idx.msk [tilespmem:v2+s23+$0x0], $0xffff;
	v2 =	vadd.s32 s28, v25  }
0x65: {  	s8 =	sadd.s32 $0x13, s0;
	v54 =	vld.idx.msk [tilespmem:v0+s23+$0x0], $0xffff;
	v0 =	vadd.s32 s2, v25  }
0x66: {  	s28 =	sadd.s32 $0x15, s0;
	v58 =	vld.idx.msk [tilespmem:v4+s23+$0x0], $0xffff;
	v4 =	vadd.s32 s8, v25  }
0x67: {  	s31 =	sadd.s32 $0x17, s0;
	v36 =	vld.idx.msk [tilespmem:v1+s23+$0x0], $0xffff;
	v1 =	vadd.s32 s28, v25  }
0x68: {  	v63 =	vld.idx.msk [tilespmem:v3+s23+$0x0], $0xffff;
	v3 =	vadd.s32 s31, v25  }
0x69: {  	s6 =	sadd.s32 $0x11, s0;
	v56 =	vld.idx.msk [tilespmem:v2+s23+$0x0], $0xffff  }
0x6a: {  	s18 =	sadd.s32 $0x14, s0;
	v2 =	vadd.s32 s6, v25;
	v59 =	vld.idx.msk [tilespmem:v0+s23+$0x0], $0xffff  }
0x6b: {  	s6 =	sadd.s32 $0x1A, s0;
	v0 =	vadd.s32 s18, v25;
	v62 =	vld.idx.msk [tilespmem:v4+s23+$0x0], $0xffff  }
0x6c: {  	s8 =	sadd.s32 $0x1C, s0;
	v4 =	vld.idx.msk [tilespmem:v1+s23+$0x0], $0xffff;
	v1 =	vadd.s32 s6, v25  }
0x6d: {  	v5 =	vld.idx.msk [tilespmem:v3+s23+$0x0], $0xffff;
	v3 =	vadd.s32 s8, v25  }
0x6e: {  	s7 =	sadd.s32 $0x1B, s0  }
0x6f: {  	s30 =	sadd.s32 $0x16, s0;
	s5 =	sadd.s32 $0x19, s0;
	v7 =	vadd.s32 s7, v25;
	v37 =	vld.idx.msk [tilespmem:v2+s23+$0x0], $0xffff  }
0x70: {  	s2 =	sadd.s32 $0x18, s0;
	v2 =	vadd.s32 s30, v25;
	s30 =	sadd.s32 $0x1F, s0;
	v41 =	vld.idx.msk [tilespmem:v0+s23+$0x0], $0xffff;
	v0 =	vadd.s32 s5, v25  }
0x71: {  	v6 =	vadd.s32 s2, v25;
	s2 =	sadd.s32 $0x21, s0;
	v9 =	vld.idx.msk [tilespmem:v1+s23+$0x0], $0xffff;
	v1 =	vadd.s32 s30, v25  }
0x72: {  	s18 =	sadd.s32 $0x1D, s0;
	v11 =	vld.idx.msk [tilespmem:v3+s23+$0x0], $0xffff;
	v3 =	vadd.s32 s2, v25  }
0x73: {  	v32 =	vld [tilespmem:$0x1FFC0];
	s31 =	sadd.s32 $0x20, s0;
	v12 =	vadd.s32 s18, v25  }
0x74: {  	v10 =	vld.idx.msk [tilespmem:v7+s23+$0x0], $0xffff;
	v7 =	vadd.s32 s31, v25;
	s18 =	sadd.s32 $0x26, s0  }
0x75: {  	s7 =	sadd.s32 $0x24, s0;
	s28 =	sadd.s32 $0x1E, s0;
	v14 =	vadd.s32 s18, v25;
	v8 =	vld.idx.msk [tilespmem:v0+s23+$0x0], $0xffff  }
0x76: {  	v0 =	vadd.s32 s28, v25;
	s28 =	sadd.s32 $0x27, s0;
	v15 =	vld.idx.msk [tilespmem:v1+s23+$0x0], $0xffff;
	v1 =	vadd.s32 s7, v25  }
0x77: {  	s5 =	sadd.s32 $0x22, s0;
	v16 =	vld.idx.msk [tilespmem:v3+s23+$0x0], $0xffff;
	v3 =	vadd.s32 s28, v25  }
0x78: {  	s8 =	sadd.s32 $0x25, s0;
	v13 =	vld.idx.msk [tilespmem:v12+s23+$0x0], $0xffff;
	v12 =	vadd.s32 s5, v25  }
0x79: {  	v49 =	vld.idx.msk [tilespmem:v7+s23+$0x0], $0xffff;
	v7 =	vadd.s32 s8, v25;
	s8 =	sadd.s32 $0x2E, s0  }
0x7a: {  	s31 =	sadd.s32 $0x29, s0;
	s6 =	sadd.s32 $0x23, s0;
	v24 =	vld.idx.msk [tilespmem:v14+s23+$0x0], $0xffff;
	v27 =	vadd.s32 s8, v25  }
0x7b: {  	v18 =	vadd.s32 s6, v25;
	s6 =	sadd.s32 $0x2C, s0;
	v20 =	vld.idx.msk [tilespmem:v1+s23+$0x0], $0xffff;
	v1 =	vadd.s32 s31, v25  }
0x7c: {  	s30 =	sadd.s32 $0x28, s0;
	v23 =	vld.idx.msk [tilespmem:v3+s23+$0x0], $0xffff;
	v3 =	vadd.s32 s6, v25  }
0x7d: {  	s18 =	sadd.s32 $0x2F, s0;
	v17 =	vld.idx.msk [tilespmem:v12+s23+$0x0], $0xffff;
	v12 =	vadd.s32 s30, v25;
	s7 =	sadd.s32 $0x2D, s0  }
0x7e: {  	s5 =	sadd.s32 $0x2B, s0;
	s2 =	sadd.s32 $0x2A, s0;
	v22 =	vld.idx.msk [tilespmem:v7+s23+$0x0], $0xffff;
	s0 =	smul.u32 $0x190, s29;
	v14 =	vadd.s32 s7, v25  }
0x7f: {  	v7 =	vadd.s32 s2, v25;
	v40 =	vld.idx.msk [tilespmem:v27+s23+$0x0], $0xffff  }
0x80: {  	v26 =	vadd.s32 s5, v25;
	s28 =	sor.u32 $0x1, s0;
	v19 =	vld.idx.msk [tilespmem:v1+s23+$0x0], $0xffff  }
0x81: {  	s2 =	sor.u32 $0x4, s0;
	v1 =	vld.idx.msk [tilespmem:v3+s23+$0x0], $0xffff;
	v3 =	vadd.s32 s28, v32  }
0x82: {  	v21 =	vld.idx.msk [tilespmem:v12+s23+$0x0], $0xffff;
	s30 =	sor.u32 $0x2, s0;
	v30 =	vadd.s32 s2, v32  }
0x83: {  	v47 =	vld.idx.msk [tilespmem:v14+s23+$0x0], $0xffff;
	v14 =	vadd.s32 s30, v32  }
0x84: {  	v12 =	vld.idx.msk [tilespmem:v7+s23+$0x0], $0xffff;
	v25 =	vadd.s32 s18, v25  }
0x85: {  	v7 =	vld.idx.msk [tilespmem:v26+s23+$0x0], $0xffff;
	v26 =	vadd.s32 s0, v32;
	s6 =	sor.u32 $0x6, s0  }
0x86: {  	s31 =	sor.u32 $0x3, s0;
	v28 =	vld.idx.msk [tilespmem:v3+s24+$0x0], $0xffff;
	v3 =	vadd.s32 s6, v32  }
0x87: {  	s7 =	sor.u32 $0x7, s0;
	v29 =	vadd.s32 s31, v32;
	v30 =	vld.idx.msk [tilespmem:v30+s24+$0x0], $0xffff  }
0x88: {  	v27 =	vld.idx.msk [tilespmem:v14+s24+$0x0], $0xffff;
	v14 =	vadd.s32 s7, v32  }
0x89: {  	v39 =	vld.idx.msk [tilespmem:v25+s23+$0x0], $0xffff  }
0x8a: {  	v25 =	vld.idx.msk [tilespmem:v26+s24+$0x0], $0xffff  }
0x8b: {  	s5 =	sor.u32 $0x5, s0;
	v3 =	vld.idx.msk [tilespmem:v3+s24+$0x0], $0xffff  }
0x8c: {  	s8 =	sor.u32 $0x8, s0;
	v33 =	vadd.s32 s5, v32;
	v26 =	vld.idx.msk [tilespmem:v29+s24+$0x0], $0xffff  }
0x8d: {  	v29 =	vadd.s32 s8, v32;
	v14 =	vld.idx.msk [tilespmem:v14+s24+$0x0], $0xffff;
	_ =	sdelay $0x1  }
0x8e: {  	s30 =	sor.u32 $0xB, s0  }
0x8f: {  	[tilespmem:$0x1FA20] =	vst v3;
	v3 =	vadd.s32 s30, v32  }
0x90: {  	s18 =	sor.u32 $0x9, s0;
	[tilespmem:$0x1FA00] =	vst v30;
	v30 =	vld.idx.msk [tilespmem:v33+s24+$0x0], $0xffff  }
0x91: {  	v31 =	vadd.s32 s18, v32;
	[tilespmem:$0x1FA30] =	vst v14;
	v14 =	vld.idx.msk [tilespmem:v29+s24+$0x0], $0xffff;
	_ =	sdelay $0x1  }
0x92: {  	s31 =	sor.u32 $0xC, s0  }
0x93: {  	v35 =	vadd.s32 s31, v32;
	v3 =	vld.idx.msk [tilespmem:v3+s24+$0x0], $0xffff  }
0x94: {  	s28 =	sor.u32 $0xA, s0;
	[tilespmem:$0x1FA10] =	vst v30  }
0x95: {  	s7 =	sadd.s32 $0x10, s0;
	v30 =	vadd.s32 s28, v32;
	[tilespmem:$0x1FA40] =	vst v14;
	v14 =	vld.idx.msk [tilespmem:v31+s24+$0x0], $0xffff  }
0x96: {  	s5 =	sor.u32 $0xE, s0;
	v31 =	vadd.s32 s7, v32  }
0x97: {  	s2 =	sor.u32 $0xD, s0;
	v60 =	vadd.s32 s5, v32  }
0x98: {  	v29 =	vadd.s32 s2, v32;
	[tilespmem:$0x1FA70] =	vst v3;
	v3 =	vld.idx.msk [tilespmem:v35+s24+$0x0], $0xffff;
	_ =	sdelay $0x1  }
0x99: {  	s2 =	sadd.s32 $0x11, s0;
	[tilespmem:$0x1FA50] =	vst v14;
	v14 =	vld.idx.msk [tilespmem:v30+s24+$0x0], $0xffff  }
0x9a: {  	v61 =	vadd.s32 s2, v32;
	v31 =	vld.idx.msk [tilespmem:v31+s24+$0x0], $0xffff  }
0x9b: {  	s8 =	sadd.s32 $0x12, s0;
	v30 =	vld.idx.msk [tilespmem:v60+s24+$0x0], $0xffff  }
0x9c: {  	[tilespmem:$0x1FA80] =	vst v3;
	v3 =	vld.idx.msk [tilespmem:v29+s24+$0x0], $0xffff;
	v29 =	vadd.s32 s8, v32;
	_ =	sdelay $0x2  }
0x9d: {  	[tilespmem:$0x1FAB0] =	vst v31;
	v31 =	vld.idx.msk [tilespmem:v61+s24+$0x0], $0xffff  }
0x9e: {  	s18 =	sadd.s32 $0x13, s0  }
0x9f: {  	[tilespmem:$0x1FAA0] =	vst v30;
	v30 =	vadd.s32 s18, v32;
	v29 =	vld.idx.msk [tilespmem:v29+s24+$0x0], $0xffff;
	_ =	sdelay $0x1  }
0xa0: {  	s30 =	sadd.s32 $0x15, s0  }
0xa1: {  	[tilespmem:$0x1FAC0] =	vst v31;
	v31 =	vadd.s32 s30, v32  }
0xa2: {  	s28 =	sadd.s32 $0x14, s0  }
0xa3: {  	v60 =	vadd.s32 s28, v32;
	[tilespmem:$0x1FAD0] =	vst v29;
	v29 =	vld.idx.msk [tilespmem:v30+s24+$0x0], $0xffff;
	_ =	sdelay $0x2  }
0xa4: {  	v31 =	vld.idx.msk [tilespmem:v31+s24+$0x0], $0xffff;
	_ =	sdelay $0x1  }
0xa5: {  	[tilespmem:$0x1FAE0] =	vst v29;
	v29 =	vld.idx.msk [tilespmem:v60+s24+$0x0], $0xffff;
	_ =	sdelay $0x2  }
0xa6: {  	s6 =	sor.u32 $0xF, s0;
	[tilespmem:$0x1FB00] =	vst v31;
	v31 =	vld [tilespmem:$0x1FFD0]  }
0xa7: {  	s5 =	sadd.s32 $0x17, s0;
	s31 =	sadd.s32 $0x16, s0;
	v50 =	vadd.s32 s6, v32;
	s0 =	simm.s32 $0x7E00  }
0xa8: {  	v61 =	vadd.s32 s31, v32;
	[tilespmem:$0x1FAF0] =	vst v29;
	v29 =	vld [tilespmem:s0+$0xFFFFFF80]  }
0xa9: {  	s1 =	smul.u32 $0x110, s29;
	_ =	sdelay $0x1  }
0xaa: {  	v51 =	vadd.s32 s1, v31  }
0xab: {  	[tilespmem:$0x1FA60] =	vst v14;
	v14 =	vmov v49;
	v49 =	vld.idx.msk [tilespmem:v50+s24+$0x0], $0xffff  }
0xac: {  	v50 =	vld.idx.msk [tilespmem:v61+s24+$0x0], $0xffff;
	v61 =	vmul.f32 v29, v36  }
0xad: {  	v60 =	vmul.f32 v29, v14;
	v29 =	vmul.f32 v29, v48  }
0xae: {  	v30 =	vld [tilespmem:s0+$0xFFFFFF90]  }
0xaf: {  	[tilespmem:$0x1FB30] =	vst v29;
	v29 =	vld.idx.msk [tilespmem:v51+s25+$0x0], $0xffff;
	_ =	sdelay $0x4  }
0xb0: {  	[tilespmem:$0x1FB20] =	vst v29;
	v29 =	vmul.f32 v30, v37;
	_ =	sdelay $0x1  }
0xb1: {  	[tilespmem:$0x1FB50] =	vst v29;
	v29 =	vld [tilespmem:$0x1FB30]  }
0xb2: {  	s6 =	sor.u32 $0x1, s1  }
0xb3: {  	[tilespmem:$0x1FB10] =	vst v50;
	v50 =	vadd.s32 s6, v31  }
0xb4: {  	[tilespmem:$0x1FFA0] =	vst v34;
	v34 =	vmul.f32 v30, v34;
	_ =	sdelay $0x1  }
0xb5: {  	v29 =	vadd.f32 v34, v29;
	_ =	sdelay $0x1  }
0xb6: {  	[tilespmem:$0x1FB80] =	vst v29;
	v29 =	vld.idx.msk [tilespmem:v50+s25+$0x0], $0xffff;
	_ =	sdelay $0x4  }
0xb7: {  	[tilespmem:$0x1FB40] =	vst v29;
	v29 =	vld [tilespmem:$0x1FB50];
	_ =	sdelay $0x1  }
0xb8: {  	v33 =	vld [tilespmem:s0+$0xFFFFFFA0];
	_ =	sdelay $0x1  }
0xb9: {  	[tilespmem:$0x1FB60] =	vst v60  }
0xba: {  	v61 =	vadd.f32 v29, v61;
	v29 =	vld [tilespmem:$0x1FB60];
	_ =	sdelay $0x1  }
0xbb: {  	v50 =	vmul.f32 v33, v17  }
0xbc: {  	v30 =	vmul.f32 v30, v16  }
0xbd: {  	[tilespmem:$0x1FBA0] =	vst v50;
	v50 =	vld [tilespmem:$0x1FB80]  }
0xbe: {  	v29 =	vadd.f32 v30, v29  }
0xbf: {  	v35 =	vld [tilespmem:s0+$0xFFFFFFB0]  }
0xc0: {  	[tilespmem:$0x1FB90] =	vst v29;
	v29 =	vmul.f32 v33, v38;
	_ =	sdelay $0x1  }
0xc1: {  	v29 =	vadd.f32 v29, v50;
	_ =	sdelay $0x1  }
0xc2: {  	v34 =	vmul.f32 v33, v63;
	[tilespmem:$0x1FBC0] =	vst v29;
	v29 =	vmul.f32 v35, v46;
	_ =	sdelay $0x1  }
0xc3: {  	[tilespmem:$0x1FBD0] =	vst v29;
	v29 =	vadd.f32 v34, v61  }
0xc4: {  	s8 =	sor.u32 $0x3, s1;
	v34 =	vld [tilespmem:$0x1FBA0]  }
0xc5: {  	v60 =	vadd.s32 s8, v31;
	[tilespmem:$0x1FBF0] =	vst v29;
	v29 =	vld [tilespmem:$0x1FB90];
	_ =	sdelay $0x4  }
0xc6: {  	v61 =	vadd.f32 v34, v29;
	v29 =	vld.idx.msk [tilespmem:v60+s25+$0x0], $0xffff;
	_ =	sdelay $0x3  }
0xc7: {  	s7 =	sor.u32 $0x2, s1;
	[tilespmem:$0x1FA90] =	vst v3  }
0xc8: {  	v3 =	vmovc v41;
	v41 =	vadd.s32 s5, v32;
	v32 =	vadd.s32 s7, v31;
	[tilespmem:$0x1FBB0] =	vst v29;
	v29 =	vmul.f32 v35, v62  }
0xc9: {  	s5 =	sor.u32 $0x4, s1;
	v60 =	vld [tilespmem:$0x1FBD0]  }
0xca: {  	v51 =	vadd.s32 s5, v31;
	[tilespmem:$0x1FC00] =	vst v29;
	v29 =	vld [tilespmem:$0x1FBC0];
	_ =	sdelay $0x2  }
0xcb: {  	v32 =	vld.idx.msk [tilespmem:v32+s25+$0x0], $0xffff  }
0xcc: {  	v18 =	vld.idx.msk [tilespmem:v18+s23+$0x0], $0xffff  }
0xcd: {  	v60 =	vadd.f32 v60, v29;
	v29 =	vld.idx.msk [tilespmem:v51+s25+$0x0], $0xffff;
	_ =	sdelay $0x1  }
0xce: {  	s18 =	sor.u32 $0x5, s1  }
0xcf: {  	[tilespmem:$0x1FB70] =	vst v32;
	v32 =	vadd.s32 s18, v31;
	v30 =	vld [tilespmem:s0+$0xFFFFFFC0]  }
0xd0: {  	v34 =	vmul.f32 v35, v18;
	v35 =	vld [tilespmem:$0x1FC00]  }
0xd1: {  	[tilespmem:$0x1FBE0] =	vst v29;
	v29 =	vld [tilespmem:$0x1FBF0];
	_ =	sdelay $0x2  }
0xd2: {  	v32 =	vld.idx.msk [tilespmem:v32+s25+$0x0], $0xffff;
	_ =	sdelay $0x1  }
0xd3: {  	v29 =	vadd.f32 v35, v29;
	v35 =	vmul.f32 v30, v45;
	_ =	sdelay $0x1  }
0xd4: {  	[tilespmem:$0x1FC20] =	vst v35  }
0xd5: {  	[tilespmem:$0x1FC10] =	vst v32;
	v32 =	vld [tilespmem:$0x1FC20];
	_ =	sdelay $0x3  }
0xd6: {  	[tilespmem:$0x1FC40] =	vst v29  }
0xd7: {  	v60 =	vadd.f32 v32, v60;
	v32 =	vld [tilespmem:$0x1FC40];
	_ =	sdelay $0x1  }
0xd8: {  	v33 =	vld [tilespmem:s0+$0xFFFFFFD0]  }
0xd9: {  	s30 =	sor.u32 $0x7, s1;
	v61 =	vadd.f32 v34, v61;
	v34 =	vmul.f32 v30, v20;
	v30 =	vmul.f32 v30, v3  }
0xda: {  	v51 =	vadd.s32 s30, v31  }
0xdb: {  	v30 =	vadd.f32 v30, v32;
	_ =	sdelay $0x1  }
0xdc: {  	v35 =	vmul.f32 v33, v44;
	[tilespmem:$0x1FC60] =	vst v30;
	v30 =	vadd.f32 v34, v61;
	v61 =	vmul.f32 v33, v4  }
0xdd: {  	v32 =	vld [tilespmem:$0x1FC60]  }
0xde: {  	[tilespmem:$0x1FC70] =	vst v61;
	v61 =	vadd.f32 v35, v60;
	v60 =	vld.idx.msk [tilespmem:v51+s25+$0x0], $0xffff  }
0xdf: {  	v51 =	vld [tilespmem:$0x1FC70];
	_ =	sdelay $0x1  }
0xe0: {  	s31 =	sor.u32 $0x8, s1  }
0xe1: {  	v29 =	vadd.s32 s31, v31  }
0xe2: {  	[tilespmem:$0x1FC80] =	vst v29  }
0xe3: {  	v34 =	vmul.f32 v33, v22;
	v33 =	vadd.f32 v51, v32;
	v51 =	vld [tilespmem:$0x1FC80];
	_ =	sdelay $0x3  }
0xe4: {  	s28 =	sor.u32 $0x6, s1  }
0xe5: {  	v50 =	vadd.s32 s28, v31;
	_ =	sdelay $0x2  }
0xe6: {  	v32 =	vld.idx.msk [tilespmem:v51+s25+$0x0], $0xffff;
	_ =	sdelay $0x1  }
0xe7: {  	v50 =	vld.idx.msk [tilespmem:v50+s25+$0x0], $0xffff  }
0xe8: {  	v2 =	vld.idx.msk [tilespmem:v2+s23+$0x0], $0xffff  }
0xe9: {  	v29 =	vld [tilespmem:s0+$0xFFFFFFE0];
	[tilespmem:$0x1FCA0] =	vst v30  }
0xea: {  	[tilespmem:$0x1FC90] =	vst v32;
	v32 =	vld [tilespmem:$0x1FCA0]  }
0xeb: {  	s6 =	sor.u32 $0x9, s1  }
0xec: {  	[tilespmem:$0x1FC30] =	vst v50;
	v50 =	vadd.s32 s6, v31;
	_ =	sdelay $0x1  }
0xed: {  	v51 =	vmul.f32 v29, v42  }
0xee: {  	v32 =	vadd.f32 v34, v32;
	v34 =	vmul.f32 v29, v24;
	v29 =	vmul.f32 v29, v2  }
0xef: {  	[tilespmem:$0x1FC50] =	vst v60;
	v61 =	vadd.f32 v51, v61  }
0xf0: {  	s7 =	sor.u32 $0xA, s1;
	v51 =	vld.idx.msk [tilespmem:v50+s25+$0x0], $0xffff;
	[tilespmem:$0x1FCC0] =	vst v29  }
0xf1: {  	v60 =	vadd.s32 s7, v31;
	[tilespmem:$0x1FCF0] =	vst v61;
	v61 =	vld [tilespmem:$0x1FCC0];
	_ =	sdelay $0x2  }
0xf2: {  	v30 =	vld [tilespmem:s0+$0xFFFFFFF0];
	[tilespmem:$0x1FCD0] =	vst v32  }
0xf3: {  	s18 =	sor.u32 $0xC, s1;
	v50 =	vld [tilespmem:$0x1FCD0]  }
0xf4: {  	[tilespmem:$0x1FCB0] =	vst v51;
	v51 =	vadd.s32 s18, v31;
	v32 =	vadd.f32 v61, v33;
	v61 =	vld.idx.msk [tilespmem:v60+s25+$0x0], $0xffff  }
0xf5: {  	v60 =	vld [tilespmem:$0x1FCF0];
	_ =	sdelay $0x2  }
0xf6: {  	[tilespmem:$0x1FD10] =	vst v32;
	v32 =	vadd.f32 v34, v50;
	v50 =	vmul.f32 v30, v43  }
0xf7: {  	v51 =	vld.idx.msk [tilespmem:v51+s25+$0x0], $0xffff  }
0xf8: {  	[tilespmem:$0x1FD20] =	vst v32;
	v32 =	vadd.f32 v50, v60;
	v60 =	vld [tilespmem:$0x1FD10];
	_ =	sdelay $0x1  }
0xf9: {  	v33 =	vld [tilespmem:s0+$0x10]  }
0xfa: {  	v34 =	vmul.f32 v30, v23;
	v30 =	vmul.f32 v30, v5;
	_ =	sdelay $0x1  }
0xfb: {  	v6 =	vld.idx.msk [tilespmem:v6+s23+$0x0], $0xffff;
	s8 =	sor.u32 $0xB, s1;
	[tilespmem:$0x1FD30] =	vst v51;
	v30 =	vadd.f32 v30, v60  }
0xfc: {  	s28 =	sor.u32 $0xD, s1;
	v35 =	vadd.s32 s8, v31;
	v29 =	vld [tilespmem:s0+$0x0];
	[tilespmem:$0x1FCE0] =	vst v61  }
0xfd: {  	v61 =	vadd.s32 s28, v31;
	v51 =	vmul.f32 v33, v53;
	[tilespmem:$0x1FD50] =	vst v30;
	v30 =	vld [tilespmem:$0x1FD20];
	_ =	sdelay $0x1  }
0xfe: {  	[tilespmem:$0x1FDA0] =	vst v51;
	v51 =	vld [tilespmem:$0x1FD50];
	_ =	sdelay $0x1  }
0xff: {  	v50 =	vld.idx.msk [tilespmem:v35+s25+$0x0], $0xffff;
	v60 =	vmul.f32 v29, v21  }
0x100: {  	[tilespmem:$0x1FD40] =	vst v32;
	v61 =	vld.idx.msk [tilespmem:v61+s25+$0x0], $0xffff;
	v30 =	vadd.f32 v34, v30;
	v34 =	vmul.f32 v29, v6  }
0x101: {  	v35 =	vmul.f32 v29, v52;
	[tilespmem:$0x1FD70] =	vst v60;
	v29 =	vld [tilespmem:$0x1FD40]  }
0x102: {  	[tilespmem:$0x1FD60] =	vst v30;
	v51 =	vadd.f32 v34, v51;
	v34 =	vld [tilespmem:$0x1FD70]  }
0x103: {  	v32 =	vld [tilespmem:$0x1FD60];
	_ =	sdelay $0x2  }
0x104: {  	[tilespmem:$0x1FD80] =	vst v61;
	v61 =	vmul.f32 v33, v8  }
0x105: {  	[tilespmem:$0x1FD00] =	vst v50;
	v29 =	vadd.f32 v35, v29  }
0x106: {  	[tilespmem:$0x1FDC0] =	vst v61;
	v32 =	vadd.f32 v34, v32  }
0x107: {  	s30 =	sor.u32 $0xE, s1;
	v61 =	vld [tilespmem:$0x1FDA0];
	[tilespmem:$0x1FD90] =	vst v29  }
0x108: {  	v50 =	vadd.s32 s30, v31;
	[tilespmem:$0x1FDD0] =	vst v32;
	v32 =	vld [tilespmem:$0x1FD90];
	_ =	sdelay $0x2  }
0x109: {  	s1 =	sor.u32 $0xF, s1  }
0x10a: {  	v60 =	vadd.s32 s1, v31;
	v31 =	vld [tilespmem:$0x1FFE0]  }
0x10b: {  	v32 =	vadd.f32 v61, v32;
	v61 =	vld.idx.msk [tilespmem:v50+s25+$0x0], $0xffff  }
0x10c: {  	v50 =	vld [tilespmem:$0x1FDC0];
	_ =	sdelay $0x1  }
0x10d: {  	s31 =	smul.u32 $0x30, s29;
	_ =	sdelay $0x1  }
0x10e: {  	s5 =	sor.u32 $0x1, s31;
	s2 =	sor.u32 $0x2, s31;
	v35 =	vadd.s32 s31, v31;
	v34 =	vmul.f32 v33, v19  }
0x10f: {  	[tilespmem:$0x1FDB0] =	vst v61;
	v61 =	vadd.s32 s5, v31;
	v33 =	vadd.f32 v50, v51;
	v51 =	vadd.s32 s2, v31;
	v31 =	vld [tilespmem:$0x1FDD0];
	_ =	sdelay $0x4  }
0x110: {  	v30 =	vld [tilespmem:s0+$0x20];
	v31 =	vadd.f32 v34, v31;
	_ =	sdelay $0x1  }
0x111: {  	[tilespmem:$0x1FE10] =	vst v31;
	v31 =	vld.idx.msk [tilespmem:v60+s25+$0x0], $0xffff;
	_ =	sdelay $0x2  }
0x112: {  	v50 =	vmul.f32 v30, v54  }
0x113: {  	v29 =	vld [tilespmem:s0+$0x30];
	[tilespmem:$0x1FDF0] =	vst v32;
	v34 =	vmul.f32 v30, v12;
	v30 =	vmul.f32 v30, v9  }
0x114: {  	[tilespmem:$0x1FDE0] =	vst v31;
	v31 =	vld [tilespmem:$0x1FDF0]  }
0x115: {  	v30 =	vadd.f32 v30, v33;
	_ =	sdelay $0x1  }
0x116: {  	[tilespmem:$0x1FE40] =	vst v30;
	v30 =	vld [tilespmem:$0x1FE10];
	_ =	sdelay $0x1  }
0x117: {  	v60 =	vadd.f32 v50, v31;
	v31 =	vld.idx.msk [tilespmem:v35+s20+$0x0], $0xffff;
	v35 =	vmul.f32 v29, v55;
	_ =	sdelay $0x1  }
0x118: {  	[tilespmem:$0x1FE20] =	vst v35  }
0x119: {  	v35 =	vadd.f32 v34, v30;
	v30 =	vld [tilespmem:$0x1FE20];
	_ =	sdelay $0x4  }
0x11a: {  	v30 =	vadd.f32 v30, v60;
	_ =	sdelay $0x1  }
0x11b: {  	[tilespmem:$0x1FE60] =	vst v30;
	v30 =	vld.idx.msk [tilespmem:v61+s20+$0x0], $0xffff;
	_ =	sdelay $0x4  }
0x11c: {  	v34 =	vmul.f32 v29, v10;
	[tilespmem:$0x1FE30] =	vst v30;
	v30 =	vmul.f32 v29, v7;
	v29 =	vld [tilespmem:$0x1FE40];
	_ =	sdelay $0x4  }
0x11d: {  	v29 =	vadd.f32 v34, v29  }
0x11e: {  	v32 =	vld [tilespmem:s0+$0x40]  }
0x11f: {  	[tilespmem:$0x1FE80] =	vst v29;
	v29 =	vld.idx.msk [tilespmem:v51+s20+$0x0], $0xffff;
	_ =	sdelay $0x2  }
0x120: {  	v33 =	vld [tilespmem:s0+$0x50]  }
0x121: {  	[tilespmem:$0x1FE00] =	vst v31;
	v31 =	vld [tilespmem:$0x1FFF0]  }
0x122: {  	[tilespmem:$0x1FE50] =	vst v29;
	v29 =	vadd.f32 v30, v35;
	v30 =	vmul.f32 v32, v11;
	_ =	sdelay $0x1  }
0x123: {  	s1 =	smul.u32 $0x90, s29;
	[tilespmem:$0x1FE90] =	vst v30;
	v30 =	vld [tilespmem:$0x1FE60]  }
0x124: {  	v61 =	vmul.f32 v32, v56  }
0x125: {  	v50 =	vadd.s32 s1, v31;
	v34 =	vmul.f32 v32, v1;
	v32 =	vmul.f32 v33, v57  }
0x126: {  	s7 =	sor.u32 $0x2, s1;
	[tilespmem:$0x1FEA0] =	vst v29  }
0x127: {  	v51 =	vadd.s32 s7, v31;
	[tilespmem:$0x1FED0] =	vst v32;
	v32 =	vld [tilespmem:$0x1FEA0]  }
0x128: {  	v30 =	vadd.f32 v61, v30;
	_ =	sdelay $0x1  }
0x129: {  	[tilespmem:$0x1FEC0] =	vst v30;
	v30 =	vld.idx.msk [tilespmem:v50+s19+$0x0], $0xffff;
	_ =	sdelay $0x1  }
0x12a: {  	v51 =	vld.idx.msk [tilespmem:v51+s19+$0x0], $0xffff;
	v32 =	vadd.f32 v34, v32  }
0x12b: {  	v34 =	vld [tilespmem:$0x1FED0]  }
0x12c: {  	v50 =	vld [tilespmem:$0x1FE90];
	[tilespmem:$0x1FF20] =	vst v32;
	v32 =	vmul.f32 v33, v13  }
0x12d: {  	[tilespmem:$0x1FE70] =	vst v30;
	v30 =	vld [tilespmem:$0x1FE80]  }
0x12e: {  	[tilespmem:$0x1FF00] =	vst v32;
	v32 =	vld [tilespmem:$0x1FEC0];
	_ =	sdelay $0x3  }
0x12f: {  	v30 =	vadd.f32 v50, v30  }
0x130: {  	s6 =	sor.u32 $0x1, s1;
	[tilespmem:$0x1FEE0] =	vst v51;
	v32 =	vadd.f32 v34, v32  }
0x131: {  	s8 =	sor.u32 $0x3, s1;
	v60 =	vadd.s32 s6, v31;
	v51 =	vld [tilespmem:$0x1FF00];
	[tilespmem:$0x1FEF0] =	vst v30  }
0x132: {  	v35 =	vadd.s32 s8, v31;
	[tilespmem:$0x1FF40] =	vst v32;
	v32 =	vld [tilespmem:$0x1FEF0];
	_ =	sdelay $0x3  }
0x133: {  	v60 =	vld.idx.msk [tilespmem:v60+s19+$0x0], $0xffff  }
0x134: {  	v51 =	vadd.f32 v51, v32;
	v32 =	vld.idx.msk [tilespmem:v35+s19+$0x0], $0xffff;
	_ =	sdelay $0x2  }
0x135: {  	s18 =	sor.u32 $0x4, s1;
	s30 =	sor.u32 $0x6, s1  }
0x136: {  	s28 =	sor.u32 $0x5, s1;
	s31 =	sor.u32 $0x7, s1;
	s1 =	sor.u32 $0x8, s1;
	[tilespmem:$0x1FEB0] =	vst v60;
	v60 =	vadd.s32 s30, v31;
	v61 =	vadd.s32 s18, v31;
	v34 =	vmul.f32 v33, v47  }
0x137: {  	v33 =	vadd.s32 s31, v31;
	v50 =	vadd.s32 s28, v31;
	[tilespmem:$0x1FF10] =	vst v32;
	v32 =	vadd.s32 s1, v31;
	v31 =	vld [tilespmem:$0x1FF20];
	_ =	sdelay $0x4  }
0x138: {  	v34 =	vadd.f32 v34, v31;
	v31 =	vld.idx.msk [tilespmem:v61+s19+$0x0], $0xffff;
	_ =	sdelay $0x1  }
0x139: {  	v29 =	vld [tilespmem:s0+$0x60]  }
0x13a: {  	v0 =	vld.idx.msk [tilespmem:v0+s23+$0x0], $0xffff;
	_ =	sdelay $0x1  }
0x13b: {  	[tilespmem:$0x1FF30] =	vst v31;
	v31 =	vld [tilespmem:$0x1FF40];
	_ =	sdelay $0x1  }
0x13c: {  	v35 =	vmul.f32 v29, v58  }
0x13d: {  	v61 =	vmul.f32 v29, v40;
	v29 =	vmul.f32 v29, v0;
	_ =	sdelay $0x1  }
0x13e: {  	v31 =	vadd.f32 v35, v31;
	v35 =	vadd.f32 v29, v51;
	v29 =	vld.idx.msk [tilespmem:v60+s19+$0x0], $0xffff;
	_ =	sdelay $0x1  }
0x13f: {  	v30 =	vld [tilespmem:s0+$0x70]  }
0x140: {  	[tilespmem:$0x1FF70] =	vst v31;
	v31 =	vld.idx.msk [tilespmem:v50+s19+$0x0], $0xffff;
	_ =	sdelay $0x1  }
0x141: {  	[tilespmem:$0x1FF60] =	vst v29;
	v29 =	vld [tilespmem:$0x1FF70];
	_ =	sdelay $0x2  }
0x142: {  	[tilespmem:$0x1FF50] =	vst v31;
	v31 =	vmul.f32 v30, v59;
	_ =	sdelay $0x1  }
0x143: {  	v34 =	vadd.f32 v61, v34;
	v61 =	vadd.f32 v31, v29;
	v29 =	vld.idx.msk [tilespmem:v33+s19+$0x0], $0xffff;
	_ =	sdelay $0x2  }
0x144: {  	p0 =	por $0x0, $0x0;
	v31 =	vld.idx.msk [tilespmem:v32+s19+$0x0], $0xffff  }
.Ltmp1:
0x145: {  	_ = 	snop;
	(pc) =	sbr.rel @p0 .LBB2_6-.Ltmp1, $4  }
0x146: {  	[tilespmem:$0x1FF80] =	vst v29;
	v29 =	vmul.f32 v30, v39;
	v30 =	vmul.f32 v30, v15  }
0x147: {  	s1 =	simm.s32 $0x13A00  }
0x148: {  	v41 =	vld.idx.msk [tilespmem:v41+s24+$0x0], $0xffff;
	[tilespmem:s1+$0x0] =	vst v61;
	v30 =	vadd.f32 v30, v35  }
0x149: {  	s2 =	simm.s32 $0x10;
	s5 =	sand.u32 $0x1F0, s26;
	v51 =	vmovc v38;
	v60 =	vmov v36;
	v50 =	vld [tilespmem:$0x1FFA0];
	v61 =	vmov v37;
	[tilespmem:$0x1FF90] =	vst v31;
	v29 =	vadd.f32 v29, v34  }
.LBB2_5:
0x14a: {  	p0 =	seq.s32 s2, $0x170;
	[tilespmem:s5+$0x13B80] =	vst v30;
	s1 =	sadd.s32 $0x10, s1;
	s0 =	sadd.s32 $0x100, s0  }
0x14b: {  	[tilespmem:s5+$0x13D00] =	vst v29;
	s5 =	smov.u32 s2;
	s2 =	sadd.s32 $0x10, s2  }
0x14c: {  	v29 =	vld [tilespmem:s0+$0xFFFFFF80]  }
0x14d: {  	v30 =	vld [tilespmem:s0+$0xFFFFFF90];
	_ =	sdelay $0x1  }
0x14e: {  	v31 =	vld [tilespmem:s0+$0xFFFFFFA0];
	_ =	sdelay $0x1  }
0x14f: {  	v32 =	vmul.f32 v29, v36;
	v33 =	vmul.f32 v29, v14;
	v34 =	vld [tilespmem:s0+$0xFFFFFFB0]  }
0x150: {  	v29 =	vmul.f32 v29, v48;
	v35 =	vmul.f32 v30, v50  }
0x151: {  	v36 =	vmul.f32 v30, v37;
	v30 =	vmul.f32 v30, v16;
	v37 =	vld [tilespmem:s0+$0xFFFFFFC0]  }
0x152: {  	v29 =	vadd.f32 v35, v29;
	v35 =	vmul.f32 v31, v38;
	v38 =	vmul.f32 v31, v17  }
0x153: {  	v32 =	vadd.f32 v36, v32;
	v30 =	vadd.f32 v30, v33;
	v31 =	vmul.f32 v31, v63;
	v33 =	vld [tilespmem:s0+$0xFFFFFFD0]  }
0x154: {  	v29 =	vadd.f32 v35, v29;
	v35 =	vmul.f32 v34, v46;
	v36 =	vmul.f32 v34, v18  }
0x155: {  	v31 =	vadd.f32 v31, v32;
	v30 =	vadd.f32 v38, v30;
	v32 =	vmul.f32 v34, v62;
	v34 =	vld [tilespmem:s0+$0xFFFFFFE0]  }
0x156: {  	v29 =	vadd.f32 v35, v29;
	v35 =	vmul.f32 v37, v45;
	v38 =	vmul.f32 v37, v20  }
0x157: {  	v31 =	vadd.f32 v32, v31;
	v30 =	vadd.f32 v36, v30;
	v32 =	vmul.f32 v37, v3;
	v36 =	vld [tilespmem:s0+$0xFFFFFFF0]  }
0x158: {  	v29 =	vadd.f32 v35, v29;
	v35 =	vmul.f32 v33, v44;
	v37 =	vmul.f32 v33, v22  }
0x159: {  	v31 =	vadd.f32 v32, v31;
	v30 =	vadd.f32 v38, v30;
	v32 =	vmul.f32 v33, v4;
	v33 =	vld [tilespmem:s0+$0x0]  }
0x15a: {  	v29 =	vadd.f32 v35, v29;
	v35 =	vmul.f32 v34, v42;
	v38 =	vmul.f32 v34, v24  }
0x15b: {  	v31 =	vadd.f32 v32, v31;
	v30 =	vadd.f32 v37, v30;
	v32 =	vmul.f32 v34, v2;
	v34 =	vld [tilespmem:s0+$0x10]  }
0x15c: {  	v29 =	vadd.f32 v35, v29;
	v35 =	vmul.f32 v36, v43;
	v37 =	vmul.f32 v36, v23  }
0x15d: {  	v31 =	vadd.f32 v32, v31;
	v30 =	vadd.f32 v38, v30;
	v32 =	vmul.f32 v36, v5;
	v36 =	vld [tilespmem:s0+$0x20]  }
0x15e: {  	v29 =	vadd.f32 v35, v29;
	v35 =	vmul.f32 v33, v52;
	v38 =	vmul.f32 v33, v21  }
0x15f: {  	v31 =	vadd.f32 v32, v31;
	v30 =	vadd.f32 v37, v30;
	v32 =	vmul.f32 v33, v6;
	v33 =	vld [tilespmem:s0+$0x30]  }
0x160: {  	v29 =	vadd.f32 v35, v29;
	v35 =	vmul.f32 v34, v53;
	v37 =	vmul.f32 v34, v19  }
0x161: {  	v31 =	vadd.f32 v32, v31;
	v30 =	vadd.f32 v38, v30;
	v32 =	vmul.f32 v34, v8;
	v34 =	vld [tilespmem:s0+$0x40]  }
0x162: {  	v29 =	vadd.f32 v35, v29;
	v35 =	vmul.f32 v36, v54;
	v38 =	vmul.f32 v36, v12  }
0x163: {  	v31 =	vadd.f32 v32, v31;
	v30 =	vadd.f32 v37, v30;
	v32 =	vmul.f32 v36, v9;
	v36 =	vld [tilespmem:s0+$0x50]  }
0x164: {  	v29 =	vadd.f32 v35, v29;
	v35 =	vmul.f32 v33, v55;
	v37 =	vmul.f32 v33, v7  }
0x165: {  	v31 =	vadd.f32 v32, v31;
	v32 =	vmul.f32 v33, v10;
	v33 =	vld [tilespmem:s0+$0x60]  }
0x166: {  	v30 =	vadd.f32 v38, v30;
	v29 =	vadd.f32 v35, v29;
	v35 =	vmul.f32 v34, v56  }
0x167: {  	v38 =	vmul.f32 v34, v1;
	v31 =	vadd.f32 v32, v31;
	v32 =	vmul.f32 v34, v11  }
0x168: {  	v30 =	vadd.f32 v37, v30;
	v34 =	vld [tilespmem:s0+$0x70];
	v29 =	vadd.f32 v35, v29  }
0x169: {  	v35 =	vmul.f32 v36, v57;
	v37 =	vmul.f32 v36, v47;
	v31 =	vadd.f32 v32, v31  }
0x16a: {  	v30 =	vadd.f32 v38, v30;
	v32 =	vmul.f32 v36, v13;
	v36 =	vmul.f32 v33, v40  }
0x16b: {  	v29 =	vadd.f32 v35, v29;
	v35 =	vmul.f32 v33, v58;
	v38 =	vmov v51  }
0x16c: {  	v31 =	vadd.f32 v32, v31;
	v30 =	vadd.f32 v37, v30;
	v32 =	vmul.f32 v33, v0  }
.Ltmp2:
0x16d: {  	v29 =	vadd.f32 v35, v29;
	v33 =	vmul.f32 v34, v59;
	v35 =	vmul.f32 v34, v39;
	v37 =	vmovc v61;
	(pc) =	sbr.rel @!p0 .LBB2_5-.Ltmp2, $4  }
0x16e: {  	v31 =	vadd.f32 v32, v31;
	v32 =	vadd.f32 v36, v30;
	v30 =	vmul.f32 v34, v15;
	v36 =	vmovc v60  }
0x16f: {  	v33 =	vadd.f32 v33, v29  }
0x170: {  	v30 =	vadd.f32 v30, v31;
	v29 =	vadd.f32 v35, v32  }
0x171: {  	s5 =	sand.u32 $0x1F0, s5;
	[tilespmem:s1+$0x0] =	vst v33  }
.LBB2_6:
0x172: {  	[tilespmem:$0x1F8E0] =	vst v16  }
0x173: {  	[tilespmem:$0x1F8F0] =	vst v15  }
0x174: {  	[tilespmem:$0x1F9E0] =	vst v48;
	v15 =	vld [tilespmem:$0x1FA40]  }
0x175: {  	[tilespmem:$0x1F9F0] =	vst v47;
	v48 =	vld [tilespmem:$0x1FAB0]  }
0x176: {  	[tilespmem:s5+$0x13B80] =	vst v30;
	v16 =	vld [tilespmem:$0x1FA50]  }
0x177: {  	s1 =	simm.s32 $0x95F0;
	v47 =	vld [tilespmem:$0x1FAC0];
	[tilespmem:s5+$0x13D00] =	vst v29  }
0x178: {  	v29 =	vld [tilespmem:s1+$0xFFFFFF90]  }
0x179: {  	v30 =	vld [tilespmem:s1+$0xFFFFFFA0]  }
0x17a: {  	[tilespmem:$0x1F9D0] =	vst v46;
	v46 =	vld [tilespmem:$0x1FAD0]  }
0x17b: {  	v31 =	vld [tilespmem:s1+$0xFFFFFFB0]  }
0x17c: {  	[tilespmem:$0x1F920] =	vst v12;
	v12 =	vld [tilespmem:$0x1FA60]  }
0x17d: {  	[tilespmem:$0x1F900] =	vst v0;
	v33 =	vld [tilespmem:s1+$0xFFFFFFC0];
	v32 =	vmul.f32 v29, v15  }
0x17e: {  	[tilespmem:$0x1F9C0] =	vst v45;
	v45 =	vld [tilespmem:$0x1FAE0];
	v34 =	vmul.f32 v29, v25;
	v35 =	vmul.f32 v30, v28  }
0x17f: {  	[tilespmem:$0x1F930] =	vst v7;
	v0 =	vmov v2;
	v2 =	vld [tilespmem:$0x1FA70];
	v29 =	vmul.f32 v29, v48;
	v36 =	vmul.f32 v30, v16  }
0x180: {  	[tilespmem:$0x1F9A0] =	vst v42;
	v7 =	vld [tilespmem:$0x1FA80];
	v30 =	vmul.f32 v30, v47;
	v42 =	vmul.f32 v31, v27;
	v34 =	vadd.f32 v35, v34  }
0x181: {  	[tilespmem:$0x1F960] =	vst v3;
	v3 =	vld [tilespmem:$0x1FA90]  }
0x182: {  	[tilespmem:$0x1F990] =	vst v43;
	v37 =	vld [tilespmem:s1+$0xFFFFFFD0];
	v43 =	vmul.f32 v33, v26;
	v29 =	vadd.f32 v30, v29;
	v30 =	vadd.f32 v42, v34  }
0x183: {  	v38 =	vmul.f32 v31, v46;
	v31 =	vmul.f32 v31, v12;
	v32 =	vadd.f32 v36, v32;
	v36 =	vld [tilespmem:s1+$0xFFFFFFE0]  }
0x184: {  	[tilespmem:$0x1F950] =	vst v4;
	v30 =	vadd.f32 v43, v30;
	v43 =	vld [tilespmem:$0x1FAF0]  }
0x185: {  	[tilespmem:$0x1F980] =	vst v54;
	v4 =	vld [tilespmem:$0x1FA00];
	v54 =	vmul.f32 v33, v2;
	v31 =	vadd.f32 v31, v32  }
0x186: {  	[tilespmem:$0x1F9B0] =	vst v44;
	v44 =	vld [tilespmem:$0x1FB00];
	v35 =	vmul.f32 v33, v45;
	v29 =	vadd.f32 v38, v29  }
0x187: {  	[tilespmem:$0x1F910] =	vst v13;
	v13 =	vld [tilespmem:$0x1FA10];
	v31 =	vadd.f32 v54, v31;
	v54 =	vmul.f32 v37, v7  }
0x188: {  	[tilespmem:$0x1F940] =	vst v1;
	v1 =	vld [tilespmem:$0x1FA20];
	v29 =	vadd.f32 v35, v29  }
0x189: {  	v33 =	vld [tilespmem:s1+$0xFFFFFFF0];
	v31 =	vadd.f32 v54, v31;
	v54 =	vmul.f32 v36, v3;
	v38 =	vmul.f32 v37, v43  }
0x18a: {  	[tilespmem:$0x1F970] =	vst v62;
	v62 =	vmul.f32 v37, v4;
	v42 =	vld [tilespmem:$0x1FB10]  }
0x18b: {  	v35 =	vmul.f32 v36, v44;
	v31 =	vadd.f32 v54, v31;
	v54 =	vld [tilespmem:$0x1FAA0];
	v29 =	vadd.f32 v38, v29  }
0x18c: {  	v37 =	vld [tilespmem:s1+$0x0]  }
0x18d: {  	v30 =	vadd.f32 v62, v30;
	v62 =	vmul.f32 v36, v13;
	v29 =	vadd.f32 v35, v29;
	v35 =	vld [tilespmem:$0x1FA30];
	_ =	sdelay $0x1  }
0x18e: {  	v34 =	vmul.f32 v33, v1;
	v30 =	vadd.f32 v62, v30  }
0x18f: {  	v62 =	vmul.f32 v33, v54  }
0x190: {  	v36 =	vmul.f32 v33, v42;
	v30 =	vadd.f32 v34, v30  }
0x191: {  	v31 =	vadd.f32 v62, v31;
	v62 =	vmul.f32 v37, v49;
	v33 =	vmul.f32 v37, v35;
	_ =	sdelay $0x1  }
0x192: {  	v38 =	vmul.f32 v37, v41;
	v29 =	vadd.f32 v36, v29;
	v33 =	vadd.f32 v33, v30  }
0x193: {  	s31 =	simm.s32 $0x0;
	s0 =	simm.s32 $0x13E80;
	v30 =	vadd.f32 v62, v31  }
0x194: {  	s2 =	simm.s32 $0x10;
	s5 =	sand.u32 $0x1F0, s31;
	v29 =	vadd.f32 v38, v29;
	v62 =	vmov v0;
	v0 =	vmov v35;
	[tilespmem:s0+$0x0] =	vst v33  }
.LBB2_7:
0x195: {  	p0 =	seq.s32 s2, $0x170;
	[tilespmem:s5+$0x14000] =	vst v30;
	s0 =	sadd.s32 $0x10, s0;
	s1 =	sadd.s32 $0x80, s1  }
0x196: {  	[tilespmem:s5+$0x14180] =	vst v29;
	s5 =	smov.u32 s2;
	s2 =	sadd.s32 $0x10, s2  }
0x197: {  	v29 =	vld [tilespmem:s1+$0xFFFFFF90]  }
0x198: {  	v30 =	vld [tilespmem:s1+$0xFFFFFFA0];
	_ =	sdelay $0x1  }
0x199: {  	v31 =	vld [tilespmem:s1+$0xFFFFFFB0];
	_ =	sdelay $0x1  }
0x19a: {  	v32 =	vmul.f32 v29, v15;
	v33 =	vmul.f32 v29, v48;
	v34 =	vld [tilespmem:s1+$0xFFFFFFC0]  }
0x19b: {  	v29 =	vmul.f32 v29, v25;
	v35 =	vmul.f32 v30, v28  }
0x19c: {  	v36 =	vmul.f32 v30, v16;
	v30 =	vmul.f32 v30, v47;
	v37 =	vld [tilespmem:s1+$0xFFFFFFD0]  }
0x19d: {  	v29 =	vadd.f32 v35, v29;
	v35 =	vmul.f32 v31, v27;
	v38 =	vmul.f32 v31, v46  }
0x19e: {  	v32 =	vadd.f32 v36, v32;
	v30 =	vadd.f32 v30, v33;
	v31 =	vmul.f32 v31, v12;
	v33 =	vld [tilespmem:s1+$0xFFFFFFE0]  }
0x19f: {  	v29 =	vadd.f32 v35, v29;
	v35 =	vmul.f32 v34, v26;
	v36 =	vmul.f32 v34, v45  }
0x1a0: {  	v31 =	vadd.f32 v31, v32;
	v30 =	vadd.f32 v38, v30;
	v32 =	vmul.f32 v34, v2;
	v34 =	vld [tilespmem:s1+$0xFFFFFFF0]  }
0x1a1: {  	v29 =	vadd.f32 v35, v29;
	v35 =	vmul.f32 v37, v4;
	v38 =	vmul.f32 v37, v43  }
0x1a2: {  	v31 =	vadd.f32 v32, v31;
	v30 =	vadd.f32 v36, v30;
	v32 =	vmul.f32 v37, v7;
	v36 =	vld [tilespmem:s1+$0x0]  }
0x1a3: {  	v29 =	vadd.f32 v35, v29;
	v35 =	vmul.f32 v33, v13;
	v37 =	vmul.f32 v33, v44  }
0x1a4: {  	v31 =	vadd.f32 v32, v31;
	v30 =	vadd.f32 v38, v30;
	v32 =	vmul.f32 v33, v3  }
0x1a5: {  	v29 =	vadd.f32 v35, v29;
	v33 =	vmul.f32 v34, v1;
	v35 =	vmul.f32 v34, v42  }
0x1a6: {  	v31 =	vadd.f32 v32, v31;
	v30 =	vadd.f32 v37, v30;
	v32 =	vmul.f32 v34, v54  }
.Ltmp3:
0x1a7: {  	v29 =	vadd.f32 v33, v29;
	v33 =	vmul.f32 v36, v0;
	v34 =	vmul.f32 v36, v41;
	(pc) =	sbr.rel @!p0 .LBB2_7-.Ltmp3, $4  }
0x1a8: {  	v31 =	vadd.f32 v32, v31;
	v32 =	vadd.f32 v35, v30;
	v30 =	vmul.f32 v36, v49  }
0x1a9: {  	v33 =	vadd.f32 v33, v29  }
0x1aa: {  	v30 =	vadd.f32 v30, v31;
	v29 =	vadd.f32 v34, v32  }
0x1ab: {  	s5 =	sand.u32 $0x1F0, s5;
	[tilespmem:s0+$0x0] =	vst v33  }
0x1ac: {  	v34 =	vld [tilespmem:$0x1F9E0];
	_ =	sdelay $0x3  }
0x1ad: {  	v37 =	vld [tilespmem:$0x1F9D0]  }
0x1ae: {  	[tilespmem:s5+$0x14180] =	vst v29;
	v35 =	vmul.f32 v50, v50;
	v29 =	vmul.f32 v34, v34  }
0x1af: {  	v38 =	vld [tilespmem:$0x1F9C0]  }
0x1b0: {  	v36 =	vmul.f32 v51, v51;
	v29 =	vadd.f32 v35, v29  }
0x1b1: {  	v42 =	vld [tilespmem:$0x1F9B0]  }
0x1b2: {  	[tilespmem:s5+$0x14000] =	vst v30;
	v30 =	vmul.f32 v37, v37;
	v29 =	vadd.f32 v36, v29  }
0x1b3: {  	v50 =	vld [tilespmem:$0x1F9A0]  }
0x1b4: {  	v29 =	vadd.f32 v30, v29;
	v30 =	vmul.f32 v38, v38  }
0x1b5: {  	v51 =	vld [tilespmem:$0x1F990]  }
0x1b6: {  	v29 =	vadd.f32 v30, v29;
	v30 =	vmul.f32 v42, v42;
	_ =	sdelay $0x1  }
0x1b7: {  	v29 =	vadd.f32 v30, v29;
	v30 =	vmul.f32 v50, v50;
	_ =	sdelay $0x1  }
0x1b8: {  	v29 =	vadd.f32 v30, v29;
	v30 =	vmul.f32 v51, v51  }
0x1b9: {  	v12 =	vld [tilespmem:$0x1F980]  }
0x1ba: {  	v52 =	vmul.f32 v52, v52;
	v29 =	vadd.f32 v30, v29;
	_ =	sdelay $0x1  }
0x1bb: {  	v54 =	vmul.f32 v53, v53;
	v29 =	vadd.f32 v52, v29;
	_ =	sdelay $0x1  }
0x1bc: {  	v30 =	vmul.f32 v12, v12;
	v29 =	vadd.f32 v54, v29;
	_ =	sdelay $0x1  }
0x1bd: {  	v13 =	vmul.f32 v55, v55;
	v29 =	vadd.f32 v30, v29;
	_ =	sdelay $0x1  }
0x1be: {  	v16 =	vmul.f32 v56, v56;
	v29 =	vadd.f32 v13, v29;
	_ =	sdelay $0x1  }
0x1bf: {  	v33 =	vmul.f32 v57, v57;
	v29 =	vadd.f32 v16, v29;
	_ =	sdelay $0x1  }
0x1c0: {  	v34 =	vmul.f32 v58, v58;
	v29 =	vadd.f32 v33, v29;
	_ =	sdelay $0x1  }
0x1c1: {  	v35 =	vmul.f32 v59, v59;
	v29 =	vadd.f32 v34, v29;
	_ =	sdelay $0x1  }
0x1c2: {  	v0 =	vld [tilespmem:$0x1F970];
	v36 =	vmul.f32 v60, v60;
	v29 =	vadd.f32 v35, v29;
	_ =	sdelay $0x1  }
0x1c3: {  	v37 =	vmul.f32 v61, v61;
	v29 =	vadd.f32 v36, v29  }
0x1c4: {  	v3 =	vld [tilespmem:$0x1F960]  }
0x1c5: {  	v38 =	vmul.f32 v63, v63;
	v29 =	vadd.f32 v37, v29  }
0x1c6: {  	v42 =	vmul.f32 v0, v0;
	v0 =	vld [tilespmem:$0x1F950]  }
0x1c7: {  	v29 =	vadd.f32 v38, v29;
	_ =	sdelay $0x1  }
0x1c8: {  	v50 =	vmul.f32 v3, v3;
	v29 =	vadd.f32 v42, v29;
	_ =	sdelay $0x1  }
0x1c9: {  	v51 =	vmul.f32 v0, v0;
	v29 =	vadd.f32 v50, v29;
	_ =	sdelay $0x1  }
0x1ca: {  	v52 =	vmul.f32 v62, v62;
	v29 =	vadd.f32 v51, v29;
	_ =	sdelay $0x1  }
0x1cb: {  	v53 =	vmul.f32 v5, v5;
	v29 =	vadd.f32 v52, v29;
	_ =	sdelay $0x1  }
0x1cc: {  	v54 =	vmul.f32 v6, v6;
	v29 =	vadd.f32 v53, v29;
	_ =	sdelay $0x1  }
0x1cd: {  	v55 =	vmul.f32 v8, v8;
	v29 =	vadd.f32 v54, v29;
	_ =	sdelay $0x1  }
0x1ce: {  	v3 =	vmul.f32 v9, v9;
	v29 =	vadd.f32 v55, v29  }
0x1cf: {  	v0 =	vld [tilespmem:$0x1F910]  }
0x1d0: {  	v4 =	vmul.f32 v10, v10;
	v3 =	vadd.f32 v3, v29;
	_ =	sdelay $0x1  }
0x1d1: {  	v2 =	vmul.f32 v11, v11;
	v3 =	vadd.f32 v4, v3;
	_ =	sdelay $0x1  }
0x1d2: {  	v2 =	vadd.f32 v2, v3;
	v3 =	vmul.f32 v0, v0;
	v0 =	vld [tilespmem:$0x1F900];
	_ =	sdelay $0x4  }
0x1d3: {  	v2 =	vadd.f32 v3, v2;
	v3 =	vmul.f32 v0, v0;
	v0 =	vld [tilespmem:$0x1F8F0];
	_ =	sdelay $0x4  }
0x1d4: {  	v2 =	vadd.f32 v3, v2;
	v3 =	vmul.f32 v0, v0;
	v0 =	vld [tilespmem:$0x1F8E0];
	_ =	sdelay $0x2  }
0x1d5: {  	v2 =	vadd.f32 v3, v2;
	v3 =	vmul.f32 v14, v14;
	_ =	sdelay $0x1  }
0x1d6: {  	v2 =	vadd.f32 v3, v2;
	v3 =	vmul.f32 v0, v0;
	_ =	sdelay $0x1  }
0x1d7: {  	v2 =	vadd.f32 v3, v2;
	v3 =	vmul.f32 v17, v17;
	_ =	sdelay $0x1  }
0x1d8: {  	v2 =	vadd.f32 v3, v2;
	v3 =	vmul.f32 v18, v18;
	_ =	sdelay $0x1  }
0x1d9: {  	v4 =	vmul.f32 v28, v28;
	v2 =	vadd.f32 v3, v2;
	v3 =	vmul.f32 v25, v25  }
0x1da: {  	v1 =	vld [tilespmem:$0x1FA00]  }
0x1db: {  	v3 =	vadd.f32 v4, v3;
	v4 =	vmul.f32 v27, v27;
	_ =	sdelay $0x1  }
0x1dc: {  	v3 =	vadd.f32 v4, v3;
	v4 =	vmul.f32 v26, v26  }
0x1dd: {  	v10 =	vld [tilespmem:$0x1FE00]  }
0x1de: {  	v3 =	vadd.f32 v4, v3;
	v4 =	vmul.f32 v1, v1;
	v1 =	vld [tilespmem:$0x1FE70];
	_ =	sdelay $0x1  }
0x1df: {  	v0 =	vmul.f32 v20, v20;
	_ =	sdelay $0x1  }
0x1e0: {  	v12 =	vld [tilespmem:$0x1FE30];
	v0 =	vadd.f32 v0, v2;
	v2 =	vmul.f32 v22, v22  }
0x1e1: {  	v5 =	vsub.f32 v1, v10;
	v1 =	vld [tilespmem:$0x1FEB0]  }
0x1e2: {  	v0 =	vadd.f32 v2, v0;
	v2 =	vmul.f32 v24, v24;
	_ =	sdelay $0x1  }
0x1e3: {  	v0 =	vadd.f32 v2, v0;
	v2 =	vmul.f32 v23, v23  }
0x1e4: {  	v56 =	vld [tilespmem:$0x1FE50]  }
0x1e5: {  	v0 =	vadd.f32 v2, v0;
	v2 =	vmul.f32 v21, v21;
	v6 =	vsub.f32 v1, v12;
	v1 =	vld [tilespmem:$0x1FEE0];
	_ =	sdelay $0x1  }
0x1e6: {  	v0 =	vadd.f32 v2, v0;
	v2 =	vmul.f32 v19, v19;
	_ =	sdelay $0x1  }
0x1e7: {  	v0 =	vadd.f32 v2, v0  }
0x1e8: {  	v2 =	vadd.f32 v4, v3;
	v3 =	vsub.f32 v1, v56;
	v1 =	vld [tilespmem:$0x1FA10];
	_ =	sdelay $0x4  }
0x1e9: {  	v9 =	vmul.f32 v1, v1;
	v1 =	vld [tilespmem:$0x1FF10];
	_ =	sdelay $0x4  }
0x1ea: {  	v7 =	vsub.f32 v1, v10;
	v1 =	vld [tilespmem:$0x1FF30];
	_ =	sdelay $0x4  }
0x1eb: {  	v8 =	vsub.f32 v1, v12;
	v1 =	vld [tilespmem:$0x1F920];
	_ =	sdelay $0x4  }
0x1ec: {  	v11 =	vld [tilespmem:$0x1FF60];
	v1 =	vmul.f32 v1, v1  }
0x1ed: {  	v2 =	vadd.f32 v9, v2;
	v9 =	vld [tilespmem:$0x1FA20]  }
0x1ee: {  	v0 =	vadd.f32 v1, v0;
	v1 =	vld [tilespmem:$0x1F930];
	_ =	sdelay $0x3  }
0x1ef: {  	v9 =	vmul.f32 v9, v9  }
0x1f0: {  	v11 =	vsub.f32 v11, v10;
	v10 =	vld [tilespmem:$0x1FF80];
	v1 =	vmul.f32 v1, v1  }
0x1f1: {  	v2 =	vadd.f32 v9, v2;
	v9 =	vld [tilespmem:$0x1FA30]  }
0x1f2: {  	v0 =	vadd.f32 v1, v0;
	v1 =	vld [tilespmem:$0x1F940]  }
0x1f3: {  	v4 =	vld [tilespmem:$0x1FF50];
	_ =	sdelay $0x1  }
0x1f4: {  	v12 =	vsub.f32 v10, v12;
	v10 =	vld [tilespmem:$0x1FA50];
	_ =	sdelay $0x1  }
0x1f5: {  	v13 =	vmul.f32 v9, v9;
	v9 =	vld [tilespmem:$0x1FF90];
	v1 =	vmul.f32 v1, v1  }
0x1f6: {  	v60 =	vmul.f32 v11, v11;
	v58 =	vmul.f32 v5, v5;
	v4 =	vsub.f32 v4, v56  }
0x1f7: {  	v61 =	vmul.f32 v7, v7;
	v0 =	vadd.f32 v1, v0;
	v1 =	vmul.f32 v6, v6  }
0x1f8: {  	v62 =	vmul.f32 v8, v8;
	v63 =	vmul.f32 v10, v10;
	v10 =	vld [tilespmem:$0x1FA60]  }
0x1f9: {  	v21 =	vmul.f32 v4, v4;
	v59 =	vmul.f32 v3, v3;
	v1 =	vadd.f32 v1, v58  }
0x1fa: {  	v16 =	vmul.f32 v12, v12;
	v14 =	vadd.f32 v62, v61;
	v9 =	vsub.f32 v9, v56  }
0x1fb: {  	v57 =	vmul.f32 v15, v15;
	v2 =	vadd.f32 v13, v2;
	v1 =	vadd.f32 v59, v1  }
0x1fc: {  	v13 =	vadd.f32 v16, v60;
	v14 =	vadd.f32 v21, v14;
	v20 =	vmul.f32 v9, v9  }
0x1fd: {  	v2 =	vadd.f32 v57, v2;
	v22 =	vmul.f32 v10, v10;
	v10 =	vld [tilespmem:$0x1FA70];
	v23 =	vmax.f32 v1, $1.000000000e-30  }
0x1fe: {  	v60 =	vld [tilespmem:$0x1FBE0];
	v13 =	vadd.f32 v20, v13;
	v24 =	vshra.s32 v23, $0x1;
	v15 =	vmul.f32 $5.000000000e-01, v23  }
0x1ff: {  	v31 =	vld [tilespmem:$0x1F9F0];
	v43 =	vmul.f32 v43, v43;
	v2 =	vadd.f32 v63, v2;
	v17 =	vsub.s32 $0x5F3759DF, v24  }
0x200: {  	v33 =	vld [tilespmem:$0x1FA80];
	v28 =	vmax.f32 v14, $1.000000000e-30;
	v25 =	vmax.f32 v13, $1.000000000e-30;
	v27 =	vmul.f32 v17, v15  }
0x201: {  	v57 =	vld [tilespmem:$0x1FB40];
	v2 =	vadd.f32 v22, v2;
	v26 =	vshra.s32 v25, $0x1;
	v18 =	vmul.f32 $5.000000000e-01, v25  }
0x202: {  	v56 =	vld [tilespmem:$0x1FB20];
	v10 =	vmul.f32 v10, v10;
	v19 =	vsub.s32 $0x5F3759DF, v26;
	v16 =	vmul.f32 v17, v27  }
0x203: {  	v30 =	vshra.s32 v28, $0x1;
	v63 =	vmul.f32 v60, v60;
	v29 =	vmul.f32 v19, v18  }
0x204: {  	v37 =	vld [tilespmem:$0x1FA90];
	v2 =	vadd.f32 v10, v2;
	v23 =	vmul.f32 v31, v31;
	v10 =	vsub.f32 $1.500000000e+00, v16  }
0x205: {  	v22 =	vsub.s32 $0x5F3759DF, v30;
	v20 =	vmul.f32 $5.000000000e-01, v28;
	v21 =	vmul.f32 v19, v29  }
0x206: {  	v61 =	vld [tilespmem:$0x1FC10];
	v35 =	vmul.f32 v57, v57;
	v23 =	vadd.f32 v23, v0;
	v0 =	vmul.f32 v17, v10  }
0x207: {  	v34 =	vmul.f32 v56, v56;
	v21 =	vsub.f32 $1.500000000e+00, v21;
	v24 =	vmul.f32 v33, v33  }
0x208: {  	v32 =	vmul.f32 v22, v20;
	v58 =	vld [tilespmem:$0x1FB70];
	v38 =	vmul.f32 v0, v15  }
0x209: {  	v36 =	vmul.f32 v19, v21;
	v19 =	vmul.f32 v37, v37;
	v2 =	vadd.f32 v24, v2  }
0x20a: {  	v54 =	vld [tilespmem:$0x1FAA0];
	v10 =	vmul.f32 v22, v32;
	v51 =	vmul.f32 v38, v0  }
0x20b: {  	v25 =	vmul.f32 v61, v61;
	v26 =	vmul.f32 v49, v49;
	v2 =	vadd.f32 v19, v2  }
0x20c: {  	v29 =	vmul.f32 v48, v48;
	v59 =	vld [tilespmem:$0x1FBB0];
	v10 =	vsub.f32 $1.500000000e+00, v10;
	v19 =	vsub.f32 $1.500000000e+00, v51  }
0x20d: {  	v50 =	vmul.f32 v36, v18;
	v42 =	vmul.f32 v58, v58  }
0x20e: {  	v10 =	vmul.f32 v22, v10;
	v0 =	vmul.f32 v19, v0  }
0x20f: {  	v53 =	vmul.f32 v50, v36;
	v24 =	vmul.f32 v54, v54;
	v16 =	vadd.f32 v35, v34  }
0x210: {  	v55 =	vmul.f32 v10, v20;
	v15 =	vmul.f32 v0, v15  }
0x211: {  	v52 =	vmul.f32 v59, v59;
	v16 =	vadd.f32 v42, v16;
	v22 =	vsub.f32 $1.500000000e+00, v53  }
0x212: {  	v62 =	vld [tilespmem:$0x1FC30];
	v2 =	vadd.f32 v24, v2;
	v24 =	vmul.f32 v55, v10;
	v15 =	vmul.f32 v15, v0  }
0x213: {  	v50 =	vmul.f32 v11, v5;
	v16 =	vadd.f32 v52, v16;
	v17 =	vmul.f32 v22, v36  }
0x214: {  	v5 =	vmul.f32 v7, v5;
	v19 =	vsub.f32 $1.500000000e+00, v24;
	v15 =	vsub.f32 $1.500000000e+00, v15  }
0x215: {  	v7 =	vmul.f32 v11, v7;
	v18 =	vmul.f32 v17, v18  }
0x216: {  	v16 =	vadd.f32 v63, v16;
	v63 =	vld [tilespmem:$0x1FC50];
	v10 =	vmul.f32 v19, v10;
	v0 =	vmul.f32 v15, v0  }
0x217: {  	v27 =	vmul.f32 v62, v62;
	v18 =	vmul.f32 v18, v17  }
0x218: {  	v20 =	vmul.f32 v10, v20;
	v0 =	vmul.f32 v0, v1;
	v1 =	vld [tilespmem:$0x1FCB0]  }
0x219: {  	v34 =	vmul.f32 v46, v46;
	v16 =	vadd.f32 v25, v16;
	v18 =	vsub.f32 $1.500000000e+00, v18  }
0x21a: {  	v30 =	vld [tilespmem:$0x1FC90];
	v32 =	vmul.f32 v47, v47;
	v2 =	vadd.f32 v26, v2;
	v31 =	vmul.f32 v20, v10  }
0x21b: {  	v16 =	vadd.f32 v27, v16;
	v28 =	vmul.f32 v63, v63;
	v17 =	vmul.f32 v18, v17  }
0x21c: {  	v2 =	vadd.f32 v29, v2;
	v51 =	vmul.f32 v12, v6;
	v15 =	vsub.f32 $1.500000000e+00, v31  }
0x21d: {  	v16 =	vadd.f32 v28, v16;
	v33 =	vmul.f32 v1, v1;
	v1 =	vmul.f32 v17, v13  }
0x21e: {  	v18 =	vadd.f32 v32, v2;
	v2 =	vmul.f32 v40, v40;
	v10 =	vmul.f32 v15, v10  }
0x21f: {  	v35 =	vld [tilespmem:$0x1FCE0];
	v19 =	vmul.f32 v30, v30;
	v36 =	vmax.f32 v0, $9.999999930e-09;
	v37 =	vmax.f32 v1, $9.999999930e-09  }
0x220: {  	v38 =	vadd.f32 v2, v23;
	v2 =	vmul.f32 v10, v14;
	v10 =	vmul.f32 v37, v36  }
0x221: {  	v42 =	vld [tilespmem:$0x1FD00];
	v6 =	vmul.f32 v8, v6;
	v8 =	vmul.f32 v12, v8  }
0x222: {  	v16 =	vadd.f32 v19, v16;
	(erf) = vrcp.f32 v10;
	v10 =	vmax.f32 v2, $9.999999930e-09  }
0x223: {  	v40 =	vmul.f32 v45, v45;
	v45 =	vld [tilespmem:$0x1FD30];
	v17 =	vmul.f32 v10, v36  }
0x224: {  	v15 =	vmul.f32 v35, v35;
	v16 =	vadd.f32 v33, v16;
	v10 =	vmul.f32 v37, v10  }
0x225: {  	v47 =	vld [tilespmem:$0x1FD80];
	v5 =	vadd.f32 v6, v5;
	v13 =	vadd.f32 v34, v18;
	(erf) = vrcp.f32 v17  }
0x226: {  	v48 =	vld [tilespmem:$0x1FB10];
	v15 =	vadd.f32 v15, v16;
	v16 =	vmul.f32 v42, v42;
	(erf) = vrcp.f32 v10  }
0x227: {  	v49 =	vld [tilespmem:$0x1FDB0];
	v6 =	vmul.f32 v9, v3;
	v3 =	vmul.f32 v4, v3;
	v13 =	vadd.f32 v40, v13  }
0x228: {  	v11 =	vadd.f32 v51, v50;
	v15 =	vadd.f32 v16, v15;
	v16 =	vmul.f32 v45, v45  }
0x229: {  	v46 =	vmul.f32 v44, v44;
	v53 =	vadd.f32 v3, v5;
	v3 =	vld [tilespmem:$0x1FDE0];
	v13 =	vadd.f32 v43, v13  }
0x22a: {  	v7 =	vadd.f32 v8, v7;
	v15 =	vadd.f32 v16, v15;
	v16 =	vmul.f32 v47, v47  }
0x22b: {  	v4 =	vmul.f32 v9, v4;
	v10 =	vadd.f32 v46, v13;
	v13 =	vmul.f32 v48, v48  }
0x22c: {  	v9 =	vmul.f32 v39, v39;
	v14 =	vmul.f32 v49, v49;
	v15 =	vadd.f32 v16, v15  }
0x22d: {  	v6 =	vadd.f32 v6, v11;
	v11 =	vmul.f32 v41, v41;
	v10 =	vadd.f32 v13, v10;
	v8 =	vpop (erf)  }
0x22e: {  	s30 =	simm.s32 $0xC80;
	v55 =	vadd.f32 v4, v7;
	v7 =	vmul.f32 v3, v3;
	v52 =	vadd.f32 v14, v15;
	v54 =	vpop (erf)  }
0x22f: {  	s31 =	simm.s32 $0xFC00;
	s1 =	simm.s32 $0x0;
	s0 =	simm.s32 $0xD840;
	v3 =	vadd.f32 v9, v38;
	v4 =	vadd.f32 v11, v10;
	v5 =	vmul.f32 v8, v6;
	v8 =	vpop (erf)  }
0x230: {  	s18 =	simm.s32 $0x9000;
	s2 =	simm.s32 $0x0;
	s28 =	smov.u32 s4;
	v6 =	vadd.f32 v7, v52;
	v7 =	vmul.f32 v54, v53;
	v8 =	vmul.f32 v8, v55  }
.LBB2_9:
0x231: {  	s5 =	sshra.s32 s30, $0x2  }
0x232: {  	v13 =	vld [tilespmem:s5+$0x136E0]  }
0x233: {  	v14 =	vld [tilespmem:s5+$0x136F0]  }
0x234: {  	s6 =	sand.u32 $0x1F0, s2;
	v15 =	vld [tilespmem:s5+$0x13700]  }
0x235: {  	v16 =	vld [tilespmem:s6+$0x13B80]  }
0x236: {  	v17 =	vld [tilespmem:s5+$0x13870]  }
0x237: {  	v18 =	vld [tilespmem:s5+$0x13880]  }
0x238: {  	v19 =	vld [tilespmem:s6+$0x13D00]  }
0x239: {  	v20 =	vld [tilespmem:s5+$0x139F0]  }
0x23a: {  	v21 =	vld [tilespmem:s5+$0x13A00]  }
0x23b: {  	v22 =	vld [tilespmem:s5+$0x13B60]  }
0x23c: {  	v23 =	vld [tilespmem:s5+$0x13B70]  }
0x23d: {  	v11 =	vld [tilespmem:s6+$0x14000]  }
0x23e: {  	v12 =	vld [tilespmem:s5+$0x13CF0]  }
0x23f: {  	v24 =	vld [tilespmem:s5+$0x13D00]  }
0x240: {  	v9 =	vld [tilespmem:s6+$0x14180]  }
0x241: {  	v10 =	vld [tilespmem:s5+$0x13E70]  }
0x242: {  	s8 =	sand.u32 $0x7E0, s1;
	v25 =	vld [tilespmem:s5+$0x13E80]  }
0x243: {  	v26 =	vld [tilespmem:s8+$0xA980]  }
0x244: {  	v29 =	vld [tilespmem:s8+$0xB280]  }
0x245: {  	v40 =	vld [tilespmem:s8+$0xAA00]  }
0x246: {  	s7 =	sshra.s32 s18, $0x2;
	v43 =	vld [tilespmem:s8+$0xB300]  }
0x247: {  	s6 =	sshra.s32 s0, $0x2;
	v55 =	vld [tilespmem:s7+$0x7D80]  }
0x248: {  	v27 =	vld [tilespmem:s6+$0x7380]  }
0x249: {  	v28 =	vld [tilespmem:s6+$0x7390]  }
0x24a: {  	v30 =	vld [tilespmem:s6+$0x7C80]  }
0x24b: {  	v31 =	vld [tilespmem:s6+$0x7C90]  }
0x24c: {  	v32 =	vld [tilespmem:s6+$0x73A0]  }
0x24d: {  	v33 =	vld [tilespmem:s6+$0x73B0]  }
0x24e: {  	v34 =	vld [tilespmem:s6+$0x73C0]  }
0x24f: {  	v35 =	vld [tilespmem:s6+$0x7CA0]  }
0x250: {  	v36 =	vld [tilespmem:s6+$0x7CB0]  }
0x251: {  	v37 =	vld [tilespmem:s6+$0x7CC0]  }
0x252: {  	v38 =	vld [tilespmem:s6+$0x73D0]  }
0x253: {  	v39 =	vld [tilespmem:s6+$0x73E0]  }
0x254: {  	v41 =	vld [tilespmem:s6+$0x7CD0]  }
0x255: {  	v42 =	vld [tilespmem:s6+$0x7CE0]  }
0x256: {  	v44 =	vld [tilespmem:s6+$0x7400]  }
0x257: {  	v45 =	vld [tilespmem:s6+$0x7410]  }
0x258: {  	v46 =	vld [tilespmem:s6+$0x7420]  }
0x259: {  	v47 =	vld [tilespmem:s6+$0x7D00]  }
0x25a: {  	v49 =	vld [tilespmem:s6+$0x7D10];
	v48 =	vadd.f32 v17, v13;
	v13 =	vadd.f32 v18, v13  }
0x25b: {  	v51 =	vld [tilespmem:s6+$0x7D20];
	v50 =	vadd.f32 v12, v22;
	v22 =	vadd.f32 v24, v22  }
0x25c: {  	v52 =	vld [tilespmem:s6+$0x7430];
	v54 =	vadd.f32 v16, v14;
	v14 =	vadd.f32 v18, v14  }
0x25d: {  	v53 =	vld [tilespmem:s6+$0x7440];
	v48 =	vadd.f32 v21, v48;
	v13 =	vadd.f32 v20, v13  }
0x25e: {  	v18 =	vld [tilespmem:s6+$0x7D40];
	v50 =	vadd.f32 v25, v50;
	v22 =	vadd.f32 v10, v22  }
0x25f: {  	v21 =	vadd.f32 v21, v54;
	v54 =	vld [tilespmem:s7+$0x7DC0];
	vm0 =	vgt.f32 v13, v48  }
0x260: {  	v22 =	vsel vm0, v22, v50;
	v50 =	vld [tilespmem:s7+$0x7D90]  }
0x261: {  	v26 =	vsel vm0, v32, v26;
	v32 =	vld [tilespmem:s6+$0x7450]  }
0x262: {  	v27 =	vsel vm0, v33, v27;
	v33 =	vld [tilespmem:s7+$0x7DA0]  }
0x263: {  	v14 =	vadd.f32 v19, v14;
	v28 =	vsel vm0, v34, v28;
	v34 =	vld [tilespmem:s6+$0x7D30]  }
0x264: {  	v13 =	vsel vm0, v13, v48;
	v48 =	vadd.f32 v11, v23;
	v29 =	vsel vm0, v35, v29;
	v35 =	vld [tilespmem:s6+$0x7D50]  }
0x265: {  	v30 =	vsel vm0, v36, v30;
	v31 =	vsel vm0, v37, v31;
	v23 =	vadd.f32 v24, v23;
	v37 =	vld [tilespmem:s6+$0x7D60]  }
0x266: {  	vm7 =	vgt.f32 v21, v13;
	v25 =	vadd.f32 v25, v48;
	v48 =	vmul.f32 v55, v56;
	v55 =	vld [tilespmem:s7+$0x7DD0]  }
0x267: {  	v13 =	vsel vm7, v21, v13;
	v27 =	vsel vm7, v39, v27;
	v28 =	vsel vm7, v40, v28;
	v40 =	vld [tilespmem:s7+$0x7DE0]  }
0x268: {  	v29 =	vsel vm7, v41, v29;
	v30 =	vsel vm7, v42, v30;
	v21 =	vsel vm7, v25, v22;
	v25 =	vld [tilespmem:s7+$0x7DB0]  }
0x269: {  	v31 =	vsel vm7, v43, v31;
	v43 =	vld [tilespmem:s7+$0x7DF0];
	vm1 =	vgt.f32 v14, v13;
	v50 =	vmul.f32 v50, v57  }
0x26a: {  	v39 =	vadd.f32 v16, v15;
	v22 =	vsel vm7, v38, v26;
	v42 =	vsel vm1, v45, v27;
	v45 =	vld [tilespmem:s6+$0x7480]  }
0x26b: {  	v29 =	vsel vm1, v47, v29;
	v47 =	vld [tilespmem:s7+$0x7E00];
	v33 =	vmul.f32 v33, v58;
	v26 =	vadd.f32 v50, v48  }
0x26c: {  	v13 =	vsel vm1, v14, v13;
	v30 =	vsel vm1, v49, v30;
	v49 =	vsel vm1, v51, v31;
	v51 =	vld [tilespmem:s7+$0x7E10]  }
0x26d: {  	v14 =	vadd.f32 v20, v39;
	v38 =	vld [tilespmem:$0x1FC90];
	v26 =	vadd.f32 v33, v26;
	v25 =	vmul.f32 v25, v59  }
0x26e: {  	v23 =	vadd.f32 v9, v23;
	v24 =	vmul.f32 v54, v60;
	v39 =	vld [tilespmem:s7+$0x7E30]  }
0x26f: {  	v22 =	vsel vm1, v44, v22;
	vm8 =	vgt.f32 v14, v13;
	v48 =	vld [tilespmem:s8+$0xB380];
	v41 =	vadd.f32 v25, v26  }
0x270: {  	v44 =	vsel vm1, v46, v28;
	v46 =	vmul.f32 v55, v61;
	v55 =	vsel vm8, v34, v29;
	v34 =	vld [tilespmem:s7+$0x7E20]  }
0x271: {  	v21 =	vsel vm1, v23, v21;
	v16 =	vmul.f32 v40, v62;
	v40 =	vld [tilespmem:s6+$0x7D80];
	v23 =	vadd.f32 v24, v41  }
0x272: {  	v15 =	vadd.f32 v17, v15;
	v33 =	vld [tilespmem:s6+$0x7460]  }
0x273: {  	v25 =	vld [tilespmem:s8+$0xAA80];
	v23 =	vadd.f32 v46, v23  }
0x274: {  	v15 =	vadd.f32 v19, v15;
	v13 =	vsel vm8, v14, v13;
	v50 =	vsel vm8, v52, v22;
	v41 =	vld [tilespmem:$0x1FCB0]  }
0x275: {  	v20 =	vmul.f32 v43, v63;
	v53 =	vsel vm8, v53, v42;
	v43 =	vld [tilespmem:s7+$0x7E40];
	v16 =	vadd.f32 v16, v23  }
0x276: {  	v54 =	vsel vm8, v32, v44;
	v18 =	vsel vm8, v18, v30;
	v44 =	vld [tilespmem:$0x1FCE0];
	vm9 =	vgt.f32 v15, v13;
	s8 =	sshra.s32 s31, $0x2  }
0x277: {  	v13 =	vsel vm9, v15, v13;
	v52 =	vld [tilespmem:s8+$0x7C80];
	v16 =	vadd.f32 v20, v16;
	v20 =	vmul.f32 v47, v38  }
0x278: {  	v13 =	vadd.f32 v13, v13;
	v24 =	vsel vm9, v45, v54;
	v14 =	vsel vm9, v33, v50;
	v47 =	vld [tilespmem:$0x1FD00]  }
0x279: {  	v54 =	vld [tilespmem:$0x1FD80];
	v42 =	vsel vm9, v25, v53;
	v16 =	vadd.f32 v20, v16;
	v20 =	vmul.f32 v51, v41  }
0x27a: {  	v28 =	vsel vm8, v35, v49;
	v14 =	vsub.f32 v5, v14;
	v22 =	vsub.f32 v7, v42;
	v51 =	vld [tilespmem:$0x1FD30]  }
0x27b: {  	v17 =	vsel vm9, v48, v18;
	v50 =	vld [tilespmem:s7+$0x7E60];
	v16 =	vadd.f32 v20, v16;
	v20 =	vmul.f32 v34, v44  }
0x27c: {  	v48 =	vsel vm9, v40, v28;
	v46 =	vld [tilespmem:s7+$0x7E50];
	v14 =	vmul.f32 v14, v14;
	v22 =	vmul.f32 v22, v22  }
0x27d: {  	v17 =	vsub.f32 v2, v17;
	v53 =	vld [tilespmem:s5+$0x13B80];
	v15 =	vmul.f32 v39, v47;
	v16 =	vadd.f32 v20, v16  }
0x27e: {  	v45 =	vsel vm9, v37, v55;
	v19 =	vadd.f32 v52, v3;
	v14 =	vadd.f32 v22, v14;
	v22 =	vld [tilespmem:$0x1FDB0]  }
0x27f: {  	v27 =	vld [tilespmem:$0x1FDE0];
	v24 =	vsub.f32 v8, v24;
	v15 =	vadd.f32 v15, v16;
	v16 =	vmul.f32 v43, v51  }
0x280: {  	v49 =	vsub.f32 v0, v45;
	v17 =	vmul.f32 v17, v17;
	v52 =	vld [tilespmem:s7+$0x7E70];
	v13 =	vsub.f32 v19, v13  }
0x281: {  	v55 =	vmul.f32 v24, v24;
	v24 =	vld [tilespmem:s8+$0x7D80];
	v15 =	vadd.f32 v16, v15;
	v16 =	vmul.f32 v46, v54  }
0x282: {  	v19 =	vsub.f32 v1, v48;
	v13 =	vmax.f32 v13, $0.0e+00;
	v20 =	vmul.f32 v49, v49  }
0x283: {  	v11 =	vadd.f32 v11, v53;
	v15 =	vadd.f32 v16, v15;
	v16 =	vmul.f32 v50, v22  }
0x284: {  	v25 =	vmul.f32 v19, v19;
	v12 =	vadd.f32 v12, v53;
	v17 =	vadd.f32 v17, v20  }
0x285: {  	v28 =	vld [tilespmem:s8+$0x7D00];
	v14 =	vadd.f32 v55, v14;
	v15 =	vadd.f32 v16, v15;
	v16 =	vmul.f32 v52, v27  }
0x286: {  	v29 =	vadd.f32 v24, v6;
	(erf) = vrcp.f32 v13;
	v17 =	vadd.f32 v25, v17  }
0x287: {  	v10 =	vadd.f32 v10, v11;
	v14 =	vmax.f32 v14, $0.0e+00;
	v15 =	vadd.f32 v16, v15  }
0x288: {  	v9 =	vadd.f32 v9, v12;
	(erf) = vrcp.f32 v14;
	v11 =	vmax.f32 v17, $0.0e+00  }
0x289: {  	v10 =	vsel vm8, v10, v21;
	(erf) = vrcp.f32 v11;
	v15 =	vadd.f32 v15, v15  }
0x28a: {  	v30 =	vadd.f32 v28, v4;
	v9 =	vsel vm9, v9, v10  }
0x28b: {  	v9 =	vadd.f32 v9, v9;
	v10 =	vsub.f32 v29, v15;
	_ =	sdelay $0x1  }
0x28c: {  	v9 =	vsub.f32 v30, v9;
	v10 =	vmax.f32 v10, $0.0e+00  }
0x28d: {  	(erf) = vrcp.f32 v10  }
0x28e: {  	v9 =	vmax.f32 v9, $0.0e+00  }
0x28f: {  	v31 =	vpop (erf);
	(erf) = vrcp.f32 v9  }
0x290: {  	v32 =	vpop (erf)  }
0x291: {  	v33 =	vpop (erf)  }
0x292: {  	v15 =	vmin.f32 v14, v32;
	v16 =	vmin.f32 v11, v33  }
0x293: {  	v12 =	vmin.f32 v13, v31;
	v35 =	vmul.f32 v15, v15;
	v36 =	vmul.f32 v16, v16  }
0x294: {  	v34 =	vmul.f32 v12, v12  }
0x295: {  	v38 =	vmul.f32 $4.257408900e-03, v35;
	v39 =	vmul.f32 $4.257408900e-03, v36  }
0x296: {  	v37 =	vmul.f32 $4.257408900e-03, v34;
	v40 =	vpop (erf)  }
0x297: {  	v21 =	vsub.f32 $2.256682700e-02, v38;
	v22 =	vsub.f32 $2.256682700e-02, v39;
	v23 =	vmin.f32 v10, v40  }
0x298: {  	v20 =	vsub.f32 $2.256682700e-02, v37;
	v42 =	vpop (erf);
	v41 =	vmul.f32 v23, v23  }
0x299: {  	v21 =	vmul.f32 v21, v35;
	v22 =	vmul.f32 v22, v36;
	v25 =	vmin.f32 v9, v42  }
0x29a: {  	v44 =	vmul.f32 v25, v25;
	v43 =	vmul.f32 $4.257408900e-03, v41  }
0x29b: {  	v20 =	vmul.f32 v20, v34;
	v21 =	vadd.f32 $-5.688089130e-02, v21  }
0x29c: {  	v22 =	vadd.f32 $-5.688089130e-02, v22;
	v45 =	vmul.f32 $4.257408900e-03, v44;
	v26 =	vsub.f32 $2.256682700e-02, v43  }
0x29d: {  	v20 =	vadd.f32 $-5.688089130e-02, v20;
	v21 =	vmul.f32 v21, v35  }
0x29e: {  	v22 =	vmul.f32 v22, v36;
	v28 =	vsub.f32 $2.256682700e-02, v45;
	v26 =	vmul.f32 v26, v41  }
0x29f: {  	v20 =	vmul.f32 v20, v34;
	v21 =	vadd.f32 $9.709350760e-02, v21  }
0x2a0: {  	v22 =	vadd.f32 $9.709350760e-02, v22;
	v28 =	vmul.f32 v28, v44;
	v26 =	vadd.f32 $-5.688089130e-02, v26  }
0x2a1: {  	v20 =	vadd.f32 $9.709350760e-02, v20;
	v21 =	vmul.f32 v21, v35  }
0x2a2: {  	v22 =	vmul.f32 v22, v36;
	v28 =	vadd.f32 $-5.688089130e-02, v28;
	v26 =	vmul.f32 v26, v41  }
0x2a3: {  	v20 =	vmul.f32 v20, v34;
	v21 =	vadd.f32 $-1.393322940e-01, v21  }
0x2a4: {  	v22 =	vadd.f32 $-1.393322940e-01, v22;
	v28 =	vmul.f32 v28, v44;
	v26 =	vadd.f32 $9.709350760e-02, v26  }
0x2a5: {  	v20 =	vadd.f32 $-1.393322940e-01, v20;
	v21 =	vmul.f32 v21, v35  }
0x2a6: {  	v22 =	vmul.f32 v22, v36;
	v28 =	vadd.f32 $9.709350760e-02, v28;
	v26 =	vmul.f32 v26, v41  }
0x2a7: {  	v20 =	vmul.f32 v20, v34;
	v21 =	vadd.f32 $1.995111110e-01, v21  }
0x2a8: {  	v22 =	vadd.f32 $1.995111110e-01, v22;
	v28 =	vmul.f32 v28, v44;
	v26 =	vadd.f32 $-1.393322940e-01, v26  }
0x2a9: {  	v20 =	vadd.f32 $1.995111110e-01, v20;
	v21 =	vmul.f32 v21, v35  }
0x2aa: {  	v22 =	vmul.f32 v22, v36;
	v28 =	vadd.f32 $-1.393322940e-01, v28;
	v26 =	vmul.f32 v26, v41  }
0x2ab: {  	v20 =	vmul.f32 v20, v34;
	v21 =	vadd.f32 $-3.333022300e-01, v21  }
0x2ac: {  	v22 =	vadd.f32 $-3.333022300e-01, v22;
	v28 =	vmul.f32 v28, v44;
	v26 =	vadd.f32 $1.995111110e-01, v26  }
0x2ad: {  	v20 =	vadd.f32 $-3.333022300e-01, v20;
	v18 =	vmul.f32 v21, v35  }
0x2ae: {  	v19 =	vmul.f32 v22, v36;
	v47 =	vadd.f32 $1.995111110e-01, v28;
	v46 =	vmul.f32 v26, v41  }
0x2af: {  	v17 =	vmul.f32 v20, v34;
	v18 =	vadd.f32 $9.999994030e-01, v18  }
0x2b0: {  	v19 =	vadd.f32 $9.999994030e-01, v19;
	v21 =	vmul.f32 v47, v44;
	v20 =	vadd.f32 $-3.333022300e-01, v46  }
0x2b1: {  	vm10 =	vge.f32 v14, $1.000000000e+00;
	v17 =	vadd.f32 $9.999994030e-01, v17;
	v15 =	vmul.f32 v18, v15  }
0x2b2: {  	v16 =	vmul.f32 v19, v16;
	v49 =	vadd.f32 $-3.333022300e-01, v21;
	v48 =	vmul.f32 v20, v41  }
0x2b3: {  	vm11 =	vge.f32 v11, $1.000000000e+00;
	v12 =	vmul.f32 v17, v12;
	v50 =	vsub.f32 $1.570796370e+00, v15  }
0x2b4: {  	v19 =	vsub.f32 $1.570796370e+00, v16;
	v51 =	vmul.f32 v49, v44;
	v11 =	vadd.f32 $9.999994030e-01, v48  }
0x2b5: {  	vm12 =	vge.f32 v13, $1.000000000e+00;
	v52 =	vsub.f32 $1.570796370e+00, v12;
	v14 =	vsel vm10, v15, v50  }
0x2b6: {  	v16 =	vsel vm11, v16, v19;
	v53 =	vadd.f32 $9.999994030e-01, v51;
	v11 =	vmul.f32 v11, v23  }
0x2b7: {  	vm13 =	vge.f32 v10, $1.000000000e+00;
	v14 =	vadd.f32 $-1.570796370e+00, v14;
	v54 =	vadd.f32 $-1.570796370e+00, v16  }
0x2b8: {  	v12 =	vsel vm12, v12, v52;
	v13 =	vmul.f32 v53, v25;
	v10 =	vsub.f32 $1.570796370e+00, v11  }
0x2b9: {  	v12 =	vadd.f32 $-1.570796370e+00, v12;
	v14 =	vmul.f32 v14, v14;
	v15 =	vmul.f32 v54, v54  }
0x2ba: {  	vm14 =	vge.f32 v9, $1.000000000e+00;
	v9 =	vsub.f32 $1.570796370e+00, v13;
	v10 =	vsel vm13, v11, v10  }
0x2bb: {  	v12 =	vmul.f32 v12, v12;
	v11 =	vadd.f32 v15, v14;
	v10 =	vadd.f32 $-1.570796370e+00, v10  }
0x2bc: {  	v9 =	vsel vm14, v13, v9  }
0x2bd: {  	v9 =	vadd.f32 $-1.570796370e+00, v9;
	v11 =	vadd.f32 v11, v12;
	v10 =	vmul.f32 v10, v10;
	_ =	sdelay $0x1  }
0x2be: {  	v9 =	vmul.f32 v9, v9;
	v10 =	vadd.f32 v10, v11;
	_ =	sdelay $0x1  }
0x2bf: {  	v9 =	vadd.f32 v10, v9;
	_ =	sdelay $0x1  }
0x2c0: {  	v9 =	vmax.f32 v9, $0.0e+00  }
0x2c1: {  	(erf) = vrcp.f32 v9;
	_ =	sdelay $0x8  }
0x2c2: {  	v10 =	vpop (erf)  }
0x2c3: {  	v10 =	vmin.f32 v9, v10  }
0x2c4: {  	v11 =	vmul.f32 v10, v10;
	_ =	sdelay $0x1  }
0x2c5: {  	v55 =	vmul.f32 $4.257408900e-03, v11;
	_ =	sdelay $0x1  }
0x2c6: {  	v12 =	vsub.f32 $2.256682700e-02, v55;
	_ =	sdelay $0x1  }
0x2c7: {  	v12 =	vmul.f32 v12, v11;
	_ =	sdelay $0x1  }
0x2c8: {  	v12 =	vadd.f32 $-5.688089130e-02, v12;
	_ =	sdelay $0x1  }
0x2c9: {  	v12 =	vmul.f32 v12, v11;
	_ =	sdelay $0x1  }
0x2ca: {  	v12 =	vadd.f32 $9.709350760e-02, v12;
	_ =	sdelay $0x1  }
0x2cb: {  	v12 =	vmul.f32 v12, v11;
	_ =	sdelay $0x1  }
0x2cc: {  	v12 =	vadd.f32 $-1.393322940e-01, v12;
	_ =	sdelay $0x1  }
0x2cd: {  	v12 =	vmul.f32 v12, v11;
	_ =	sdelay $0x1  }
0x2ce: {  	v12 =	vadd.f32 $1.995111110e-01, v12;
	_ =	sdelay $0x1  }
0x2cf: {  	v12 =	vmul.f32 v12, v11;
	_ =	sdelay $0x1  }
0x2d0: {  	v12 =	vadd.f32 $-3.333022300e-01, v12;
	_ =	sdelay $0x1  }
0x2d1: {  	v11 =	vmul.f32 v12, v11;
	_ =	sdelay $0x1  }
0x2d2: {  	v11 =	vadd.f32 $9.999994030e-01, v11;
	_ =	sdelay $0x1  }
0x2d3: {  	p0 =	sne.s32 s30, $0x11C0;
	v10 =	vmul.f32 v11, v10  }
.Ltmp4:
0x2d4: {  	_ = 	snop;
	(pc) =	sbr.rel @p0 .LBB2_9-.Ltmp4, $4  }
0x2d5: {  	v11 =	vsub.f32 $1.570796370e+00, v10  }
0x2d6: {  	s2 =	sadd.s32 $0x30, s2;
	vm15 =	vge.f32 v9, $1.000000000e+00  }
0x2d7: {  	s1 =	sadd.s32 $0x120, s1;
	s18 =	sadd.s32 $0x400, s18;
	s30 =	sadd.s32 $0xC0, s30;
	v9 =	vsel vm15, v10, v11  }
0x2d8: {  	s0 =	sadd.s32 $0x480, s0;
	s31 =	sadd.s32 $0x40, s31;
	[tilespmem:s28+$0x0] =	vst v9;
	s28 =	sadd.s32 $0x140, s28  }
0x2d9: {  	s29 =	sadd.s32 $0x1, s29  }
0x2da: {  	p0 =	sne.s32 s29, $0x14  }
.Ltmp5:
0x2db: {  	_ = 	snop;
	(pc) =	sbr.rel @p0 .LBB2_4-.Ltmp5, $2  }
0x2dc: {  	_ =	sdelay $0x2  }
0x2dd: {  	s4 =	sadd.s32 $0x10, s4  }
0x2de: {  	s0 =	simm.s32 $0x13000  }
0x2df: {  	[hbm4b:s9+s3] =	stream.linear.scatter [tilespmem:s0], [sflag:$0x1], $0x140, $0x38;
	[tilespmem:$0x14300] =	vst v63  }
0x2e0: {  	s7 =	simm.s32 $0x13140  }
0x2e1: {  	[hbm4b:s10+s3] =	stream.linear.scatter [tilespmem:s7], [sflag:$0x1], $0x140, $0x38;
	[tilespmem:$0x14300] =	vst v63  }
0x2e2: {  	s8 =	simm.s32 $0x13280  }
0x2e3: {  	[hbm4b:s11+s3] =	stream.linear.scatter [tilespmem:s8], [sflag:$0x1], $0x140, $0x38;
	[tilespmem:$0x14300] =	vst v63  }
0x2e4: {  	s18 =	simm.s32 $0x133C0  }
0x2e5: {  	[hbm4b:s12+s3] =	stream.linear.scatter [tilespmem:s18], [sflag:$0x1], $0x140, $0x38;
	[tilespmem:$0x14300] =	vst v63  }
0x2e6: {  	s28 =	simm.s32 $0x13500  }
0x2e7: {  	[hbm4b:s13+s3] =	stream.linear.scatter [tilespmem:s28], [sflag:$0x1], $0x140, $0x38;
	[tilespmem:$0x14300] =	vst v63  }
0x2e8: {  	s29 =	simm.s32 $0x13640  }
0x2e9: {  	[hbm4b:s14+s3] =	stream.linear.scatter [tilespmem:s29], [sflag:$0x1], $0x140, $0x38;
	[tilespmem:$0x14300] =	vst v63  }
0x2ea: {  	s30 =	simm.s32 $0x13780  }
0x2eb: {  	[hbm4b:s15+s3] =	stream.linear.scatter [tilespmem:s30], [sflag:$0x1], $0x140, $0x38;
	[tilespmem:$0x14300] =	vst v63  }
0x2ec: {  	s31 =	simm.s32 $0x138C0  }
0x2ed: {  	[hbm4b:s16+s3] =	stream.linear.scatter [tilespmem:s31], [sflag:$0x1], $0x140, $0x38;
	[tilespmem:$0x14300] =	vst v63  }
0x2ee: {  	_ =	swait.ge [sflag:s22], $0x140  }
0x2ef: {  	[sflag:s22] =	ssyncset.done $0x0  }
0x2f0: {  	[sflag:s22] =	ssyncadd.s32 $0xFFFFFEC0  }
0x2f1: {  	_ =	swait.ge [sflag:s22], $0x140  }
0x2f2: {  	[sflag:s22] =	ssyncset.done $0x0  }
0x2f3: {  	[sflag:s22] =	ssyncadd.s32 $0xFFFFFEC0  }
0x2f4: {  	_ =	swait.ge [sflag:s22], $0x140  }
0x2f5: {  	[sflag:s22] =	ssyncset.done $0x0  }
0x2f6: {  	[sflag:s22] =	ssyncadd.s32 $0xFFFFFEC0  }
0x2f7: {  	_ =	swait.ge [sflag:s22], $0x140  }
0x2f8: {  	[sflag:s22] =	ssyncset.done $0x0  }
0x2f9: {  	[sflag:s22] =	ssyncadd.s32 $0xFFFFFEC0  }
0x2fa: {  	_ =	swait.ge [sflag:s22], $0x140  }
0x2fb: {  	[sflag:s22] =	ssyncset.done $0x0  }
0x2fc: {  	[sflag:s22] =	ssyncadd.s32 $0xFFFFFEC0  }
0x2fd: {  	_ =	swait.ge [sflag:s22], $0x140  }
0x2fe: {  	[sflag:s22] =	ssyncset.done $0x0  }
0x2ff: {  	s21 =	sadd.s32 $0x1, s21;
	[sflag:s22] =	ssyncadd.s32 $0xFFFFFEC0  }
0x300: {  	p0 =	sne.s32 s21, s17;
	_ =	swait.ge [sflag:s22], $0x140  }
.Ltmp6:
0x301: {  	[sflag:s22] =	ssyncset.done $0x0;
	(pc) =	sbr.rel @p0 .LBB2_1-.Ltmp6, $4  }
0x302: {  	[sflag:s22] =	ssyncadd.s32 $0xFFFFFEC0  }
0x303: {  	_ =	swait.ge [sflag:s22], $0x140  }
0x304: {  	[sflag:s22] =	ssyncset.done $0x0  }
0x305: {  	[sflag:s22] =	ssyncadd.s32 $0xFFFFFEC0  }
0x306: {  	_ =	sfence.sel $0x180000  }
0x307: {  	[bflag:$0x0] =	sbarrier.arrive $0xFFFF  }
0x308: {  	_ =	strace $0x90000047  }
0x309: {  	s0 =	stileid.u32;
	[bflag:$0x2] =	sbarrier.arrive $0xFFFF  }
0x30a: {  	p0 =	sne.s32 s0, $0x0;
	s0 =	rddreg [dreg:$0x2]  }
0x30b: {  	s0 =	sadd.s32 @!p0 $0x100000, s0  }
0x30c: {  	[sflag:s0] =	ssyncadd.tile.s32 @!p0 $0x1;
	_ =	shalt  }
.Lfunc_end2:
_tile_overlayer_lowered:
.L_overlay_start_2:
0x30d: {  	(tag) =	ssettag $0x2  }
0x30e: {  	s0 =	rddreg [dreg:$0x0];
	s2 =	stileid.u32  }
0x30f: {  	s1 =	rddreg [dreg:$0x1];
	p0 =	sne.s32 s2, $0x0  }
0x310: {  	s3 =	rddreg [dreg:$0x2];
	[bflag:$0x3] =	sbarrier.arrive $0xFFFF;
	s2 =	simm.s32 @!p0 $0x1C02  }
0x311: {  	[timem:s3], [sflag:s2] =	dma.local @!p0 [hbm:s0], s1  }
0x312: {  	s0 =	simm.s32 @!p0 $0x2  }
0x313: {  	_ =	swait.ge @!p0 [sflag:s0], s1  }
0x314: {  	s1 =	ssub.s32 @!p0 $0x0, s1;
	[sflag:s0] =	ssyncset.done @!p0 $0x0  }
0x315: {  	[sflag:s0] =	ssyncadd.s32 @!p0 s1  }
0x316: {  	[bflag:$0x3] =	sbarrier.arrive $0xFFFF  }
0x317: {  	_ =	shalt  }

</sc_bundles>
